<compile_context>
chip_gen: v7x
topology: tpu7x:2x2x1
jax: 0.10.2.dev20260603
libtpu: 0.0.44.dev20260713+nightly
codegen_flags: <defaults>
</compile_context>

<pallas_src>
import functools

import jax
import jax.numpy as jnp
from jax import lax
from jax.experimental import pallas as pl
from jax.experimental.pallas import tpu as pltpu
from jax.experimental.pallas import tpu_sc as plsc

D = 64
H = 128
NC, NS = 2, 16
NW = NC * NS
K = 128


def _sc_gather_add(ids, cats, itab, ctab, b_size):
    n_rows = ids.shape[0]
    rows_per_w = n_rows // NW
    n_chunks = rows_per_w // K
    b_mask = b_size - 1
    mesh = plsc.VectorSubcoreMesh(
        core_axis_name="c", subcore_axis_name="s", num_cores=NC, num_subcores=NS
    )

    @functools.partial(
        pl.kernel,
        out_type=jax.ShapeDtypeStruct((n_rows, D), jnp.float32),
        mesh=mesh,
        scratch_types=[
            pltpu.VMEM((2, K), jnp.int32),
            pltpu.VMEM((2, K), jnp.int32),
            pltpu.VMEM((2, K), jnp.int32),
            pltpu.VMEM((2, K, D), jnp.float32),
            pltpu.VMEM((2, K, D), jnp.float32),
            pltpu.VMEM((2, K, D), jnp.float32),
            pltpu.SemaphoreType.DMA,
            pltpu.SemaphoreType.DMA,
            pltpu.SemaphoreType.DMA,
            pltpu.SemaphoreType.DMA,
            pltpu.SemaphoreType.DMA,
            pltpu.SemaphoreType.DMA,
        ],
        compiler_params=pltpu.CompilerParams(use_tc_tiling_on_sc=False),
    )
    def sc_kernel(ids_hbm, cats_hbm, itab_hbm, ctab_hbm, out_hbm,
                  idx_i, idx_c, dst_i, ebuf, cbuf, obuf,
                  sgi0, sgc0, so0, sgi1, sgc1, so1):
        sgi = (sgi0, sgi1)
        sgc = (sgc0, sgc1)
        so = (so0, so1)
        wid = lax.axis_index("s") * NC + lax.axis_index("c")
        base = wid * rows_per_w

        def stage_idx(c, s):
            off = base + c * K
            pltpu.sync_copy(ids_hbm.at[pl.ds(off, K)], idx_i.at[s])
            pltpu.sync_copy(cats_hbm.at[pl.ds(off, K)], idx_c.at[s])

        def issue_gather(s):
            pltpu.async_copy(itab_hbm.at[idx_i.at[s]], ebuf.at[s], sgi[s])
            pltpu.async_copy(ctab_hbm.at[idx_c.at[s]], cbuf.at[s], sgc[s])

        def wait_gather(s):
            pltpu.make_async_copy(itab_hbm.at[idx_i.at[s]], ebuf.at[s], sgi[s]).wait()
            pltpu.make_async_copy(ctab_hbm.at[idx_c.at[s]], cbuf.at[s], sgc[s]).wait()

        def compute_dst(c, s):
            off = base + c * K

            def vec(v, carry):
                pos = off + v * 16 + lax.iota(jnp.int32, 16)
                b = lax.bitwise_and(pos, b_mask)
                dst = (
                    lax.bitwise_and(pos, ~b_mask)
                    + lax.bitwise_and(b, ~511)
                    + lax.shift_left(lax.bitwise_and(b, 255), 1)
                    + lax.bitwise_and(lax.shift_right_logical(b, 8), 1)
                )
                dst_i[s, pl.ds(v * 16, 16)] = dst
                return carry

            lax.fori_loop(0, K // 16, vec, 0)

        def do_add(s):
            def add_row(j, carry):
                for t in range(D // 16):
                    sl = pl.ds(t * 16, 16)
                    obuf[s, j, sl] = ebuf[s, j, sl] + cbuf[s, j, sl]
                return carry
            lax.fori_loop(0, K, add_row, 0)

        def issue_out(s):
            pltpu.async_copy(obuf.at[s], out_hbm.at[dst_i.at[s]], so[s])

        def wait_out(s):
            pltpu.make_async_copy(obuf.at[s], out_hbm.at[dst_i.at[s]], so[s]).wait()

        stage_idx(0, 0)
        issue_gather(0)
        stage_idx(1, 1)
        issue_gather(1)

        def body(g2, carry):
            for s in (0, 1):
                c = 2 * g2 + s
                wait_gather(s)

                @pl.when(g2 > 0)
                def _():
                    wait_out(s)

                compute_dst(c, s)
                do_add(s)
                issue_out(s)

                @pl.when(c + 2 < n_chunks)
                def _():
                    stage_idx(c + 2, s)
                    issue_gather(s)
            return carry

        lax.fori_loop(0, n_chunks // 2, body, 0)
        wait_out(0)
        wait_out(1)

    return sc_kernel(ids, cats, itab, ctab)


def _tc_mlp_normalize(e2, W1d, b1d, W2d, b2d, n_b, n_c):
    blkj = 2048
    n_k = n_b // (2 * blkj)

    def body(e_ref, w1_ref, b1_ref, w2_ref, b2_ref, o_ref):
        ev = e_ref[...]
        h = jnp.dot(ev, w1_ref[...], preferred_element_type=jnp.float32)
        h = jnp.maximum(h + b1_ref[...], 0.0)
        r = jnp.dot(h, w2_ref[...], preferred_element_type=jnp.float32)
        r = r + b2_ref[...] + ev
        s = r * r
        col = lax.broadcasted_iota(jnp.int32, (1, 2 * D), 1)
        mask_l = (col < D).astype(jnp.float32)
        mask_r = 1.0 - mask_l
        nl = jnp.sum(s * mask_l, axis=-1, keepdims=True)
        nr = jnp.sum(s * mask_r, axis=-1, keepdims=True)
        denom = mask_l * jnp.maximum(jnp.sqrt(nl), 1e-6) + mask_r * jnp.maximum(
            jnp.sqrt(nr), 1e-6
        )
        y2 = r / denom
        t = y2.T
        rT = jnp.concatenate(
            [t[hh * D:(hh + 1) * D, kk * 256:(kk + 1) * 256]
             for kk in range(8) for hh in (0, 1)],
            axis=1,
        )
        for dh in range(8):
            for bb in range(32):
                o_ref[0, dh, bb, :, :] = rT[dh * 8:dh * 8 + 8, bb * 128:(bb + 1) * 128]

    out5 = pl.pallas_call(
        body,
        grid=(n_c, n_k),
        in_specs=[
            pl.BlockSpec((blkj, 2 * D), lambda c, k: (c * n_k + k, 0)),
            pl.BlockSpec((2 * D, 2 * H), lambda c, k: (0, 0)),
            pl.BlockSpec((1, 2 * H), lambda c, k: (0, 0)),
            pl.BlockSpec((2 * H, 2 * D), lambda c, k: (0, 0)),
            pl.BlockSpec((1, 2 * D), lambda c, k: (0, 0)),
        ],
        out_specs=pl.BlockSpec((1, 8, 32, 8, 128), lambda c, k: (c, 0, k, 0, 0)),
        out_shape=jax.ShapeDtypeStruct((n_c, 8, n_b // 128, 8, 128), jnp.float32),
    )(e2, W1d, b1d, W2d, b2d)
    return out5


def kernel(item_ids, categories, item_table, cat_table, W1, b1, W2, b2):
    B, C = item_ids.shape
    n_rows = B * C
    ids = item_ids.T.reshape(n_rows).astype(jnp.int32)
    cats = categories.T.reshape(n_rows).astype(jnp.int32)
    W1d = (
        jnp.zeros((2 * D, 2 * H), jnp.float32)
        .at[:D, :H].set(W1)
        .at[D:, H:].set(W1)
    )
    W2d = (
        jnp.zeros((2 * H, 2 * D), jnp.float32)
        .at[:H, :D].set(W2)
        .at[H:, D:].set(W2)
    )
    b1d = jnp.concatenate([b1, b1]).reshape(1, 2 * H)
    b2d = jnp.concatenate([b2, b2]).reshape(1, 2 * D)
    e = _sc_gather_add(ids, cats, item_table, cat_table, B)
    e2 = e.reshape(n_rows // 2, 2 * D)
    out5 = _tc_mlp_normalize(e2, W1d, b1d, W2d, b2d, B, C)
    return jnp.transpose(out5, (2, 4, 0, 1, 3)).reshape(B, C, D)

# --- scband reference (transcript-rebuilt; emitter-appended) ---
"""Pipeline reference for scband-item-tower-26371099197498 (READ-ONLY COPY).

The authoritative reference and input builder live on the scoring server;
editing this copy changes nothing except your own understanding.
"""

import jax, jax.numpy as jnp
import numpy as np

NUM_ITEMS = 1000000
NUM_CATS = 1000
EMBED_DIM = 64
HIDDEN_DIM = 128
B, C = 16384, 50


def setup_inputs(seed: int = 0) -> dict:
    key = jax.random.key(seed)
    ks = jax.random.split(key, 8)
    item_ids = jax.random.randint(ks[0], (B, C), 0, NUM_ITEMS)
    categories = jax.random.randint(ks[1], (B, C), 0, NUM_CATS)
    item_table = jax.random.normal(ks[2], (NUM_ITEMS + 1, EMBED_DIM), dtype=jnp.float32) * 0.02
    item_table = item_table.at[0].set(0.0)
    cat_table = jax.random.normal(ks[3], (NUM_CATS + 1, EMBED_DIM), dtype=jnp.float32) * 0.02
    cat_table = cat_table.at[0].set(0.0)
    W1 = jax.random.normal(ks[4], (EMBED_DIM, HIDDEN_DIM), dtype=jnp.float32) * (1.0 / np.sqrt(EMBED_DIM))
    b1 = jnp.zeros((HIDDEN_DIM,), dtype=jnp.float32)
    W2 = jax.random.normal(ks[5], (HIDDEN_DIM, EMBED_DIM), dtype=jnp.float32) * (1.0 / np.sqrt(HIDDEN_DIM))
    b2 = jnp.zeros((EMBED_DIM,), dtype=jnp.float32)
    return {"item_ids": item_ids, "categories": categories, "item_table": item_table,
            "cat_table": cat_table, "W1": W1, "b1": b1, "W2": W2, "b2": b2}


def reference(item_ids, categories, item_table, cat_table, W1, b1, W2, b2):
    # Embedding lookups (gather -> SparseCore friendly)
    item_emb = jnp.take(item_table, item_ids, axis=0)  # [B, C, D]
    cat_emb = jnp.take(cat_table, categories, axis=0)  # [B, C, D]
    e = item_emb + cat_emb
    # MLP (dropout is identity in eval mode)
    h = jnp.maximum(jnp.dot(e, W1) + b1, 0.0)
    h = jnp.dot(h, W2) + b2
    r = e + h
    # F.normalize(p=2, dim=-1, eps=1e-6)
    n = jnp.sqrt(jnp.sum(r * r, axis=-1, keepdims=True))
    return r / jnp.maximum(n, 1e-6)

if __name__ == "__main__":
    import jax
    _d = setup_inputs()
    print(jax.jit(kernel)(*tuple(_d.values())))

</pallas_src>

<mosaic_0001>
#map = affine_map<(d0, d1) -> (0)>
#map1 = affine_map<(d0, d1) -> (0, 0)>
module attributes {stable_mosaic.version = 14 : i64} {
  func.func @sc_kernel(%arg0: i32, %arg1: i32, %arg2: memref<819200xi32, #tpu.memory_space<hbm>>, %arg3: memref<819200xi32, #tpu.memory_space<hbm>>, %arg4: memref<1000001x64xf32, #tpu.memory_space<hbm>>, %arg5: memref<1001x64xf32, #tpu.memory_space<hbm>>, %arg6: memref<819200x64xf32, #tpu.memory_space<hbm>>, %arg7: memref<2x128xi32, #tpu.memory_space<vmem>>, %arg8: memref<2x128xi32, #tpu.memory_space<vmem>>, %arg9: memref<2x128xi32, #tpu.memory_space<vmem>>, %arg10: memref<2x128x64xf32, #tpu.memory_space<vmem>>, %arg11: memref<2x128x64xf32, #tpu.memory_space<vmem>>, %arg12: memref<2x128x64xf32, #tpu.memory_space<vmem>>, %arg13: memref<!tpu.dma_semaphore, #tpu.memory_space<semaphore_mem>>, %arg14: memref<!tpu.dma_semaphore, #tpu.memory_space<semaphore_mem>>, %arg15: memref<!tpu.dma_semaphore, #tpu.memory_space<semaphore_mem>>, %arg16: memref<!tpu.dma_semaphore, #tpu.memory_space<semaphore_mem>>, %arg17: memref<!tpu.dma_semaphore, #tpu.memory_space<semaphore_mem>>, %arg18: memref<!tpu.dma_semaphore, #tpu.memory_space<semaphore_mem>>) attributes {dimension_semantics = [#tpu.dimension_semantics<core_parallel>, #tpu.dimension_semantics<subcore_parallel>], iteration_bounds = array<i64: 2, 16>, scalar_prefetch = 0 : i64, scratch_operands = 12 : i64, tpu.core_type = #tpu.core_type<sc_vector_subcore>, window_params = [{transform_indices = #map}, {transform_indices = #map}, {transform_indices = #map1}, {transform_indices = #map1}, {transform_indices = #map1}]} {
    %mul3A = arith.constant 2 : i32
    %mul3A_0 = arith.muli %arg1, %mul3A : i32
    %add3A = arith.addi %mul3A_0, %arg0 : i32
    %mul3A_1 = arith.constant 25600 : i32
    %mul3A_2 = arith.muli %add3A, %mul3A_1 : i32
    %add3A_3 = arith.constant 0 : i32
    %add3A_4 = arith.addi %mul3A_2, %add3A_3 : i32
    %run_scoped3A = arith.constant 0 : i32
    "tpu.region"() ({
      %run_scoped3A_85 = tpu.sem_alloc : memref<!tpu.dma_semaphore, #tpu.memory_space<semaphore_mem>>
      %dma_start3A_86 = arith.constant 0 : i32
      %dma_start3A_87 = tpu.memref_slice %arg7[%run_scoped3A, %dma_start3A_86] : memref<2x128xi32, #tpu.memory_space<vmem>> -> memref<1x128xi32, #tpu.memory_space<vmem>>
      %dma_start3A_88 = tpu.memref_squeeze %dma_start3A_87 : memref<1x128xi32, #tpu.memory_space<vmem>> -> memref<128xi32, #tpu.memory_space<vmem>>
      %dma_start3A_89 = tpu.memref_slice %arg2[%add3A_4] : memref<819200xi32, #tpu.memory_space<hbm>> -> memref<128xi32, #tpu.memory_space<hbm>>
      %dma_start3A_90 = arith.constant 0 : i32
      %dma_start3A_91 = tpu.memref_slice %arg7[%run_scoped3A, %dma_start3A_90] : memref<2x128xi32, #tpu.memory_space<vmem>> -> memref<1x128xi32, #tpu.memory_space<vmem>>
      %dma_start3A_92 = tpu.memref_squeeze %dma_start3A_91 : memref<1x128xi32, #tpu.memory_space<vmem>> -> memref<128xi32, #tpu.memory_space<vmem>>
      %dma_start3A_93 = tpu.memref_slice %arg2[%add3A_4] : memref<819200xi32, #tpu.memory_space<hbm>> -> memref<128xi32, #tpu.memory_space<hbm>>
      tpu.enqueue_dma source(%dma_start3A_93 : memref<128xi32, #tpu.memory_space<hbm>>) target(%dma_start3A_92 : memref<128xi32, #tpu.memory_space<vmem>>) target_semaphore(%run_scoped3A_85 : memref<!tpu.dma_semaphore, #tpu.memory_space<semaphore_mem>>)
      %dma_wait3A_94 = arith.constant 0 : i32
      %dma_wait3A_95 = tpu.memref_slice %arg7[%run_scoped3A, %dma_wait3A_94] : memref<2x128xi32, #tpu.memory_space<vmem>> -> memref<1x128xi32, #tpu.memory_space<vmem>>
      %dma_wait3A_96 = tpu.memref_squeeze %dma_wait3A_95 : memref<1x128xi32, #tpu.memory_space<vmem>> -> memref<128xi32, #tpu.memory_space<vmem>>
      %dma_wait3A_97 = tpu.memref_slice %arg2[%add3A_4] : memref<819200xi32, #tpu.memory_space<hbm>> -> memref<128xi32, #tpu.memory_space<hbm>>
      %dma_wait3A_98 = arith.constant 0 : i32
      %dma_wait3A_99 = tpu.memref_slice %arg7[%run_scoped3A, %dma_wait3A_98] : memref<2x128xi32, #tpu.memory_space<vmem>> -> memref<1x128xi32, #tpu.memory_space<vmem>>
      %dma_wait3A_100 = tpu.memref_squeeze %dma_wait3A_99 : memref<1x128xi32, #tpu.memory_space<vmem>> -> memref<128xi32, #tpu.memory_space<vmem>>
      %dma_wait3A_101 = tpu.memref_slice %arg2[%add3A_4] : memref<819200xi32, #tpu.memory_space<hbm>> -> memref<128xi32, #tpu.memory_space<hbm>>
      tpu.wait_dma2 semaphore(%run_scoped3A_85 : memref<!tpu.dma_semaphore, #tpu.memory_space<semaphore_mem>>) src(%dma_wait3A_101 : memref<128xi32, #tpu.memory_space<hbm>>) dst(%dma_wait3A_100 : memref<128xi32, #tpu.memory_space<vmem>>)
      tpu.yield
    }) : () -> ()
    %run_scoped3A_5 = arith.constant 0 : i32
    "tpu.region"() ({
      %run_scoped3A_85 = tpu.sem_alloc : memref<!tpu.dma_semaphore, #tpu.memory_space<semaphore_mem>>
      %dma_start3A_86 = arith.constant 0 : i32
      %dma_start3A_87 = tpu.memref_slice %arg8[%run_scoped3A_5, %dma_start3A_86] : memref<2x128xi32, #tpu.memory_space<vmem>> -> memref<1x128xi32, #tpu.memory_space<vmem>>
      %dma_start3A_88 = tpu.memref_squeeze %dma_start3A_87 : memref<1x128xi32, #tpu.memory_space<vmem>> -> memref<128xi32, #tpu.memory_space<vmem>>
      %dma_start3A_89 = tpu.memref_slice %arg3[%add3A_4] : memref<819200xi32, #tpu.memory_space<hbm>> -> memref<128xi32, #tpu.memory_space<hbm>>
      %dma_start3A_90 = arith.constant 0 : i32
      %dma_start3A_91 = tpu.memref_slice %arg8[%run_scoped3A_5, %dma_start3A_90] : memref<2x128xi32, #tpu.memory_space<vmem>> -> memref<1x128xi32, #tpu.memory_space<vmem>>
      %dma_start3A_92 = tpu.memref_squeeze %dma_start3A_91 : memref<1x128xi32, #tpu.memory_space<vmem>> -> memref<128xi32, #tpu.memory_space<vmem>>
      %dma_start3A_93 = tpu.memref_slice %arg3[%add3A_4] : memref<819200xi32, #tpu.memory_space<hbm>> -> memref<128xi32, #tpu.memory_space<hbm>>
      tpu.enqueue_dma source(%dma_start3A_93 : memref<128xi32, #tpu.memory_space<hbm>>) target(%dma_start3A_92 : memref<128xi32, #tpu.memory_space<vmem>>) target_semaphore(%run_scoped3A_85 : memref<!tpu.dma_semaphore, #tpu.memory_space<semaphore_mem>>)
      %dma_wait3A_94 = arith.constant 0 : i32
      %dma_wait3A_95 = tpu.memref_slice %arg8[%run_scoped3A_5, %dma_wait3A_94] : memref<2x128xi32, #tpu.memory_space<vmem>> -> memref<1x128xi32, #tpu.memory_space<vmem>>
      %dma_wait3A_96 = tpu.memref_squeeze %dma_wait3A_95 : memref<1x128xi32, #tpu.memory_space<vmem>> -> memref<128xi32, #tpu.memory_space<vmem>>
      %dma_wait3A_97 = tpu.memref_slice %arg3[%add3A_4] : memref<819200xi32, #tpu.memory_space<hbm>> -> memref<128xi32, #tpu.memory_space<hbm>>
      %dma_wait3A_98 = arith.constant 0 : i32
      %dma_wait3A_99 = tpu.memref_slice %arg8[%run_scoped3A_5, %dma_wait3A_98] : memref<2x128xi32, #tpu.memory_space<vmem>> -> memref<1x128xi32, #tpu.memory_space<vmem>>
      %dma_wait3A_100 = tpu.memref_squeeze %dma_wait3A_99 : memref<1x128xi32, #tpu.memory_space<vmem>> -> memref<128xi32, #tpu.memory_space<vmem>>
      %dma_wait3A_101 = tpu.memref_slice %arg3[%add3A_4] : memref<819200xi32, #tpu.memory_space<hbm>> -> memref<128xi32, #tpu.memory_space<hbm>>
      tpu.wait_dma2 semaphore(%run_scoped3A_85 : memref<!tpu.dma_semaphore, #tpu.memory_space<semaphore_mem>>) src(%dma_wait3A_101 : memref<128xi32, #tpu.memory_space<hbm>>) dst(%dma_wait3A_100 : memref<128xi32, #tpu.memory_space<vmem>>)
      tpu.yield
    }) : () -> ()
    %dma_start3A = arith.constant 0 : i32
    %dma_start3A_6 = arith.constant 0 : i32
    %dma_start3A_7 = arith.constant 0 : i32
    %dma_start3A_8 = arith.constant 0 : i32
    %dma_start3A_9 = tpu.memref_slice %arg10[%dma_start3A_6, %dma_start3A_7, %dma_start3A_8] : memref<2x128x64xf32, #tpu.memory_space<vmem>> -> memref<1x128x64xf32, #tpu.memory_space<vmem>>
    %dma_start3A_10 = tpu.memref_squeeze %dma_start3A_9 : memref<1x128x64xf32, #tpu.memory_space<vmem>> -> memref<128x64xf32, #tpu.memory_space<vmem>>
    %dma_start3A_11 = arith.constant 0 : i32
    %dma_start3A_12 = tpu.memref_slice %arg7[%dma_start3A, %dma_start3A_11] : memref<2x128xi32, #tpu.memory_space<vmem>> -> memref<1x128xi32, #tpu.memory_space<vmem>>
    %dma_start3A_13 = tpu.memref_squeeze %dma_start3A_12 : memref<1x128xi32, #tpu.memory_space<vmem>> -> memref<128xi32, #tpu.memory_space<vmem>>
    %dma_start3A_14 = arith.constant 0 : i32
    %dma_start3A_15 = arith.constant 0 : i32
    %dma_start3A_16 = tpu.memref_slice %arg4[%dma_start3A_14, %dma_start3A_15] : memref<1000001x64xf32, #tpu.memory_space<hbm>> -> memref<1000001x64xf32, #tpu.memory_space<hbm>>
    tpu.enqueue_indirect_dma source(%dma_start3A_16 : memref<1000001x64xf32, #tpu.memory_space<hbm>>) target(%dma_start3A_10 : memref<128x64xf32, #tpu.memory_space<vmem>>) offsets(%dma_start3A_13 : memref<128xi32, #tpu.memory_space<vmem>>) semaphore(%arg13 : memref<!tpu.dma_semaphore, #tpu.memory_space<semaphore_mem>>)
    %dma_start3A_17 = arith.constant 0 : i32
    %dma_start3A_18 = arith.constant 0 : i32
    %dma_start3A_19 = arith.constant 0 : i32
    %dma_start3A_20 = arith.constant 0 : i32
    %dma_start3A_21 = tpu.memref_slice %arg11[%dma_start3A_18, %dma_start3A_19, %dma_start3A_20] : memref<2x128x64xf32, #tpu.memory_space<vmem>> -> memref<1x128x64xf32, #tpu.memory_space<vmem>>
    %dma_start3A_22 = tpu.memref_squeeze %dma_start3A_21 : memref<1x128x64xf32, #tpu.memory_space<vmem>> -> memref<128x64xf32, #tpu.memory_space<vmem>>
    %dma_start3A_23 = arith.constant 0 : i32
    %dma_start3A_24 = tpu.memref_slice %arg8[%dma_start3A_17, %dma_start3A_23] : memref<2x128xi32, #tpu.memory_space<vmem>> -> memref<1x128xi32, #tpu.memory_space<vmem>>
    %dma_start3A_25 = tpu.memref_squeeze %dma_start3A_24 : memref<1x128xi32, #tpu.memory_space<vmem>> -> memref<128xi32, #tpu.memory_space<vmem>>
    %dma_start3A_26 = arith.constant 0 : i32
    %dma_start3A_27 = arith.constant 0 : i32
    %dma_start3A_28 = tpu.memref_slice %arg5[%dma_start3A_26, %dma_start3A_27] : memref<1001x64xf32, #tpu.memory_space<hbm>> -> memref<1001x64xf32, #tpu.memory_space<hbm>>
    tpu.enqueue_indirect_dma source(%dma_start3A_28 : memref<1001x64xf32, #tpu.memory_space<hbm>>) target(%dma_start3A_22 : memref<128x64xf32, #tpu.memory_space<vmem>>) offsets(%dma_start3A_25 : memref<128xi32, #tpu.memory_space<vmem>>) semaphore(%arg14 : memref<!tpu.dma_semaphore, #tpu.memory_space<semaphore_mem>>)
    %add3A_29 = arith.constant 128 : i32
    %add3A_30 = arith.addi %mul3A_2, %add3A_29 : i32
    %run_scoped3A_31 = arith.constant 1 : i32
    "tpu.region"() ({
      %run_scoped3A_85 = tpu.sem_alloc : memref<!tpu.dma_semaphore, #tpu.memory_space<semaphore_mem>>
      %dma_start3A_86 = arith.constant 0 : i32
      %dma_start3A_87 = tpu.memref_slice %arg7[%run_scoped3A_31, %dma_start3A_86] : memref<2x128xi32, #tpu.memory_space<vmem>> -> memref<1x128xi32, #tpu.memory_space<vmem>>
      %dma_start3A_88 = tpu.memref_squeeze %dma_start3A_87 : memref<1x128xi32, #tpu.memory_space<vmem>> -> memref<128xi32, #tpu.memory_space<vmem>>
      %dma_start3A_89 = tpu.memref_slice %arg2[%add3A_30] : memref<819200xi32, #tpu.memory_space<hbm>> -> memref<128xi32, #tpu.memory_space<hbm>>
      %dma_start3A_90 = arith.constant 0 : i32
      %dma_start3A_91 = tpu.memref_slice %arg7[%run_scoped3A_31, %dma_start3A_90] : memref<2x128xi32, #tpu.memory_space<vmem>> -> memref<1x128xi32, #tpu.memory_space<vmem>>
      %dma_start3A_92 = tpu.memref_squeeze %dma_start3A_91 : memref<1x128xi32, #tpu.memory_space<vmem>> -> memref<128xi32, #tpu.memory_space<vmem>>
      %dma_start3A_93 = tpu.memref_slice %arg2[%add3A_30] : memref<819200xi32, #tpu.memory_space<hbm>> -> memref<128xi32, #tpu.memory_space<hbm>>
      tpu.enqueue_dma source(%dma_start3A_93 : memref<128xi32, #tpu.memory_space<hbm>>) target(%dma_start3A_92 : memref<128xi32, #tpu.memory_space<vmem>>) target_semaphore(%run_scoped3A_85 : memref<!tpu.dma_semaphore, #tpu.memory_space<semaphore_mem>>)
      %dma_wait3A_94 = arith.constant 0 : i32
      %dma_wait3A_95 = tpu.memref_slice %arg7[%run_scoped3A_31, %dma_wait3A_94] : memref<2x128xi32, #tpu.memory_space<vmem>> -> memref<1x128xi32, #tpu.memory_space<vmem>>
      %dma_wait3A_96 = tpu.memref_squeeze %dma_wait3A_95 : memref<1x128xi32, #tpu.memory_space<vmem>> -> memref<128xi32, #tpu.memory_space<vmem>>
      %dma_wait3A_97 = tpu.memref_slice %arg2[%add3A_30] : memref<819200xi32, #tpu.memory_space<hbm>> -> memref<128xi32, #tpu.memory_space<hbm>>
      %dma_wait3A_98 = arith.constant 0 : i32
      %dma_wait3A_99 = tpu.memref_slice %arg7[%run_scoped3A_31, %dma_wait3A_98] : memref<2x128xi32, #tpu.memory_space<vmem>> -> memref<1x128xi32, #tpu.memory_space<vmem>>
      %dma_wait3A_100 = tpu.memref_squeeze %dma_wait3A_99 : memref<1x128xi32, #tpu.memory_space<vmem>> -> memref<128xi32, #tpu.memory_space<vmem>>
      %dma_wait3A_101 = tpu.memref_slice %arg2[%add3A_30] : memref<819200xi32, #tpu.memory_space<hbm>> -> memref<128xi32, #tpu.memory_space<hbm>>
      tpu.wait_dma2 semaphore(%run_scoped3A_85 : memref<!tpu.dma_semaphore, #tpu.memory_space<semaphore_mem>>) src(%dma_wait3A_101 : memref<128xi32, #tpu.memory_space<hbm>>) dst(%dma_wait3A_100 : memref<128xi32, #tpu.memory_space<vmem>>)
      tpu.yield
    }) : () -> ()
    %run_scoped3A_32 = arith.constant 1 : i32
    "tpu.region"() ({
      %run_scoped3A_85 = tpu.sem_alloc : memref<!tpu.dma_semaphore, #tpu.memory_space<semaphore_mem>>
      %dma_start3A_86 = arith.constant 0 : i32
      %dma_start3A_87 = tpu.memref_slice %arg8[%run_scoped3A_32, %dma_start3A_86] : memref<2x128xi32, #tpu.memory_space<vmem>> -> memref<1x128xi32, #tpu.memory_space<vmem>>
      %dma_start3A_88 = tpu.memref_squeeze %dma_start3A_87 : memref<1x128xi32, #tpu.memory_space<vmem>> -> memref<128xi32, #tpu.memory_space<vmem>>
      %dma_start3A_89 = tpu.memref_slice %arg3[%add3A_30] : memref<819200xi32, #tpu.memory_space<hbm>> -> memref<128xi32, #tpu.memory_space<hbm>>
      %dma_start3A_90 = arith.constant 0 : i32
      %dma_start3A_91 = tpu.memref_slice %arg8[%run_scoped3A_32, %dma_start3A_90] : memref<2x128xi32, #tpu.memory_space<vmem>> -> memref<1x128xi32, #tpu.memory_space<vmem>>
      %dma_start3A_92 = tpu.memref_squeeze %dma_start3A_91 : memref<1x128xi32, #tpu.memory_space<vmem>> -> memref<128xi32, #tpu.memory_space<vmem>>
      %dma_start3A_93 = tpu.memref_slice %arg3[%add3A_30] : memref<819200xi32, #tpu.memory_space<hbm>> -> memref<128xi32, #tpu.memory_space<hbm>>
      tpu.enqueue_dma source(%dma_start3A_93 : memref<128xi32, #tpu.memory_space<hbm>>) target(%dma_start3A_92 : memref<128xi32, #tpu.memory_space<vmem>>) target_semaphore(%run_scoped3A_85 : memref<!tpu.dma_semaphore, #tpu.memory_space<semaphore_mem>>)
      %dma_wait3A_94 = arith.constant 0 : i32
      %dma_wait3A_95 = tpu.memref_slice %arg8[%run_scoped3A_32, %dma_wait3A_94] : memref<2x128xi32, #tpu.memory_space<vmem>> -> memref<1x128xi32, #tpu.memory_space<vmem>>
      %dma_wait3A_96 = tpu.memref_squeeze %dma_wait3A_95 : memref<1x128xi32, #tpu.memory_space<vmem>> -> memref<128xi32, #tpu.memory_space<vmem>>
      %dma_wait3A_97 = tpu.memref_slice %arg3[%add3A_30] : memref<819200xi32, #tpu.memory_space<hbm>> -> memref<128xi32, #tpu.memory_space<hbm>>
      %dma_wait3A_98 = arith.constant 0 : i32
      %dma_wait3A_99 = tpu.memref_slice %arg8[%run_scoped3A_32, %dma_wait3A_98] : memref<2x128xi32, #tpu.memory_space<vmem>> -> memref<1x128xi32, #tpu.memory_space<vmem>>
      %dma_wait3A_100 = tpu.memref_squeeze %dma_wait3A_99 : memref<1x128xi32, #tpu.memory_space<vmem>> -> memref<128xi32, #tpu.memory_space<vmem>>
      %dma_wait3A_101 = tpu.memref_slice %arg3[%add3A_30] : memref<819200xi32, #tpu.memory_space<hbm>> -> memref<128xi32, #tpu.memory_space<hbm>>
      tpu.wait_dma2 semaphore(%run_scoped3A_85 : memref<!tpu.dma_semaphore, #tpu.memory_space<semaphore_mem>>) src(%dma_wait3A_101 : memref<128xi32, #tpu.memory_space<hbm>>) dst(%dma_wait3A_100 : memref<128xi32, #tpu.memory_space<vmem>>)
      tpu.yield
    }) : () -> ()
    %dma_start3A_33 = arith.constant 1 : i32
    %dma_start3A_34 = arith.constant 1 : i32
    %dma_start3A_35 = arith.constant 0 : i32
    %dma_start3A_36 = arith.constant 0 : i32
    %dma_start3A_37 = tpu.memref_slice %arg10[%dma_start3A_34, %dma_start3A_35, %dma_start3A_36] : memref<2x128x64xf32, #tpu.memory_space<vmem>> -> memref<1x128x64xf32, #tpu.memory_space<vmem>>
    %dma_start3A_38 = tpu.memref_squeeze %dma_start3A_37 : memref<1x128x64xf32, #tpu.memory_space<vmem>> -> memref<128x64xf32, #tpu.memory_space<vmem>>
    %dma_start3A_39 = arith.constant 0 : i32
    %dma_start3A_40 = tpu.memref_slice %arg7[%dma_start3A_33, %dma_start3A_39] : memref<2x128xi32, #tpu.memory_space<vmem>> -> memref<1x128xi32, #tpu.memory_space<vmem>>
    %dma_start3A_41 = tpu.memref_squeeze %dma_start3A_40 : memref<1x128xi32, #tpu.memory_space<vmem>> -> memref<128xi32, #tpu.memory_space<vmem>>
    %dma_start3A_42 = arith.constant 0 : i32
    %dma_start3A_43 = arith.constant 0 : i32
    %dma_start3A_44 = tpu.memref_slice %arg4[%dma_start3A_42, %dma_start3A_43] : memref<1000001x64xf32, #tpu.memory_space<hbm>> -> memref<1000001x64xf32, #tpu.memory_space<hbm>>
    tpu.enqueue_indirect_dma source(%dma_start3A_44 : memref<1000001x64xf32, #tpu.memory_space<hbm>>) target(%dma_start3A_38 : memref<128x64xf32, #tpu.memory_space<vmem>>) offsets(%dma_start3A_41 : memref<128xi32, #tpu.memory_space<vmem>>) semaphore(%arg16 : memref<!tpu.dma_semaphore, #tpu.memory_space<semaphore_mem>>)
    %dma_start3A_45 = arith.constant 1 : i32
    %dma_start3A_46 = arith.constant 1 : i32
    %dma_start3A_47 = arith.constant 0 : i32
    %dma_start3A_48 = arith.constant 0 : i32
    %dma_start3A_49 = tpu.memref_slice %arg11[%dma_start3A_46, %dma_start3A_47, %dma_start3A_48] : memref<2x128x64xf32, #tpu.memory_space<vmem>> -> memref<1x128x64xf32, #tpu.memory_space<vmem>>
    %dma_start3A_50 = tpu.memref_squeeze %dma_start3A_49 : memref<1x128x64xf32, #tpu.memory_space<vmem>> -> memref<128x64xf32, #tpu.memory_space<vmem>>
    %dma_start3A_51 = arith.constant 0 : i32
    %dma_start3A_52 = tpu.memref_slice %arg8[%dma_start3A_45, %dma_start3A_51] : memref<2x128xi32, #tpu.memory_space<vmem>> -> memref<1x128xi32, #tpu.memory_space<vmem>>
    %dma_start3A_53 = tpu.memref_squeeze %dma_start3A_52 : memref<1x128xi32, #tpu.memory_space<vmem>> -> memref<128xi32, #tpu.memory_space<vmem>>
    %dma_start3A_54 = arith.constant 0 : i32
    %dma_start3A_55 = arith.constant 0 : i32
    %dma_start3A_56 = tpu.memref_slice %arg5[%dma_start3A_54, %dma_start3A_55] : memref<1001x64xf32, #tpu.memory_space<hbm>> -> memref<1001x64xf32, #tpu.memory_space<hbm>>
    tpu.enqueue_indirect_dma source(%dma_start3A_56 : memref<1001x64xf32, #tpu.memory_space<hbm>>) target(%dma_start3A_50 : memref<128x64xf32, #tpu.memory_space<vmem>>) offsets(%dma_start3A_53 : memref<128xi32, #tpu.memory_space<vmem>>) semaphore(%arg17 : memref<!tpu.dma_semaphore, #tpu.memory_space<semaphore_mem>>)
    %scan3A = arith.constant 0 : i32
    %scan3A_57 = arith.constant 0 : i32
    %scan3A_58 = arith.constant 100 : i32
    %scan3A_59 = arith.addi %scan3A_57, %scan3A_58 : i32
    %scan3A_60 = arith.constant 1 : i32
    scf.for %scan3A_85 = %scan3A_57 to %scan3A_59 step %scan3A_60  : i32 {
      %mul3A_86 = arith.constant 2 : i32
      %mul3A_87 = arith.muli %mul3A_86, %scan3A_85 : i32
      %add3A_88 = arith.constant 0 : i32
      %add3A_89 = arith.addi %mul3A_87, %add3A_88 : i32
      %dma_wait3A_90 = arith.constant 0 : i32
      %dma_wait3A_91 = arith.constant 0 : i32
      %dma_wait3A_92 = arith.constant 0 : i32
      %dma_wait3A_93 = arith.constant 0 : i32
      %dma_wait3A_94 = tpu.memref_slice %arg10[%dma_wait3A_91, %dma_wait3A_92, %dma_wait3A_93] : memref<2x128x64xf32, #tpu.memory_space<vmem>> -> memref<1x128x64xf32, #tpu.memory_space<vmem>>
      %dma_wait3A_95 = tpu.memref_squeeze %dma_wait3A_94 : memref<1x128x64xf32, #tpu.memory_space<vmem>> -> memref<128x64xf32, #tpu.memory_space<vmem>>
      %dma_wait3A_96 = arith.constant 0 : i32
      %dma_wait3A_97 = tpu.memref_slice %arg7[%dma_wait3A_90, %dma_wait3A_96] : memref<2x128xi32, #tpu.memory_space<vmem>> -> memref<1x128xi32, #tpu.memory_space<vmem>>
      %dma_wait3A_98 = tpu.memref_squeeze %dma_wait3A_97 : memref<1x128xi32, #tpu.memory_space<vmem>> -> memref<128xi32, #tpu.memory_space<vmem>>
      %dma_wait3A_99 = arith.constant 0 : i32
      %dma_wait3A_100 = arith.constant 0 : i32
      %dma_wait3A_101 = tpu.memref_slice %arg4[%dma_wait3A_99, %dma_wait3A_100] : memref<1000001x64xf32, #tpu.memory_space<hbm>> -> memref<1000001x64xf32, #tpu.memory_space<hbm>>
      tpu.wait_indirect_dma semaphore(%arg13 : memref<!tpu.dma_semaphore, #tpu.memory_space<semaphore_mem>>) src(%dma_wait3A_101 : memref<1000001x64xf32, #tpu.memory_space<hbm>>) dst(%dma_wait3A_95 : memref<128x64xf32, #tpu.memory_space<vmem>>)
      %dma_wait3A_102 = arith.constant 0 : i32
      %dma_wait3A_103 = arith.constant 0 : i32
      %dma_wait3A_104 = arith.constant 0 : i32
      %dma_wait3A_105 = arith.constant 0 : i32
      %dma_wait3A_106 = tpu.memref_slice %arg11[%dma_wait3A_103, %dma_wait3A_104, %dma_wait3A_105] : memref<2x128x64xf32, #tpu.memory_space<vmem>> -> memref<1x128x64xf32, #tpu.memory_space<vmem>>
      %dma_wait3A_107 = tpu.memref_squeeze %dma_wait3A_106 : memref<1x128x64xf32, #tpu.memory_space<vmem>> -> memref<128x64xf32, #tpu.memory_space<vmem>>
      %dma_wait3A_108 = arith.constant 0 : i32
      %dma_wait3A_109 = tpu.memref_slice %arg8[%dma_wait3A_102, %dma_wait3A_108] : memref<2x128xi32, #tpu.memory_space<vmem>> -> memref<1x128xi32, #tpu.memory_space<vmem>>
      %dma_wait3A_110 = tpu.memref_squeeze %dma_wait3A_109 : memref<1x128xi32, #tpu.memory_space<vmem>> -> memref<128xi32, #tpu.memory_space<vmem>>
      %dma_wait3A_111 = arith.constant 0 : i32
      %dma_wait3A_112 = arith.constant 0 : i32
      %dma_wait3A_113 = tpu.memref_slice %arg5[%dma_wait3A_111, %dma_wait3A_112] : memref<1001x64xf32, #tpu.memory_space<hbm>> -> memref<1001x64xf32, #tpu.memory_space<hbm>>
      tpu.wait_indirect_dma semaphore(%arg14 : memref<!tpu.dma_semaphore, #tpu.memory_space<semaphore_mem>>) src(%dma_wait3A_113 : memref<1001x64xf32, #tpu.memory_space<hbm>>) dst(%dma_wait3A_107 : memref<128x64xf32, #tpu.memory_space<vmem>>)
      %gt3A = arith.constant 0 : i32
      %gt3A_114 = arith.cmpi sgt, %scan3A_85, %gt3A : i32
      %convert_element_type3A = arith.extui %gt3A_114 : i1 to i32
      %cond3A = arith.constant 0 : i32
      %cond3A_115 = arith.cmpi ne, %convert_element_type3A, %cond3A : i32
      scf.if %cond3A_115 {
        %dma_wait3A_216 = arith.constant 0 : i32
        %dma_wait3A_217 = arith.constant 0 : i32
        %dma_wait3A_218 = arith.constant 0 : i32
        %dma_wait3A_219 = arith.constant 0 : i32
        %dma_wait3A_220 = tpu.memref_slice %arg12[%dma_wait3A_216, %dma_wait3A_218, %dma_wait3A_219] : memref<2x128x64xf32, #tpu.memory_space<vmem>> -> memref<1x128x64xf32, #tpu.memory_space<vmem>>
        %dma_wait3A_221 = tpu.memref_squeeze %dma_wait3A_220 : memref<1x128x64xf32, #tpu.memory_space<vmem>> -> memref<128x64xf32, #tpu.memory_space<vmem>>
        %dma_wait3A_222 = arith.constant 0 : i32
        %dma_wait3A_223 = tpu.memref_slice %arg9[%dma_wait3A_217, %dma_wait3A_222] : memref<2x128xi32, #tpu.memory_space<vmem>> -> memref<1x128xi32, #tpu.memory_space<vmem>>
        %dma_wait3A_224 = tpu.memref_squeeze %dma_wait3A_223 : memref<1x128xi32, #tpu.memory_space<vmem>> -> memref<128xi32, #tpu.memory_space<vmem>>
        %dma_wait3A_225 = arith.constant 0 : i32
        %dma_wait3A_226 = arith.constant 0 : i32
        %dma_wait3A_227 = tpu.memref_slice %arg6[%dma_wait3A_225, %dma_wait3A_226] : memref<819200x64xf32, #tpu.memory_space<hbm>> -> memref<819200x64xf32, #tpu.memory_space<hbm>>
        tpu.wait_indirect_dma semaphore(%arg15 : memref<!tpu.dma_semaphore, #tpu.memory_space<semaphore_mem>>) src(%dma_wait3A_221 : memref<128x64xf32, #tpu.memory_space<vmem>>) dst(%dma_wait3A_227 : memref<819200x64xf32, #tpu.memory_space<hbm>>)
      } else {
      }
      %mul3A_116 = arith.constant 128 : i32
      %mul3A_117 = arith.muli %add3A_89, %mul3A_116 : i32
      %add3A_118 = arith.addi %mul3A_2, %mul3A_117 : i32
      %scan3A_119 = arith.constant 0 : i32
      %scan3A_120 = arith.constant 0 : i32
      %scan3A_121 = arith.constant 8 : i32
      %scan3A_122 = arith.addi %scan3A_120, %scan3A_121 : i32
      %scan3A_123 = arith.constant 1 : i32
      scf.for %scan3A_216 = %scan3A_120 to %scan3A_122 step %scan3A_123  : i32 {
        %mul3A_217 = arith.constant 16 : i32
        %mul3A_218 = arith.muli %scan3A_216, %mul3A_217 : i32
        %add3A_219 = arith.addi %add3A_118, %mul3A_218 : i32
        %iota3A = tpu.iota {dimensions = array<i32: 0>} : vector<16xi32>
        %add3A_220 = vector.broadcast %add3A_219 : i32 to vector<16xi32>
        %add3A_221 = arith.addi %add3A_220, %iota3A : vector<16xi32>
        %and3A = arith.constant 16383 : i32
        %and3A_222 = vector.broadcast %and3A : i32 to vector<16xi32>
        %and3A_223 = arith.andi %add3A_221, %and3A_222 : vector<16xi32>
        %and3A_224 = arith.constant -16384 : i32
        %and3A_225 = vector.broadcast %and3A_224 : i32 to vector<16xi32>
        %and3A_226 = arith.andi %add3A_221, %and3A_225 : vector<16xi32>
        %and3A_227 = arith.constant -512 : i32
        %and3A_228 = vector.broadcast %and3A_227 : i32 to vector<16xi32>
        %and3A_229 = arith.andi %and3A_223, %and3A_228 : vector<16xi32>
        %add3A_230 = arith.addi %and3A_226, %and3A_229 : vector<16xi32>
        %and3A_231 = arith.constant 255 : i32
        %and3A_232 = vector.broadcast %and3A_231 : i32 to vector<16xi32>
        %and3A_233 = arith.andi %and3A_223, %and3A_232 : vector<16xi32>
        %shift_left3A = arith.constant 1 : i32
        %shift_left3A_234 = vector.broadcast %shift_left3A : i32 to vector<16xi32>
        %shift_left3A_235 = arith.shli %and3A_233, %shift_left3A_234 : vector<16xi32>
        %add3A_236 = arith.addi %add3A_230, %shift_left3A_235 : vector<16xi32>
        %shift_right_logical3A = arith.constant 8 : i32
        %shift_right_logical3A_237 = vector.broadcast %shift_right_logical3A : i32 to vector<16xi32>
        %shift_right_logical3A_238 = arith.shrui %and3A_223, %shift_right_logical3A_237 : vector<16xi32>
        %and3A_239 = arith.constant 1 : i32
        %and3A_240 = vector.broadcast %and3A_239 : i32 to vector<16xi32>
        %and3A_241 = arith.andi %shift_right_logical3A_238, %and3A_240 : vector<16xi32>
        %add3A_242 = arith.addi %add3A_236, %and3A_241 : vector<16xi32>
        %mul3A_243 = arith.constant 16 : i32
        %mul3A_244 = arith.muli %scan3A_216, %mul3A_243 : i32
        %swap3A = arith.constant 0 : i32
        %swap3A_245 = arith.index_cast %swap3A : i32 to index
        %swap3A_246 = arith.index_cast %mul3A_244 : i32 to index
        %swap3A_247 = tpu.vector_load %arg9[%swap3A_245, %swap3A_246] {strides = array<i32>} : memref<2x128xi32, #tpu.memory_space<vmem>>, vector<1x16xi32>,
        %swap3A_248 = vector.shape_cast %swap3A_247 : vector<1x16xi32> to vector<16xi32>
        %swap3A_249 = vector.shape_cast %add3A_242 : vector<16xi32> to vector<1x16xi32>
        tpu.vector_store %arg9[%swap3A_245, %swap3A_246], %swap3A_249 {strides = array<i32>} : memref<2x128xi32, #tpu.memory_space<vmem>>, vector<1x16xi32>,
      }
      %scan3A_124 = arith.constant 8 : i32
      %scan3A_125 = arith.constant 0 : i32
      %scan3A_126 = arith.constant 0 : i32
      %scan3A_127 = arith.constant 128 : i32
      %scan3A_128 = arith.addi %scan3A_126, %scan3A_127 : i32
      %scan3A_129 = arith.constant 1 : i32
      scf.for %scan3A_216 = %scan3A_126 to %scan3A_128 step %scan3A_129  : i32 {
        %get3A = arith.constant 0 : i32
        %get3A_217 = arith.index_cast %get3A : i32 to index
        %get3A_218 = arith.index_cast %scan3A_216 : i32 to index
        %get3A_219 = arith.constant 0 : index
        %get3A_220 = tpu.vector_load %arg10[%get3A_217, %get3A_218, %get3A_219] {strides = array<i32>} : memref<2x128x64xf32, #tpu.memory_space<vmem>>, vector<1x1x16xf32>,
        %get3A_221 = vector.shape_cast %get3A_220 : vector<1x1x16xf32> to vector<16xf32>
        %get3A_222 = arith.constant 0 : i32
        %get3A_223 = arith.index_cast %get3A_222 : i32 to index
        %get3A_224 = arith.index_cast %scan3A_216 : i32 to index
        %get3A_225 = arith.constant 0 : index
        %get3A_226 = tpu.vector_load %arg11[%get3A_223, %get3A_224, %get3A_225] {strides = array<i32>} : memref<2x128x64xf32, #tpu.memory_space<vmem>>, vector<1x1x16xf32>,
        %get3A_227 = vector.shape_cast %get3A_226 : vector<1x1x16xf32> to vector<16xf32>
        %add3A_228 = arith.addf %get3A_221, %get3A_227 : vector<16xf32>
        %swap3A = arith.constant 0 : i32
        %swap3A_229 = arith.index_cast %swap3A : i32 to index
        %swap3A_230 = arith.index_cast %scan3A_216 : i32 to index
        %swap3A_231 = arith.constant 0 : index
        %swap3A_232 = tpu.vector_load %arg12[%swap3A_229, %swap3A_230, %swap3A_231] {strides = array<i32>} : memref<2x128x64xf32, #tpu.memory_space<vmem>>, vector<1x1x16xf32>,
        %swap3A_233 = vector.shape_cast %swap3A_232 : vector<1x1x16xf32> to vector<16xf32>
        %swap3A_234 = vector.shape_cast %add3A_228 : vector<16xf32> to vector<1x1x16xf32>
        tpu.vector_store %arg12[%swap3A_229, %swap3A_230, %swap3A_231], %swap3A_234 {strides = array<i32>} : memref<2x128x64xf32, #tpu.memory_space<vmem>>, vector<1x1x16xf32>,
        %get3A_235 = arith.constant 0 : i32
        %get3A_236 = arith.index_cast %get3A_235 : i32 to index
        %get3A_237 = arith.index_cast %scan3A_216 : i32 to index
        %get3A_238 = arith.constant 16 : index
        %get3A_239 = tpu.vector_load %arg10[%get3A_236, %get3A_237, %get3A_238] {strides = array<i32>} : memref<2x128x64xf32, #tpu.memory_space<vmem>>, vector<1x1x16xf32>,
        %get3A_240 = vector.shape_cast %get3A_239 : vector<1x1x16xf32> to vector<16xf32>
        %get3A_241 = arith.constant 0 : i32
        %get3A_242 = arith.index_cast %get3A_241 : i32 to index
        %get3A_243 = arith.index_cast %scan3A_216 : i32 to index
        %get3A_244 = arith.constant 16 : index
        %get3A_245 = tpu.vector_load %arg11[%get3A_242, %get3A_243, %get3A_244] {strides = array<i32>} : memref<2x128x64xf32, #tpu.memory_space<vmem>>, vector<1x1x16xf32>,
        %get3A_246 = vector.shape_cast %get3A_245 : vector<1x1x16xf32> to vector<16xf32>
        %add3A_247 = arith.addf %get3A_240, %get3A_246 : vector<16xf32>
        %swap3A_248 = arith.constant 0 : i32
        %swap3A_249 = arith.index_cast %swap3A_248 : i32 to index
        %swap3A_250 = arith.index_cast %scan3A_216 : i32 to index
        %swap3A_251 = arith.constant 16 : index
        %swap3A_252 = tpu.vector_load %arg12[%swap3A_249, %swap3A_250, %swap3A_251] {strides = array<i32>} : memref<2x128x64xf32, #tpu.memory_space<vmem>>, vector<1x1x16xf32>,
        %swap3A_253 = vector.shape_cast %swap3A_252 : vector<1x1x16xf32> to vector<16xf32>
        %swap3A_254 = vector.shape_cast %add3A_247 : vector<16xf32> to vector<1x1x16xf32>
        tpu.vector_store %arg12[%swap3A_249, %swap3A_250, %swap3A_251], %swap3A_254 {strides = array<i32>} : memref<2x128x64xf32, #tpu.memory_space<vmem>>, vector<1x1x16xf32>,
        %get3A_255 = arith.constant 0 : i32
        %get3A_256 = arith.index_cast %get3A_255 : i32 to index
        %get3A_257 = arith.index_cast %scan3A_216 : i32 to index
        %get3A_258 = arith.constant 32 : index
        %get3A_259 = tpu.vector_load %arg10[%get3A_256, %get3A_257, %get3A_258] {strides = array<i32>} : memref<2x128x64xf32, #tpu.memory_space<vmem>>, vector<1x1x16xf32>,
        %get3A_260 = vector.shape_cast %get3A_259 : vector<1x1x16xf32> to vector<16xf32>
        %get3A_261 = arith.constant 0 : i32
        %get3A_262 = arith.index_cast %get3A_261 : i32 to index
        %get3A_263 = arith.index_cast %scan3A_216 : i32 to index
        %get3A_264 = arith.constant 32 : index
        %get3A_265 = tpu.vector_load %arg11[%get3A_262, %get3A_263, %get3A_264] {strides = array<i32>} : memref<2x128x64xf32, #tpu.memory_space<vmem>>, vector<1x1x16xf32>,
        %get3A_266 = vector.shape_cast %get3A_265 : vector<1x1x16xf32> to vector<16xf32>
        %add3A_267 = arith.addf %get3A_260, %get3A_266 : vector<16xf32>
        %swap3A_268 = arith.constant 0 : i32
        %swap3A_269 = arith.index_cast %swap3A_268 : i32 to index
        %swap3A_270 = arith.index_cast %scan3A_216 : i32 to index
        %swap3A_271 = arith.constant 32 : index
        %swap3A_272 = tpu.vector_load %arg12[%swap3A_269, %swap3A_270, %swap3A_271] {strides = array<i32>} : memref<2x128x64xf32, #tpu.memory_space<vmem>>, vector<1x1x16xf32>,
        %swap3A_273 = vector.shape_cast %swap3A_272 : vector<1x1x16xf32> to vector<16xf32>
        %swap3A_274 = vector.shape_cast %add3A_267 : vector<16xf32> to vector<1x1x16xf32>
        tpu.vector_store %arg12[%swap3A_269, %swap3A_270, %swap3A_271], %swap3A_274 {strides = array<i32>} : memref<2x128x64xf32, #tpu.memory_space<vmem>>, vector<1x1x16xf32>,
        %get3A_275 = arith.constant 0 : i32
        %get3A_276 = arith.index_cast %get3A_275 : i32 to index
        %get3A_277 = arith.index_cast %scan3A_216 : i32 to index
        %get3A_278 = arith.constant 48 : index
        %get3A_279 = tpu.vector_load %arg10[%get3A_276, %get3A_277, %get3A_278] {strides = array<i32>} : memref<2x128x64xf32, #tpu.memory_space<vmem>>, vector<1x1x16xf32>,
        %get3A_280 = vector.shape_cast %get3A_279 : vector<1x1x16xf32> to vector<16xf32>
        %get3A_281 = arith.constant 0 : i32
        %get3A_282 = arith.index_cast %get3A_281 : i32 to index
        %get3A_283 = arith.index_cast %scan3A_216 : i32 to index
        %get3A_284 = arith.constant 48 : index
        %get3A_285 = tpu.vector_load %arg11[%get3A_282, %get3A_283, %get3A_284] {strides = array<i32>} : memref<2x128x64xf32, #tpu.memory_space<vmem>>, vector<1x1x16xf32>,
        %get3A_286 = vector.shape_cast %get3A_285 : vector<1x1x16xf32> to vector<16xf32>
        %add3A_287 = arith.addf %get3A_280, %get3A_286 : vector<16xf32>
        %swap3A_288 = arith.constant 0 : i32
        %swap3A_289 = arith.index_cast %swap3A_288 : i32 to index
        %swap3A_290 = arith.index_cast %scan3A_216 : i32 to index
        %swap3A_291 = arith.constant 48 : index
        %swap3A_292 = tpu.vector_load %arg12[%swap3A_289, %swap3A_290, %swap3A_291] {strides = array<i32>} : memref<2x128x64xf32, #tpu.memory_space<vmem>>, vector<1x1x16xf32>,
        %swap3A_293 = vector.shape_cast %swap3A_292 : vector<1x1x16xf32> to vector<16xf32>
        %swap3A_294 = vector.shape_cast %add3A_287 : vector<16xf32> to vector<1x1x16xf32>
        tpu.vector_store %arg12[%swap3A_289, %swap3A_290, %swap3A_291], %swap3A_294 {strides = array<i32>} : memref<2x128x64xf32, #tpu.memory_space<vmem>>, vector<1x1x16xf32>,
      }
      %scan3A_130 = arith.constant 128 : i32
      %dma_start3A_131 = arith.constant 0 : i32
      %dma_start3A_132 = arith.constant 0 : i32
      %dma_start3A_133 = arith.constant 0 : i32
      %dma_start3A_134 = arith.constant 0 : i32
      %dma_start3A_135 = tpu.memref_slice %arg12[%dma_start3A_131, %dma_start3A_133, %dma_start3A_134] : memref<2x128x64xf32, #tpu.memory_space<vmem>> -> memref<1x128x64xf32, #tpu.memory_space<vmem>>
      %dma_start3A_136 = tpu.memref_squeeze %dma_start3A_135 : memref<1x128x64xf32, #tpu.memory_space<vmem>> -> memref<128x64xf32, #tpu.memory_space<vmem>>
      %dma_start3A_137 = arith.constant 0 : i32
      %dma_start3A_138 = tpu.memref_slice %arg9[%dma_start3A_132, %dma_start3A_137] : memref<2x128xi32, #tpu.memory_space<vmem>> -> memref<1x128xi32, #tpu.memory_space<vmem>>
      %dma_start3A_139 = tpu.memref_squeeze %dma_start3A_138 : memref<1x128xi32, #tpu.memory_space<vmem>> -> memref<128xi32, #tpu.memory_space<vmem>>
      %dma_start3A_140 = arith.constant 0 : i32
      %dma_start3A_141 = arith.constant 0 : i32
      %dma_start3A_142 = tpu.memref_slice %arg6[%dma_start3A_140, %dma_start3A_141] : memref<819200x64xf32, #tpu.memory_space<hbm>> -> memref<819200x64xf32, #tpu.memory_space<hbm>>
      tpu.enqueue_indirect_dma source(%dma_start3A_136 : memref<128x64xf32, #tpu.memory_space<vmem>>) target(%dma_start3A_142 : memref<819200x64xf32, #tpu.memory_space<hbm>>) offsets(%dma_start3A_139 : memref<128xi32, #tpu.memory_space<vmem>>) semaphore(%arg15 : memref<!tpu.dma_semaphore, #tpu.memory_space<semaphore_mem>>)
      %add3A_143 = arith.constant 2 : i32
      %add3A_144 = arith.addi %add3A_89, %add3A_143 : i32
      %lt3A = arith.constant 200 : i32
      %lt3A_145 = arith.cmpi slt, %add3A_144, %lt3A : i32
      %convert_element_type3A_146 = arith.extui %lt3A_145 : i1 to i32
      %cond3A_147 = arith.constant 0 : i32
      %cond3A_148 = arith.cmpi ne, %convert_element_type3A_146, %cond3A_147 : i32
      scf.if %cond3A_148 {
        %add3A_216 = arith.constant 2 : i32
        %add3A_217 = arith.addi %add3A_89, %add3A_216 : i32
        %mul3A_218 = arith.constant 128 : i32
        %mul3A_219 = arith.muli %add3A_217, %mul3A_218 : i32
        %add3A_220 = arith.addi %mul3A_2, %mul3A_219 : i32
        %run_scoped3A_221 = arith.constant 0 : i32
        "tpu.region"() ({
          %run_scoped3A_247 = tpu.sem_alloc : memref<!tpu.dma_semaphore, #tpu.memory_space<semaphore_mem>>
          %dma_start3A_248 = arith.constant 0 : i32
          %dma_start3A_249 = tpu.memref_slice %arg7[%run_scoped3A_221, %dma_start3A_248] : memref<2x128xi32, #tpu.memory_space<vmem>> -> memref<1x128xi32, #tpu.memory_space<vmem>>
          %dma_start3A_250 = tpu.memref_squeeze %dma_start3A_249 : memref<1x128xi32, #tpu.memory_space<vmem>> -> memref<128xi32, #tpu.memory_space<vmem>>
          %dma_start3A_251 = tpu.memref_slice %arg2[%add3A_220] : memref<819200xi32, #tpu.memory_space<hbm>> -> memref<128xi32, #tpu.memory_space<hbm>>
          %dma_start3A_252 = arith.constant 0 : i32
          %dma_start3A_253 = tpu.memref_slice %arg7[%run_scoped3A_221, %dma_start3A_252] : memref<2x128xi32, #tpu.memory_space<vmem>> -> memref<1x128xi32, #tpu.memory_space<vmem>>
          %dma_start3A_254 = tpu.memref_squeeze %dma_start3A_253 : memref<1x128xi32, #tpu.memory_space<vmem>> -> memref<128xi32, #tpu.memory_space<vmem>>
          %dma_start3A_255 = tpu.memref_slice %arg2[%add3A_220] : memref<819200xi32, #tpu.memory_space<hbm>> -> memref<128xi32, #tpu.memory_space<hbm>>
          tpu.enqueue_dma source(%dma_start3A_255 : memref<128xi32, #tpu.memory_space<hbm>>) target(%dma_start3A_254 : memref<128xi32, #tpu.memory_space<vmem>>) target_semaphore(%run_scoped3A_247 : memref<!tpu.dma_semaphore, #tpu.memory_space<semaphore_mem>>)
          %dma_wait3A_256 = arith.constant 0 : i32
          %dma_wait3A_257 = tpu.memref_slice %arg7[%run_scoped3A_221, %dma_wait3A_256] : memref<2x128xi32, #tpu.memory_space<vmem>> -> memref<1x128xi32, #tpu.memory_space<vmem>>
          %dma_wait3A_258 = tpu.memref_squeeze %dma_wait3A_257 : memref<1x128xi32, #tpu.memory_space<vmem>> -> memref<128xi32, #tpu.memory_space<vmem>>
          %dma_wait3A_259 = tpu.memref_slice %arg2[%add3A_220] : memref<819200xi32, #tpu.memory_space<hbm>> -> memref<128xi32, #tpu.memory_space<hbm>>
          %dma_wait3A_260 = arith.constant 0 : i32
          %dma_wait3A_261 = tpu.memref_slice %arg7[%run_scoped3A_221, %dma_wait3A_260] : memref<2x128xi32, #tpu.memory_space<vmem>> -> memref<1x128xi32, #tpu.memory_space<vmem>>
          %dma_wait3A_262 = tpu.memref_squeeze %dma_wait3A_261 : memref<1x128xi32, #tpu.memory_space<vmem>> -> memref<128xi32, #tpu.memory_space<vmem>>
          %dma_wait3A_263 = tpu.memref_slice %arg2[%add3A_220] : memref<819200xi32, #tpu.memory_space<hbm>> -> memref<128xi32, #tpu.memory_space<hbm>>
          tpu.wait_dma2 semaphore(%run_scoped3A_247 : memref<!tpu.dma_semaphore, #tpu.memory_space<semaphore_mem>>) src(%dma_wait3A_263 : memref<128xi32, #tpu.memory_space<hbm>>) dst(%dma_wait3A_262 : memref<128xi32, #tpu.memory_space<vmem>>)
          tpu.yield
        }) : () -> ()
        %run_scoped3A_222 = arith.constant 0 : i32
        "tpu.region"() ({
          %run_scoped3A_247 = tpu.sem_alloc : memref<!tpu.dma_semaphore, #tpu.memory_space<semaphore_mem>>
          %dma_start3A_248 = arith.constant 0 : i32
          %dma_start3A_249 = tpu.memref_slice %arg8[%run_scoped3A_222, %dma_start3A_248] : memref<2x128xi32, #tpu.memory_space<vmem>> -> memref<1x128xi32, #tpu.memory_space<vmem>>
          %dma_start3A_250 = tpu.memref_squeeze %dma_start3A_249 : memref<1x128xi32, #tpu.memory_space<vmem>> -> memref<128xi32, #tpu.memory_space<vmem>>
          %dma_start3A_251 = tpu.memref_slice %arg3[%add3A_220] : memref<819200xi32, #tpu.memory_space<hbm>> -> memref<128xi32, #tpu.memory_space<hbm>>
          %dma_start3A_252 = arith.constant 0 : i32
          %dma_start3A_253 = tpu.memref_slice %arg8[%run_scoped3A_222, %dma_start3A_252] : memref<2x128xi32, #tpu.memory_space<vmem>> -> memref<1x128xi32, #tpu.memory_space<vmem>>
          %dma_start3A_254 = tpu.memref_squeeze %dma_start3A_253 : memref<1x128xi32, #tpu.memory_space<vmem>> -> memref<128xi32, #tpu.memory_space<vmem>>
          %dma_start3A_255 = tpu.memref_slice %arg3[%add3A_220] : memref<819200xi32, #tpu.memory_space<hbm>> -> memref<128xi32, #tpu.memory_space<hbm>>
          tpu.enqueue_dma source(%dma_start3A_255 : memref<128xi32, #tpu.memory_space<hbm>>) target(%dma_start3A_254 : memref<128xi32, #tpu.memory_space<vmem>>) target_semaphore(%run_scoped3A_247 : memref<!tpu.dma_semaphore, #tpu.memory_space<semaphore_mem>>)
          %dma_wait3A_256 = arith.constant 0 : i32
          %dma_wait3A_257 = tpu.memref_slice %arg8[%run_scoped3A_222, %dma_wait3A_256] : memref<2x128xi32, #tpu.memory_space<vmem>> -> memref<1x128xi32, #tpu.memory_space<vmem>>
          %dma_wait3A_258 = tpu.memref_squeeze %dma_wait3A_257 : memref<1x128xi32, #tpu.memory_space<vmem>> -> memref<128xi32, #tpu.memory_space<vmem>>
          %dma_wait3A_259 = tpu.memref_slice %arg3[%add3A_220] : memref<819200xi32, #tpu.memory_space<hbm>> -> memref<128xi32, #tpu.memory_space<hbm>>
          %dma_wait3A_260 = arith.constant 0 : i32
          %dma_wait3A_261 = tpu.memref_slice %arg8[%run_scoped3A_222, %dma_wait3A_260] : memref<2x128xi32, #tpu.memory_space<vmem>> -> memref<1x128xi32, #tpu.memory_space<vmem>>
          %dma_wait3A_262 = tpu.memref_squeeze %dma_wait3A_261 : memref<1x128xi32, #tpu.memory_space<vmem>> -> memref<128xi32, #tpu.memory_space<vmem>>
          %dma_wait3A_263 = tpu.memref_slice %arg3[%add3A_220] : memref<819200xi32, #tpu.memory_space<hbm>> -> memref<128xi32, #tpu.memory_space<hbm>>
          tpu.wait_dma2 semaphore(%run_scoped3A_247 : memref<!tpu.dma_semaphore, #tpu.memory_space<semaphore_mem>>) src(%dma_wait3A_263 : memref<128xi32, #tpu.memory_space<hbm>>) dst(%dma_wait3A_262 : memref<128xi32, #tpu.memory_space<vmem>>)
          tpu.yield
        }) : () -> ()
        %dma_start3A_223 = arith.constant 0 : i32
        %dma_start3A_224 = arith.constant 0 : i32
        %dma_start3A_225 = arith.constant 0 : i32
        %dma_start3A_226 = arith.constant 0 : i32
        %dma_start3A_227 = tpu.memref_slice %arg10[%dma_start3A_224, %dma_start3A_225, %dma_start3A_226] : memref<2x128x64xf32, #tpu.memory_space<vmem>> -> memref<1x128x64xf32, #tpu.memory_space<vmem>>
        %dma_start3A_228 = tpu.memref_squeeze %dma_start3A_227 : memref<1x128x64xf32, #tpu.memory_space<vmem>> -> memref<128x64xf32, #tpu.memory_space<vmem>>
        %dma_start3A_229 = arith.constant 0 : i32
        %dma_start3A_230 = tpu.memref_slice %arg7[%dma_start3A_223, %dma_start3A_229] : memref<2x128xi32, #tpu.memory_space<vmem>> -> memref<1x128xi32, #tpu.memory_space<vmem>>
        %dma_start3A_231 = tpu.memref_squeeze %dma_start3A_230 : memref<1x128xi32, #tpu.memory_space<vmem>> -> memref<128xi32, #tpu.memory_space<vmem>>
        %dma_start3A_232 = arith.constant 0 : i32
        %dma_start3A_233 = arith.constant 0 : i32
        %dma_start3A_234 = tpu.memref_slice %arg4[%dma_start3A_232, %dma_start3A_233] : memref<1000001x64xf32, #tpu.memory_space<hbm>> -> memref<1000001x64xf32, #tpu.memory_space<hbm>>
        tpu.enqueue_indirect_dma source(%dma_start3A_234 : memref<1000001x64xf32, #tpu.memory_space<hbm>>) target(%dma_start3A_228 : memref<128x64xf32, #tpu.memory_space<vmem>>) offsets(%dma_start3A_231 : memref<128xi32, #tpu.memory_space<vmem>>) semaphore(%arg13 : memref<!tpu.dma_semaphore, #tpu.memory_space<semaphore_mem>>)
        %dma_start3A_235 = arith.constant 0 : i32
        %dma_start3A_236 = arith.constant 0 : i32
        %dma_start3A_237 = arith.constant 0 : i32
        %dma_start3A_238 = arith.constant 0 : i32
        %dma_start3A_239 = tpu.memref_slice %arg11[%dma_start3A_236, %dma_start3A_237, %dma_start3A_238] : memref<2x128x64xf32, #tpu.memory_space<vmem>> -> memref<1x128x64xf32, #tpu.memory_space<vmem>>
        %dma_start3A_240 = tpu.memref_squeeze %dma_start3A_239 : memref<1x128x64xf32, #tpu.memory_space<vmem>> -> memref<128x64xf32, #tpu.memory_space<vmem>>
        %dma_start3A_241 = arith.constant 0 : i32
        %dma_start3A_242 = tpu.memref_slice %arg8[%dma_start3A_235, %dma_start3A_241] : memref<2x128xi32, #tpu.memory_space<vmem>> -> memref<1x128xi32, #tpu.memory_space<vmem>>
        %dma_start3A_243 = tpu.memref_squeeze %dma_start3A_242 : memref<1x128xi32, #tpu.memory_space<vmem>> -> memref<128xi32, #tpu.memory_space<vmem>>
        %dma_start3A_244 = arith.constant 0 : i32
        %dma_start3A_245 = arith.constant 0 : i32
        %dma_start3A_246 = tpu.memref_slice %arg5[%dma_start3A_244, %dma_start3A_245] : memref<1001x64xf32, #tpu.memory_space<hbm>> -> memref<1001x64xf32, #tpu.memory_space<hbm>>
        tpu.enqueue_indirect_dma source(%dma_start3A_246 : memref<1001x64xf32, #tpu.memory_space<hbm>>) target(%dma_start3A_240 : memref<128x64xf32, #tpu.memory_space<vmem>>) offsets(%dma_start3A_243 : memref<128xi32, #tpu.memory_space<vmem>>) semaphore(%arg14 : memref<!tpu.dma_semaphore, #tpu.memory_space<semaphore_mem>>)
      } else {
      }
      %mul3A_149 = arith.constant 2 : i32
      %mul3A_150 = arith.muli %mul3A_149, %scan3A_85 : i32
      %add3A_151 = arith.constant 1 : i32
      %add3A_152 = arith.addi %mul3A_150, %add3A_151 : i32
      %dma_wait3A_153 = arith.constant 1 : i32
      %dma_wait3A_154 = arith.constant 1 : i32
      %dma_wait3A_155 = arith.constant 0 : i32
      %dma_wait3A_156 = arith.constant 0 : i32
      %dma_wait3A_157 = tpu.memref_slice %arg10[%dma_wait3A_154, %dma_wait3A_155, %dma_wait3A_156] : memref<2x128x64xf32, #tpu.memory_space<vmem>> -> memref<1x128x64xf32, #tpu.memory_space<vmem>>
      %dma_wait3A_158 = tpu.memref_squeeze %dma_wait3A_157 : memref<1x128x64xf32, #tpu.memory_space<vmem>> -> memref<128x64xf32, #tpu.memory_space<vmem>>
      %dma_wait3A_159 = arith.constant 0 : i32
      %dma_wait3A_160 = tpu.memref_slice %arg7[%dma_wait3A_153, %dma_wait3A_159] : memref<2x128xi32, #tpu.memory_space<vmem>> -> memref<1x128xi32, #tpu.memory_space<vmem>>
      %dma_wait3A_161 = tpu.memref_squeeze %dma_wait3A_160 : memref<1x128xi32, #tpu.memory_space<vmem>> -> memref<128xi32, #tpu.memory_space<vmem>>
      %dma_wait3A_162 = arith.constant 0 : i32
      %dma_wait3A_163 = arith.constant 0 : i32
      %dma_wait3A_164 = tpu.memref_slice %arg4[%dma_wait3A_162, %dma_wait3A_163] : memref<1000001x64xf32, #tpu.memory_space<hbm>> -> memref<1000001x64xf32, #tpu.memory_space<hbm>>
      tpu.wait_indirect_dma semaphore(%arg16 : memref<!tpu.dma_semaphore, #tpu.memory_space<semaphore_mem>>) src(%dma_wait3A_164 : memref<1000001x64xf32, #tpu.memory_space<hbm>>) dst(%dma_wait3A_158 : memref<128x64xf32, #tpu.memory_space<vmem>>)
      %dma_wait3A_165 = arith.constant 1 : i32
      %dma_wait3A_166 = arith.constant 1 : i32
      %dma_wait3A_167 = arith.constant 0 : i32
      %dma_wait3A_168 = arith.constant 0 : i32
      %dma_wait3A_169 = tpu.memref_slice %arg11[%dma_wait3A_166, %dma_wait3A_167, %dma_wait3A_168] : memref<2x128x64xf32, #tpu.memory_space<vmem>> -> memref<1x128x64xf32, #tpu.memory_space<vmem>>
      %dma_wait3A_170 = tpu.memref_squeeze %dma_wait3A_169 : memref<1x128x64xf32, #tpu.memory_space<vmem>> -> memref<128x64xf32, #tpu.memory_space<vmem>>
      %dma_wait3A_171 = arith.constant 0 : i32
      %dma_wait3A_172 = tpu.memref_slice %arg8[%dma_wait3A_165, %dma_wait3A_171] : memref<2x128xi32, #tpu.memory_space<vmem>> -> memref<1x128xi32, #tpu.memory_space<vmem>>
      %dma_wait3A_173 = tpu.memref_squeeze %dma_wait3A_172 : memref<1x128xi32, #tpu.memory_space<vmem>> -> memref<128xi32, #tpu.memory_space<vmem>>
      %dma_wait3A_174 = arith.constant 0 : i32
      %dma_wait3A_175 = arith.constant 0 : i32
      %dma_wait3A_176 = tpu.memref_slice %arg5[%dma_wait3A_174, %dma_wait3A_175] : memref<1001x64xf32, #tpu.memory_space<hbm>> -> memref<1001x64xf32, #tpu.memory_space<hbm>>
      tpu.wait_indirect_dma semaphore(%arg17 : memref<!tpu.dma_semaphore, #tpu.memory_space<semaphore_mem>>) src(%dma_wait3A_176 : memref<1001x64xf32, #tpu.memory_space<hbm>>) dst(%dma_wait3A_170 : memref<128x64xf32, #tpu.memory_space<vmem>>)
      %gt3A_177 = arith.constant 0 : i32
      %gt3A_178 = arith.cmpi sgt, %scan3A_85, %gt3A_177 : i32
      %convert_element_type3A_179 = arith.extui %gt3A_178 : i1 to i32
      %cond3A_180 = arith.constant 0 : i32
      %cond3A_181 = arith.cmpi ne, %convert_element_type3A_179, %cond3A_180 : i32
      scf.if %cond3A_181 {
        %dma_wait3A_216 = arith.constant 1 : i32
        %dma_wait3A_217 = arith.constant 1 : i32
        %dma_wait3A_218 = arith.constant 0 : i32
        %dma_wait3A_219 = arith.constant 0 : i32
        %dma_wait3A_220 = tpu.memref_slice %arg12[%dma_wait3A_216, %dma_wait3A_218, %dma_wait3A_219] : memref<2x128x64xf32, #tpu.memory_space<vmem>> -> memref<1x128x64xf32, #tpu.memory_space<vmem>>
        %dma_wait3A_221 = tpu.memref_squeeze %dma_wait3A_220 : memref<1x128x64xf32, #tpu.memory_space<vmem>> -> memref<128x64xf32, #tpu.memory_space<vmem>>
        %dma_wait3A_222 = arith.constant 0 : i32
        %dma_wait3A_223 = tpu.memref_slice %arg9[%dma_wait3A_217, %dma_wait3A_222] : memref<2x128xi32, #tpu.memory_space<vmem>> -> memref<1x128xi32, #tpu.memory_space<vmem>>
        %dma_wait3A_224 = tpu.memref_squeeze %dma_wait3A_223 : memref<1x128xi32, #tpu.memory_space<vmem>> -> memref<128xi32, #tpu.memory_space<vmem>>
        %dma_wait3A_225 = arith.constant 0 : i32
        %dma_wait3A_226 = arith.constant 0 : i32
        %dma_wait3A_227 = tpu.memref_slice %arg6[%dma_wait3A_225, %dma_wait3A_226] : memref<819200x64xf32, #tpu.memory_space<hbm>> -> memref<819200x64xf32, #tpu.memory_space<hbm>>
        tpu.wait_indirect_dma semaphore(%arg18 : memref<!tpu.dma_semaphore, #tpu.memory_space<semaphore_mem>>) src(%dma_wait3A_221 : memref<128x64xf32, #tpu.memory_space<vmem>>) dst(%dma_wait3A_227 : memref<819200x64xf32, #tpu.memory_space<hbm>>)
      } else {
      }
      %mul3A_182 = arith.constant 128 : i32
      %mul3A_183 = arith.muli %add3A_152, %mul3A_182 : i32
      %add3A_184 = arith.addi %mul3A_2, %mul3A_183 : i32
      %scan3A_185 = arith.constant 0 : i32
      %scan3A_186 = arith.constant 0 : i32
      %scan3A_187 = arith.constant 8 : i32
      %scan3A_188 = arith.addi %scan3A_186, %scan3A_187 : i32
      %scan3A_189 = arith.constant 1 : i32
      scf.for %scan3A_216 = %scan3A_186 to %scan3A_188 step %scan3A_189  : i32 {
        %mul3A_217 = arith.constant 16 : i32
        %mul3A_218 = arith.muli %scan3A_216, %mul3A_217 : i32
        %add3A_219 = arith.addi %add3A_184, %mul3A_218 : i32
        %iota3A = tpu.iota {dimensions = array<i32: 0>} : vector<16xi32>
        %add3A_220 = vector.broadcast %add3A_219 : i32 to vector<16xi32>
        %add3A_221 = arith.addi %add3A_220, %iota3A : vector<16xi32>
        %and3A = arith.constant 16383 : i32
        %and3A_222 = vector.broadcast %and3A : i32 to vector<16xi32>
        %and3A_223 = arith.andi %add3A_221, %and3A_222 : vector<16xi32>
        %and3A_224 = arith.constant -16384 : i32
        %and3A_225 = vector.broadcast %and3A_224 : i32 to vector<16xi32>
        %and3A_226 = arith.andi %add3A_221, %and3A_225 : vector<16xi32>
        %and3A_227 = arith.constant -512 : i32
        %and3A_228 = vector.broadcast %and3A_227 : i32 to vector<16xi32>
        %and3A_229 = arith.andi %and3A_223, %and3A_228 : vector<16xi32>
        %add3A_230 = arith.addi %and3A_226, %and3A_229 : vector<16xi32>
        %and3A_231 = arith.constant 255 : i32
        %and3A_232 = vector.broadcast %and3A_231 : i32 to vector<16xi32>
        %and3A_233 = arith.andi %and3A_223, %and3A_232 : vector<16xi32>
        %shift_left3A = arith.constant 1 : i32
        %shift_left3A_234 = vector.broadcast %shift_left3A : i32 to vector<16xi32>
        %shift_left3A_235 = arith.shli %and3A_233, %shift_left3A_234 : vector<16xi32>
        %add3A_236 = arith.addi %add3A_230, %shift_left3A_235 : vector<16xi32>
        %shift_right_logical3A = arith.constant 8 : i32
        %shift_right_logical3A_237 = vector.broadcast %shift_right_logical3A : i32 to vector<16xi32>
        %shift_right_logical3A_238 = arith.shrui %and3A_223, %shift_right_logical3A_237 : vector<16xi32>
        %and3A_239 = arith.constant 1 : i32
        %and3A_240 = vector.broadcast %and3A_239 : i32 to vector<16xi32>
        %and3A_241 = arith.andi %shift_right_logical3A_238, %and3A_240 : vector<16xi32>
        %add3A_242 = arith.addi %add3A_236, %and3A_241 : vector<16xi32>
        %mul3A_243 = arith.constant 16 : i32
        %mul3A_244 = arith.muli %scan3A_216, %mul3A_243 : i32
        %swap3A = arith.constant 1 : i32
        %swap3A_245 = arith.index_cast %swap3A : i32 to index
        %swap3A_246 = arith.index_cast %mul3A_244 : i32 to index
        %swap3A_247 = tpu.vector_load %arg9[%swap3A_245, %swap3A_246] {strides = array<i32>} : memref<2x128xi32, #tpu.memory_space<vmem>>, vector<1x16xi32>,
        %swap3A_248 = vector.shape_cast %swap3A_247 : vector<1x16xi32> to vector<16xi32>
        %swap3A_249 = vector.shape_cast %add3A_242 : vector<16xi32> to vector<1x16xi32>
        tpu.vector_store %arg9[%swap3A_245, %swap3A_246], %swap3A_249 {strides = array<i32>} : memref<2x128xi32, #tpu.memory_space<vmem>>, vector<1x16xi32>,
      }
      %scan3A_190 = arith.constant 8 : i32
      %scan3A_191 = arith.constant 0 : i32
      %scan3A_192 = arith.constant 0 : i32
      %scan3A_193 = arith.constant 128 : i32
      %scan3A_194 = arith.addi %scan3A_192, %scan3A_193 : i32
      %scan3A_195 = arith.constant 1 : i32
      scf.for %scan3A_216 = %scan3A_192 to %scan3A_194 step %scan3A_195  : i32 {
        %get3A = arith.constant 1 : i32
        %get3A_217 = arith.index_cast %get3A : i32 to index
        %get3A_218 = arith.index_cast %scan3A_216 : i32 to index
        %get3A_219 = arith.constant 0 : index
        %get3A_220 = tpu.vector_load %arg10[%get3A_217, %get3A_218, %get3A_219] {strides = array<i32>} : memref<2x128x64xf32, #tpu.memory_space<vmem>>, vector<1x1x16xf32>,
        %get3A_221 = vector.shape_cast %get3A_220 : vector<1x1x16xf32> to vector<16xf32>
        %get3A_222 = arith.constant 1 : i32
        %get3A_223 = arith.index_cast %get3A_222 : i32 to index
        %get3A_224 = arith.index_cast %scan3A_216 : i32 to index
        %get3A_225 = arith.constant 0 : index
        %get3A_226 = tpu.vector_load %arg11[%get3A_223, %get3A_224, %get3A_225] {strides = array<i32>} : memref<2x128x64xf32, #tpu.memory_space<vmem>>, vector<1x1x16xf32>,
        %get3A_227 = vector.shape_cast %get3A_226 : vector<1x1x16xf32> to vector<16xf32>
        %add3A_228 = arith.addf %get3A_221, %get3A_227 : vector<16xf32>
        %swap3A = arith.constant 1 : i32
        %swap3A_229 = arith.index_cast %swap3A : i32 to index
        %swap3A_230 = arith.index_cast %scan3A_216 : i32 to index
        %swap3A_231 = arith.constant 0 : index
        %swap3A_232 = tpu.vector_load %arg12[%swap3A_229, %swap3A_230, %swap3A_231] {strides = array<i32>} : memref<2x128x64xf32, #tpu.memory_space<vmem>>, vector<1x1x16xf32>,
        %swap3A_233 = vector.shape_cast %swap3A_232 : vector<1x1x16xf32> to vector<16xf32>
        %swap3A_234 = vector.shape_cast %add3A_228 : vector<16xf32> to vector<1x1x16xf32>
        tpu.vector_store %arg12[%swap3A_229, %swap3A_230, %swap3A_231], %swap3A_234 {strides = array<i32>} : memref<2x128x64xf32, #tpu.memory_space<vmem>>, vector<1x1x16xf32>,
        %get3A_235 = arith.constant 1 : i32
        %get3A_236 = arith.index_cast %get3A_235 : i32 to index
        %get3A_237 = arith.index_cast %scan3A_216 : i32 to index
        %get3A_238 = arith.constant 16 : index
        %get3A_239 = tpu.vector_load %arg10[%get3A_236, %get3A_237, %get3A_238] {strides = array<i32>} : memref<2x128x64xf32, #tpu.memory_space<vmem>>, vector<1x1x16xf32>,
        %get3A_240 = vector.shape_cast %get3A_239 : vector<1x1x16xf32> to vector<16xf32>
        %get3A_241 = arith.constant 1 : i32
        %get3A_242 = arith.index_cast %get3A_241 : i32 to index
        %get3A_243 = arith.index_cast %scan3A_216 : i32 to index
        %get3A_244 = arith.constant 16 : index
        %get3A_245 = tpu.vector_load %arg11[%get3A_242, %get3A_243, %get3A_244] {strides = array<i32>} : memref<2x128x64xf32, #tpu.memory_space<vmem>>, vector<1x1x16xf32>,
        %get3A_246 = vector.shape_cast %get3A_245 : vector<1x1x16xf32> to vector<16xf32>
        %add3A_247 = arith.addf %get3A_240, %get3A_246 : vector<16xf32>
        %swap3A_248 = arith.constant 1 : i32
        %swap3A_249 = arith.index_cast %swap3A_248 : i32 to index
        %swap3A_250 = arith.index_cast %scan3A_216 : i32 to index
        %swap3A_251 = arith.constant 16 : index
        %swap3A_252 = tpu.vector_load %arg12[%swap3A_249, %swap3A_250, %swap3A_251] {strides = array<i32>} : memref<2x128x64xf32, #tpu.memory_space<vmem>>, vector<1x1x16xf32>,
        %swap3A_253 = vector.shape_cast %swap3A_252 : vector<1x1x16xf32> to vector<16xf32>
        %swap3A_254 = vector.shape_cast %add3A_247 : vector<16xf32> to vector<1x1x16xf32>
        tpu.vector_store %arg12[%swap3A_249, %swap3A_250, %swap3A_251], %swap3A_254 {strides = array<i32>} : memref<2x128x64xf32, #tpu.memory_space<vmem>>, vector<1x1x16xf32>,
        %get3A_255 = arith.constant 1 : i32
        %get3A_256 = arith.index_cast %get3A_255 : i32 to index
        %get3A_257 = arith.index_cast %scan3A_216 : i32 to index
        %get3A_258 = arith.constant 32 : index
        %get3A_259 = tpu.vector_load %arg10[%get3A_256, %get3A_257, %get3A_258] {strides = array<i32>} : memref<2x128x64xf32, #tpu.memory_space<vmem>>, vector<1x1x16xf32>,
        %get3A_260 = vector.shape_cast %get3A_259 : vector<1x1x16xf32> to vector<16xf32>
        %get3A_261 = arith.constant 1 : i32
        %get3A_262 = arith.index_cast %get3A_261 : i32 to index
        %get3A_263 = arith.index_cast %scan3A_216 : i32 to index
        %get3A_264 = arith.constant 32 : index
        %get3A_265 = tpu.vector_load %arg11[%get3A_262, %get3A_263, %get3A_264] {strides = array<i32>} : memref<2x128x64xf32, #tpu.memory_space<vmem>>, vector<1x1x16xf32>,
        %get3A_266 = vector.shape_cast %get3A_265 : vector<1x1x16xf32> to vector<16xf32>
        %add3A_267 = arith.addf %get3A_260, %get3A_266 : vector<16xf32>
        %swap3A_268 = arith.constant 1 : i32
        %swap3A_269 = arith.index_cast %swap3A_268 : i32 to index
        %swap3A_270 = arith.index_cast %scan3A_216 : i32 to index
        %swap3A_271 = arith.constant 32 : index
        %swap3A_272 = tpu.vector_load %arg12[%swap3A_269, %swap3A_270, %swap3A_271] {strides = array<i32>} : memref<2x128x64xf32, #tpu.memory_space<vmem>>, vector<1x1x16xf32>,
        %swap3A_273 = vector.shape_cast %swap3A_272 : vector<1x1x16xf32> to vector<16xf32>
        %swap3A_274 = vector.shape_cast %add3A_267 : vector<16xf32> to vector<1x1x16xf32>
        tpu.vector_store %arg12[%swap3A_269, %swap3A_270, %swap3A_271], %swap3A_274 {strides = array<i32>} : memref<2x128x64xf32, #tpu.memory_space<vmem>>, vector<1x1x16xf32>,
        %get3A_275 = arith.constant 1 : i32
        %get3A_276 = arith.index_cast %get3A_275 : i32 to index
        %get3A_277 = arith.index_cast %scan3A_216 : i32 to index
        %get3A_278 = arith.constant 48 : index
        %get3A_279 = tpu.vector_load %arg10[%get3A_276, %get3A_277, %get3A_278] {strides = array<i32>} : memref<2x128x64xf32, #tpu.memory_space<vmem>>, vector<1x1x16xf32>,
        %get3A_280 = vector.shape_cast %get3A_279 : vector<1x1x16xf32> to vector<16xf32>
        %get3A_281 = arith.constant 1 : i32
        %get3A_282 = arith.index_cast %get3A_281 : i32 to index
        %get3A_283 = arith.index_cast %scan3A_216 : i32 to index
        %get3A_284 = arith.constant 48 : index
        %get3A_285 = tpu.vector_load %arg11[%get3A_282, %get3A_283, %get3A_284] {strides = array<i32>} : memref<2x128x64xf32, #tpu.memory_space<vmem>>, vector<1x1x16xf32>,
        %get3A_286 = vector.shape_cast %get3A_285 : vector<1x1x16xf32> to vector<16xf32>
        %add3A_287 = arith.addf %get3A_280, %get3A_286 : vector<16xf32>
        %swap3A_288 = arith.constant 1 : i32
        %swap3A_289 = arith.index_cast %swap3A_288 : i32 to index
        %swap3A_290 = arith.index_cast %scan3A_216 : i32 to index
        %swap3A_291 = arith.constant 48 : index
        %swap3A_292 = tpu.vector_load %arg12[%swap3A_289, %swap3A_290, %swap3A_291] {strides = array<i32>} : memref<2x128x64xf32, #tpu.memory_space<vmem>>, vector<1x1x16xf32>,
        %swap3A_293 = vector.shape_cast %swap3A_292 : vector<1x1x16xf32> to vector<16xf32>
        %swap3A_294 = vector.shape_cast %add3A_287 : vector<16xf32> to vector<1x1x16xf32>
        tpu.vector_store %arg12[%swap3A_289, %swap3A_290, %swap3A_291], %swap3A_294 {strides = array<i32>} : memref<2x128x64xf32, #tpu.memory_space<vmem>>, vector<1x1x16xf32>,
      }
      %scan3A_196 = arith.constant 128 : i32
      %dma_start3A_197 = arith.constant 1 : i32
      %dma_start3A_198 = arith.constant 1 : i32
      %dma_start3A_199 = arith.constant 0 : i32
      %dma_start3A_200 = arith.constant 0 : i32
      %dma_start3A_201 = tpu.memref_slice %arg12[%dma_start3A_197, %dma_start3A_199, %dma_start3A_200] : memref<2x128x64xf32, #tpu.memory_space<vmem>> -> memref<1x128x64xf32, #tpu.memory_space<vmem>>
      %dma_start3A_202 = tpu.memref_squeeze %dma_start3A_201 : memref<1x128x64xf32, #tpu.memory_space<vmem>> -> memref<128x64xf32, #tpu.memory_space<vmem>>
      %dma_start3A_203 = arith.constant 0 : i32
      %dma_start3A_204 = tpu.memref_slice %arg9[%dma_start3A_198, %dma_start3A_203] : memref<2x128xi32, #tpu.memory_space<vmem>> -> memref<1x128xi32, #tpu.memory_space<vmem>>
      %dma_start3A_205 = tpu.memref_squeeze %dma_start3A_204 : memref<1x128xi32, #tpu.memory_space<vmem>> -> memref<128xi32, #tpu.memory_space<vmem>>
      %dma_start3A_206 = arith.constant 0 : i32
      %dma_start3A_207 = arith.constant 0 : i32
      %dma_start3A_208 = tpu.memref_slice %arg6[%dma_start3A_206, %dma_start3A_207] : memref<819200x64xf32, #tpu.memory_space<hbm>> -> memref<819200x64xf32, #tpu.memory_space<hbm>>
      tpu.enqueue_indirect_dma source(%dma_start3A_202 : memref<128x64xf32, #tpu.memory_space<vmem>>) target(%dma_start3A_208 : memref<819200x64xf32, #tpu.memory_space<hbm>>) offsets(%dma_start3A_205 : memref<128xi32, #tpu.memory_space<vmem>>) semaphore(%arg18 : memref<!tpu.dma_semaphore, #tpu.memory_space<semaphore_mem>>)
      %add3A_209 = arith.constant 2 : i32
      %add3A_210 = arith.addi %add3A_152, %add3A_209 : i32
      %lt3A_211 = arith.constant 200 : i32
      %lt3A_212 = arith.cmpi slt, %add3A_210, %lt3A_211 : i32
      %convert_element_type3A_213 = arith.extui %lt3A_212 : i1 to i32
      %cond3A_214 = arith.constant 0 : i32
      %cond3A_215 = arith.cmpi ne, %convert_element_type3A_213, %cond3A_214 : i32
      scf.if %cond3A_215 {
        %add3A_216 = arith.constant 2 : i32
        %add3A_217 = arith.addi %add3A_152, %add3A_216 : i32
        %mul3A_218 = arith.constant 128 : i32
        %mul3A_219 = arith.muli %add3A_217, %mul3A_218 : i32
        %add3A_220 = arith.addi %mul3A_2, %mul3A_219 : i32
        %run_scoped3A_221 = arith.constant 1 : i32
        "tpu.region"() ({
          %run_scoped3A_247 = tpu.sem_alloc : memref<!tpu.dma_semaphore, #tpu.memory_space<semaphore_mem>>
          %dma_start3A_248 = arith.constant 0 : i32
          %dma_start3A_249 = tpu.memref_slice %arg7[%run_scoped3A_221, %dma_start3A_248] : memref<2x128xi32, #tpu.memory_space<vmem>> -> memref<1x128xi32, #tpu.memory_space<vmem>>
          %dma_start3A_250 = tpu.memref_squeeze %dma_start3A_249 : memref<1x128xi32, #tpu.memory_space<vmem>> -> memref<128xi32, #tpu.memory_space<vmem>>
          %dma_start3A_251 = tpu.memref_slice %arg2[%add3A_220] : memref<819200xi32, #tpu.memory_space<hbm>> -> memref<128xi32, #tpu.memory_space<hbm>>
          %dma_start3A_252 = arith.constant 0 : i32
          %dma_start3A_253 = tpu.memref_slice %arg7[%run_scoped3A_221, %dma_start3A_252] : memref<2x128xi32, #tpu.memory_space<vmem>> -> memref<1x128xi32, #tpu.memory_space<vmem>>
          %dma_start3A_254 = tpu.memref_squeeze %dma_start3A_253 : memref<1x128xi32, #tpu.memory_space<vmem>> -> memref<128xi32, #tpu.memory_space<vmem>>
          %dma_start3A_255 = tpu.memref_slice %arg2[%add3A_220] : memref<819200xi32, #tpu.memory_space<hbm>> -> memref<128xi32, #tpu.memory_space<hbm>>
          tpu.enqueue_dma source(%dma_start3A_255 : memref<128xi32, #tpu.memory_space<hbm>>) target(%dma_start3A_254 : memref<128xi32, #tpu.memory_space<vmem>>) target_semaphore(%run_scoped3A_247 : memref<!tpu.dma_semaphore, #tpu.memory_space<semaphore_mem>>)
          %dma_wait3A_256 = arith.constant 0 : i32
          %dma_wait3A_257 = tpu.memref_slice %arg7[%run_scoped3A_221, %dma_wait3A_256] : memref<2x128xi32, #tpu.memory_space<vmem>> -> memref<1x128xi32, #tpu.memory_space<vmem>>
          %dma_wait3A_258 = tpu.memref_squeeze %dma_wait3A_257 : memref<1x128xi32, #tpu.memory_space<vmem>> -> memref<128xi32, #tpu.memory_space<vmem>>
          %dma_wait3A_259 = tpu.memref_slice %arg2[%add3A_220] : memref<819200xi32, #tpu.memory_space<hbm>> -> memref<128xi32, #tpu.memory_space<hbm>>
          %dma_wait3A_260 = arith.constant 0 : i32
          %dma_wait3A_261 = tpu.memref_slice %arg7[%run_scoped3A_221, %dma_wait3A_260] : memref<2x128xi32, #tpu.memory_space<vmem>> -> memref<1x128xi32, #tpu.memory_space<vmem>>
          %dma_wait3A_262 = tpu.memref_squeeze %dma_wait3A_261 : memref<1x128xi32, #tpu.memory_space<vmem>> -> memref<128xi32, #tpu.memory_space<vmem>>
          %dma_wait3A_263 = tpu.memref_slice %arg2[%add3A_220] : memref<819200xi32, #tpu.memory_space<hbm>> -> memref<128xi32, #tpu.memory_space<hbm>>
          tpu.wait_dma2 semaphore(%run_scoped3A_247 : memref<!tpu.dma_semaphore, #tpu.memory_space<semaphore_mem>>) src(%dma_wait3A_263 : memref<128xi32, #tpu.memory_space<hbm>>) dst(%dma_wait3A_262 : memref<128xi32, #tpu.memory_space<vmem>>)
          tpu.yield
        }) : () -> ()
        %run_scoped3A_222 = arith.constant 1 : i32
        "tpu.region"() ({
          %run_scoped3A_247 = tpu.sem_alloc : memref<!tpu.dma_semaphore, #tpu.memory_space<semaphore_mem>>
          %dma_start3A_248 = arith.constant 0 : i32
          %dma_start3A_249 = tpu.memref_slice %arg8[%run_scoped3A_222, %dma_start3A_248] : memref<2x128xi32, #tpu.memory_space<vmem>> -> memref<1x128xi32, #tpu.memory_space<vmem>>
          %dma_start3A_250 = tpu.memref_squeeze %dma_start3A_249 : memref<1x128xi32, #tpu.memory_space<vmem>> -> memref<128xi32, #tpu.memory_space<vmem>>
          %dma_start3A_251 = tpu.memref_slice %arg3[%add3A_220] : memref<819200xi32, #tpu.memory_space<hbm>> -> memref<128xi32, #tpu.memory_space<hbm>>
          %dma_start3A_252 = arith.constant 0 : i32
          %dma_start3A_253 = tpu.memref_slice %arg8[%run_scoped3A_222, %dma_start3A_252] : memref<2x128xi32, #tpu.memory_space<vmem>> -> memref<1x128xi32, #tpu.memory_space<vmem>>
          %dma_start3A_254 = tpu.memref_squeeze %dma_start3A_253 : memref<1x128xi32, #tpu.memory_space<vmem>> -> memref<128xi32, #tpu.memory_space<vmem>>
          %dma_start3A_255 = tpu.memref_slice %arg3[%add3A_220] : memref<819200xi32, #tpu.memory_space<hbm>> -> memref<128xi32, #tpu.memory_space<hbm>>
          tpu.enqueue_dma source(%dma_start3A_255 : memref<128xi32, #tpu.memory_space<hbm>>) target(%dma_start3A_254 : memref<128xi32, #tpu.memory_space<vmem>>) target_semaphore(%run_scoped3A_247 : memref<!tpu.dma_semaphore, #tpu.memory_space<semaphore_mem>>)
          %dma_wait3A_256 = arith.constant 0 : i32
          %dma_wait3A_257 = tpu.memref_slice %arg8[%run_scoped3A_222, %dma_wait3A_256] : memref<2x128xi32, #tpu.memory_space<vmem>> -> memref<1x128xi32, #tpu.memory_space<vmem>>
          %dma_wait3A_258 = tpu.memref_squeeze %dma_wait3A_257 : memref<1x128xi32, #tpu.memory_space<vmem>> -> memref<128xi32, #tpu.memory_space<vmem>>
          %dma_wait3A_259 = tpu.memref_slice %arg3[%add3A_220] : memref<819200xi32, #tpu.memory_space<hbm>> -> memref<128xi32, #tpu.memory_space<hbm>>
          %dma_wait3A_260 = arith.constant 0 : i32
          %dma_wait3A_261 = tpu.memref_slice %arg8[%run_scoped3A_222, %dma_wait3A_260] : memref<2x128xi32, #tpu.memory_space<vmem>> -> memref<1x128xi32, #tpu.memory_space<vmem>>
          %dma_wait3A_262 = tpu.memref_squeeze %dma_wait3A_261 : memref<1x128xi32, #tpu.memory_space<vmem>> -> memref<128xi32, #tpu.memory_space<vmem>>
          %dma_wait3A_263 = tpu.memref_slice %arg3[%add3A_220] : memref<819200xi32, #tpu.memory_space<hbm>> -> memref<128xi32, #tpu.memory_space<hbm>>
          tpu.wait_dma2 semaphore(%run_scoped3A_247 : memref<!tpu.dma_semaphore, #tpu.memory_space<semaphore_mem>>) src(%dma_wait3A_263 : memref<128xi32, #tpu.memory_space<hbm>>) dst(%dma_wait3A_262 : memref<128xi32, #tpu.memory_space<vmem>>)
          tpu.yield
        }) : () -> ()
        %dma_start3A_223 = arith.constant 1 : i32
        %dma_start3A_224 = arith.constant 1 : i32
        %dma_start3A_225 = arith.constant 0 : i32
        %dma_start3A_226 = arith.constant 0 : i32
        %dma_start3A_227 = tpu.memref_slice %arg10[%dma_start3A_224, %dma_start3A_225, %dma_start3A_226] : memref<2x128x64xf32, #tpu.memory_space<vmem>> -> memref<1x128x64xf32, #tpu.memory_space<vmem>>
        %dma_start3A_228 = tpu.memref_squeeze %dma_start3A_227 : memref<1x128x64xf32, #tpu.memory_space<vmem>> -> memref<128x64xf32, #tpu.memory_space<vmem>>
        %dma_start3A_229 = arith.constant 0 : i32
        %dma_start3A_230 = tpu.memref_slice %arg7[%dma_start3A_223, %dma_start3A_229] : memref<2x128xi32, #tpu.memory_space<vmem>> -> memref<1x128xi32, #tpu.memory_space<vmem>>
        %dma_start3A_231 = tpu.memref_squeeze %dma_start3A_230 : memref<1x128xi32, #tpu.memory_space<vmem>> -> memref<128xi32, #tpu.memory_space<vmem>>
        %dma_start3A_232 = arith.constant 0 : i32
        %dma_start3A_233 = arith.constant 0 : i32
        %dma_start3A_234 = tpu.memref_slice %arg4[%dma_start3A_232, %dma_start3A_233] : memref<1000001x64xf32, #tpu.memory_space<hbm>> -> memref<1000001x64xf32, #tpu.memory_space<hbm>>
        tpu.enqueue_indirect_dma source(%dma_start3A_234 : memref<1000001x64xf32, #tpu.memory_space<hbm>>) target(%dma_start3A_228 : memref<128x64xf32, #tpu.memory_space<vmem>>) offsets(%dma_start3A_231 : memref<128xi32, #tpu.memory_space<vmem>>) semaphore(%arg16 : memref<!tpu.dma_semaphore, #tpu.memory_space<semaphore_mem>>)
        %dma_start3A_235 = arith.constant 1 : i32
        %dma_start3A_236 = arith.constant 1 : i32
        %dma_start3A_237 = arith.constant 0 : i32
        %dma_start3A_238 = arith.constant 0 : i32
        %dma_start3A_239 = tpu.memref_slice %arg11[%dma_start3A_236, %dma_start3A_237, %dma_start3A_238] : memref<2x128x64xf32, #tpu.memory_space<vmem>> -> memref<1x128x64xf32, #tpu.memory_space<vmem>>
        %dma_start3A_240 = tpu.memref_squeeze %dma_start3A_239 : memref<1x128x64xf32, #tpu.memory_space<vmem>> -> memref<128x64xf32, #tpu.memory_space<vmem>>
        %dma_start3A_241 = arith.constant 0 : i32
        %dma_start3A_242 = tpu.memref_slice %arg8[%dma_start3A_235, %dma_start3A_241] : memref<2x128xi32, #tpu.memory_space<vmem>> -> memref<1x128xi32, #tpu.memory_space<vmem>>
        %dma_start3A_243 = tpu.memref_squeeze %dma_start3A_242 : memref<1x128xi32, #tpu.memory_space<vmem>> -> memref<128xi32, #tpu.memory_space<vmem>>
        %dma_start3A_244 = arith.constant 0 : i32
        %dma_start3A_245 = arith.constant 0 : i32
        %dma_start3A_246 = tpu.memref_slice %arg5[%dma_start3A_244, %dma_start3A_245] : memref<1001x64xf32, #tpu.memory_space<hbm>> -> memref<1001x64xf32, #tpu.memory_space<hbm>>
        tpu.enqueue_indirect_dma source(%dma_start3A_246 : memref<1001x64xf32, #tpu.memory_space<hbm>>) target(%dma_start3A_240 : memref<128x64xf32, #tpu.memory_space<vmem>>) offsets(%dma_start3A_243 : memref<128xi32, #tpu.memory_space<vmem>>) semaphore(%arg17 : memref<!tpu.dma_semaphore, #tpu.memory_space<semaphore_mem>>)
      } else {
      }
    }
    %scan3A_61 = arith.constant 100 : i32
    %dma_wait3A = arith.constant 0 : i32
    %dma_wait3A_62 = arith.constant 0 : i32
    %dma_wait3A_63 = arith.constant 0 : i32
    %dma_wait3A_64 = arith.constant 0 : i32
    %dma_wait3A_65 = tpu.memref_slice %arg12[%dma_wait3A, %dma_wait3A_63, %dma_wait3A_64] : memref<2x128x64xf32, #tpu.memory_space<vmem>> -> memref<1x128x64xf32, #tpu.memory_space<vmem>>
    %dma_wait3A_66 = tpu.memref_squeeze %dma_wait3A_65 : memref<1x128x64xf32, #tpu.memory_space<vmem>> -> memref<128x64xf32, #tpu.memory_space<vmem>>
    %dma_wait3A_67 = arith.constant 0 : i32
    %dma_wait3A_68 = tpu.memref_slice %arg9[%dma_wait3A_62, %dma_wait3A_67] : memref<2x128xi32, #tpu.memory_space<vmem>> -> memref<1x128xi32, #tpu.memory_space<vmem>>
    %dma_wait3A_69 = tpu.memref_squeeze %dma_wait3A_68 : memref<1x128xi32, #tpu.memory_space<vmem>> -> memref<128xi32, #tpu.memory_space<vmem>>
    %dma_wait3A_70 = arith.constant 0 : i32
    %dma_wait3A_71 = arith.constant 0 : i32
    %dma_wait3A_72 = tpu.memref_slice %arg6[%dma_wait3A_70, %dma_wait3A_71] : memref<819200x64xf32, #tpu.memory_space<hbm>> -> memref<819200x64xf32, #tpu.memory_space<hbm>>
    tpu.wait_indirect_dma semaphore(%arg15 : memref<!tpu.dma_semaphore, #tpu.memory_space<semaphore_mem>>) src(%dma_wait3A_66 : memref<128x64xf32, #tpu.memory_space<vmem>>) dst(%dma_wait3A_72 : memref<819200x64xf32, #tpu.memory_space<hbm>>)
    %dma_wait3A_73 = arith.constant 1 : i32
    %dma_wait3A_74 = arith.constant 1 : i32
    %dma_wait3A_75 = arith.constant 0 : i32
    %dma_wait3A_76 = arith.constant 0 : i32
    %dma_wait3A_77 = tpu.memref_slice %arg12[%dma_wait3A_73, %dma_wait3A_75, %dma_wait3A_76] : memref<2x128x64xf32, #tpu.memory_space<vmem>> -> memref<1x128x64xf32, #tpu.memory_space<vmem>>
    %dma_wait3A_78 = tpu.memref_squeeze %dma_wait3A_77 : memref<1x128x64xf32, #tpu.memory_space<vmem>> -> memref<128x64xf32, #tpu.memory_space<vmem>>
    %dma_wait3A_79 = arith.constant 0 : i32
    %dma_wait3A_80 = tpu.memref_slice %arg9[%dma_wait3A_74, %dma_wait3A_79] : memref<2x128xi32, #tpu.memory_space<vmem>> -> memref<1x128xi32, #tpu.memory_space<vmem>>
    %dma_wait3A_81 = tpu.memref_squeeze %dma_wait3A_80 : memref<1x128xi32, #tpu.memory_space<vmem>> -> memref<128xi32, #tpu.memory_space<vmem>>
    %dma_wait3A_82 = arith.constant 0 : i32
    %dma_wait3A_83 = arith.constant 0 : i32
    %dma_wait3A_84 = tpu.memref_slice %arg6[%dma_wait3A_82, %dma_wait3A_83] : memref<819200x64xf32, #tpu.memory_space<hbm>> -> memref<819200x64xf32, #tpu.memory_space<hbm>>
    tpu.wait_indirect_dma semaphore(%arg18 : memref<!tpu.dma_semaphore, #tpu.memory_space<semaphore_mem>>) src(%dma_wait3A_78 : memref<128x64xf32, #tpu.memory_space<vmem>>) dst(%dma_wait3A_84 : memref<819200x64xf32, #tpu.memory_space<hbm>>)
    return
  }
}

module attributes {stable_mosaic.version = 14 : i64} {
  func.func @body(%arg0: i32, %arg1: i32, %arg2: memref<2048x128xf32, #tpu.memory_space<vmem>>, %arg3: memref<128x256xf32, #tpu.memory_space<vmem>>, %arg4: memref<1x256xf32, #tpu.memory_space<vmem>>, %arg5: memref<256x128xf32, #tpu.memory_space<vmem>>, %arg6: memref<1x128xf32, #tpu.memory_space<vmem>>, %arg7: memref<1x8x32x8x128xf32, #tpu.memory_space<vmem>>) attributes {dimension_semantics = [#tpu.dimension_semantics<arbitrary>, #tpu.dimension_semantics<arbitrary>], iteration_bounds = array<i64: 50, 4>, scalar_prefetch = 0 : i64, scratch_operands = 0 : i64, tpu.core_type = #tpu.core_type<tc>, window_params = [{transform_indices = @transform_0, window_bounds = array<i64: 2048, 128>}, {pipeline_mode = #tpu.pipeline_mode<synchronous>, transform_indices = @transform_1, window_bounds = array<i64: 128, 256>}, {pipeline_mode = #tpu.pipeline_mode<synchronous>, transform_indices = @transform_2, window_bounds = array<i64: 1, 256>}, {pipeline_mode = #tpu.pipeline_mode<synchronous>, transform_indices = @transform_3, window_bounds = array<i64: 256, 128>}, {pipeline_mode = #tpu.pipeline_mode<synchronous>, transform_indices = @transform_4, window_bounds = array<i64: 1, 128>}, {transform_indices = @transform_5, window_bounds = array<i64: 1, 8, 32, 8, 128>}]} {
    %get3A = arith.constant 0 : index
    %get3A_0 = arith.constant 0 : index
    %get3A_1 = vector.load %arg2[%get3A, %get3A_0] : memref<2048x128xf32, #tpu.memory_space<vmem>>, vector<2048x128xf32>
    %get3A_2 = arith.constant 0 : index
    %get3A_3 = arith.constant 0 : index
    %get3A_4 = vector.load %arg3[%get3A_2, %get3A_3] : memref<128x256xf32, #tpu.memory_space<vmem>>, vector<128x256xf32>
    %dot_general3A = arith.constant dense<0.000000e+00> : vector<2048x256xf32>
    %dot_general3A_5 = tpu.matmul %get3A_1, %get3A_4, %dot_general3A {dimension_numbers = #tpu.dot_dimension_numbers<[1], [0], [0], [1], [0, 0, 1, 1], [], []>, transpose_lhs_hint = false} : vector<2048x128xf32>, vector<128x256xf32>, vector<2048x256xf32> -> vector<2048x256xf32>
    %get3A_6 = arith.constant 0 : index
    %get3A_7 = arith.constant 0 : index
    %get3A_8 = vector.load %arg4[%get3A_6, %get3A_7] : memref<1x256xf32, #tpu.memory_space<vmem>>, vector<1x256xf32>
    %add3A = vector.broadcast %get3A_8 : vector<1x256xf32> to vector<2048x256xf32>
    %add3A_9 = arith.addf %dot_general3A_5, %add3A : vector<2048x256xf32>
    %max3A = arith.constant 0.000000e+00 : f32
    %max3A_10 = vector.broadcast %max3A : f32 to vector<2048x256xf32>
    %max3A_11 = arith.maximumf %add3A_9, %max3A_10 : vector<2048x256xf32>
    %get3A_12 = arith.constant 0 : index
    %get3A_13 = arith.constant 0 : index
    %get3A_14 = vector.load %arg5[%get3A_12, %get3A_13] : memref<256x128xf32, #tpu.memory_space<vmem>>, vector<256x128xf32>
    %dot_general3A_15 = arith.constant dense<0.000000e+00> : vector<2048x128xf32>
    %dot_general3A_16 = tpu.matmul %max3A_11, %get3A_14, %dot_general3A_15 {dimension_numbers = #tpu.dot_dimension_numbers<[1], [0], [0], [1], [0, 0, 1, 1], [], []>, transpose_lhs_hint = false} : vector<2048x256xf32>, vector<256x128xf32>, vector<2048x128xf32> -> vector<2048x128xf32>
    %get3A_17 = arith.constant 0 : index
    %get3A_18 = arith.constant 0 : index
    %get3A_19 = vector.load %arg6[%get3A_17, %get3A_18] : memref<1x128xf32, #tpu.memory_space<vmem>>, vector<1x128xf32>
    %add3A_20 = vector.broadcast %get3A_19 : vector<1x128xf32> to vector<2048x128xf32>
    %add3A_21 = arith.addf %dot_general3A_16, %add3A_20 : vector<2048x128xf32>
    %add3A_22 = arith.addf %add3A_21, %get3A_1 : vector<2048x128xf32>
    %mul3A = arith.mulf %add3A_22, %add3A_22 : vector<2048x128xf32>
    %iota3A = tpu.iota {dimensions = array<i32: 1>} : vector<1x128xi32>
    %lt3A = arith.constant 64 : i32
    %lt3A_23 = vector.broadcast %lt3A : i32 to vector<1x128xi32>
    %lt3A_24 = arith.cmpi slt, %iota3A, %lt3A_23 : vector<1x128xi32>
    %convert_element_type3A = arith.extui %lt3A_24 : vector<1x128xi1> to vector<1x128xi32>
    %convert_element_type3A_25 = arith.sitofp %convert_element_type3A : vector<1x128xi32> to vector<1x128xf32>
    %sub3A = arith.constant 1.000000e+00 : f32
    %sub3A_26 = vector.broadcast %sub3A : f32 to vector<1x128xf32>
    %sub3A_27 = arith.subf %sub3A_26, %convert_element_type3A_25 : vector<1x128xf32>
    %mul3A_28 = vector.broadcast %convert_element_type3A_25 : vector<1x128xf32> to vector<2048x128xf32>
    %mul3A_29 = arith.mulf %mul3A, %mul3A_28 : vector<2048x128xf32>
    %reduce_sum3A = arith.constant dense<0.000000e+00> : vector<2048xf32>
    %reduce_sum3A_30 = vector.multi_reduction <add>, %mul3A_29, %reduce_sum3A [1] : vector<2048x128xf32> to vector<2048xf32>
    %broadcast_in_dim3A = vector.shape_cast %reduce_sum3A_30 : vector<2048xf32> to vector<2048x1xf32>
    %mul3A_31 = vector.broadcast %sub3A_27 : vector<1x128xf32> to vector<2048x128xf32>
    %mul3A_32 = arith.mulf %mul3A, %mul3A_31 : vector<2048x128xf32>
    %reduce_sum3A_33 = arith.constant dense<0.000000e+00> : vector<2048xf32>
    %reduce_sum3A_34 = vector.multi_reduction <add>, %mul3A_32, %reduce_sum3A_33 [1] : vector<2048x128xf32> to vector<2048xf32>
    %broadcast_in_dim3A_35 = vector.shape_cast %reduce_sum3A_34 : vector<2048xf32> to vector<2048x1xf32>
    %sqrt3A = math.sqrt %broadcast_in_dim3A : vector<2048x1xf32>
    %max3A_36 = arith.constant 9.99999997E-7 : f32
    %max3A_37 = vector.broadcast %max3A_36 : f32 to vector<2048x1xf32>
    %max3A_38 = arith.maximumf %sqrt3A, %max3A_37 : vector<2048x1xf32>
    %mul3A_39 = vector.broadcast %convert_element_type3A_25 : vector<1x128xf32> to vector<2048x128xf32>
    %mul3A_40 = vector.broadcast %max3A_38 : vector<2048x1xf32> to vector<2048x128xf32>
    %mul3A_41 = arith.mulf %mul3A_39, %mul3A_40 : vector<2048x128xf32>
    %sqrt3A_42 = math.sqrt %broadcast_in_dim3A_35 : vector<2048x1xf32>
    %max3A_43 = arith.constant 9.99999997E-7 : f32
    %max3A_44 = vector.broadcast %max3A_43 : f32 to vector<2048x1xf32>
    %max3A_45 = arith.maximumf %sqrt3A_42, %max3A_44 : vector<2048x1xf32>
    %mul3A_46 = vector.broadcast %sub3A_27 : vector<1x128xf32> to vector<2048x128xf32>
    %mul3A_47 = vector.broadcast %max3A_45 : vector<2048x1xf32> to vector<2048x128xf32>
    %mul3A_48 = arith.mulf %mul3A_46, %mul3A_47 : vector<2048x128xf32>
    %add3A_49 = arith.addf %mul3A_41, %mul3A_48 : vector<2048x128xf32>
    %div3A = arith.divf %add3A_22, %add3A_49 : vector<2048x128xf32>
    %transpose3A = tpu.transpose %div3A, [1, 0] : vector<2048x128xf32> -> vector<128x2048xf32>
    %slice3A = vector.extract_strided_slice %transpose3A {offsets = [0, 0], sizes = [64, 256], strides = [1, 1]} : vector<128x2048xf32> to vector<64x256xf32>
    %slice3A_50 = vector.extract_strided_slice %transpose3A {offsets = [64, 0], sizes = [64, 256], strides = [1, 1]} : vector<128x2048xf32> to vector<64x256xf32>
    %slice3A_51 = vector.extract_strided_slice %transpose3A {offsets = [0, 256], sizes = [64, 256], strides = [1, 1]} : vector<128x2048xf32> to vector<64x256xf32>
    %slice3A_52 = vector.extract_strided_slice %transpose3A {offsets = [64, 256], sizes = [64, 256], strides = [1, 1]} : vector<128x2048xf32> to vector<64x256xf32>
    %slice3A_53 = vector.extract_strided_slice %transpose3A {offsets = [0, 512], sizes = [64, 256], strides = [1, 1]} : vector<128x2048xf32> to vector<64x256xf32>
    %slice3A_54 = vector.extract_strided_slice %transpose3A {offsets = [64, 512], sizes = [64, 256], strides = [1, 1]} : vector<128x2048xf32> to vector<64x256xf32>
    %slice3A_55 = vector.extract_strided_slice %transpose3A {offsets = [0, 768], sizes = [64, 256], strides = [1, 1]} : vector<128x2048xf32> to vector<64x256xf32>
    %slice3A_56 = vector.extract_strided_slice %transpose3A {offsets = [64, 768], sizes = [64, 256], strides = [1, 1]} : vector<128x2048xf32> to vector<64x256xf32>
    %slice3A_57 = vector.extract_strided_slice %transpose3A {offsets = [0, 1024], sizes = [64, 256], strides = [1, 1]} : vector<128x2048xf32> to vector<64x256xf32>
    %slice3A_58 = vector.extract_strided_slice %transpose3A {offsets = [64, 1024], sizes = [64, 256], strides = [1, 1]} : vector<128x2048xf32> to vector<64x256xf32>
    %slice3A_59 = vector.extract_strided_slice %transpose3A {offsets = [0, 1280], sizes = [64, 256], strides = [1, 1]} : vector<128x2048xf32> to vector<64x256xf32>
    %slice3A_60 = vector.extract_strided_slice %transpose3A {offsets = [64, 1280], sizes = [64, 256], strides = [1, 1]} : vector<128x2048xf32> to vector<64x256xf32>
    %slice3A_61 = vector.extract_strided_slice %transpose3A {offsets = [0, 1536], sizes = [64, 256], strides = [1, 1]} : vector<128x2048xf32> to vector<64x256xf32>
    %slice3A_62 = vector.extract_strided_slice %transpose3A {offsets = [64, 1536], sizes = [64, 256], strides = [1, 1]} : vector<128x2048xf32> to vector<64x256xf32>
    %slice3A_63 = vector.extract_strided_slice %transpose3A {offsets = [0, 1792], sizes = [64, 256], strides = [1, 1]} : vector<128x2048xf32> to vector<64x256xf32>
    %slice3A_64 = vector.extract_strided_slice %transpose3A {offsets = [64, 1792], sizes = [64, 256], strides = [1, 1]} : vector<128x2048xf32> to vector<64x256xf32>
    %concatenate3A = tpu.concatenate %slice3A, %slice3A_50, %slice3A_51, %slice3A_52, %slice3A_53, %slice3A_54, %slice3A_55, %slice3A_56, %slice3A_57, %slice3A_58, %slice3A_59, %slice3A_60, %slice3A_61, %slice3A_62, %slice3A_63, %slice3A_64 in 1 : vector<64x256xf32>, vector<64x256xf32>, vector<64x256xf32>, vector<64x256xf32>, vector<64x256xf32>, vector<64x256xf32>, vector<64x256xf32>, vector<64x256xf32>, vector<64x256xf32>, vector<64x256xf32>, vector<64x256xf32>, vector<64x256xf32>, vector<64x256xf32>, vector<64x256xf32>, vector<64x256xf32>, vector<64x256xf32> -> vector<64x4096xf32>
    %slice3A_65 = vector.extract_strided_slice %concatenate3A {offsets = [0, 0], sizes = [8, 128], strides = [1, 1]} : vector<64x4096xf32> to vector<8x128xf32>
    %swap3A = arith.constant 0 : index
    %swap3A_66 = arith.constant 0 : index
    %swap3A_67 = arith.constant 0 : index
    %swap3A_68 = arith.constant 0 : index
    %swap3A_69 = arith.constant 0 : index
    %swap3A_70 = vector.load %arg7[%swap3A, %swap3A_66, %swap3A_67, %swap3A_68, %swap3A_69] : memref<1x8x32x8x128xf32, #tpu.memory_space<vmem>>, vector<1x1x1x8x128xf32>
    %swap3A_71 = vector.shape_cast %swap3A_70 : vector<1x1x1x8x128xf32> to vector<8x128xf32>
    %swap3A_72 = vector.shape_cast %slice3A_65 : vector<8x128xf32> to vector<1x1x1x8x128xf32>
    tpu.vector_store %arg7[%swap3A, %swap3A_66, %swap3A_67, %swap3A_68, %swap3A_69], %swap3A_72 {strides = array<i32>} : memref<1x8x32x8x128xf32, #tpu.memory_space<vmem>>, vector<1x1x1x8x128xf32>,
    %slice3A_73 = vector.extract_strided_slice %concatenate3A {offsets = [0, 128], sizes = [8, 128], strides = [1, 1]} : vector<64x4096xf32> to vector<8x128xf32>
    %swap3A_74 = arith.constant 0 : index
    %swap3A_75 = arith.constant 0 : index
    %swap3A_76 = arith.constant 1 : index
    %swap3A_77 = arith.constant 0 : index
    %swap3A_78 = arith.constant 0 : index
    %swap3A_79 = vector.load %arg7[%swap3A_74, %swap3A_75, %swap3A_76, %swap3A_77, %swap3A_78] : memref<1x8x32x8x128xf32, #tpu.memory_space<vmem>>, vector<1x1x1x8x128xf32>
    %swap3A_80 = vector.shape_cast %swap3A_79 : vector<1x1x1x8x128xf32> to vector<8x128xf32>
    %swap3A_81 = vector.shape_cast %slice3A_73 : vector<8x128xf32> to vector<1x1x1x8x128xf32>
    tpu.vector_store %arg7[%swap3A_74, %swap3A_75, %swap3A_76, %swap3A_77, %swap3A_78], %swap3A_81 {strides = array<i32>} : memref<1x8x32x8x128xf32, #tpu.memory_space<vmem>>, vector<1x1x1x8x128xf32>,
    %slice3A_82 = vector.extract_strided_slice %concatenate3A {offsets = [0, 256], sizes = [8, 128], strides = [1, 1]} : vector<64x4096xf32> to vector<8x128xf32>
    %swap3A_83 = arith.constant 0 : index
    %swap3A_84 = arith.constant 0 : index
    %swap3A_85 = arith.constant 2 : index
    %swap3A_86 = arith.constant 0 : index
    %swap3A_87 = arith.constant 0 : index
    %swap3A_88 = vector.load %arg7[%swap3A_83, %swap3A_84, %swap3A_85, %swap3A_86, %swap3A_87] : memref<1x8x32x8x128xf32, #tpu.memory_space<vmem>>, vector<1x1x1x8x128xf32>
    %swap3A_89 = vector.shape_cast %swap3A_88 : vector<1x1x1x8x128xf32> to vector<8x128xf32>
    %swap3A_90 = vector.shape_cast %slice3A_82 : vector<8x128xf32> to vector<1x1x1x8x128xf32>
    tpu.vector_store %arg7[%swap3A_83, %swap3A_84, %swap3A_85, %swap3A_86, %swap3A_87], %swap3A_90 {strides = array<i32>} : memref<1x8x32x8x128xf32, #tpu.memory_space<vmem>>, vector<1x1x1x8x128xf32>,
    %slice3A_91 = vector.extract_strided_slice %concatenate3A {offsets = [0, 384], sizes = [8, 128], strides = [1, 1]} : vector<64x4096xf32> to vector<8x128xf32>
    %swap3A_92 = arith.constant 0 : index
    %swap3A_93 = arith.constant 0 : index
    %swap3A_94 = arith.constant 3 : index
    %swap3A_95 = arith.constant 0 : index
    %swap3A_96 = arith.constant 0 : index
    %swap3A_97 = vector.load %arg7[%swap3A_92, %swap3A_93, %swap3A_94, %swap3A_95, %swap3A_96] : memref<1x8x32x8x128xf32, #tpu.memory_space<vmem>>, vector<1x1x1x8x128xf32>
    %swap3A_98 = vector.shape_cast %swap3A_97 : vector<1x1x1x8x128xf32> to vector<8x128xf32>
    %swap3A_99 = vector.shape_cast %slice3A_91 : vector<8x128xf32> to vector<1x1x1x8x128xf32>
    tpu.vector_store %arg7[%swap3A_92, %swap3A_93, %swap3A_94, %swap3A_95, %swap3A_96], %swap3A_99 {strides = array<i32>} : memref<1x8x32x8x128xf32, #tpu.memory_space<vmem>>, vector<1x1x1x8x128xf32>,
    %slice3A_100 = vector.extract_strided_slice %concatenate3A {offsets = [0, 512], sizes = [8, 128], strides = [1, 1]} : vector<64x4096xf32> to vector<8x128xf32>
    %swap3A_101 = arith.constant 0 : index
    %swap3A_102 = arith.constant 0 : index
    %swap3A_103 = arith.constant 4 : index
    %swap3A_104 = arith.constant 0 : index
    %swap3A_105 = arith.constant 0 : index
    %swap3A_106 = vector.load %arg7[%swap3A_101, %swap3A_102, %swap3A_103, %swap3A_104, %swap3A_105] : memref<1x8x32x8x128xf32, #tpu.memory_space<vmem>>, vector<1x1x1x8x128xf32>
    %swap3A_107 = vector.shape_cast %swap3A_106 : vector<1x1x1x8x128xf32> to vector<8x128xf32>
    %swap3A_108 = vector.shape_cast %slice3A_100 : vector<8x128xf32> to vector<1x1x1x8x128xf32>
    tpu.vector_store %arg7[%swap3A_101, %swap3A_102, %swap3A_103, %swap3A_104, %swap3A_105], %swap3A_108 {strides = array<i32>} : memref<1x8x32x8x128xf32, #tpu.memory_space<vmem>>, vector<1x1x1x8x128xf32>,
    %slice3A_109 = vector.extract_strided_slice %concatenate3A {offsets = [0, 640], sizes = [8, 128], strides = [1, 1]} : vector<64x4096xf32> to vector<8x128xf32>
    %swap3A_110 = arith.constant 0 : index
    %swap3A_111 = arith.constant 0 : index
    %swap3A_112 = arith.constant 5 : index
    %swap3A_113 = arith.constant 0 : index
    %swap3A_114 = arith.constant 0 : index
    %swap3A_115 = vector.load %arg7[%swap3A_110, %swap3A_111, %swap3A_112, %swap3A_113, %swap3A_114] : memref<1x8x32x8x128xf32, #tpu.memory_space<vmem>>, vector<1x1x1x8x128xf32>
    %swap3A_116 = vector.shape_cast %swap3A_115 : vector<1x1x1x8x128xf32> to vector<8x128xf32>
    %swap3A_117 = vector.shape_cast %slice3A_109 : vector<8x128xf32> to vector<1x1x1x8x128xf32>
    tpu.vector_store %arg7[%swap3A_110, %swap3A_111, %swap3A_112, %swap3A_113, %swap3A_114], %swap3A_117 {strides = array<i32>} : memref<1x8x32x8x128xf32, #tpu.memory_space<vmem>>, vector<1x1x1x8x128xf32>,
    %slice3A_118 = vector.extract_strided_slice %concatenate3A {offsets = [0, 768], sizes = [8, 128], strides = [1, 1]} : vector<64x4096xf32> to vector<8x128xf32>
    %swap3A_119 = arith.constant 0 : index
    %swap3A_120 = arith.constant 0 : index
    %swap3A_121 = arith.constant 6 : index
    %swap3A_122 = arith.constant 0 : index
    %swap3A_123 = arith.constant 0 : index
    %swap3A_124 = vector.load %arg7[%swap3A_119, %swap3A_120, %swap3A_121, %swap3A_122, %swap3A_123] : memref<1x8x32x8x128xf32, #tpu.memory_space<vmem>>, vector<1x1x1x8x128xf32>
    %swap3A_125 = vector.shape_cast %swap3A_124 : vector<1x1x1x8x128xf32> to vector<8x128xf32>
    %swap3A_126 = vector.shape_cast %slice3A_118 : vector<8x128xf32> to vector<1x1x1x8x128xf32>
    tpu.vector_store %arg7[%swap3A_119, %swap3A_120, %swap3A_121, %swap3A_122, %swap3A_123], %swap3A_126 {strides = array<i32>} : memref<1x8x32x8x128xf32, #tpu.memory_space<vmem>>, vector<1x1x1x8x128xf32>,
    %slice3A_127 = vector.extract_strided_slice %concatenate3A {offsets = [0, 896], sizes = [8, 128], strides = [1, 1]} : vector<64x4096xf32> to vector<8x128xf32>
    %swap3A_128 = arith.constant 0 : index
    %swap3A_129 = arith.constant 0 : index
    %swap3A_130 = arith.constant 7 : index
    %swap3A_131 = arith.constant 0 : index
    %swap3A_132 = arith.constant 0 : index
    %swap3A_133 = vector.load %arg7[%swap3A_128, %swap3A_129, %swap3A_130, %swap3A_131, %swap3A_132] : memref<1x8x32x8x128xf32, #tpu.memory_space<vmem>>, vector<1x1x1x8x128xf32>
    %swap3A_134 = vector.shape_cast %swap3A_133 : vector<1x1x1x8x128xf32> to vector<8x128xf32>
    %swap3A_135 = vector.shape_cast %slice3A_127 : vector<8x128xf32> to vector<1x1x1x8x128xf32>
    tpu.vector_store %arg7[%swap3A_128, %swap3A_129, %swap3A_130, %swap3A_131, %swap3A_132], %swap3A_135 {strides = array<i32>} : memref<1x8x32x8x128xf32, #tpu.memory_space<vmem>>, vector<1x1x1x8x128xf32>,
    %slice3A_136 = vector.extract_strided_slice %concatenate3A {offsets = [0, 1024], sizes = [8, 128], strides = [1, 1]} : vector<64x4096xf32> to vector<8x128xf32>
    %swap3A_137 = arith.constant 0 : index
    %swap3A_138 = arith.constant 0 : index
    %swap3A_139 = arith.constant 8 : index
    %swap3A_140 = arith.constant 0 : index
    %swap3A_141 = arith.constant 0 : index
    %swap3A_142 = vector.load %arg7[%swap3A_137, %swap3A_138, %swap3A_139, %swap3A_140, %swap3A_141] : memref<1x8x32x8x128xf32, #tpu.memory_space<vmem>>, vector<1x1x1x8x128xf32>
    %swap3A_143 = vector.shape_cast %swap3A_142 : vector<1x1x1x8x128xf32> to vector<8x128xf32>
    %swap3A_144 = vector.shape_cast %slice3A_136 : vector<8x128xf32> to vector<1x1x1x8x128xf32>
    tpu.vector_store %arg7[%swap3A_137, %swap3A_138, %swap3A_139, %swap3A_140, %swap3A_141], %swap3A_144 {strides = array<i32>} : memref<1x8x32x8x128xf32, #tpu.memory_space<vmem>>, vector<1x1x1x8x128xf32>,
    %slice3A_145 = vector.extract_strided_slice %concatenate3A {offsets = [0, 1152], sizes = [8, 128], strides = [1, 1]} : vector<64x4096xf32> to vector<8x128xf32>
    %swap3A_146 = arith.constant 0 : index
    %swap3A_147 = arith.constant 0 : index
    %swap3A_148 = arith.constant 9 : index
    %swap3A_149 = arith.constant 0 : index
    %swap3A_150 = arith.constant 0 : index
    %swap3A_151 = vector.load %arg7[%swap3A_146, %swap3A_147, %swap3A_148, %swap3A_149, %swap3A_150] : memref<1x8x32x8x128xf32, #tpu.memory_space<vmem>>, vector<1x1x1x8x128xf32>
    %swap3A_152 = vector.shape_cast %swap3A_151 : vector<1x1x1x8x128xf32> to vector<8x128xf32>
    %swap3A_153 = vector.shape_cast %slice3A_145 : vector<8x128xf32> to vector<1x1x1x8x128xf32>
    tpu.vector_store %arg7[%swap3A_146, %swap3A_147, %swap3A_148, %swap3A_149, %swap3A_150], %swap3A_153 {strides = array<i32>} : memref<1x8x32x8x128xf32, #tpu.memory_space<vmem>>, vector<1x1x1x8x128xf32>,
    %slice3A_154 = vector.extract_strided_slice %concatenate3A {offsets = [0, 1280], sizes = [8, 128], strides = [1, 1]} : vector<64x4096xf32> to vector<8x128xf32>
    %swap3A_155 = arith.constant 0 : index
    %swap3A_156 = arith.constant 0 : index
    %swap3A_157 = arith.constant 10 : index
    %swap3A_158 = arith.constant 0 : index
    %swap3A_159 = arith.constant 0 : index
    %swap3A_160 = vector.load %arg7[%swap3A_155, %swap3A_156, %swap3A_157, %swap3A_158, %swap3A_159] : memref<1x8x32x8x128xf32, #tpu.memory_space<vmem>>, vector<1x1x1x8x128xf32>
    %swap3A_161 = vector.shape_cast %swap3A_160 : vector<1x1x1x8x128xf32> to vector<8x128xf32>
    %swap3A_162 = vector.shape_cast %slice3A_154 : vector<8x128xf32> to vector<1x1x1x8x128xf32>
    tpu.vector_store %arg7[%swap3A_155, %swap3A_156, %swap3A_157, %swap3A_158, %swap3A_159], %swap3A_162 {strides = array<i32>} : memref<1x8x32x8x128xf32, #tpu.memory_space<vmem>>, vector<1x1x1x8x128xf32>,
    %slice3A_163 = vector.extract_strided_slice %concatenate3A {offsets = [0, 1408], sizes = [8, 128], strides = [1, 1]} : vector<64x4096xf32> to vector<8x128xf32>
    %swap3A_164 = arith.constant 0 : index
    %swap3A_165 = arith.constant 0 : index
    %swap3A_166 = arith.constant 11 : index
    %swap3A_167 = arith.constant 0 : index
    %swap3A_168 = arith.constant 0 : index
    %swap3A_169 = vector.load %arg7[%swap3A_164, %swap3A_165, %swap3A_166, %swap3A_167, %swap3A_168] : memref<1x8x32x8x128xf32, #tpu.memory_space<vmem>>, vector<1x1x1x8x128xf32>
    %swap3A_170 = vector.shape_cast %swap3A_169 : vector<1x1x1x8x128xf32> to vector<8x128xf32>
    %swap3A_171 = vector.shape_cast %slice3A_163 : vector<8x128xf32> to vector<1x1x1x8x128xf32>
    tpu.vector_store %arg7[%swap3A_164, %swap3A_165, %swap3A_166, %swap3A_167, %swap3A_168], %swap3A_171 {strides = array<i32>} : memref<1x8x32x8x128xf32, #tpu.memory_space<vmem>>, vector<1x1x1x8x128xf32>,
    %slice3A_172 = vector.extract_strided_slice %concatenate3A {offsets = [0, 1536], sizes = [8, 128], strides = [1, 1]} : vector<64x4096xf32> to vector<8x128xf32>
    %swap3A_173 = arith.constant 0 : index
    %swap3A_174 = arith.constant 0 : index
    %swap3A_175 = arith.constant 12 : index
    %swap3A_176 = arith.constant 0 : index
    %swap3A_177 = arith.constant 0 : index
    %swap3A_178 = vector.load %arg7[%swap3A_173, %swap3A_174, %swap3A_175, %swap3A_176, %swap3A_177] : memref<1x8x32x8x128xf32, #tpu.memory_space<vmem>>, vector<1x1x1x8x128xf32>
    %swap3A_179 = vector.shape_cast %swap3A_178 : vector<1x1x1x8x128xf32> to vector<8x128xf32>
    %swap3A_180 = vector.shape_cast %slice3A_172 : vector<8x128xf32> to vector<1x1x1x8x128xf32>
    tpu.vector_store %arg7[%swap3A_173, %swap3A_174, %swap3A_175, %swap3A_176, %swap3A_177], %swap3A_180 {strides = array<i32>} : memref<1x8x32x8x128xf32, #tpu.memory_space<vmem>>, vector<1x1x1x8x128xf32>,
    %slice3A_181 = vector.extract_strided_slice %concatenate3A {offsets = [0, 1664], sizes = [8, 128], strides = [1, 1]} : vector<64x4096xf32> to vector<8x128xf32>
    %swap3A_182 = arith.constant 0 : index
    %swap3A_183 = arith.constant 0 : index
    %swap3A_184 = arith.constant 13 : index
    %swap3A_185 = arith.constant 0 : index
    %swap3A_186 = arith.constant 0 : index
    %swap3A_187 = vector.load %arg7[%swap3A_182, %swap3A_183, %swap3A_184, %swap3A_185, %swap3A_186] : memref<1x8x32x8x128xf32, #tpu.memory_space<vmem>>, vector<1x1x1x8x128xf32>
    %swap3A_188 = vector.shape_cast %swap3A_187 : vector<1x1x1x8x128xf32> to vector<8x128xf32>
    %swap3A_189 = vector.shape_cast %slice3A_181 : vector<8x128xf32> to vector<1x1x1x8x128xf32>
    tpu.vector_store %arg7[%swap3A_182, %swap3A_183, %swap3A_184, %swap3A_185, %swap3A_186], %swap3A_189 {strides = array<i32>} : memref<1x8x32x8x128xf32, #tpu.memory_space<vmem>>, vector<1x1x1x8x128xf32>,
    %slice3A_190 = vector.extract_strided_slice %concatenate3A {offsets = [0, 1792], sizes = [8, 128], strides = [1, 1]} : vector<64x4096xf32> to vector<8x128xf32>
    %swap3A_191 = arith.constant 0 : index
    %swap3A_192 = arith.constant 0 : index
    %swap3A_193 = arith.constant 14 : index
    %swap3A_194 = arith.constant 0 : index
    %swap3A_195 = arith.constant 0 : index
    %swap3A_196 = vector.load %arg7[%swap3A_191, %swap3A_192, %swap3A_193, %swap3A_194, %swap3A_195] : memref<1x8x32x8x128xf32, #tpu.memory_space<vmem>>, vector<1x1x1x8x128xf32>
    %swap3A_197 = vector.shape_cast %swap3A_196 : vector<1x1x1x8x128xf32> to vector<8x128xf32>
    %swap3A_198 = vector.shape_cast %slice3A_190 : vector<8x128xf32> to vector<1x1x1x8x128xf32>
    tpu.vector_store %arg7[%swap3A_191, %swap3A_192, %swap3A_193, %swap3A_194, %swap3A_195], %swap3A_198 {strides = array<i32>} : memref<1x8x32x8x128xf32, #tpu.memory_space<vmem>>, vector<1x1x1x8x128xf32>,
    %slice3A_199 = vector.extract_strided_slice %concatenate3A {offsets = [0, 1920], sizes = [8, 128], strides = [1, 1]} : vector<64x4096xf32> to vector<8x128xf32>
    %swap3A_200 = arith.constant 0 : index
    %swap3A_201 = arith.constant 0 : index
    %swap3A_202 = arith.constant 15 : index
    %swap3A_203 = arith.constant 0 : index
    %swap3A_204 = arith.constant 0 : index
    %swap3A_205 = vector.load %arg7[%swap3A_200, %swap3A_201, %swap3A_202, %swap3A_203, %swap3A_204] : memref<1x8x32x8x128xf32, #tpu.memory_space<vmem>>, vector<1x1x1x8x128xf32>
    %swap3A_206 = vector.shape_cast %swap3A_205 : vector<1x1x1x8x128xf32> to vector<8x128xf32>
    %swap3A_207 = vector.shape_cast %slice3A_199 : vector<8x128xf32> to vector<1x1x1x8x128xf32>
    tpu.vector_store %arg7[%swap3A_200, %swap3A_201, %swap3A_202, %swap3A_203, %swap3A_204], %swap3A_207 {strides = array<i32>} : memref<1x8x32x8x128xf32, #tpu.memory_space<vmem>>, vector<1x1x1x8x128xf32>,
    %slice3A_208 = vector.extract_strided_slice %concatenate3A {offsets = [0, 2048], sizes = [8, 128], strides = [1, 1]} : vector<64x4096xf32> to vector<8x128xf32>
    %swap3A_209 = arith.constant 0 : index
    %swap3A_210 = arith.constant 0 : index
    %swap3A_211 = arith.constant 16 : index
    %swap3A_212 = arith.constant 0 : index
    %swap3A_213 = arith.constant 0 : index
    %swap3A_214 = vector.load %arg7[%swap3A_209, %swap3A_210, %swap3A_211, %swap3A_212, %swap3A_213] : memref<1x8x32x8x128xf32, #tpu.memory_space<vmem>>, vector<1x1x1x8x128xf32>
    %swap3A_215 = vector.shape_cast %swap3A_214 : vector<1x1x1x8x128xf32> to vector<8x128xf32>
    %swap3A_216 = vector.shape_cast %slice3A_208 : vector<8x128xf32> to vector<1x1x1x8x128xf32>
    tpu.vector_store %arg7[%swap3A_209, %swap3A_210, %swap3A_211, %swap3A_212, %swap3A_213], %swap3A_216 {strides = array<i32>} : memref<1x8x32x8x128xf32, #tpu.memory_space<vmem>>, vector<1x1x1x8x128xf32>,
    %slice3A_217 = vector.extract_strided_slice %concatenate3A {offsets = [0, 2176], sizes = [8, 128], strides = [1, 1]} : vector<64x4096xf32> to vector<8x128xf32>
    %swap3A_218 = arith.constant 0 : index
    %swap3A_219 = arith.constant 0 : index
    %swap3A_220 = arith.constant 17 : index
    %swap3A_221 = arith.constant 0 : index
    %swap3A_222 = arith.constant 0 : index
    %swap3A_223 = vector.load %arg7[%swap3A_218, %swap3A_219, %swap3A_220, %swap3A_221, %swap3A_222] : memref<1x8x32x8x128xf32, #tpu.memory_space<vmem>>, vector<1x1x1x8x128xf32>
    %swap3A_224 = vector.shape_cast %swap3A_223 : vector<1x1x1x8x128xf32> to vector<8x128xf32>
    %swap3A_225 = vector.shape_cast %slice3A_217 : vector<8x128xf32> to vector<1x1x1x8x128xf32>
    tpu.vector_store %arg7[%swap3A_218, %swap3A_219, %swap3A_220, %swap3A_221, %swap3A_222], %swap3A_225 {strides = array<i32>} : memref<1x8x32x8x128xf32, #tpu.memory_space<vmem>>, vector<1x1x1x8x128xf32>,
    %slice3A_226 = vector.extract_strided_slice %concatenate3A {offsets = [0, 2304], sizes = [8, 128], strides = [1, 1]} : vector<64x4096xf32> to vector<8x128xf32>
    %swap3A_227 = arith.constant 0 : index
    %swap3A_228 = arith.constant 0 : index
    %swap3A_229 = arith.constant 18 : index
    %swap3A_230 = arith.constant 0 : index
    %swap3A_231 = arith.constant 0 : index
    %swap3A_232 = vector.load %arg7[%swap3A_227, %swap3A_228, %swap3A_229, %swap3A_230, %swap3A_231] : memref<1x8x32x8x128xf32, #tpu.memory_space<vmem>>, vector<1x1x1x8x128xf32>
    %swap3A_233 = vector.shape_cast %swap3A_232 : vector<1x1x1x8x128xf32> to vector<8x128xf32>
    %swap3A_234 = vector.shape_cast %slice3A_226 : vector<8x128xf32> to vector<1x1x1x8x128xf32>
    tpu.vector_store %arg7[%swap3A_227, %swap3A_228, %swap3A_229, %swap3A_230, %swap3A_231], %swap3A_234 {strides = array<i32>} : memref<1x8x32x8x128xf32, #tpu.memory_space<vmem>>, vector<1x1x1x8x128xf32>,
    %slice3A_235 = vector.extract_strided_slice %concatenate3A {offsets = [0, 2432], sizes = [8, 128], strides = [1, 1]} : vector<64x4096xf32> to vector<8x128xf32>
    %swap3A_236 = arith.constant 0 : index
    %swap3A_237 = arith.constant 0 : index
    %swap3A_238 = arith.constant 19 : index
    %swap3A_239 = arith.constant 0 : index
    %swap3A_240 = arith.constant 0 : index
    %swap3A_241 = vector.load %arg7[%swap3A_236, %swap3A_237, %swap3A_238, %swap3A_239, %swap3A_240] : memref<1x8x32x8x128xf32, #tpu.memory_space<vmem>>, vector<1x1x1x8x128xf32>
    %swap3A_242 = vector.shape_cast %swap3A_241 : vector<1x1x1x8x128xf32> to vector<8x128xf32>
    %swap3A_243 = vector.shape_cast %slice3A_235 : vector<8x128xf32> to vector<1x1x1x8x128xf32>
    tpu.vector_store %arg7[%swap3A_236, %swap3A_237, %swap3A_238, %swap3A_239, %swap3A_240], %swap3A_243 {strides = array<i32>} : memref<1x8x32x8x128xf32, #tpu.memory_space<vmem>>, vector<1x1x1x8x128xf32>,
    %slice3A_244 = vector.extract_strided_slice %concatenate3A {offsets = [0, 2560], sizes = [8, 128], strides = [1, 1]} : vector<64x4096xf32> to vector<8x128xf32>
    %swap3A_245 = arith.constant 0 : index
    %swap3A_246 = arith.constant 0 : index
    %swap3A_247 = arith.constant 20 : index
    %swap3A_248 = arith.constant 0 : index
    %swap3A_249 = arith.constant 0 : index
    %swap3A_250 = vector.load %arg7[%swap3A_245, %swap3A_246, %swap3A_247, %swap3A_248, %swap3A_249] : memref<1x8x32x8x128xf32, #tpu.memory_space<vmem>>, vector<1x1x1x8x128xf32>
    %swap3A_251 = vector.shape_cast %swap3A_250 : vector<1x1x1x8x128xf32> to vector<8x128xf32>
    %swap3A_252 = vector.shape_cast %slice3A_244 : vector<8x128xf32> to vector<1x1x1x8x128xf32>
    tpu.vector_store %arg7[%swap3A_245, %swap3A_246, %swap3A_247, %swap3A_248, %swap3A_249], %swap3A_252 {strides = array<i32>} : memref<1x8x32x8x128xf32, #tpu.memory_space<vmem>>, vector<1x1x1x8x128xf32>,
    %slice3A_253 = vector.extract_strided_slice %concatenate3A {offsets = [0, 2688], sizes = [8, 128], strides = [1, 1]} : vector<64x4096xf32> to vector<8x128xf32>
    %swap3A_254 = arith.constant 0 : index
    %swap3A_255 = arith.constant 0 : index
    %swap3A_256 = arith.constant 21 : index
    %swap3A_257 = arith.constant 0 : index
    %swap3A_258 = arith.constant 0 : index
    %swap3A_259 = vector.load %arg7[%swap3A_254, %swap3A_255, %swap3A_256, %swap3A_257, %swap3A_258] : memref<1x8x32x8x128xf32, #tpu.memory_space<vmem>>, vector<1x1x1x8x128xf32>
    %swap3A_260 = vector.shape_cast %swap3A_259 : vector<1x1x1x8x128xf32> to vector<8x128xf32>
    %swap3A_261 = vector.shape_cast %slice3A_253 : vector<8x128xf32> to vector<1x1x1x8x128xf32>
    tpu.vector_store %arg7[%swap3A_254, %swap3A_255, %swap3A_256, %swap3A_257, %swap3A_258], %swap3A_261 {strides = array<i32>} : memref<1x8x32x8x128xf32, #tpu.memory_space<vmem>>, vector<1x1x1x8x128xf32>,
    %slice3A_262 = vector.extract_strided_slice %concatenate3A {offsets = [0, 2816], sizes = [8, 128], strides = [1, 1]} : vector<64x4096xf32> to vector<8x128xf32>
    %swap3A_263 = arith.constant 0 : index
    %swap3A_264 = arith.constant 0 : index
    %swap3A_265 = arith.constant 22 : index
    %swap3A_266 = arith.constant 0 : index
    %swap3A_267 = arith.constant 0 : index
    %swap3A_268 = vector.load %arg7[%swap3A_263, %swap3A_264, %swap3A_265, %swap3A_266, %swap3A_267] : memref<1x8x32x8x128xf32, #tpu.memory_space<vmem>>, vector<1x1x1x8x128xf32>
    %swap3A_269 = vector.shape_cast %swap3A_268 : vector<1x1x1x8x128xf32> to vector<8x128xf32>
    %swap3A_270 = vector.shape_cast %slice3A_262 : vector<8x128xf32> to vector<1x1x1x8x128xf32>
    tpu.vector_store %arg7[%swap3A_263, %swap3A_264, %swap3A_265, %swap3A_266, %swap3A_267], %swap3A_270 {strides = array<i32>} : memref<1x8x32x8x128xf32, #tpu.memory_space<vmem>>, vector<1x1x1x8x128xf32>,
    %slice3A_271 = vector.extract_strided_slice %concatenate3A {offsets = [0, 2944], sizes = [8, 128], strides = [1, 1]} : vector<64x4096xf32> to vector<8x128xf32>
    %swap3A_272 = arith.constant 0 : index
    %swap3A_273 = arith.constant 0 : index
    %swap3A_274 = arith.constant 23 : index
    %swap3A_275 = arith.constant 0 : index
    %swap3A_276 = arith.constant 0 : index
    %swap3A_277 = vector.load %arg7[%swap3A_272, %swap3A_273, %swap3A_274, %swap3A_275, %swap3A_276] : memref<1x8x32x8x128xf32, #tpu.memory_space<vmem>>, vector<1x1x1x8x128xf32>
    %swap3A_278 = vector.shape_cast %swap3A_277 : vector<1x1x1x8x128xf32> to vector<8x128xf32>
    %swap3A_279 = vector.shape_cast %slice3A_271 : vector<8x128xf32> to vector<1x1x1x8x128xf32>
    tpu.vector_store %arg7[%swap3A_272, %swap3A_273, %swap3A_274, %swap3A_275, %swap3A_276], %swap3A_279 {strides = array<i32>} : memref<1x8x32x8x128xf32, #tpu.memory_space<vmem>>, vector<1x1x1x8x128xf32>,
    %slice3A_280 = vector.extract_strided_slice %concatenate3A {offsets = [0, 3072], sizes = [8, 128], strides = [1, 1]} : vector<64x4096xf32> to vector<8x128xf32>
    %swap3A_281 = arith.constant 0 : index
    %swap3A_282 = arith.constant 0 : index
    %swap3A_283 = arith.constant 24 : index
    %swap3A_284 = arith.constant 0 : index
    %swap3A_285 = arith.constant 0 : index
    %swap3A_286 = vector.load %arg7[%swap3A_281, %swap3A_282, %swap3A_283, %swap3A_284, %swap3A_285] : memref<1x8x32x8x128xf32, #tpu.memory_space<vmem>>, vector<1x1x1x8x128xf32>
    %swap3A_287 = vector.shape_cast %swap3A_286 : vector<1x1x1x8x128xf32> to vector<8x128xf32>
    %swap3A_288 = vector.shape_cast %slice3A_280 : vector<8x128xf32> to vector<1x1x1x8x128xf32>
    tpu.vector_store %arg7[%swap3A_281, %swap3A_282, %swap3A_283, %swap3A_284, %swap3A_285], %swap3A_288 {strides = array<i32>} : memref<1x8x32x8x128xf32, #tpu.memory_space<vmem>>, vector<1x1x1x8x128xf32>,
    %slice3A_289 = vector.extract_strided_slice %concatenate3A {offsets = [0, 3200], sizes = [8, 128], strides = [1, 1]} : vector<64x4096xf32> to vector<8x128xf32>
    %swap3A_290 = arith.constant 0 : index
    %swap3A_291 = arith.constant 0 : index
    %swap3A_292 = arith.constant 25 : index
    %swap3A_293 = arith.constant 0 : index
    %swap3A_294 = arith.constant 0 : index
    %swap3A_295 = vector.load %arg7[%swap3A_290, %swap3A_291, %swap3A_292, %swap3A_293, %swap3A_294] : memref<1x8x32x8x128xf32, #tpu.memory_space<vmem>>, vector<1x1x1x8x128xf32>
    %swap3A_296 = vector.shape_cast %swap3A_295 : vector<1x1x1x8x128xf32> to vector<8x128xf32>
    %swap3A_297 = vector.shape_cast %slice3A_289 : vector<8x128xf32> to vector<1x1x1x8x128xf32>
    tpu.vector_store %arg7[%swap3A_290, %swap3A_291, %swap3A_292, %swap3A_293, %swap3A_294], %swap3A_297 {strides = array<i32>} : memref<1x8x32x8x128xf32, #tpu.memory_space<vmem>>, vector<1x1x1x8x128xf32>,
    %slice3A_298 = vector.extract_strided_slice %concatenate3A {offsets = [0, 3328], sizes = [8, 128], strides = [1, 1]} : vector<64x4096xf32> to vector<8x128xf32>
    %swap3A_299 = arith.constant 0 : index
    %swap3A_300 = arith.constant 0 : index
    %swap3A_301 = arith.constant 26 : index
    %swap3A_302 = arith.constant 0 : index
    %swap3A_303 = arith.constant 0 : index
    %swap3A_304 = vector.load %arg7[%swap3A_299, %swap3A_300, %swap3A_301, %swap3A_302, %swap3A_303] : memref<1x8x32x8x128xf32, #tpu.memory_space<vmem>>, vector<1x1x1x8x128xf32>
    %swap3A_305 = vector.shape_cast %swap3A_304 : vector<1x1x1x8x128xf32> to vector<8x128xf32>
    %swap3A_306 = vector.shape_cast %slice3A_298 : vector<8x128xf32> to vector<1x1x1x8x128xf32>
    tpu.vector_store %arg7[%swap3A_299, %swap3A_300, %swap3A_301, %swap3A_302, %swap3A_303], %swap3A_306 {strides = array<i32>} : memref<1x8x32x8x128xf32, #tpu.memory_space<vmem>>, vector<1x1x1x8x128xf32>,
    %slice3A_307 = vector.extract_strided_slice %concatenate3A {offsets = [0, 3456], sizes = [8, 128], strides = [1, 1]} : vector<64x4096xf32> to vector<8x128xf32>
    %swap3A_308 = arith.constant 0 : index
    %swap3A_309 = arith.constant 0 : index
    %swap3A_310 = arith.constant 27 : index
    %swap3A_311 = arith.constant 0 : index
    %swap3A_312 = arith.constant 0 : index
    %swap3A_313 = vector.load %arg7[%swap3A_308, %swap3A_309, %swap3A_310, %swap3A_311, %swap3A_312] : memref<1x8x32x8x128xf32, #tpu.memory_space<vmem>>, vector<1x1x1x8x128xf32>
    %swap3A_314 = vector.shape_cast %swap3A_313 : vector<1x1x1x8x128xf32> to vector<8x128xf32>
    %swap3A_315 = vector.shape_cast %slice3A_307 : vector<8x128xf32> to vector<1x1x1x8x128xf32>
    tpu.vector_store %arg7[%swap3A_308, %swap3A_309, %swap3A_310, %swap3A_311, %swap3A_312], %swap3A_315 {strides = array<i32>} : memref<1x8x32x8x128xf32, #tpu.memory_space<vmem>>, vector<1x1x1x8x128xf32>,
    %slice3A_316 = vector.extract_strided_slice %concatenate3A {offsets = [0, 3584], sizes = [8, 128], strides = [1, 1]} : vector<64x4096xf32> to vector<8x128xf32>
    %swap3A_317 = arith.constant 0 : index
    %swap3A_318 = arith.constant 0 : index
    %swap3A_319 = arith.constant 28 : index
    %swap3A_320 = arith.constant 0 : index
    %swap3A_321 = arith.constant 0 : index
    %swap3A_322 = vector.load %arg7[%swap3A_317, %swap3A_318, %swap3A_319, %swap3A_320, %swap3A_321] : memref<1x8x32x8x128xf32, #tpu.memory_space<vmem>>, vector<1x1x1x8x128xf32>
    %swap3A_323 = vector.shape_cast %swap3A_322 : vector<1x1x1x8x128xf32> to vector<8x128xf32>
    %swap3A_324 = vector.shape_cast %slice3A_316 : vector<8x128xf32> to vector<1x1x1x8x128xf32>
    tpu.vector_store %arg7[%swap3A_317, %swap3A_318, %swap3A_319, %swap3A_320, %swap3A_321], %swap3A_324 {strides = array<i32>} : memref<1x8x32x8x128xf32, #tpu.memory_space<vmem>>, vector<1x1x1x8x128xf32>,
    %slice3A_325 = vector.extract_strided_slice %concatenate3A {offsets = [0, 3712], sizes = [8, 128], strides = [1, 1]} : vector<64x4096xf32> to vector<8x128xf32>
    %swap3A_326 = arith.constant 0 : index
    %swap3A_327 = arith.constant 0 : index
    %swap3A_328 = arith.constant 29 : index
    %swap3A_329 = arith.constant 0 : index
    %swap3A_330 = arith.constant 0 : index
    %swap3A_331 = vector.load %arg7[%swap3A_326, %swap3A_327, %swap3A_328, %swap3A_329, %swap3A_330] : memref<1x8x32x8x128xf32, #tpu.memory_space<vmem>>, vector<1x1x1x8x128xf32>
    %swap3A_332 = vector.shape_cast %swap3A_331 : vector<1x1x1x8x128xf32> to vector<8x128xf32>
    %swap3A_333 = vector.shape_cast %slice3A_325 : vector<8x128xf32> to vector<1x1x1x8x128xf32>
    tpu.vector_store %arg7[%swap3A_326, %swap3A_327, %swap3A_328, %swap3A_329, %swap3A_330], %swap3A_333 {strides = array<i32>} : memref<1x8x32x8x128xf32, #tpu.memory_space<vmem>>, vector<1x1x1x8x128xf32>,
    %slice3A_334 = vector.extract_strided_slice %concatenate3A {offsets = [0, 3840], sizes = [8, 128], strides = [1, 1]} : vector<64x4096xf32> to vector<8x128xf32>
    %swap3A_335 = arith.constant 0 : index
    %swap3A_336 = arith.constant 0 : index
    %swap3A_337 = arith.constant 30 : index
    %swap3A_338 = arith.constant 0 : index
    %swap3A_339 = arith.constant 0 : index
    %swap3A_340 = vector.load %arg7[%swap3A_335, %swap3A_336, %swap3A_337, %swap3A_338, %swap3A_339] : memref<1x8x32x8x128xf32, #tpu.memory_space<vmem>>, vector<1x1x1x8x128xf32>
    %swap3A_341 = vector.shape_cast %swap3A_340 : vector<1x1x1x8x128xf32> to vector<8x128xf32>
    %swap3A_342 = vector.shape_cast %slice3A_334 : vector<8x128xf32> to vector<1x1x1x8x128xf32>
    tpu.vector_store %arg7[%swap3A_335, %swap3A_336, %swap3A_337, %swap3A_338, %swap3A_339], %swap3A_342 {strides = array<i32>} : memref<1x8x32x8x128xf32, #tpu.memory_space<vmem>>, vector<1x1x1x8x128xf32>,
    %slice3A_343 = vector.extract_strided_slice %concatenate3A {offsets = [0, 3968], sizes = [8, 128], strides = [1, 1]} : vector<64x4096xf32> to vector<8x128xf32>
    %swap3A_344 = arith.constant 0 : index
    %swap3A_345 = arith.constant 0 : index
    %swap3A_346 = arith.constant 31 : index
    %swap3A_347 = arith.constant 0 : index
    %swap3A_348 = arith.constant 0 : index
    %swap3A_349 = vector.load %arg7[%swap3A_344, %swap3A_345, %swap3A_346, %swap3A_347, %swap3A_348] : memref<1x8x32x8x128xf32, #tpu.memory_space<vmem>>, vector<1x1x1x8x128xf32>
    %swap3A_350 = vector.shape_cast %swap3A_349 : vector<1x1x1x8x128xf32> to vector<8x128xf32>
    %swap3A_351 = vector.shape_cast %slice3A_343 : vector<8x128xf32> to vector<1x1x1x8x128xf32>
    tpu.vector_store %arg7[%swap3A_344, %swap3A_345, %swap3A_346, %swap3A_347, %swap3A_348], %swap3A_351 {strides = array<i32>} : memref<1x8x32x8x128xf32, #tpu.memory_space<vmem>>, vector<1x1x1x8x128xf32>,
    %slice3A_352 = vector.extract_strided_slice %concatenate3A {offsets = [8, 0], sizes = [8, 128], strides = [1, 1]} : vector<64x4096xf32> to vector<8x128xf32>
    %swap3A_353 = arith.constant 0 : index
    %swap3A_354 = arith.constant 1 : index
    %swap3A_355 = arith.constant 0 : index
    %swap3A_356 = arith.constant 0 : index
    %swap3A_357 = arith.constant 0 : index
    %swap3A_358 = vector.load %arg7[%swap3A_353, %swap3A_354, %swap3A_355, %swap3A_356, %swap3A_357] : memref<1x8x32x8x128xf32, #tpu.memory_space<vmem>>, vector<1x1x1x8x128xf32>
    %swap3A_359 = vector.shape_cast %swap3A_358 : vector<1x1x1x8x128xf32> to vector<8x128xf32>
    %swap3A_360 = vector.shape_cast %slice3A_352 : vector<8x128xf32> to vector<1x1x1x8x128xf32>
    tpu.vector_store %arg7[%swap3A_353, %swap3A_354, %swap3A_355, %swap3A_356, %swap3A_357], %swap3A_360 {strides = array<i32>} : memref<1x8x32x8x128xf32, #tpu.memory_space<vmem>>, vector<1x1x1x8x128xf32>,
    %slice3A_361 = vector.extract_strided_slice %concatenate3A {offsets = [8, 128], sizes = [8, 128], strides = [1, 1]} : vector<64x4096xf32> to vector<8x128xf32>
    %swap3A_362 = arith.constant 0 : index
    %swap3A_363 = arith.constant 1 : index
    %swap3A_364 = arith.constant 1 : index
    %swap3A_365 = arith.constant 0 : index
    %swap3A_366 = arith.constant 0 : index
    %swap3A_367 = vector.load %arg7[%swap3A_362, %swap3A_363, %swap3A_364, %swap3A_365, %swap3A_366] : memref<1x8x32x8x128xf32, #tpu.memory_space<vmem>>, vector<1x1x1x8x128xf32>
    %swap3A_368 = vector.shape_cast %swap3A_367 : vector<1x1x1x8x128xf32> to vector<8x128xf32>
    %swap3A_369 = vector.shape_cast %slice3A_361 : vector<8x128xf32> to vector<1x1x1x8x128xf32>
    tpu.vector_store %arg7[%swap3A_362, %swap3A_363, %swap3A_364, %swap3A_365, %swap3A_366], %swap3A_369 {strides = array<i32>} : memref<1x8x32x8x128xf32, #tpu.memory_space<vmem>>, vector<1x1x1x8x128xf32>,
    %slice3A_370 = vector.extract_strided_slice %concatenate3A {offsets = [8, 256], sizes = [8, 128], strides = [1, 1]} : vector<64x4096xf32> to vector<8x128xf32>
    %swap3A_371 = arith.constant 0 : index
    %swap3A_372 = arith.constant 1 : index
    %swap3A_373 = arith.constant 2 : index
    %swap3A_374 = arith.constant 0 : index
    %swap3A_375 = arith.constant 0 : index
    %swap3A_376 = vector.load %arg7[%swap3A_371, %swap3A_372, %swap3A_373, %swap3A_374, %swap3A_375] : memref<1x8x32x8x128xf32, #tpu.memory_space<vmem>>, vector<1x1x1x8x128xf32>
    %swap3A_377 = vector.shape_cast %swap3A_376 : vector<1x1x1x8x128xf32> to vector<8x128xf32>
    %swap3A_378 = vector.shape_cast %slice3A_370 : vector<8x128xf32> to vector<1x1x1x8x128xf32>
    tpu.vector_store %arg7[%swap3A_371, %swap3A_372, %swap3A_373, %swap3A_374, %swap3A_375], %swap3A_378 {strides = array<i32>} : memref<1x8x32x8x128xf32, #tpu.memory_space<vmem>>, vector<1x1x1x8x128xf32>,
    %slice3A_379 = vector.extract_strided_slice %concatenate3A {offsets = [8, 384], sizes = [8, 128], strides = [1, 1]} : vector<64x4096xf32> to vector<8x128xf32>
    %swap3A_380 = arith.constant 0 : index
    %swap3A_381 = arith.constant 1 : index
    %swap3A_382 = arith.constant 3 : index
    %swap3A_383 = arith.constant 0 : index
    %swap3A_384 = arith.constant 0 : index
    %swap3A_385 = vector.load %arg7[%swap3A_380, %swap3A_381, %swap3A_382, %swap3A_383, %swap3A_384] : memref<1x8x32x8x128xf32, #tpu.memory_space<vmem>>, vector<1x1x1x8x128xf32>
    %swap3A_386 = vector.shape_cast %swap3A_385 : vector<1x1x1x8x128xf32> to vector<8x128xf32>
    %swap3A_387 = vector.shape_cast %slice3A_379 : vector<8x128xf32> to vector<1x1x1x8x128xf32>
    tpu.vector_store %arg7[%swap3A_380, %swap3A_381, %swap3A_382, %swap3A_383, %swap3A_384], %swap3A_387 {strides = array<i32>} : memref<1x8x32x8x128xf32, #tpu.memory_space<vmem>>, vector<1x1x1x8x128xf32>,
    %slice3A_388 = vector.extract_strided_slice %concatenate3A {offsets = [8, 512], sizes = [8, 128], strides = [1, 1]} : vector<64x4096xf32> to vector<8x128xf32>
    %swap3A_389 = arith.constant 0 : index
    %swap3A_390 = arith.constant 1 : index
    %swap3A_391 = arith.constant 4 : index
    %swap3A_392 = arith.constant 0 : index
    %swap3A_393 = arith.constant 0 : index
    %swap3A_394 = vector.load %arg7[%swap3A_389, %swap3A_390, %swap3A_391, %swap3A_392, %swap3A_393] : memref<1x8x32x8x128xf32, #tpu.memory_space<vmem>>, vector<1x1x1x8x128xf32>
    %swap3A_395 = vector.shape_cast %swap3A_394 : vector<1x1x1x8x128xf32> to vector<8x128xf32>
    %swap3A_396 = vector.shape_cast %slice3A_388 : vector<8x128xf32> to vector<1x1x1x8x128xf32>
    tpu.vector_store %arg7[%swap3A_389, %swap3A_390, %swap3A_391, %swap3A_392, %swap3A_393], %swap3A_396 {strides = array<i32>} : memref<1x8x32x8x128xf32, #tpu.memory_space<vmem>>, vector<1x1x1x8x128xf32>,
    %slice3A_397 = vector.extract_strided_slice %concatenate3A {offsets = [8, 640], sizes = [8, 128], strides = [1, 1]} : vector<64x4096xf32> to vector<8x128xf32>
    %swap3A_398 = arith.constant 0 : index
    %swap3A_399 = arith.constant 1 : index
    %swap3A_400 = arith.constant 5 : index
    %swap3A_401 = arith.constant 0 : index
    %swap3A_402 = arith.constant 0 : index
    %swap3A_403 = vector.load %arg7[%swap3A_398, %swap3A_399, %swap3A_400, %swap3A_401, %swap3A_402] : memref<1x8x32x8x128xf32, #tpu.memory_space<vmem>>, vector<1x1x1x8x128xf32>
    %swap3A_404 = vector.shape_cast %swap3A_403 : vector<1x1x1x8x128xf32> to vector<8x128xf32>
    %swap3A_405 = vector.shape_cast %slice3A_397 : vector<8x128xf32> to vector<1x1x1x8x128xf32>
    tpu.vector_store %arg7[%swap3A_398, %swap3A_399, %swap3A_400, %swap3A_401, %swap3A_402], %swap3A_405 {strides = array<i32>} : memref<1x8x32x8x128xf32, #tpu.memory_space<vmem>>, vector<1x1x1x8x128xf32>,
    %slice3A_406 = vector.extract_strided_slice %concatenate3A {offsets = [8, 768], sizes = [8, 128], strides = [1, 1]} : vector<64x4096xf32> to vector<8x128xf32>
    %swap3A_407 = arith.constant 0 : index
    %swap3A_408 = arith.constant 1 : index
    %swap3A_409 = arith.constant 6 : index
    %swap3A_410 = arith.constant 0 : index
    %swap3A_411 = arith.constant 0 : index
    %swap3A_412 = vector.load %arg7[%swap3A_407, %swap3A_408, %swap3A_409, %swap3A_410, %swap3A_411] : memref<1x8x32x8x128xf32, #tpu.memory_space<vmem>>, vector<1x1x1x8x128xf32>
    %swap3A_413 = vector.shape_cast %swap3A_412 : vector<1x1x1x8x128xf32> to vector<8x128xf32>
    %swap3A_414 = vector.shape_cast %slice3A_406 : vector<8x128xf32> to vector<1x1x1x8x128xf32>
    tpu.vector_store %arg7[%swap3A_407, %swap3A_408, %swap3A_409, %swap3A_410, %swap3A_411], %swap3A_414 {strides = array<i32>} : memref<1x8x32x8x128xf32, #tpu.memory_space<vmem>>, vector<1x1x1x8x128xf32>,
    %slice3A_415 = vector.extract_strided_slice %concatenate3A {offsets = [8, 896], sizes = [8, 128], strides = [1, 1]} : vector<64x4096xf32> to vector<8x128xf32>
    %swap3A_416 = arith.constant 0 : index
    %swap3A_417 = arith.constant 1 : index
    %swap3A_418 = arith.constant 7 : index
    %swap3A_419 = arith.constant 0 : index
    %swap3A_420 = arith.constant 0 : index
    %swap3A_421 = vector.load %arg7[%swap3A_416, %swap3A_417, %swap3A_418, %swap3A_419, %swap3A_420] : memref<1x8x32x8x128xf32, #tpu.memory_space<vmem>>, vector<1x1x1x8x128xf32>
    %swap3A_422 = vector.shape_cast %swap3A_421 : vector<1x1x1x8x128xf32> to vector<8x128xf32>
    %swap3A_423 = vector.shape_cast %slice3A_415 : vector<8x128xf32> to vector<1x1x1x8x128xf32>
    tpu.vector_store %arg7[%swap3A_416, %swap3A_417, %swap3A_418, %swap3A_419, %swap3A_420], %swap3A_423 {strides = array<i32>} : memref<1x8x32x8x128xf32, #tpu.memory_space<vmem>>, vector<1x1x1x8x128xf32>,
    %slice3A_424 = vector.extract_strided_slice %concatenate3A {offsets = [8, 1024], sizes = [8, 128], strides = [1, 1]} : vector<64x4096xf32> to vector<8x128xf32>
    %swap3A_425 = arith.constant 0 : index
    %swap3A_426 = arith.constant 1 : index
    %swap3A_427 = arith.constant 8 : index
    %swap3A_428 = arith.constant 0 : index
    %swap3A_429 = arith.constant 0 : index
    %swap3A_430 = vector.load %arg7[%swap3A_425, %swap3A_426, %swap3A_427, %swap3A_428, %swap3A_429] : memref<1x8x32x8x128xf32, #tpu.memory_space<vmem>>, vector<1x1x1x8x128xf32>
    %swap3A_431 = vector.shape_cast %swap3A_430 : vector<1x1x1x8x128xf32> to vector<8x128xf32>
    %swap3A_432 = vector.shape_cast %slice3A_424 : vector<8x128xf32> to vector<1x1x1x8x128xf32>
    tpu.vector_store %arg7[%swap3A_425, %swap3A_426, %swap3A_427, %swap3A_428, %swap3A_429], %swap3A_432 {strides = array<i32>} : memref<1x8x32x8x128xf32, #tpu.memory_space<vmem>>, vector<1x1x1x8x128xf32>,
    %slice3A_433 = vector.extract_strided_slice %concatenate3A {offsets = [8, 1152], sizes = [8, 128], strides = [1, 1]} : vector<64x4096xf32> to vector<8x128xf32>
    %swap3A_434 = arith.constant 0 : index
    %swap3A_435 = arith.constant 1 : index
    %swap3A_436 = arith.constant 9 : index
    %swap3A_437 = arith.constant 0 : index
    %swap3A_438 = arith.constant 0 : index
    %swap3A_439 = vector.load %arg7[%swap3A_434, %swap3A_435, %swap3A_436, %swap3A_437, %swap3A_438] : memref<1x8x32x8x128xf32, #tpu.memory_space<vmem>>, vector<1x1x1x8x128xf32>
    %swap3A_440 = vector.shape_cast %swap3A_439 : vector<1x1x1x8x128xf32> to vector<8x128xf32>
    %swap3A_441 = vector.shape_cast %slice3A_433 : vector<8x128xf32> to vector<1x1x1x8x128xf32>
    tpu.vector_store %arg7[%swap3A_434, %swap3A_435, %swap3A_436, %swap3A_437, %swap3A_438], %swap3A_441 {strides = array<i32>} : memref<1x8x32x8x128xf32, #tpu.memory_space<vmem>>, vector<1x1x1x8x128xf32>,
    %slice3A_442 = vector.extract_strided_slice %concatenate3A {offsets = [8, 1280], sizes = [8, 128], strides = [1, 1]} : vector<64x4096xf32> to vector<8x128xf32>
    %swap3A_443 = arith.constant 0 : index
    %swap3A_444 = arith.constant 1 : index
    %swap3A_445 = arith.constant 10 : index
    %swap3A_446 = arith.constant 0 : index
    %swap3A_447 = arith.constant 0 : index
    %swap3A_448 = vector.load %arg7[%swap3A_443, %swap3A_444, %swap3A_445, %swap3A_446, %swap3A_447] : memref<1x8x32x8x128xf32, #tpu.memory_space<vmem>>, vector<1x1x1x8x128xf32>
    %swap3A_449 = vector.shape_cast %swap3A_448 : vector<1x1x1x8x128xf32> to vector<8x128xf32>
    %swap3A_450 = vector.shape_cast %slice3A_442 : vector<8x128xf32> to vector<1x1x1x8x128xf32>
    tpu.vector_store %arg7[%swap3A_443, %swap3A_444, %swap3A_445, %swap3A_446, %swap3A_447], %swap3A_450 {strides = array<i32>} : memref<1x8x32x8x128xf32, #tpu.memory_space<vmem>>, vector<1x1x1x8x128xf32>,
    %slice3A_451 = vector.extract_strided_slice %concatenate3A {offsets = [8, 1408], sizes = [8, 128], strides = [1, 1]} : vector<64x4096xf32> to vector<8x128xf32>
    %swap3A_452 = arith.constant 0 : index
    %swap3A_453 = arith.constant 1 : index
    %swap3A_454 = arith.constant 11 : index
    %swap3A_455 = arith.constant 0 : index
    %swap3A_456 = arith.constant 0 : index
    %swap3A_457 = vector.load %arg7[%swap3A_452, %swap3A_453, %swap3A_454, %swap3A_455, %swap3A_456] : memref<1x8x32x8x128xf32, #tpu.memory_space<vmem>>, vector<1x1x1x8x128xf32>
    %swap3A_458 = vector.shape_cast %swap3A_457 : vector<1x1x1x8x128xf32> to vector<8x128xf32>
    %swap3A_459 = vector.shape_cast %slice3A_451 : vector<8x128xf32> to vector<1x1x1x8x128xf32>
    tpu.vector_store %arg7[%swap3A_452, %swap3A_453, %swap3A_454, %swap3A_455, %swap3A_456], %swap3A_459 {strides = array<i32>} : memref<1x8x32x8x128xf32, #tpu.memory_space<vmem>>, vector<1x1x1x8x128xf32>,
    %slice3A_460 = vector.extract_strided_slice %concatenate3A {offsets = [8, 1536], sizes = [8, 128], strides = [1, 1]} : vector<64x4096xf32> to vector<8x128xf32>
    %swap3A_461 = arith.constant 0 : index
    %swap3A_462 = arith.constant 1 : index
    %swap3A_463 = arith.constant 12 : index
    %swap3A_464 = arith.constant 0 : index
    %swap3A_465 = arith.constant 0 : index
    %swap3A_466 = vector.load %arg7[%swap3A_461, %swap3A_462, %swap3A_463, %swap3A_464, %swap3A_465] : memref<1x8x32x8x128xf32, #tpu.memory_space<vmem>>, vector<1x1x1x8x128xf32>
    %swap3A_467 = vector.shape_cast %swap3A_466 : vector<1x1x1x8x128xf32> to vector<8x128xf32>
    %swap3A_468 = vector.shape_cast %slice3A_460 : vector<8x128xf32> to vector<1x1x1x8x128xf32>
    tpu.vector_store %arg7[%swap3A_461, %swap3A_462, %swap3A_463, %swap3A_464, %swap3A_465], %swap3A_468 {strides = array<i32>} : memref<1x8x32x8x128xf32, #tpu.memory_space<vmem>>, vector<1x1x1x8x128xf32>,
    %slice3A_469 = vector.extract_strided_slice %concatenate3A {offsets = [8, 1664], sizes = [8, 128], strides = [1, 1]} : vector<64x4096xf32> to vector<8x128xf32>
    %swap3A_470 = arith.constant 0 : index
    %swap3A_471 = arith.constant 1 : index
    %swap3A_472 = arith.constant 13 : index
    %swap3A_473 = arith.constant 0 : index
    %swap3A_474 = arith.constant 0 : index
    %swap3A_475 = vector.load %arg7[%swap3A_470, %swap3A_471, %swap3A_472, %swap3A_473, %swap3A_474] : memref<1x8x32x8x128xf32, #tpu.memory_space<vmem>>, vector<1x1x1x8x128xf32>
    %swap3A_476 = vector.shape_cast %swap3A_475 : vector<1x1x1x8x128xf32> to vector<8x128xf32>
    %swap3A_477 = vector.shape_cast %slice3A_469 : vector<8x128xf32> to vector<1x1x1x8x128xf32>
    tpu.vector_store %arg7[%swap3A_470, %swap3A_471, %swap3A_472, %swap3A_473, %swap3A_474], %swap3A_477 {strides = array<i32>} : memref<1x8x32x8x128xf32, #tpu.memory_space<vmem>>, vector<1x1x1x8x128xf32>,
    %slice3A_478 = vector.extract_strided_slice %concatenate3A {offsets = [8, 1792], sizes = [8, 128], strides = [1, 1]} : vector<64x4096xf32> to vector<8x128xf32>
    %swap3A_479 = arith.constant 0 : index
    %swap3A_480 = arith.constant 1 : index
    %swap3A_481 = arith.constant 14 : index
    %swap3A_482 = arith.constant 0 : index
    %swap3A_483 = arith.constant 0 : index
    %swap3A_484 = vector.load %arg7[%swap3A_479, %swap3A_480, %swap3A_481, %swap3A_482, %swap3A_483] : memref<1x8x32x8x128xf32, #tpu.memory_space<vmem>>, vector<1x1x1x8x128xf32>
    %swap3A_485 = vector.shape_cast %swap3A_484 : vector<1x1x1x8x128xf32> to vector<8x128xf32>
    %swap3A_486 = vector.shape_cast %slice3A_478 : vector<8x128xf32> to vector<1x1x1x8x128xf32>
    tpu.vector_store %arg7[%swap3A_479, %swap3A_480, %swap3A_481, %swap3A_482, %swap3A_483], %swap3A_486 {strides = array<i32>} : memref<1x8x32x8x128xf32, #tpu.memory_space<vmem>>, vector<1x1x1x8x128xf32>,
    %slice3A_487 = vector.extract_strided_slice %concatenate3A {offsets = [8, 1920], sizes = [8, 128], strides = [1, 1]} : vector<64x4096xf32> to vector<8x128xf32>
    %swap3A_488 = arith.constant 0 : index
    %swap3A_489 = arith.constant 1 : index
    %swap3A_490 = arith.constant 15 : index
    %swap3A_491 = arith.constant 0 : index
    %swap3A_492 = arith.constant 0 : index
    %swap3A_493 = vector.load %arg7[%swap3A_488, %swap3A_489, %swap3A_490, %swap3A_491, %swap3A_492] : memref<1x8x32x8x128xf32, #tpu.memory_space<vmem>>, vector<1x1x1x8x128xf32>
    %swap3A_494 = vector.shape_cast %swap3A_493 : vector<1x1x1x8x128xf32> to vector<8x128xf32>
    %swap3A_495 = vector.shape_cast %slice3A_487 : vector<8x128xf32> to vector<1x1x1x8x128xf32>
    tpu.vector_store %arg7[%swap3A_488, %swap3A_489, %swap3A_490, %swap3A_491, %swap3A_492], %swap3A_495 {strides = array<i32>} : memref<1x8x32x8x128xf32, #tpu.memory_space<vmem>>, vector<1x1x1x8x128xf32>,
    %slice3A_496 = vector.extract_strided_slice %concatenate3A {offsets = [8, 2048], sizes = [8, 128], strides = [1, 1]} : vector<64x4096xf32> to vector<8x128xf32>
    %swap3A_497 = arith.constant 0 : index
    %swap3A_498 = arith.constant 1 : index
    %swap3A_499 = arith.constant 16 : index
    %swap3A_500 = arith.constant 0 : index
    %swap3A_501 = arith.constant 0 : index
    %swap3A_502 = vector.load %arg7[%swap3A_497, %swap3A_498, %swap3A_499, %swap3A_500, %swap3A_501] : memref<1x8x32x8x128xf32, #tpu.memory_space<vmem>>, vector<1x1x1x8x128xf32>
    %swap3A_503 = vector.shape_cast %swap3A_502 : vector<1x1x1x8x128xf32> to vector<8x128xf32>
    %swap3A_504 = vector.shape_cast %slice3A_496 : vector<8x128xf32> to vector<1x1x1x8x128xf32>
    tpu.vector_store %arg7[%swap3A_497, %swap3A_498, %swap3A_499, %swap3A_500, %swap3A_501], %swap3A_504 {strides = array<i32>} : memref<1x8x32x8x128xf32, #tpu.memory_space<vmem>>, vector<1x1x1x8x128xf32>,
    %slice3A_505 = vector.extract_strided_slice %concatenate3A {offsets = [8, 2176], sizes = [8, 128], strides = [1, 1]} : vector<64x4096xf32> to vector<8x128xf32>
    %swap3A_506 = arith.constant 0 : index
    %swap3A_507 = arith.constant 1 : index
    %swap3A_508 = arith.constant 17 : index
    %swap3A_509 = arith.constant 0 : index
    %swap3A_510 = arith.constant 0 : index
    %swap3A_511 = vector.load %arg7[%swap3A_506, %swap3A_507, %swap3A_508, %swap3A_509, %swap3A_510] : memref<1x8x32x8x128xf32, #tpu.memory_space<vmem>>, vector<1x1x1x8x128xf32>
    %swap3A_512 = vector.shape_cast %swap3A_511 : vector<1x1x1x8x128xf32> to vector<8x128xf32>
    %swap3A_513 = vector.shape_cast %slice3A_505 : vector<8x128xf32> to vector<1x1x1x8x128xf32>
    tpu.vector_store %arg7[%swap3A_506, %swap3A_507, %swap3A_508, %swap3A_509, %swap3A_510], %swap3A_513 {strides = array<i32>} : memref<1x8x32x8x128xf32, #tpu.memory_space<vmem>>, vector<1x1x1x8x128xf32>,
    %slice3A_514 = vector.extract_strided_slice %concatenate3A {offsets = [8, 2304], sizes = [8, 128], strides = [1, 1]} : vector<64x4096xf32> to vector<8x128xf32>
    %swap3A_515 = arith.constant 0 : index
    %swap3A_516 = arith.constant 1 : index
    %swap3A_517 = arith.constant 18 : index
    %swap3A_518 = arith.constant 0 : index
    %swap3A_519 = arith.constant 0 : index
    %swap3A_520 = vector.load %arg7[%swap3A_515, %swap3A_516, %swap3A_517, %swap3A_518, %swap3A_519] : memref<1x8x32x8x128xf32, #tpu.memory_space<vmem>>, vector<1x1x1x8x128xf32>
    %swap3A_521 = vector.shape_cast %swap3A_520 : vector<1x1x1x8x128xf32> to vector<8x128xf32>
    %swap3A_522 = vector.shape_cast %slice3A_514 : vector<8x128xf32> to vector<1x1x1x8x128xf32>
    tpu.vector_store %arg7[%swap3A_515, %swap3A_516, %swap3A_517, %swap3A_518, %swap3A_519], %swap3A_522 {strides = array<i32>} : memref<1x8x32x8x128xf32, #tpu.memory_space<vmem>>, vector<1x1x1x8x128xf32>,
    %slice3A_523 = vector.extract_strided_slice %concatenate3A {offsets = [8, 2432], sizes = [8, 128], strides = [1, 1]} : vector<64x4096xf32> to vector<8x128xf32>
    %swap3A_524 = arith.constant 0 : index
    %swap3A_525 = arith.constant 1 : index
    %swap3A_526 = arith.constant 19 : index
    %swap3A_527 = arith.constant 0 : index
    %swap3A_528 = arith.constant 0 : index
    %swap3A_529 = vector.load %arg7[%swap3A_524, %swap3A_525, %swap3A_526, %swap3A_527, %swap3A_528] : memref<1x8x32x8x128xf32, #tpu.memory_space<vmem>>, vector<1x1x1x8x128xf32>
    %swap3A_530 = vector.shape_cast %swap3A_529 : vector<1x1x1x8x128xf32> to vector<8x128xf32>
    %swap3A_531 = vector.shape_cast %slice3A_523 : vector<8x128xf32> to vector<1x1x1x8x128xf32>
    tpu.vector_store %arg7[%swap3A_524, %swap3A_525, %swap3A_526, %swap3A_527, %swap3A_528], %swap3A_531 {strides = array<i32>} : memref<1x8x32x8x128xf32, #tpu.memory_space<vmem>>, vector<1x1x1x8x128xf32>,
    %slice3A_532 = vector.extract_strided_slice %concatenate3A {offsets = [8, 2560], sizes = [8, 128], strides = [1, 1]} : vector<64x4096xf32> to vector<8x128xf32>
    %swap3A_533 = arith.constant 0 : index
    %swap3A_534 = arith.constant 1 : index
    %swap3A_535 = arith.constant 20 : index
    %swap3A_536 = arith.constant 0 : index
    %swap3A_537 = arith.constant 0 : index
    %swap3A_538 = vector.load %arg7[%swap3A_533, %swap3A_534, %swap3A_535, %swap3A_536, %swap3A_537] : memref<1x8x32x8x128xf32, #tpu.memory_space<vmem>>, vector<1x1x1x8x128xf32>
    %swap3A_539 = vector.shape_cast %swap3A_538 : vector<1x1x1x8x128xf32> to vector<8x128xf32>
    %swap3A_540 = vector.shape_cast %slice3A_532 : vector<8x128xf32> to vector<1x1x1x8x128xf32>
    tpu.vector_store %arg7[%swap3A_533, %swap3A_534, %swap3A_535, %swap3A_536, %swap3A_537], %swap3A_540 {strides = array<i32>} : memref<1x8x32x8x128xf32, #tpu.memory_space<vmem>>, vector<1x1x1x8x128xf32>,
    %slice3A_541 = vector.extract_strided_slice %concatenate3A {offsets = [8, 2688], sizes = [8, 128], strides = [1, 1]} : vector<64x4096xf32> to vector<8x128xf32>
    %swap3A_542 = arith.constant 0 : index
    %swap3A_543 = arith.constant 1 : index
    %swap3A_544 = arith.constant 21 : index
    %swap3A_545 = arith.constant 0 : index
    %swap3A_546 = arith.constant 0 : index
    %swap3A_547 = vector.load %arg7[%swap3A_542, %swap3A_543, %swap3A_544, %swap3A_545, %swap3A_546] : memref<1x8x32x8x128xf32, #tpu.memory_space<vmem>>, vector<1x1x1x8x128xf32>
    %swap3A_548 = vector.shape_cast %swap3A_547 : vector<1x1x1x8x128xf32> to vector<8x128xf32>
    %swap3A_549 = vector.shape_cast %slice3A_541 : vector<8x128xf32> to vector<1x1x1x8x128xf32>
    tpu.vector_store %arg7[%swap3A_542, %swap3A_543, %swap3A_544, %swap3A_545, %swap3A_546], %swap3A_549 {strides = array<i32>} : memref<1x8x32x8x128xf32, #tpu.memory_space<vmem>>, vector<1x1x1x8x128xf32>,
    %slice3A_550 = vector.extract_strided_slice %concatenate3A {offsets = [8, 2816], sizes = [8, 128], strides = [1, 1]} : vector<64x4096xf32> to vector<8x128xf32>
    %swap3A_551 = arith.constant 0 : index
    %swap3A_552 = arith.constant 1 : index
    %swap3A_553 = arith.constant 22 : index
    %swap3A_554 = arith.constant 0 : index
    %swap3A_555 = arith.constant 0 : index
    %swap3A_556 = vector.load %arg7[%swap3A_551, %swap3A_552, %swap3A_553, %swap3A_554, %swap3A_555] : memref<1x8x32x8x128xf32, #tpu.memory_space<vmem>>, vector<1x1x1x8x128xf32>
    %swap3A_557 = vector.shape_cast %swap3A_556 : vector<1x1x1x8x128xf32> to vector<8x128xf32>
    %swap3A_558 = vector.shape_cast %slice3A_550 : vector<8x128xf32> to vector<1x1x1x8x128xf32>
    tpu.vector_store %arg7[%swap3A_551, %swap3A_552, %swap3A_553, %swap3A_554, %swap3A_555], %swap3A_558 {strides = array<i32>} : memref<1x8x32x8x128xf32, #tpu.memory_space<vmem>>, vector<1x1x1x8x128xf32>,
    %slice3A_559 = vector.extract_strided_slice %concatenate3A {offsets = [8, 2944], sizes = [8, 128], strides = [1, 1]} : vector<64x4096xf32> to vector<8x128xf32>
    %swap3A_560 = arith.constant 0 : index
    %swap3A_561 = arith.constant 1 : index
    %swap3A_562 = arith.constant 23 : index
    %swap3A_563 = arith.constant 0 : index
    %swap3A_564 = arith.constant 0 : index
    %swap3A_565 = vector.load %arg7[%swap3A_560, %swap3A_561, %swap3A_562, %swap3A_563, %swap3A_564] : memref<1x8x32x8x128xf32, #tpu.memory_space<vmem>>, vector<1x1x1x8x128xf32>
    %swap3A_566 = vector.shape_cast %swap3A_565 : vector<1x1x1x8x128xf32> to vector<8x128xf32>
    %swap3A_567 = vector.shape_cast %slice3A_559 : vector<8x128xf32> to vector<1x1x1x8x128xf32>
    tpu.vector_store %arg7[%swap3A_560, %swap3A_561, %swap3A_562, %swap3A_563, %swap3A_564], %swap3A_567 {strides = array<i32>} : memref<1x8x32x8x128xf32, #tpu.memory_space<vmem>>, vector<1x1x1x8x128xf32>,
    %slice3A_568 = vector.extract_strided_slice %concatenate3A {offsets = [8, 3072], sizes = [8, 128], strides = [1, 1]} : vector<64x4096xf32> to vector<8x128xf32>
    %swap3A_569 = arith.constant 0 : index
    %swap3A_570 = arith.constant 1 : index
    %swap3A_571 = arith.constant 24 : index
    %swap3A_572 = arith.constant 0 : index
    %swap3A_573 = arith.constant 0 : index
    %swap3A_574 = vector.load %arg7[%swap3A_569, %swap3A_570, %swap3A_571, %swap3A_572, %swap3A_573] : memref<1x8x32x8x128xf32, #tpu.memory_space<vmem>>, vector<1x1x1x8x128xf32>
    %swap3A_575 = vector.shape_cast %swap3A_574 : vector<1x1x1x8x128xf32> to vector<8x128xf32>
    %swap3A_576 = vector.shape_cast %slice3A_568 : vector<8x128xf32> to vector<1x1x1x8x128xf32>
    tpu.vector_store %arg7[%swap3A_569, %swap3A_570, %swap3A_571, %swap3A_572, %swap3A_573], %swap3A_576 {strides = array<i32>} : memref<1x8x32x8x128xf32, #tpu.memory_space<vmem>>, vector<1x1x1x8x128xf32>,
    %slice3A_577 = vector.extract_strided_slice %concatenate3A {offsets = [8, 3200], sizes = [8, 128], strides = [1, 1]} : vector<64x4096xf32> to vector<8x128xf32>
    %swap3A_578 = arith.constant 0 : index
    %swap3A_579 = arith.constant 1 : index
    %swap3A_580 = arith.constant 25 : index
    %swap3A_581 = arith.constant 0 : index
    %swap3A_582 = arith.constant 0 : index
    %swap3A_583 = vector.load %arg7[%swap3A_578, %swap3A_579, %swap3A_580, %swap3A_581, %swap3A_582] : memref<1x8x32x8x128xf32, #tpu.memory_space<vmem>>, vector<1x1x1x8x128xf32>
    %swap3A_584 = vector.shape_cast %swap3A_583 : vector<1x1x1x8x128xf32> to vector<8x128xf32>
    %swap3A_585 = vector.shape_cast %slice3A_577 : vector<8x128xf32> to vector<1x1x1x8x128xf32>
    tpu.vector_store %arg7[%swap3A_578, %swap3A_579, %swap3A_580, %swap3A_581, %swap3A_582], %swap3A_585 {strides = array<i32>} : memref<1x8x32x8x128xf32, #tpu.memory_space<vmem>>, vector<1x1x1x8x128xf32>,
    %slice3A_586 = vector.extract_strided_slice %concatenate3A {offsets = [8, 3328], sizes = [8, 128], strides = [1, 1]} : vector<64x4096xf32> to vector<8x128xf32>
    %swap3A_587 = arith.constant 0 : index
    %swap3A_588 = arith.constant 1 : index
    %swap3A_589 = arith.constant 26 : index
    %swap3A_590 = arith.constant 0 : index
    %swap3A_591 = arith.constant 0 : index
    %swap3A_592 = vector.load %arg7[%swap3A_587, %swap3A_588, %swap3A_589, %swap3A_590, %swap3A_591] : memref<1x8x32x8x128xf32, #tpu.memory_space<vmem>>, vector<1x1x1x8x128xf32>
    %swap3A_593 = vector.shape_cast %swap3A_592 : vector<1x1x1x8x128xf32> to vector<8x128xf32>
    %swap3A_594 = vector.shape_cast %slice3A_586 : vector<8x128xf32> to vector<1x1x1x8x128xf32>
    tpu.vector_store %arg7[%swap3A_587, %swap3A_588, %swap3A_589, %swap3A_590, %swap3A_591], %swap3A_594 {strides = array<i32>} : memref<1x8x32x8x128xf32, #tpu.memory_space<vmem>>, vector<1x1x1x8x128xf32>,
    %slice3A_595 = vector.extract_strided_slice %concatenate3A {offsets = [8, 3456], sizes = [8, 128], strides = [1, 1]} : vector<64x4096xf32> to vector<8x128xf32>
    %swap3A_596 = arith.constant 0 : index
    %swap3A_597 = arith.constant 1 : index
    %swap3A_598 = arith.constant 27 : index
    %swap3A_599 = arith.constant 0 : index
    %swap3A_600 = arith.constant 0 : index
    %swap3A_601 = vector.load %arg7[%swap3A_596, %swap3A_597, %swap3A_598, %swap3A_599, %swap3A_600] : memref<1x8x32x8x128xf32, #tpu.memory_space<vmem>>, vector<1x1x1x8x128xf32>
    %swap3A_602 = vector.shape_cast %swap3A_601 : vector<1x1x1x8x128xf32> to vector<8x128xf32>
    %swap3A_603 = vector.shape_cast %slice3A_595 : vector<8x128xf32> to vector<1x1x1x8x128xf32>
    tpu.vector_store %arg7[%swap3A_596, %swap3A_597, %swap3A_598, %swap3A_599, %swap3A_600], %swap3A_603 {strides = array<i32>} : memref<1x8x32x8x128xf32, #tpu.memory_space<vmem>>, vector<1x1x1x8x128xf32>,
    %slice3A_604 = vector.extract_strided_slice %concatenate3A {offsets = [8, 3584], sizes = [8, 128], strides = [1, 1]} : vector<64x4096xf32> to vector<8x128xf32>
    %swap3A_605 = arith.constant 0 : index
    %swap3A_606 = arith.constant 1 : index
    %swap3A_607 = arith.constant 28 : index
    %swap3A_608 = arith.constant 0 : index
    %swap3A_609 = arith.constant 0 : index
    %swap3A_610 = vector.load %arg7[%swap3A_605, %swap3A_606, %swap3A_607, %swap3A_608, %swap3A_609] : memref<1x8x32x8x128xf32, #tpu.memory_space<vmem>>, vector<1x1x1x8x128xf32>
    %swap3A_611 = vector.shape_cast %swap3A_610 : vector<1x1x1x8x128xf32> to vector<8x128xf32>
    %swap3A_612 = vector.shape_cast %slice3A_604 : vector<8x128xf32> to vector<1x1x1x8x128xf32>
    tpu.vector_store %arg7[%swap3A_605, %swap3A_606, %swap3A_607, %swap3A_608, %swap3A_609], %swap3A_612 {strides = array<i32>} : memref<1x8x32x8x128xf32, #tpu.memory_space<vmem>>, vector<1x1x1x8x128xf32>,
    %slice3A_613 = vector.extract_strided_slice %concatenate3A {offsets = [8, 3712], sizes = [8, 128], strides = [1, 1]} : vector<64x4096xf32> to vector<8x128xf32>
    %swap3A_614 = arith.constant 0 : index
    %swap3A_615 = arith.constant 1 : index
    %swap3A_616 = arith.constant 29 : index
    %swap3A_617 = arith.constant 0 : index
    %swap3A_618 = arith.constant 0 : index
    %swap3A_619 = vector.load %arg7[%swap3A_614, %swap3A_615, %swap3A_616, %swap3A_617, %swap3A_618] : memref<1x8x32x8x128xf32, #tpu.memory_space<vmem>>, vector<1x1x1x8x128xf32>
    %swap3A_620 = vector.shape_cast %swap3A_619 : vector<1x1x1x8x128xf32> to vector<8x128xf32>
    %swap3A_621 = vector.shape_cast %slice3A_613 : vector<8x128xf32> to vector<1x1x1x8x128xf32>
    tpu.vector_store %arg7[%swap3A_614, %swap3A_615, %swap3A_616, %swap3A_617, %swap3A_618], %swap3A_621 {strides = array<i32>} : memref<1x8x32x8x128xf32, #tpu.memory_space<vmem>>, vector<1x1x1x8x128xf32>,
    %slice3A_622 = vector.extract_strided_slice %concatenate3A {offsets = [8, 3840], sizes = [8, 128], strides = [1, 1]} : vector<64x4096xf32> to vector<8x128xf32>
    %swap3A_623 = arith.constant 0 : index
    %swap3A_624 = arith.constant 1 : index
    %swap3A_625 = arith.constant 30 : index
    %swap3A_626 = arith.constant 0 : index
    %swap3A_627 = arith.constant 0 : index
    %swap3A_628 = vector.load %arg7[%swap3A_623, %swap3A_624, %swap3A_625, %swap3A_626, %swap3A_627] : memref<1x8x32x8x128xf32, #tpu.memory_space<vmem>>, vector<1x1x1x8x128xf32>
    %swap3A_629 = vector.shape_cast %swap3A_628 : vector<1x1x1x8x128xf32> to vector<8x128xf32>
    %swap3A_630 = vector.shape_cast %slice3A_622 : vector<8x128xf32> to vector<1x1x1x8x128xf32>
    tpu.vector_store %arg7[%swap3A_623, %swap3A_624, %swap3A_625, %swap3A_626, %swap3A_627], %swap3A_630 {strides = array<i32>} : memref<1x8x32x8x128xf32, #tpu.memory_space<vmem>>, vector<1x1x1x8x128xf32>,
    %slice3A_631 = vector.extract_strided_slice %concatenate3A {offsets = [8, 3968], sizes = [8, 128], strides = [1, 1]} : vector<64x4096xf32> to vector<8x128xf32>
    %swap3A_632 = arith.constant 0 : index
    %swap3A_633 = arith.constant 1 : index
    %swap3A_634 = arith.constant 31 : index
    %swap3A_635 = arith.constant 0 : index
    %swap3A_636 = arith.constant 0 : index
    %swap3A_637 = vector.load %arg7[%swap3A_632, %swap3A_633, %swap3A_634, %swap3A_635, %swap3A_636] : memref<1x8x32x8x128xf32, #tpu.memory_space<vmem>>, vector<1x1x1x8x128xf32>
    %swap3A_638 = vector.shape_cast %swap3A_637 : vector<1x1x1x8x128xf32> to vector<8x128xf32>
    %swap3A_639 = vector.shape_cast %slice3A_631 : vector<8x128xf32> to vector<1x1x1x8x128xf32>
    tpu.vector_store %arg7[%swap3A_632, %swap3A_633, %swap3A_634, %swap3A_635, %swap3A_636], %swap3A_639 {strides = array<i32>} : memref<1x8x32x8x128xf32, #tpu.memory_space<vmem>>, vector<1x1x1x8x128xf32>,
    %slice3A_640 = vector.extract_strided_slice %concatenate3A {offsets = [16, 0], sizes = [8, 128], strides = [1, 1]} : vector<64x4096xf32> to vector<8x128xf32>
    %swap3A_641 = arith.constant 0 : index
    %swap3A_642 = arith.constant 2 : index
    %swap3A_643 = arith.constant 0 : index
    %swap3A_644 = arith.constant 0 : index
    %swap3A_645 = arith.constant 0 : index
    %swap3A_646 = vector.load %arg7[%swap3A_641, %swap3A_642, %swap3A_643, %swap3A_644, %swap3A_645] : memref<1x8x32x8x128xf32, #tpu.memory_space<vmem>>, vector<1x1x1x8x128xf32>
    %swap3A_647 = vector.shape_cast %swap3A_646 : vector<1x1x1x8x128xf32> to vector<8x128xf32>
    %swap3A_648 = vector.shape_cast %slice3A_640 : vector<8x128xf32> to vector<1x1x1x8x128xf32>
    tpu.vector_store %arg7[%swap3A_641, %swap3A_642, %swap3A_643, %swap3A_644, %swap3A_645], %swap3A_648 {strides = array<i32>} : memref<1x8x32x8x128xf32, #tpu.memory_space<vmem>>, vector<1x1x1x8x128xf32>,
    %slice3A_649 = vector.extract_strided_slice %concatenate3A {offsets = [16, 128], sizes = [8, 128], strides = [1, 1]} : vector<64x4096xf32> to vector<8x128xf32>
    %swap3A_650 = arith.constant 0 : index
    %swap3A_651 = arith.constant 2 : index
    %swap3A_652 = arith.constant 1 : index
    %swap3A_653 = arith.constant 0 : index
    %swap3A_654 = arith.constant 0 : index
    %swap3A_655 = vector.load %arg7[%swap3A_650, %swap3A_651, %swap3A_652, %swap3A_653, %swap3A_654] : memref<1x8x32x8x128xf32, #tpu.memory_space<vmem>>, vector<1x1x1x8x128xf32>
    %swap3A_656 = vector.shape_cast %swap3A_655 : vector<1x1x1x8x128xf32> to vector<8x128xf32>
    %swap3A_657 = vector.shape_cast %slice3A_649 : vector<8x128xf32> to vector<1x1x1x8x128xf32>
    tpu.vector_store %arg7[%swap3A_650, %swap3A_651, %swap3A_652, %swap3A_653, %swap3A_654], %swap3A_657 {strides = array<i32>} : memref<1x8x32x8x128xf32, #tpu.memory_space<vmem>>, vector<1x1x1x8x128xf32>,
    %slice3A_658 = vector.extract_strided_slice %concatenate3A {offsets = [16, 256], sizes = [8, 128], strides = [1, 1]} : vector<64x4096xf32> to vector<8x128xf32>
    %swap3A_659 = arith.constant 0 : index
    %swap3A_660 = arith.constant 2 : index
    %swap3A_661 = arith.constant 2 : index
    %swap3A_662 = arith.constant 0 : index
    %swap3A_663 = arith.constant 0 : index
    %swap3A_664 = vector.load %arg7[%swap3A_659, %swap3A_660, %swap3A_661, %swap3A_662, %swap3A_663] : memref<1x8x32x8x128xf32, #tpu.memory_space<vmem>>, vector<1x1x1x8x128xf32>
    %swap3A_665 = vector.shape_cast %swap3A_664 : vector<1x1x1x8x128xf32> to vector<8x128xf32>
    %swap3A_666 = vector.shape_cast %slice3A_658 : vector<8x128xf32> to vector<1x1x1x8x128xf32>
    tpu.vector_store %arg7[%swap3A_659, %swap3A_660, %swap3A_661, %swap3A_662, %swap3A_663], %swap3A_666 {strides = array<i32>} : memref<1x8x32x8x128xf32, #tpu.memory_space<vmem>>, vector<1x1x1x8x128xf32>,
    %slice3A_667 = vector.extract_strided_slice %concatenate3A {offsets = [16, 384], sizes = [8, 128], strides = [1, 1]} : vector<64x4096xf32> to vector<8x128xf32>
    %swap3A_668 = arith.constant 0 : index
    %swap3A_669 = arith.constant 2 : index
    %swap3A_670 = arith.constant 3 : index
    %swap3A_671 = arith.constant 0 : index
    %swap3A_672 = arith.constant 0 : index
    %swap3A_673 = vector.load %arg7[%swap3A_668, %swap3A_669, %swap3A_670, %swap3A_671, %swap3A_672] : memref<1x8x32x8x128xf32, #tpu.memory_space<vmem>>, vector<1x1x1x8x128xf32>
    %swap3A_674 = vector.shape_cast %swap3A_673 : vector<1x1x1x8x128xf32> to vector<8x128xf32>
    %swap3A_675 = vector.shape_cast %slice3A_667 : vector<8x128xf32> to vector<1x1x1x8x128xf32>
    tpu.vector_store %arg7[%swap3A_668, %swap3A_669, %swap3A_670, %swap3A_671, %swap3A_672], %swap3A_675 {strides = array<i32>} : memref<1x8x32x8x128xf32, #tpu.memory_space<vmem>>, vector<1x1x1x8x128xf32>,
    %slice3A_676 = vector.extract_strided_slice %concatenate3A {offsets = [16, 512], sizes = [8, 128], strides = [1, 1]} : vector<64x4096xf32> to vector<8x128xf32>
    %swap3A_677 = arith.constant 0 : index
    %swap3A_678 = arith.constant 2 : index
    %swap3A_679 = arith.constant 4 : index
    %swap3A_680 = arith.constant 0 : index
    %swap3A_681 = arith.constant 0 : index
    %swap3A_682 = vector.load %arg7[%swap3A_677, %swap3A_678, %swap3A_679, %swap3A_680, %swap3A_681] : memref<1x8x32x8x128xf32, #tpu.memory_space<vmem>>, vector<1x1x1x8x128xf32>
    %swap3A_683 = vector.shape_cast %swap3A_682 : vector<1x1x1x8x128xf32> to vector<8x128xf32>
    %swap3A_684 = vector.shape_cast %slice3A_676 : vector<8x128xf32> to vector<1x1x1x8x128xf32>
    tpu.vector_store %arg7[%swap3A_677, %swap3A_678, %swap3A_679, %swap3A_680, %swap3A_681], %swap3A_684 {strides = array<i32>} : memref<1x8x32x8x128xf32, #tpu.memory_space<vmem>>, vector<1x1x1x8x128xf32>,
    %slice3A_685 = vector.extract_strided_slice %concatenate3A {offsets = [16, 640], sizes = [8, 128], strides = [1, 1]} : vector<64x4096xf32> to vector<8x128xf32>
    %swap3A_686 = arith.constant 0 : index
    %swap3A_687 = arith.constant 2 : index
    %swap3A_688 = arith.constant 5 : index
    %swap3A_689 = arith.constant 0 : index
    %swap3A_690 = arith.constant 0 : index
    %swap3A_691 = vector.load %arg7[%swap3A_686, %swap3A_687, %swap3A_688, %swap3A_689, %swap3A_690] : memref<1x8x32x8x128xf32, #tpu.memory_space<vmem>>, vector<1x1x1x8x128xf32>
    %swap3A_692 = vector.shape_cast %swap3A_691 : vector<1x1x1x8x128xf32> to vector<8x128xf32>
    %swap3A_693 = vector.shape_cast %slice3A_685 : vector<8x128xf32> to vector<1x1x1x8x128xf32>
    tpu.vector_store %arg7[%swap3A_686, %swap3A_687, %swap3A_688, %swap3A_689, %swap3A_690], %swap3A_693 {strides = array<i32>} : memref<1x8x32x8x128xf32, #tpu.memory_space<vmem>>, vector<1x1x1x8x128xf32>,
    %slice3A_694 = vector.extract_strided_slice %concatenate3A {offsets = [16, 768], sizes = [8, 128], strides = [1, 1]} : vector<64x4096xf32> to vector<8x128xf32>
    %swap3A_695 = arith.constant 0 : index
    %swap3A_696 = arith.constant 2 : index
    %swap3A_697 = arith.constant 6 : index
    %swap3A_698 = arith.constant 0 : index
    %swap3A_699 = arith.constant 0 : index
    %swap3A_700 = vector.load %arg7[%swap3A_695, %swap3A_696, %swap3A_697, %swap3A_698, %swap3A_699] : memref<1x8x32x8x128xf32, #tpu.memory_space<vmem>>, vector<1x1x1x8x128xf32>
    %swap3A_701 = vector.shape_cast %swap3A_700 : vector<1x1x1x8x128xf32> to vector<8x128xf32>
    %swap3A_702 = vector.shape_cast %slice3A_694 : vector<8x128xf32> to vector<1x1x1x8x128xf32>
    tpu.vector_store %arg7[%swap3A_695, %swap3A_696, %swap3A_697, %swap3A_698, %swap3A_699], %swap3A_702 {strides = array<i32>} : memref<1x8x32x8x128xf32, #tpu.memory_space<vmem>>, vector<1x1x1x8x128xf32>,
    %slice3A_703 = vector.extract_strided_slice %concatenate3A {offsets = [16, 896], sizes = [8, 128], strides = [1, 1]} : vector<64x4096xf32> to vector<8x128xf32>
    %swap3A_704 = arith.constant 0 : index
    %swap3A_705 = arith.constant 2 : index
    %swap3A_706 = arith.constant 7 : index
    %swap3A_707 = arith.constant 0 : index
    %swap3A_708 = arith.constant 0 : index
    %swap3A_709 = vector.load %arg7[%swap3A_704, %swap3A_705, %swap3A_706, %swap3A_707, %swap3A_708] : memref<1x8x32x8x128xf32, #tpu.memory_space<vmem>>, vector<1x1x1x8x128xf32>
    %swap3A_710 = vector.shape_cast %swap3A_709 : vector<1x1x1x8x128xf32> to vector<8x128xf32>
    %swap3A_711 = vector.shape_cast %slice3A_703 : vector<8x128xf32> to vector<1x1x1x8x128xf32>
    tpu.vector_store %arg7[%swap3A_704, %swap3A_705, %swap3A_706, %swap3A_707, %swap3A_708], %swap3A_711 {strides = array<i32>} : memref<1x8x32x8x128xf32, #tpu.memory_space<vmem>>, vector<1x1x1x8x128xf32>,
    %slice3A_712 = vector.extract_strided_slice %concatenate3A {offsets = [16, 1024], sizes = [8, 128], strides = [1, 1]} : vector<64x4096xf32> to vector<8x128xf32>
    %swap3A_713 = arith.constant 0 : index
    %swap3A_714 = arith.constant 2 : index
    %swap3A_715 = arith.constant 8 : index
    %swap3A_716 = arith.constant 0 : index
    %swap3A_717 = arith.constant 0 : index
    %swap3A_718 = vector.load %arg7[%swap3A_713, %swap3A_714, %swap3A_715, %swap3A_716, %swap3A_717] : memref<1x8x32x8x128xf32, #tpu.memory_space<vmem>>, vector<1x1x1x8x128xf32>
    %swap3A_719 = vector.shape_cast %swap3A_718 : vector<1x1x1x8x128xf32> to vector<8x128xf32>
    %swap3A_720 = vector.shape_cast %slice3A_712 : vector<8x128xf32> to vector<1x1x1x8x128xf32>
    tpu.vector_store %arg7[%swap3A_713, %swap3A_714, %swap3A_715, %swap3A_716, %swap3A_717], %swap3A_720 {strides = array<i32>} : memref<1x8x32x8x128xf32, #tpu.memory_space<vmem>>, vector<1x1x1x8x128xf32>,
    %slice3A_721 = vector.extract_strided_slice %concatenate3A {offsets = [16, 1152], sizes = [8, 128], strides = [1, 1]} : vector<64x4096xf32> to vector<8x128xf32>
    %swap3A_722 = arith.constant 0 : index
    %swap3A_723 = arith.constant 2 : index
    %swap3A_724 = arith.constant 9 : index
    %swap3A_725 = arith.constant 0 : index
    %swap3A_726 = arith.constant 0 : index
    %swap3A_727 = vector.load %arg7[%swap3A_722, %swap3A_723, %swap3A_724, %swap3A_725, %swap3A_726] : memref<1x8x32x8x128xf32, #tpu.memory_space<vmem>>, vector<1x1x1x8x128xf32>
    %swap3A_728 = vector.shape_cast %swap3A_727 : vector<1x1x1x8x128xf32> to vector<8x128xf32>
    %swap3A_729 = vector.shape_cast %slice3A_721 : vector<8x128xf32> to vector<1x1x1x8x128xf32>
    tpu.vector_store %arg7[%swap3A_722, %swap3A_723, %swap3A_724, %swap3A_725, %swap3A_726], %swap3A_729 {strides = array<i32>} : memref<1x8x32x8x128xf32, #tpu.memory_space<vmem>>, vector<1x1x1x8x128xf32>,
    %slice3A_730 = vector.extract_strided_slice %concatenate3A {offsets = [16, 1280], sizes = [8, 128], strides = [1, 1]} : vector<64x4096xf32> to vector<8x128xf32>
    %swap3A_731 = arith.constant 0 : index
    %swap3A_732 = arith.constant 2 : index
    %swap3A_733 = arith.constant 10 : index
    %swap3A_734 = arith.constant 0 : index
    %swap3A_735 = arith.constant 0 : index
    %swap3A_736 = vector.load %arg7[%swap3A_731, %swap3A_732, %swap3A_733, %swap3A_734, %swap3A_735] : memref<1x8x32x8x128xf32, #tpu.memory_space<vmem>>, vector<1x1x1x8x128xf32>
    %swap3A_737 = vector.shape_cast %swap3A_736 : vector<1x1x1x8x128xf32> to vector<8x128xf32>
    %swap3A_738 = vector.shape_cast %slice3A_730 : vector<8x128xf32> to vector<1x1x1x8x128xf32>
    tpu.vector_store %arg7[%swap3A_731, %swap3A_732, %swap3A_733, %swap3A_734, %swap3A_735], %swap3A_738 {strides = array<i32>} : memref<1x8x32x8x128xf32, #tpu.memory_space<vmem>>, vector<1x1x1x8x128xf32>,
    %slice3A_739 = vector.extract_strided_slice %concatenate3A {offsets = [16, 1408], sizes = [8, 128], strides = [1, 1]} : vector<64x4096xf32> to vector<8x128xf32>
    %swap3A_740 = arith.constant 0 : index
    %swap3A_741 = arith.constant 2 : index
    %swap3A_742 = arith.constant 11 : index
    %swap3A_743 = arith.constant 0 : index
    %swap3A_744 = arith.constant 0 : index
    %swap3A_745 = vector.load %arg7[%swap3A_740, %swap3A_741, %swap3A_742, %swap3A_743, %swap3A_744] : memref<1x8x32x8x128xf32, #tpu.memory_space<vmem>>, vector<1x1x1x8x128xf32>
    %swap3A_746 = vector.shape_cast %swap3A_745 : vector<1x1x1x8x128xf32> to vector<8x128xf32>
    %swap3A_747 = vector.shape_cast %slice3A_739 : vector<8x128xf32> to vector<1x1x1x8x128xf32>
    tpu.vector_store %arg7[%swap3A_740, %swap3A_741, %swap3A_742, %swap3A_743, %swap3A_744], %swap3A_747 {strides = array<i32>} : memref<1x8x32x8x128xf32, #tpu.memory_space<vmem>>, vector<1x1x1x8x128xf32>,
    %slice3A_748 = vector.extract_strided_slice %concatenate3A {offsets = [16, 1536], sizes = [8, 128], strides = [1, 1]} : vector<64x4096xf32> to vector<8x128xf32>
    %swap3A_749 = arith.constant 0 : index
    %swap3A_750 = arith.constant 2 : index
    %swap3A_751 = arith.constant 12 : index
    %swap3A_752 = arith.constant 0 : index
    %swap3A_753 = arith.constant 0 : index
    %swap3A_754 = vector.load %arg7[%swap3A_749, %swap3A_750, %swap3A_751, %swap3A_752, %swap3A_753] : memref<1x8x32x8x128xf32, #tpu.memory_space<vmem>>, vector<1x1x1x8x128xf32>
    %swap3A_755 = vector.shape_cast %swap3A_754 : vector<1x1x1x8x128xf32> to vector<8x128xf32>
    %swap3A_756 = vector.shape_cast %slice3A_748 : vector<8x128xf32> to vector<1x1x1x8x128xf32>
    tpu.vector_store %arg7[%swap3A_749, %swap3A_750, %swap3A_751, %swap3A_752, %swap3A_753], %swap3A_756 {strides = array<i32>} : memref<1x8x32x8x128xf32, #tpu.memory_space<vmem>>, vector<1x1x1x8x128xf32>,
    %slice3A_757 = vector.extract_strided_slice %concatenate3A {offsets = [16, 1664], sizes = [8, 128], strides = [1, 1]} : vector<64x4096xf32> to vector<8x128xf32>
    %swap3A_758 = arith.constant 0 : index
    %swap3A_759 = arith.constant 2 : index
    %swap3A_760 = arith.constant 13 : index
    %swap3A_761 = arith.constant 0 : index
    %swap3A_762 = arith.constant 0 : index
    %swap3A_763 = vector.load %arg7[%swap3A_758, %swap3A_759, %swap3A_760, %swap3A_761, %swap3A_762] : memref<1x8x32x8x128xf32, #tpu.memory_space<vmem>>, vector<1x1x1x8x128xf32>
    %swap3A_764 = vector.shape_cast %swap3A_763 : vector<1x1x1x8x128xf32> to vector<8x128xf32>
    %swap3A_765 = vector.shape_cast %slice3A_757 : vector<8x128xf32> to vector<1x1x1x8x128xf32>
    tpu.vector_store %arg7[%swap3A_758, %swap3A_759, %swap3A_760, %swap3A_761, %swap3A_762], %swap3A_765 {strides = array<i32>} : memref<1x8x32x8x128xf32, #tpu.memory_space<vmem>>, vector<1x1x1x8x128xf32>,
    %slice3A_766 = vector.extract_strided_slice %concatenate3A {offsets = [16, 1792], sizes = [8, 128], strides = [1, 1]} : vector<64x4096xf32> to vector<8x128xf32>
    %swap3A_767 = arith.constant 0 : index
    %swap3A_768 = arith.constant 2 : index
    %swap3A_769 = arith.constant 14 : index
    %swap3A_770 = arith.constant 0 : index
    %swap3A_771 = arith.constant 0 : index
    %swap3A_772 = vector.load %arg7[%swap3A_767, %swap3A_768, %swap3A_769, %swap3A_770, %swap3A_771] : memref<1x8x32x8x128xf32, #tpu.memory_space<vmem>>, vector<1x1x1x8x128xf32>
    %swap3A_773 = vector.shape_cast %swap3A_772 : vector<1x1x1x8x128xf32> to vector<8x128xf32>
    %swap3A_774 = vector.shape_cast %slice3A_766 : vector<8x128xf32> to vector<1x1x1x8x128xf32>
    tpu.vector_store %arg7[%swap3A_767, %swap3A_768, %swap3A_769, %swap3A_770, %swap3A_771], %swap3A_774 {strides = array<i32>} : memref<1x8x32x8x128xf32, #tpu.memory_space<vmem>>, vector<1x1x1x8x128xf32>,
    %slice3A_775 = vector.extract_strided_slice %concatenate3A {offsets = [16, 1920], sizes = [8, 128], strides = [1, 1]} : vector<64x4096xf32> to vector<8x128xf32>
    %swap3A_776 = arith.constant 0 : index
    %swap3A_777 = arith.constant 2 : index
    %swap3A_778 = arith.constant 15 : index
    %swap3A_779 = arith.constant 0 : index
    %swap3A_780 = arith.constant 0 : index
    %swap3A_781 = vector.load %arg7[%swap3A_776, %swap3A_777, %swap3A_778, %swap3A_779, %swap3A_780] : memref<1x8x32x8x128xf32, #tpu.memory_space<vmem>>, vector<1x1x1x8x128xf32>
    %swap3A_782 = vector.shape_cast %swap3A_781 : vector<1x1x1x8x128xf32> to vector<8x128xf32>
    %swap3A_783 = vector.shape_cast %slice3A_775 : vector<8x128xf32> to vector<1x1x1x8x128xf32>
    tpu.vector_store %arg7[%swap3A_776, %swap3A_777, %swap3A_778, %swap3A_779, %swap3A_780], %swap3A_783 {strides = array<i32>} : memref<1x8x32x8x128xf32, #tpu.memory_space<vmem>>, vector<1x1x1x8x128xf32>,
    %slice3A_784 = vector.extract_strided_slice %concatenate3A {offsets = [16, 2048], sizes = [8, 128], strides = [1, 1]} : vector<64x4096xf32> to vector<8x128xf32>
    %swap3A_785 = arith.constant 0 : index
    %swap3A_786 = arith.constant 2 : index
    %swap3A_787 = arith.constant 16 : index
    %swap3A_788 = arith.constant 0 : index
    %swap3A_789 = arith.constant 0 : index
    %swap3A_790 = vector.load %arg7[%swap3A_785, %swap3A_786, %swap3A_787, %swap3A_788, %swap3A_789] : memref<1x8x32x8x128xf32, #tpu.memory_space<vmem>>, vector<1x1x1x8x128xf32>
    %swap3A_791 = vector.shape_cast %swap3A_790 : vector<1x1x1x8x128xf32> to vector<8x128xf32>
    %swap3A_792 = vector.shape_cast %slice3A_784 : vector<8x128xf32> to vector<1x1x1x8x128xf32>
    tpu.vector_store %arg7[%swap3A_785, %swap3A_786, %swap3A_787, %swap3A_788, %swap3A_789], %swap3A_792 {strides = array<i32>} : memref<1x8x32x8x128xf32, #tpu.memory_space<vmem>>, vector<1x1x1x8x128xf32>,
    %slice3A_793 = vector.extract_strided_slice %concatenate3A {offsets = [16, 2176], sizes = [8, 128], strides = [1, 1]} : vector<64x4096xf32> to vector<8x128xf32>
    %swap3A_794 = arith.constant 0 : index
    %swap3A_795 = arith.constant 2 : index
    %swap3A_796 = arith.constant 17 : index
    %swap3A_797 = arith.constant 0 : index
    %swap3A_798 = arith.constant 0 : index
    %swap3A_799 = vector.load %arg7[%swap3A_794, %swap3A_795, %swap3A_796, %swap3A_797, %swap3A_798] : memref<1x8x32x8x128xf32, #tpu.memory_space<vmem>>, vector<1x1x1x8x128xf32>
    %swap3A_800 = vector.shape_cast %swap3A_799 : vector<1x1x1x8x128xf32> to vector<8x128xf32>
    %swap3A_801 = vector.shape_cast %slice3A_793 : vector<8x128xf32> to vector<1x1x1x8x128xf32>
    tpu.vector_store %arg7[%swap3A_794, %swap3A_795, %swap3A_796, %swap3A_797, %swap3A_798], %swap3A_801 {strides = array<i32>} : memref<1x8x32x8x128xf32, #tpu.memory_space<vmem>>, vector<1x1x1x8x128xf32>,
    %slice3A_802 = vector.extract_strided_slice %concatenate3A {offsets = [16, 2304], sizes = [8, 128], strides = [1, 1]} : vector<64x4096xf32> to vector<8x128xf32>
    %swap3A_803 = arith.constant 0 : index
    %swap3A_804 = arith.constant 2 : index
    %swap3A_805 = arith.constant 18 : index
    %swap3A_806 = arith.constant 0 : index
    %swap3A_807 = arith.constant 0 : index
    %swap3A_808 = vector.load %arg7[%swap3A_803, %swap3A_804, %swap3A_805, %swap3A_806, %swap3A_807] : memref<1x8x32x8x128xf32, #tpu.memory_space<vmem>>, vector<1x1x1x8x128xf32>
    %swap3A_809 = vector.shape_cast %swap3A_808 : vector<1x1x1x8x128xf32> to vector<8x128xf32>
    %swap3A_810 = vector.shape_cast %slice3A_802 : vector<8x128xf32> to vector<1x1x1x8x128xf32>
    tpu.vector_store %arg7[%swap3A_803, %swap3A_804, %swap3A_805, %swap3A_806, %swap3A_807], %swap3A_810 {strides = array<i32>} : memref<1x8x32x8x128xf32, #tpu.memory_space<vmem>>, vector<1x1x1x8x128xf32>,
    %slice3A_811 = vector.extract_strided_slice %concatenate3A {offsets = [16, 2432], sizes = [8, 128], strides = [1, 1]} : vector<64x4096xf32> to vector<8x128xf32>
    %swap3A_812 = arith.constant 0 : index
    %swap3A_813 = arith.constant 2 : index
    %swap3A_814 = arith.constant 19 : index
    %swap3A_815 = arith.constant 0 : index
    %swap3A_816 = arith.constant 0 : index
    %swap3A_817 = vector.load %arg7[%swap3A_812, %swap3A_813, %swap3A_814, %swap3A_815, %swap3A_816] : memref<1x8x32x8x128xf32, #tpu.memory_space<vmem>>, vector<1x1x1x8x128xf32>
    %swap3A_818 = vector.shape_cast %swap3A_817 : vector<1x1x1x8x128xf32> to vector<8x128xf32>
    %swap3A_819 = vector.shape_cast %slice3A_811 : vector<8x128xf32> to vector<1x1x1x8x128xf32>
    tpu.vector_store %arg7[%swap3A_812, %swap3A_813, %swap3A_814, %swap3A_815, %swap3A_816], %swap3A_819 {strides = array<i32>} : memref<1x8x32x8x128xf32, #tpu.memory_space<vmem>>, vector<1x1x1x8x128xf32>,
    %slice3A_820 = vector.extract_strided_slice %concatenate3A {offsets = [16, 2560], sizes = [8, 128], strides = [1, 1]} : vector<64x4096xf32> to vector<8x128xf32>
    %swap3A_821 = arith.constant 0 : index
    %swap3A_822 = arith.constant 2 : index
    %swap3A_823 = arith.constant 20 : index
    %swap3A_824 = arith.constant 0 : index
    %swap3A_825 = arith.constant 0 : index
    %swap3A_826 = vector.load %arg7[%swap3A_821, %swap3A_822, %swap3A_823, %swap3A_824, %swap3A_825] : memref<1x8x32x8x128xf32, #tpu.memory_space<vmem>>, vector<1x1x1x8x128xf32>
    %swap3A_827 = vector.shape_cast %swap3A_826 : vector<1x1x1x8x128xf32> to vector<8x128xf32>
    %swap3A_828 = vector.shape_cast %slice3A_820 : vector<8x128xf32> to vector<1x1x1x8x128xf32>
    tpu.vector_store %arg7[%swap3A_821, %swap3A_822, %swap3A_823, %swap3A_824, %swap3A_825], %swap3A_828 {strides = array<i32>} : memref<1x8x32x8x128xf32, #tpu.memory_space<vmem>>, vector<1x1x1x8x128xf32>,
    %slice3A_829 = vector.extract_strided_slice %concatenate3A {offsets = [16, 2688], sizes = [8, 128], strides = [1, 1]} : vector<64x4096xf32> to vector<8x128xf32>
    %swap3A_830 = arith.constant 0 : index
    %swap3A_831 = arith.constant 2 : index
    %swap3A_832 = arith.constant 21 : index
    %swap3A_833 = arith.constant 0 : index
    %swap3A_834 = arith.constant 0 : index
    %swap3A_835 = vector.load %arg7[%swap3A_830, %swap3A_831, %swap3A_832, %swap3A_833, %swap3A_834] : memref<1x8x32x8x128xf32, #tpu.memory_space<vmem>>, vector<1x1x1x8x128xf32>
    %swap3A_836 = vector.shape_cast %swap3A_835 : vector<1x1x1x8x128xf32> to vector<8x128xf32>
    %swap3A_837 = vector.shape_cast %slice3A_829 : vector<8x128xf32> to vector<1x1x1x8x128xf32>
    tpu.vector_store %arg7[%swap3A_830, %swap3A_831, %swap3A_832, %swap3A_833, %swap3A_834], %swap3A_837 {strides = array<i32>} : memref<1x8x32x8x128xf32, #tpu.memory_space<vmem>>, vector<1x1x1x8x128xf32>,
    %slice3A_838 = vector.extract_strided_slice %concatenate3A {offsets = [16, 2816], sizes = [8, 128], strides = [1, 1]} : vector<64x4096xf32> to vector<8x128xf32>
    %swap3A_839 = arith.constant 0 : index
    %swap3A_840 = arith.constant 2 : index
    %swap3A_841 = arith.constant 22 : index
    %swap3A_842 = arith.constant 0 : index
    %swap3A_843 = arith.constant 0 : index
    %swap3A_844 = vector.load %arg7[%swap3A_839, %swap3A_840, %swap3A_841, %swap3A_842, %swap3A_843] : memref<1x8x32x8x128xf32, #tpu.memory_space<vmem>>, vector<1x1x1x8x128xf32>
    %swap3A_845 = vector.shape_cast %swap3A_844 : vector<1x1x1x8x128xf32> to vector<8x128xf32>
    %swap3A_846 = vector.shape_cast %slice3A_838 : vector<8x128xf32> to vector<1x1x1x8x128xf32>
    tpu.vector_store %arg7[%swap3A_839, %swap3A_840, %swap3A_841, %swap3A_842, %swap3A_843], %swap3A_846 {strides = array<i32>} : memref<1x8x32x8x128xf32, #tpu.memory_space<vmem>>, vector<1x1x1x8x128xf32>,
    %slice3A_847 = vector.extract_strided_slice %concatenate3A {offsets = [16, 2944], sizes = [8, 128], strides = [1, 1]} : vector<64x4096xf32> to vector<8x128xf32>
    %swap3A_848 = arith.constant 0 : index
    %swap3A_849 = arith.constant 2 : index
    %swap3A_850 = arith.constant 23 : index
    %swap3A_851 = arith.constant 0 : index
    %swap3A_852 = arith.constant 0 : index
    %swap3A_853 = vector.load %arg7[%swap3A_848, %swap3A_849, %swap3A_850, %swap3A_851, %swap3A_852] : memref<1x8x32x8x128xf32, #tpu.memory_space<vmem>>, vector<1x1x1x8x128xf32>
    %swap3A_854 = vector.shape_cast %swap3A_853 : vector<1x1x1x8x128xf32> to vector<8x128xf32>
    %swap3A_855 = vector.shape_cast %slice3A_847 : vector<8x128xf32> to vector<1x1x1x8x128xf32>
    tpu.vector_store %arg7[%swap3A_848, %swap3A_849, %swap3A_850, %swap3A_851, %swap3A_852], %swap3A_855 {strides = array<i32>} : memref<1x8x32x8x128xf32, #tpu.memory_space<vmem>>, vector<1x1x1x8x128xf32>,
    %slice3A_856 = vector.extract_strided_slice %concatenate3A {offsets = [16, 3072], sizes = [8, 128], strides = [1, 1]} : vector<64x4096xf32> to vector<8x128xf32>
    %swap3A_857 = arith.constant 0 : index
    %swap3A_858 = arith.constant 2 : index
    %swap3A_859 = arith.constant 24 : index
    %swap3A_860 = arith.constant 0 : index
    %swap3A_861 = arith.constant 0 : index
    %swap3A_862 = vector.load %arg7[%swap3A_857, %swap3A_858, %swap3A_859, %swap3A_860, %swap3A_861] : memref<1x8x32x8x128xf32, #tpu.memory_space<vmem>>, vector<1x1x1x8x128xf32>
    %swap3A_863 = vector.shape_cast %swap3A_862 : vector<1x1x1x8x128xf32> to vector<8x128xf32>
    %swap3A_864 = vector.shape_cast %slice3A_856 : vector<8x128xf32> to vector<1x1x1x8x128xf32>
    tpu.vector_store %arg7[%swap3A_857, %swap3A_858, %swap3A_859, %swap3A_860, %swap3A_861], %swap3A_864 {strides = array<i32>} : memref<1x8x32x8x128xf32, #tpu.memory_space<vmem>>, vector<1x1x1x8x128xf32>,
    %slice3A_865 = vector.extract_strided_slice %concatenate3A {offsets = [16, 3200], sizes = [8, 128], strides = [1, 1]} : vector<64x4096xf32> to vector<8x128xf32>
    %swap3A_866 = arith.constant 0 : index
    %swap3A_867 = arith.constant 2 : index
    %swap3A_868 = arith.constant 25 : index
    %swap3A_869 = arith.constant 0 : index
    %swap3A_870 = arith.constant 0 : index
    %swap3A_871 = vector.load %arg7[%swap3A_866, %swap3A_867, %swap3A_868, %swap3A_869, %swap3A_870] : memref<1x8x32x8x128xf32, #tpu.memory_space<vmem>>, vector<1x1x1x8x128xf32>
    %swap3A_872 = vector.shape_cast %swap3A_871 : vector<1x1x1x8x128xf32> to vector<8x128xf32>
    %swap3A_873 = vector.shape_cast %slice3A_865 : vector<8x128xf32> to vector<1x1x1x8x128xf32>
    tpu.vector_store %arg7[%swap3A_866, %swap3A_867, %swap3A_868, %swap3A_869, %swap3A_870], %swap3A_873 {strides = array<i32>} : memref<1x8x32x8x128xf32, #tpu.memory_space<vmem>>, vector<1x1x1x8x128xf32>,
    %slice3A_874 = vector.extract_strided_slice %concatenate3A {offsets = [16, 3328], sizes = [8, 128], strides = [1, 1]} : vector<64x4096xf32> to vector<8x128xf32>
    %swap3A_875 = arith.constant 0 : index
    %swap3A_876 = arith.constant 2 : index
    %swap3A_877 = arith.constant 26 : index
    %swap3A_878 = arith.constant 0 : index
    %swap3A_879 = arith.constant 0 : index
    %swap3A_880 = vector.load %arg7[%swap3A_875, %swap3A_876, %swap3A_877, %swap3A_878, %swap3A_879] : memref<1x8x32x8x128xf32, #tpu.memory_space<vmem>>, vector<1x1x1x8x128xf32>
    %swap3A_881 = vector.shape_cast %swap3A_880 : vector<1x1x1x8x128xf32> to vector<8x128xf32>
    %swap3A_882 = vector.shape_cast %slice3A_874 : vector<8x128xf32> to vector<1x1x1x8x128xf32>
    tpu.vector_store %arg7[%swap3A_875, %swap3A_876, %swap3A_877, %swap3A_878, %swap3A_879], %swap3A_882 {strides = array<i32>} : memref<1x8x32x8x128xf32, #tpu.memory_space<vmem>>, vector<1x1x1x8x128xf32>,
    %slice3A_883 = vector.extract_strided_slice %concatenate3A {offsets = [16, 3456], sizes = [8, 128], strides = [1, 1]} : vector<64x4096xf32> to vector<8x128xf32>
    %swap3A_884 = arith.constant 0 : index
    %swap3A_885 = arith.constant 2 : index
    %swap3A_886 = arith.constant 27 : index
    %swap3A_887 = arith.constant 0 : index
    %swap3A_888 = arith.constant 0 : index
    %swap3A_889 = vector.load %arg7[%swap3A_884, %swap3A_885, %swap3A_886, %swap3A_887, %swap3A_888] : memref<1x8x32x8x128xf32, #tpu.memory_space<vmem>>, vector<1x1x1x8x128xf32>
    %swap3A_890 = vector.shape_cast %swap3A_889 : vector<1x1x1x8x128xf32> to vector<8x128xf32>
    %swap3A_891 = vector.shape_cast %slice3A_883 : vector<8x128xf32> to vector<1x1x1x8x128xf32>
    tpu.vector_store %arg7[%swap3A_884, %swap3A_885, %swap3A_886, %swap3A_887, %swap3A_888], %swap3A_891 {strides = array<i32>} : memref<1x8x32x8x128xf32, #tpu.memory_space<vmem>>, vector<1x1x1x8x128xf32>,
    %slice3A_892 = vector.extract_strided_slice %concatenate3A {offsets = [16, 3584], sizes = [8, 128], strides = [1, 1]} : vector<64x4096xf32> to vector<8x128xf32>
    %swap3A_893 = arith.constant 0 : index
    %swap3A_894 = arith.constant 2 : index
    %swap3A_895 = arith.constant 28 : index
    %swap3A_896 = arith.constant 0 : index
    %swap3A_897 = arith.constant 0 : index
    %swap3A_898 = vector.load %arg7[%swap3A_893, %swap3A_894, %swap3A_895, %swap3A_896, %swap3A_897] : memref<1x8x32x8x128xf32, #tpu.memory_space<vmem>>, vector<1x1x1x8x128xf32>
    %swap3A_899 = vector.shape_cast %swap3A_898 : vector<1x1x1x8x128xf32> to vector<8x128xf32>
    %swap3A_900 = vector.shape_cast %slice3A_892 : vector<8x128xf32> to vector<1x1x1x8x128xf32>
    tpu.vector_store %arg7[%swap3A_893, %swap3A_894, %swap3A_895, %swap3A_896, %swap3A_897], %swap3A_900 {strides = array<i32>} : memref<1x8x32x8x128xf32, #tpu.memory_space<vmem>>, vector<1x1x1x8x128xf32>,
    %slice3A_901 = vector.extract_strided_slice %concatenate3A {offsets = [16, 3712], sizes = [8, 128], strides = [1, 1]} : vector<64x4096xf32> to vector<8x128xf32>
    %swap3A_902 = arith.constant 0 : index
    %swap3A_903 = arith.constant 2 : index
    %swap3A_904 = arith.constant 29 : index
    %swap3A_905 = arith.constant 0 : index
    %swap3A_906 = arith.constant 0 : index
    %swap3A_907 = vector.load %arg7[%swap3A_902, %swap3A_903, %swap3A_904, %swap3A_905, %swap3A_906] : memref<1x8x32x8x128xf32, #tpu.memory_space<vmem>>, vector<1x1x1x8x128xf32>
    %swap3A_908 = vector.shape_cast %swap3A_907 : vector<1x1x1x8x128xf32> to vector<8x128xf32>
    %swap3A_909 = vector.shape_cast %slice3A_901 : vector<8x128xf32> to vector<1x1x1x8x128xf32>
    tpu.vector_store %arg7[%swap3A_902, %swap3A_903, %swap3A_904, %swap3A_905, %swap3A_906], %swap3A_909 {strides = array<i32>} : memref<1x8x32x8x128xf32, #tpu.memory_space<vmem>>, vector<1x1x1x8x128xf32>,
    %slice3A_910 = vector.extract_strided_slice %concatenate3A {offsets = [16, 3840], sizes = [8, 128], strides = [1, 1]} : vector<64x4096xf32> to vector<8x128xf32>
    %swap3A_911 = arith.constant 0 : index
    %swap3A_912 = arith.constant 2 : index
    %swap3A_913 = arith.constant 30 : index
    %swap3A_914 = arith.constant 0 : index
    %swap3A_915 = arith.constant 0 : index
    %swap3A_916 = vector.load %arg7[%swap3A_911, %swap3A_912, %swap3A_913, %swap3A_914, %swap3A_915] : memref<1x8x32x8x128xf32, #tpu.memory_space<vmem>>, vector<1x1x1x8x128xf32>
    %swap3A_917 = vector.shape_cast %swap3A_916 : vector<1x1x1x8x128xf32> to vector<8x128xf32>
    %swap3A_918 = vector.shape_cast %slice3A_910 : vector<8x128xf32> to vector<1x1x1x8x128xf32>
    tpu.vector_store %arg7[%swap3A_911, %swap3A_912, %swap3A_913, %swap3A_914, %swap3A_915], %swap3A_918 {strides = array<i32>} : memref<1x8x32x8x128xf32, #tpu.memory_space<vmem>>, vector<1x1x1x8x128xf32>,
    %slice3A_919 = vector.extract_strided_slice %concatenate3A {offsets = [16, 3968], sizes = [8, 128], strides = [1, 1]} : vector<64x4096xf32> to vector<8x128xf32>
    %swap3A_920 = arith.constant 0 : index
    %swap3A_921 = arith.constant 2 : index
    %swap3A_922 = arith.constant 31 : index
    %swap3A_923 = arith.constant 0 : index
    %swap3A_924 = arith.constant 0 : index
    %swap3A_925 = vector.load %arg7[%swap3A_920, %swap3A_921, %swap3A_922, %swap3A_923, %swap3A_924] : memref<1x8x32x8x128xf32, #tpu.memory_space<vmem>>, vector<1x1x1x8x128xf32>
    %swap3A_926 = vector.shape_cast %swap3A_925 : vector<1x1x1x8x128xf32> to vector<8x128xf32>
    %swap3A_927 = vector.shape_cast %slice3A_919 : vector<8x128xf32> to vector<1x1x1x8x128xf32>
    tpu.vector_store %arg7[%swap3A_920, %swap3A_921, %swap3A_922, %swap3A_923, %swap3A_924], %swap3A_927 {strides = array<i32>} : memref<1x8x32x8x128xf32, #tpu.memory_space<vmem>>, vector<1x1x1x8x128xf32>,
    %slice3A_928 = vector.extract_strided_slice %concatenate3A {offsets = [24, 0], sizes = [8, 128], strides = [1, 1]} : vector<64x4096xf32> to vector<8x128xf32>
    %swap3A_929 = arith.constant 0 : index
    %swap3A_930 = arith.constant 3 : index
    %swap3A_931 = arith.constant 0 : index
    %swap3A_932 = arith.constant 0 : index
    %swap3A_933 = arith.constant 0 : index
    %swap3A_934 = vector.load %arg7[%swap3A_929, %swap3A_930, %swap3A_931, %swap3A_932, %swap3A_933] : memref<1x8x32x8x128xf32, #tpu.memory_space<vmem>>, vector<1x1x1x8x128xf32>
    %swap3A_935 = vector.shape_cast %swap3A_934 : vector<1x1x1x8x128xf32> to vector<8x128xf32>
    %swap3A_936 = vector.shape_cast %slice3A_928 : vector<8x128xf32> to vector<1x1x1x8x128xf32>
    tpu.vector_store %arg7[%swap3A_929, %swap3A_930, %swap3A_931, %swap3A_932, %swap3A_933], %swap3A_936 {strides = array<i32>} : memref<1x8x32x8x128xf32, #tpu.memory_space<vmem>>, vector<1x1x1x8x128xf32>,
    %slice3A_937 = vector.extract_strided_slice %concatenate3A {offsets = [24, 128], sizes = [8, 128], strides = [1, 1]} : vector<64x4096xf32> to vector<8x128xf32>
    %swap3A_938 = arith.constant 0 : index
    %swap3A_939 = arith.constant 3 : index
    %swap3A_940 = arith.constant 1 : index
    %swap3A_941 = arith.constant 0 : index
    %swap3A_942 = arith.constant 0 : index
    %swap3A_943 = vector.load %arg7[%swap3A_938, %swap3A_939, %swap3A_940, %swap3A_941, %swap3A_942] : memref<1x8x32x8x128xf32, #tpu.memory_space<vmem>>, vector<1x1x1x8x128xf32>
    %swap3A_944 = vector.shape_cast %swap3A_943 : vector<1x1x1x8x128xf32> to vector<8x128xf32>
    %swap3A_945 = vector.shape_cast %slice3A_937 : vector<8x128xf32> to vector<1x1x1x8x128xf32>
    tpu.vector_store %arg7[%swap3A_938, %swap3A_939, %swap3A_940, %swap3A_941, %swap3A_942], %swap3A_945 {strides = array<i32>} : memref<1x8x32x8x128xf32, #tpu.memory_space<vmem>>, vector<1x1x1x8x128xf32>,
    %slice3A_946 = vector.extract_strided_slice %concatenate3A {offsets = [24, 256], sizes = [8, 128], strides = [1, 1]} : vector<64x4096xf32> to vector<8x128xf32>
    %swap3A_947 = arith.constant 0 : index
    %swap3A_948 = arith.constant 3 : index
    %swap3A_949 = arith.constant 2 : index
    %swap3A_950 = arith.constant 0 : index
    %swap3A_951 = arith.constant 0 : index
    %swap3A_952 = vector.load %arg7[%swap3A_947, %swap3A_948, %swap3A_949, %swap3A_950, %swap3A_951] : memref<1x8x32x8x128xf32, #tpu.memory_space<vmem>>, vector<1x1x1x8x128xf32>
    %swap3A_953 = vector.shape_cast %swap3A_952 : vector<1x1x1x8x128xf32> to vector<8x128xf32>
    %swap3A_954 = vector.shape_cast %slice3A_946 : vector<8x128xf32> to vector<1x1x1x8x128xf32>
    tpu.vector_store %arg7[%swap3A_947, %swap3A_948, %swap3A_949, %swap3A_950, %swap3A_951], %swap3A_954 {strides = array<i32>} : memref<1x8x32x8x128xf32, #tpu.memory_space<vmem>>, vector<1x1x1x8x128xf32>,
    %slice3A_955 = vector.extract_strided_slice %concatenate3A {offsets = [24, 384], sizes = [8, 128], strides = [1, 1]} : vector<64x4096xf32> to vector<8x128xf32>
    %swap3A_956 = arith.constant 0 : index
    %swap3A_957 = arith.constant 3 : index
    %swap3A_958 = arith.constant 3 : index
    %swap3A_959 = arith.constant 0 : index
    %swap3A_960 = arith.constant 0 : index
    %swap3A_961 = vector.load %arg7[%swap3A_956, %swap3A_957, %swap3A_958, %swap3A_959, %swap3A_960] : memref<1x8x32x8x128xf32, #tpu.memory_space<vmem>>, vector<1x1x1x8x128xf32>
    %swap3A_962 = vector.shape_cast %swap3A_961 : vector<1x1x1x8x128xf32> to vector<8x128xf32>
    %swap3A_963 = vector.shape_cast %slice3A_955 : vector<8x128xf32> to vector<1x1x1x8x128xf32>
    tpu.vector_store %arg7[%swap3A_956, %swap3A_957, %swap3A_958, %swap3A_959, %swap3A_960], %swap3A_963 {strides = array<i32>} : memref<1x8x32x8x128xf32, #tpu.memory_space<vmem>>, vector<1x1x1x8x128xf32>,
    %slice3A_964 = vector.extract_strided_slice %concatenate3A {offsets = [24, 512], sizes = [8, 128], strides = [1, 1]} : vector<64x4096xf32> to vector<8x128xf32>
    %swap3A_965 = arith.constant 0 : index
    %swap3A_966 = arith.constant 3 : index
    %swap3A_967 = arith.constant 4 : index
    %swap3A_968 = arith.constant 0 : index
    %swap3A_969 = arith.constant 0 : index
    %swap3A_970 = vector.load %arg7[%swap3A_965, %swap3A_966, %swap3A_967, %swap3A_968, %swap3A_969] : memref<1x8x32x8x128xf32, #tpu.memory_space<vmem>>, vector<1x1x1x8x128xf32>
    %swap3A_971 = vector.shape_cast %swap3A_970 : vector<1x1x1x8x128xf32> to vector<8x128xf32>
    %swap3A_972 = vector.shape_cast %slice3A_964 : vector<8x128xf32> to vector<1x1x1x8x128xf32>
    tpu.vector_store %arg7[%swap3A_965, %swap3A_966, %swap3A_967, %swap3A_968, %swap3A_969], %swap3A_972 {strides = array<i32>} : memref<1x8x32x8x128xf32, #tpu.memory_space<vmem>>, vector<1x1x1x8x128xf32>,
    %slice3A_973 = vector.extract_strided_slice %concatenate3A {offsets = [24, 640], sizes = [8, 128], strides = [1, 1]} : vector<64x4096xf32> to vector<8x128xf32>
    %swap3A_974 = arith.constant 0 : index
    %swap3A_975 = arith.constant 3 : index
    %swap3A_976 = arith.constant 5 : index
    %swap3A_977 = arith.constant 0 : index
    %swap3A_978 = arith.constant 0 : index
    %swap3A_979 = vector.load %arg7[%swap3A_974, %swap3A_975, %swap3A_976, %swap3A_977, %swap3A_978] : memref<1x8x32x8x128xf32, #tpu.memory_space<vmem>>, vector<1x1x1x8x128xf32>
    %swap3A_980 = vector.shape_cast %swap3A_979 : vector<1x1x1x8x128xf32> to vector<8x128xf32>
    %swap3A_981 = vector.shape_cast %slice3A_973 : vector<8x128xf32> to vector<1x1x1x8x128xf32>
    tpu.vector_store %arg7[%swap3A_974, %swap3A_975, %swap3A_976, %swap3A_977, %swap3A_978], %swap3A_981 {strides = array<i32>} : memref<1x8x32x8x128xf32, #tpu.memory_space<vmem>>, vector<1x1x1x8x128xf32>,
    %slice3A_982 = vector.extract_strided_slice %concatenate3A {offsets = [24, 768], sizes = [8, 128], strides = [1, 1]} : vector<64x4096xf32> to vector<8x128xf32>
    %swap3A_983 = arith.constant 0 : index
    %swap3A_984 = arith.constant 3 : index
    %swap3A_985 = arith.constant 6 : index
    %swap3A_986 = arith.constant 0 : index
    %swap3A_987 = arith.constant 0 : index
    %swap3A_988 = vector.load %arg7[%swap3A_983, %swap3A_984, %swap3A_985, %swap3A_986, %swap3A_987] : memref<1x8x32x8x128xf32, #tpu.memory_space<vmem>>, vector<1x1x1x8x128xf32>
    %swap3A_989 = vector.shape_cast %swap3A_988 : vector<1x1x1x8x128xf32> to vector<8x128xf32>
    %swap3A_990 = vector.shape_cast %slice3A_982 : vector<8x128xf32> to vector<1x1x1x8x128xf32>
    tpu.vector_store %arg7[%swap3A_983, %swap3A_984, %swap3A_985, %swap3A_986, %swap3A_987], %swap3A_990 {strides = array<i32>} : memref<1x8x32x8x128xf32, #tpu.memory_space<vmem>>, vector<1x1x1x8x128xf32>,
    %slice3A_991 = vector.extract_strided_slice %concatenate3A {offsets = [24, 896], sizes = [8, 128], strides = [1, 1]} : vector<64x4096xf32> to vector<8x128xf32>
    %swap3A_992 = arith.constant 0 : index
    %swap3A_993 = arith.constant 3 : index
    %swap3A_994 = arith.constant 7 : index
    %swap3A_995 = arith.constant 0 : index
    %swap3A_996 = arith.constant 0 : index
    %swap3A_997 = vector.load %arg7[%swap3A_992, %swap3A_993, %swap3A_994, %swap3A_995, %swap3A_996] : memref<1x8x32x8x128xf32, #tpu.memory_space<vmem>>, vector<1x1x1x8x128xf32>
    %swap3A_998 = vector.shape_cast %swap3A_997 : vector<1x1x1x8x128xf32> to vector<8x128xf32>
    %swap3A_999 = vector.shape_cast %slice3A_991 : vector<8x128xf32> to vector<1x1x1x8x128xf32>
    tpu.vector_store %arg7[%swap3A_992, %swap3A_993, %swap3A_994, %swap3A_995, %swap3A_996], %swap3A_999 {strides = array<i32>} : memref<1x8x32x8x128xf32, #tpu.memory_space<vmem>>, vector<1x1x1x8x128xf32>,
    %slice3A_1000 = vector.extract_strided_slice %concatenate3A {offsets = [24, 1024], sizes = [8, 128], strides = [1, 1]} : vector<64x4096xf32> to vector<8x128xf32>
    %swap3A_1001 = arith.constant 0 : index
    %swap3A_1002 = arith.constant 3 : index
    %swap3A_1003 = arith.constant 8 : index
    %swap3A_1004 = arith.constant 0 : index
    %swap3A_1005 = arith.constant 0 : index
    %swap3A_1006 = vector.load %arg7[%swap3A_1001, %swap3A_1002, %swap3A_1003, %swap3A_1004, %swap3A_1005] : memref<1x8x32x8x128xf32, #tpu.memory_space<vmem>>, vector<1x1x1x8x128xf32>
    %swap3A_1007 = vector.shape_cast %swap3A_1006 : vector<1x1x1x8x128xf32> to vector<8x128xf32>
    %swap3A_1008 = vector.shape_cast %slice3A_1000 : vector<8x128xf32> to vector<1x1x1x8x128xf32>
    tpu.vector_store %arg7[%swap3A_1001, %swap3A_1002, %swap3A_1003, %swap3A_1004, %swap3A_1005], %swap3A_1008 {strides = array<i32>} : memref<1x8x32x8x128xf32, #tpu.memory_space<vmem>>, vector<1x1x1x8x128xf32>,
    %slice3A_1009 = vector.extract_strided_slice %concatenate3A {offsets = [24, 1152], sizes = [8, 128], strides = [1, 1]} : vector<64x4096xf32> to vector<8x128xf32>
    %swap3A_1010 = arith.constant 0 : index
    %swap3A_1011 = arith.constant 3 : index
    %swap3A_1012 = arith.constant 9 : index
    %swap3A_1013 = arith.constant 0 : index
    %swap3A_1014 = arith.constant 0 : index
    %swap3A_1015 = vector.load %arg7[%swap3A_1010, %swap3A_1011, %swap3A_1012, %swap3A_1013, %swap3A_1014] : memref<1x8x32x8x128xf32, #tpu.memory_space<vmem>>, vector<1x1x1x8x128xf32>
    %swap3A_1016 = vector.shape_cast %swap3A_1015 : vector<1x1x1x8x128xf32> to vector<8x128xf32>
    %swap3A_1017 = vector.shape_cast %slice3A_1009 : vector<8x128xf32> to vector<1x1x1x8x128xf32>
    tpu.vector_store %arg7[%swap3A_1010, %swap3A_1011, %swap3A_1012, %swap3A_1013, %swap3A_1014], %swap3A_1017 {strides = array<i32>} : memref<1x8x32x8x128xf32, #tpu.memory_space<vmem>>, vector<1x1x1x8x128xf32>,
    %slice3A_1018 = vector.extract_strided_slice %concatenate3A {offsets = [24, 1280], sizes = [8, 128], strides = [1, 1]} : vector<64x4096xf32> to vector<8x128xf32>
    %swap3A_1019 = arith.constant 0 : index
    %swap3A_1020 = arith.constant 3 : index
    %swap3A_1021 = arith.constant 10 : index
    %swap3A_1022 = arith.constant 0 : index
    %swap3A_1023 = arith.constant 0 : index
    %swap3A_1024 = vector.load %arg7[%swap3A_1019, %swap3A_1020, %swap3A_1021, %swap3A_1022, %swap3A_1023] : memref<1x8x32x8x128xf32, #tpu.memory_space<vmem>>, vector<1x1x1x8x128xf32>
    %swap3A_1025 = vector.shape_cast %swap3A_1024 : vector<1x1x1x8x128xf32> to vector<8x128xf32>
    %swap3A_1026 = vector.shape_cast %slice3A_1018 : vector<8x128xf32> to vector<1x1x1x8x128xf32>
    tpu.vector_store %arg7[%swap3A_1019, %swap3A_1020, %swap3A_1021, %swap3A_1022, %swap3A_1023], %swap3A_1026 {strides = array<i32>} : memref<1x8x32x8x128xf32, #tpu.memory_space<vmem>>, vector<1x1x1x8x128xf32>,
    %slice3A_1027 = vector.extract_strided_slice %concatenate3A {offsets = [24, 1408], sizes = [8, 128], strides = [1, 1]} : vector<64x4096xf32> to vector<8x128xf32>
    %swap3A_1028 = arith.constant 0 : index
    %swap3A_1029 = arith.constant 3 : index
    %swap3A_1030 = arith.constant 11 : index
    %swap3A_1031 = arith.constant 0 : index
    %swap3A_1032 = arith.constant 0 : index
    %swap3A_1033 = vector.load %arg7[%swap3A_1028, %swap3A_1029, %swap3A_1030, %swap3A_1031, %swap3A_1032] : memref<1x8x32x8x128xf32, #tpu.memory_space<vmem>>, vector<1x1x1x8x128xf32>
    %swap3A_1034 = vector.shape_cast %swap3A_1033 : vector<1x1x1x8x128xf32> to vector<8x128xf32>
    %swap3A_1035 = vector.shape_cast %slice3A_1027 : vector<8x128xf32> to vector<1x1x1x8x128xf32>
    tpu.vector_store %arg7[%swap3A_1028, %swap3A_1029, %swap3A_1030, %swap3A_1031, %swap3A_1032], %swap3A_1035 {strides = array<i32>} : memref<1x8x32x8x128xf32, #tpu.memory_space<vmem>>, vector<1x1x1x8x128xf32>,
    %slice3A_1036 = vector.extract_strided_slice %concatenate3A {offsets = [24, 1536], sizes = [8, 128], strides = [1, 1]} : vector<64x4096xf32> to vector<8x128xf32>
    %swap3A_1037 = arith.constant 0 : index
    %swap3A_1038 = arith.constant 3 : index
    %swap3A_1039 = arith.constant 12 : index
    %swap3A_1040 = arith.constant 0 : index
    %swap3A_1041 = arith.constant 0 : index
    %swap3A_1042 = vector.load %arg7[%swap3A_1037, %swap3A_1038, %swap3A_1039, %swap3A_1040, %swap3A_1041] : memref<1x8x32x8x128xf32, #tpu.memory_space<vmem>>, vector<1x1x1x8x128xf32>
    %swap3A_1043 = vector.shape_cast %swap3A_1042 : vector<1x1x1x8x128xf32> to vector<8x128xf32>
    %swap3A_1044 = vector.shape_cast %slice3A_1036 : vector<8x128xf32> to vector<1x1x1x8x128xf32>
    tpu.vector_store %arg7[%swap3A_1037, %swap3A_1038, %swap3A_1039, %swap3A_1040, %swap3A_1041], %swap3A_1044 {strides = array<i32>} : memref<1x8x32x8x128xf32, #tpu.memory_space<vmem>>, vector<1x1x1x8x128xf32>,
    %slice3A_1045 = vector.extract_strided_slice %concatenate3A {offsets = [24, 1664], sizes = [8, 128], strides = [1, 1]} : vector<64x4096xf32> to vector<8x128xf32>
    %swap3A_1046 = arith.constant 0 : index
    %swap3A_1047 = arith.constant 3 : index
    %swap3A_1048 = arith.constant 13 : index
    %swap3A_1049 = arith.constant 0 : index
    %swap3A_1050 = arith.constant 0 : index
    %swap3A_1051 = vector.load %arg7[%swap3A_1046, %swap3A_1047, %swap3A_1048, %swap3A_1049, %swap3A_1050] : memref<1x8x32x8x128xf32, #tpu.memory_space<vmem>>, vector<1x1x1x8x128xf32>
    %swap3A_1052 = vector.shape_cast %swap3A_1051 : vector<1x1x1x8x128xf32> to vector<8x128xf32>
    %swap3A_1053 = vector.shape_cast %slice3A_1045 : vector<8x128xf32> to vector<1x1x1x8x128xf32>
    tpu.vector_store %arg7[%swap3A_1046, %swap3A_1047, %swap3A_1048, %swap3A_1049, %swap3A_1050], %swap3A_1053 {strides = array<i32>} : memref<1x8x32x8x128xf32, #tpu.memory_space<vmem>>, vector<1x1x1x8x128xf32>,
    %slice3A_1054 = vector.extract_strided_slice %concatenate3A {offsets = [24, 1792], sizes = [8, 128], strides = [1, 1]} : vector<64x4096xf32> to vector<8x128xf32>
    %swap3A_1055 = arith.constant 0 : index
    %swap3A_1056 = arith.constant 3 : index
    %swap3A_1057 = arith.constant 14 : index
    %swap3A_1058 = arith.constant 0 : index
    %swap3A_1059 = arith.constant 0 : index
    %swap3A_1060 = vector.load %arg7[%swap3A_1055, %swap3A_1056, %swap3A_1057, %swap3A_1058, %swap3A_1059] : memref<1x8x32x8x128xf32, #tpu.memory_space<vmem>>, vector<1x1x1x8x128xf32>
    %swap3A_1061 = vector.shape_cast %swap3A_1060 : vector<1x1x1x8x128xf32> to vector<8x128xf32>
    %swap3A_1062 = vector.shape_cast %slice3A_1054 : vector<8x128xf32> to vector<1x1x1x8x128xf32>
    tpu.vector_store %arg7[%swap3A_1055, %swap3A_1056, %swap3A_1057, %swap3A_1058, %swap3A_1059], %swap3A_1062 {strides = array<i32>} : memref<1x8x32x8x128xf32, #tpu.memory_space<vmem>>, vector<1x1x1x8x128xf32>,
    %slice3A_1063 = vector.extract_strided_slice %concatenate3A {offsets = [24, 1920], sizes = [8, 128], strides = [1, 1]} : vector<64x4096xf32> to vector<8x128xf32>
    %swap3A_1064 = arith.constant 0 : index
    %swap3A_1065 = arith.constant 3 : index
    %swap3A_1066 = arith.constant 15 : index
    %swap3A_1067 = arith.constant 0 : index
    %swap3A_1068 = arith.constant 0 : index
    %swap3A_1069 = vector.load %arg7[%swap3A_1064, %swap3A_1065, %swap3A_1066, %swap3A_1067, %swap3A_1068] : memref<1x8x32x8x128xf32, #tpu.memory_space<vmem>>, vector<1x1x1x8x128xf32>
    %swap3A_1070 = vector.shape_cast %swap3A_1069 : vector<1x1x1x8x128xf32> to vector<8x128xf32>
    %swap3A_1071 = vector.shape_cast %slice3A_1063 : vector<8x128xf32> to vector<1x1x1x8x128xf32>
    tpu.vector_store %arg7[%swap3A_1064, %swap3A_1065, %swap3A_1066, %swap3A_1067, %swap3A_1068], %swap3A_1071 {strides = array<i32>} : memref<1x8x32x8x128xf32, #tpu.memory_space<vmem>>, vector<1x1x1x8x128xf32>,
    %slice3A_1072 = vector.extract_strided_slice %concatenate3A {offsets = [24, 2048], sizes = [8, 128], strides = [1, 1]} : vector<64x4096xf32> to vector<8x128xf32>
    %swap3A_1073 = arith.constant 0 : index
    %swap3A_1074 = arith.constant 3 : index
    %swap3A_1075 = arith.constant 16 : index
    %swap3A_1076 = arith.constant 0 : index
    %swap3A_1077 = arith.constant 0 : index
    %swap3A_1078 = vector.load %arg7[%swap3A_1073, %swap3A_1074, %swap3A_1075, %swap3A_1076, %swap3A_1077] : memref<1x8x32x8x128xf32, #tpu.memory_space<vmem>>, vector<1x1x1x8x128xf32>
    %swap3A_1079 = vector.shape_cast %swap3A_1078 : vector<1x1x1x8x128xf32> to vector<8x128xf32>
    %swap3A_1080 = vector.shape_cast %slice3A_1072 : vector<8x128xf32> to vector<1x1x1x8x128xf32>
    tpu.vector_store %arg7[%swap3A_1073, %swap3A_1074, %swap3A_1075, %swap3A_1076, %swap3A_1077], %swap3A_1080 {strides = array<i32>} : memref<1x8x32x8x128xf32, #tpu.memory_space<vmem>>, vector<1x1x1x8x128xf32>,
    %slice3A_1081 = vector.extract_strided_slice %concatenate3A {offsets = [24, 2176], sizes = [8, 128], strides = [1, 1]} : vector<64x4096xf32> to vector<8x128xf32>
    %swap3A_1082 = arith.constant 0 : index
    %swap3A_1083 = arith.constant 3 : index
    %swap3A_1084 = arith.constant 17 : index
    %swap3A_1085 = arith.constant 0 : index
    %swap3A_1086 = arith.constant 0 : index
    %swap3A_1087 = vector.load %arg7[%swap3A_1082, %swap3A_1083, %swap3A_1084, %swap3A_1085, %swap3A_1086] : memref<1x8x32x8x128xf32, #tpu.memory_space<vmem>>, vector<1x1x1x8x128xf32>
    %swap3A_1088 = vector.shape_cast %swap3A_1087 : vector<1x1x1x8x128xf32> to vector<8x128xf32>
    %swap3A_1089 = vector.shape_cast %slice3A_1081 : vector<8x128xf32> to vector<1x1x1x8x128xf32>
    tpu.vector_store %arg7[%swap3A_1082, %swap3A_1083, %swap3A_1084, %swap3A_1085, %swap3A_1086], %swap3A_1089 {strides = array<i32>} : memref<1x8x32x8x128xf32, #tpu.memory_space<vmem>>, vector<1x1x1x8x128xf32>,
    %slice3A_1090 = vector.extract_strided_slice %concatenate3A {offsets = [24, 2304], sizes = [8, 128], strides = [1, 1]} : vector<64x4096xf32> to vector<8x128xf32>
    %swap3A_1091 = arith.constant 0 : index
    %swap3A_1092 = arith.constant 3 : index
    %swap3A_1093 = arith.constant 18 : index
    %swap3A_1094 = arith.constant 0 : index
    %swap3A_1095 = arith.constant 0 : index
    %swap3A_1096 = vector.load %arg7[%swap3A_1091, %swap3A_1092, %swap3A_1093, %swap3A_1094, %swap3A_1095] : memref<1x8x32x8x128xf32, #tpu.memory_space<vmem>>, vector<1x1x1x8x128xf32>
    %swap3A_1097 = vector.shape_cast %swap3A_1096 : vector<1x1x1x8x128xf32> to vector<8x128xf32>
    %swap3A_1098 = vector.shape_cast %slice3A_1090 : vector<8x128xf32> to vector<1x1x1x8x128xf32>
    tpu.vector_store %arg7[%swap3A_1091, %swap3A_1092, %swap3A_1093, %swap3A_1094, %swap3A_1095], %swap3A_1098 {strides = array<i32>} : memref<1x8x32x8x128xf32, #tpu.memory_space<vmem>>, vector<1x1x1x8x128xf32>,
    %slice3A_1099 = vector.extract_strided_slice %concatenate3A {offsets = [24, 2432], sizes = [8, 128], strides = [1, 1]} : vector<64x4096xf32> to vector<8x128xf32>
    %swap3A_1100 = arith.constant 0 : index
    %swap3A_1101 = arith.constant 3 : index
    %swap3A_1102 = arith.constant 19 : index
    %swap3A_1103 = arith.constant 0 : index
    %swap3A_1104 = arith.constant 0 : index
    %swap3A_1105 = vector.load %arg7[%swap3A_1100, %swap3A_1101, %swap3A_1102, %swap3A_1103, %swap3A_1104] : memref<1x8x32x8x128xf32, #tpu.memory_space<vmem>>, vector<1x1x1x8x128xf32>
    %swap3A_1106 = vector.shape_cast %swap3A_1105 : vector<1x1x1x8x128xf32> to vector<8x128xf32>
    %swap3A_1107 = vector.shape_cast %slice3A_1099 : vector<8x128xf32> to vector<1x1x1x8x128xf32>
    tpu.vector_store %arg7[%swap3A_1100, %swap3A_1101, %swap3A_1102, %swap3A_1103, %swap3A_1104], %swap3A_1107 {strides = array<i32>} : memref<1x8x32x8x128xf32, #tpu.memory_space<vmem>>, vector<1x1x1x8x128xf32>,
    %slice3A_1108 = vector.extract_strided_slice %concatenate3A {offsets = [24, 2560], sizes = [8, 128], strides = [1, 1]} : vector<64x4096xf32> to vector<8x128xf32>
    %swap3A_1109 = arith.constant 0 : index
    %swap3A_1110 = arith.constant 3 : index
    %swap3A_1111 = arith.constant 20 : index
    %swap3A_1112 = arith.constant 0 : index
    %swap3A_1113 = arith.constant 0 : index
    %swap3A_1114 = vector.load %arg7[%swap3A_1109, %swap3A_1110, %swap3A_1111, %swap3A_1112, %swap3A_1113] : memref<1x8x32x8x128xf32, #tpu.memory_space<vmem>>, vector<1x1x1x8x128xf32>
    %swap3A_1115 = vector.shape_cast %swap3A_1114 : vector<1x1x1x8x128xf32> to vector<8x128xf32>
    %swap3A_1116 = vector.shape_cast %slice3A_1108 : vector<8x128xf32> to vector<1x1x1x8x128xf32>
    tpu.vector_store %arg7[%swap3A_1109, %swap3A_1110, %swap3A_1111, %swap3A_1112, %swap3A_1113], %swap3A_1116 {strides = array<i32>} : memref<1x8x32x8x128xf32, #tpu.memory_space<vmem>>, vector<1x1x1x8x128xf32>,
    %slice3A_1117 = vector.extract_strided_slice %concatenate3A {offsets = [24, 2688], sizes = [8, 128], strides = [1, 1]} : vector<64x4096xf32> to vector<8x128xf32>
    %swap3A_1118 = arith.constant 0 : index
    %swap3A_1119 = arith.constant 3 : index
    %swap3A_1120 = arith.constant 21 : index
    %swap3A_1121 = arith.constant 0 : index
    %swap3A_1122 = arith.constant 0 : index
    %swap3A_1123 = vector.load %arg7[%swap3A_1118, %swap3A_1119, %swap3A_1120, %swap3A_1121, %swap3A_1122] : memref<1x8x32x8x128xf32, #tpu.memory_space<vmem>>, vector<1x1x1x8x128xf32>
    %swap3A_1124 = vector.shape_cast %swap3A_1123 : vector<1x1x1x8x128xf32> to vector<8x128xf32>
    %swap3A_1125 = vector.shape_cast %slice3A_1117 : vector<8x128xf32> to vector<1x1x1x8x128xf32>
    tpu.vector_store %arg7[%swap3A_1118, %swap3A_1119, %swap3A_1120, %swap3A_1121, %swap3A_1122], %swap3A_1125 {strides = array<i32>} : memref<1x8x32x8x128xf32, #tpu.memory_space<vmem>>, vector<1x1x1x8x128xf32>,
    %slice3A_1126 = vector.extract_strided_slice %concatenate3A {offsets = [24, 2816], sizes = [8, 128], strides = [1, 1]} : vector<64x4096xf32> to vector<8x128xf32>
    %swap3A_1127 = arith.constant 0 : index
    %swap3A_1128 = arith.constant 3 : index
    %swap3A_1129 = arith.constant 22 : index
    %swap3A_1130 = arith.constant 0 : index
    %swap3A_1131 = arith.constant 0 : index
    %swap3A_1132 = vector.load %arg7[%swap3A_1127, %swap3A_1128, %swap3A_1129, %swap3A_1130, %swap3A_1131] : memref<1x8x32x8x128xf32, #tpu.memory_space<vmem>>, vector<1x1x1x8x128xf32>
    %swap3A_1133 = vector.shape_cast %swap3A_1132 : vector<1x1x1x8x128xf32> to vector<8x128xf32>
    %swap3A_1134 = vector.shape_cast %slice3A_1126 : vector<8x128xf32> to vector<1x1x1x8x128xf32>
    tpu.vector_store %arg7[%swap3A_1127, %swap3A_1128, %swap3A_1129, %swap3A_1130, %swap3A_1131], %swap3A_1134 {strides = array<i32>} : memref<1x8x32x8x128xf32, #tpu.memory_space<vmem>>, vector<1x1x1x8x128xf32>,
    %slice3A_1135 = vector.extract_strided_slice %concatenate3A {offsets = [24, 2944], sizes = [8, 128], strides = [1, 1]} : vector<64x4096xf32> to vector<8x128xf32>
    %swap3A_1136 = arith.constant 0 : index
    %swap3A_1137 = arith.constant 3 : index
    %swap3A_1138 = arith.constant 23 : index
    %swap3A_1139 = arith.constant 0 : index
    %swap3A_1140 = arith.constant 0 : index
    %swap3A_1141 = vector.load %arg7[%swap3A_1136, %swap3A_1137, %swap3A_1138, %swap3A_1139, %swap3A_1140] : memref<1x8x32x8x128xf32, #tpu.memory_space<vmem>>, vector<1x1x1x8x128xf32>
    %swap3A_1142 = vector.shape_cast %swap3A_1141 : vector<1x1x1x8x128xf32> to vector<8x128xf32>
    %swap3A_1143 = vector.shape_cast %slice3A_1135 : vector<8x128xf32> to vector<1x1x1x8x128xf32>
    tpu.vector_store %arg7[%swap3A_1136, %swap3A_1137, %swap3A_1138, %swap3A_1139, %swap3A_1140], %swap3A_1143 {strides = array<i32>} : memref<1x8x32x8x128xf32, #tpu.memory_space<vmem>>, vector<1x1x1x8x128xf32>,
    %slice3A_1144 = vector.extract_strided_slice %concatenate3A {offsets = [24, 3072], sizes = [8, 128], strides = [1, 1]} : vector<64x4096xf32> to vector<8x128xf32>
    %swap3A_1145 = arith.constant 0 : index
    %swap3A_1146 = arith.constant 3 : index
    %swap3A_1147 = arith.constant 24 : index
    %swap3A_1148 = arith.constant 0 : index
    %swap3A_1149 = arith.constant 0 : index
    %swap3A_1150 = vector.load %arg7[%swap3A_1145, %swap3A_1146, %swap3A_1147, %swap3A_1148, %swap3A_1149] : memref<1x8x32x8x128xf32, #tpu.memory_space<vmem>>, vector<1x1x1x8x128xf32>
    %swap3A_1151 = vector.shape_cast %swap3A_1150 : vector<1x1x1x8x128xf32> to vector<8x128xf32>
    %swap3A_1152 = vector.shape_cast %slice3A_1144 : vector<8x128xf32> to vector<1x1x1x8x128xf32>
    tpu.vector_store %arg7[%swap3A_1145, %swap3A_1146, %swap3A_1147, %swap3A_1148, %swap3A_1149], %swap3A_1152 {strides = array<i32>} : memref<1x8x32x8x128xf32, #tpu.memory_space<vmem>>, vector<1x1x1x8x128xf32>,
    %slice3A_1153 = vector.extract_strided_slice %concatenate3A {offsets = [24, 3200], sizes = [8, 128], strides = [1, 1]} : vector<64x4096xf32> to vector<8x128xf32>
    %swap3A_1154 = arith.constant 0 : index
    %swap3A_1155 = arith.constant 3 : index
    %swap3A_1156 = arith.constant 25 : index
    %swap3A_1157 = arith.constant 0 : index
    %swap3A_1158 = arith.constant 0 : index
    %swap3A_1159 = vector.load %arg7[%swap3A_1154, %swap3A_1155, %swap3A_1156, %swap3A_1157, %swap3A_1158] : memref<1x8x32x8x128xf32, #tpu.memory_space<vmem>>, vector<1x1x1x8x128xf32>
    %swap3A_1160 = vector.shape_cast %swap3A_1159 : vector<1x1x1x8x128xf32> to vector<8x128xf32>
    %swap3A_1161 = vector.shape_cast %slice3A_1153 : vector<8x128xf32> to vector<1x1x1x8x128xf32>
    tpu.vector_store %arg7[%swap3A_1154, %swap3A_1155, %swap3A_1156, %swap3A_1157, %swap3A_1158], %swap3A_1161 {strides = array<i32>} : memref<1x8x32x8x128xf32, #tpu.memory_space<vmem>>, vector<1x1x1x8x128xf32>,
    %slice3A_1162 = vector.extract_strided_slice %concatenate3A {offsets = [24, 3328], sizes = [8, 128], strides = [1, 1]} : vector<64x4096xf32> to vector<8x128xf32>
    %swap3A_1163 = arith.constant 0 : index
    %swap3A_1164 = arith.constant 3 : index
    %swap3A_1165 = arith.constant 26 : index
    %swap3A_1166 = arith.constant 0 : index
    %swap3A_1167 = arith.constant 0 : index
    %swap3A_1168 = vector.load %arg7[%swap3A_1163, %swap3A_1164, %swap3A_1165, %swap3A_1166, %swap3A_1167] : memref<1x8x32x8x128xf32, #tpu.memory_space<vmem>>, vector<1x1x1x8x128xf32>
    %swap3A_1169 = vector.shape_cast %swap3A_1168 : vector<1x1x1x8x128xf32> to vector<8x128xf32>
    %swap3A_1170 = vector.shape_cast %slice3A_1162 : vector<8x128xf32> to vector<1x1x1x8x128xf32>
    tpu.vector_store %arg7[%swap3A_1163, %swap3A_1164, %swap3A_1165, %swap3A_1166, %swap3A_1167], %swap3A_1170 {strides = array<i32>} : memref<1x8x32x8x128xf32, #tpu.memory_space<vmem>>, vector<1x1x1x8x128xf32>,
    %slice3A_1171 = vector.extract_strided_slice %concatenate3A {offsets = [24, 3456], sizes = [8, 128], strides = [1, 1]} : vector<64x4096xf32> to vector<8x128xf32>
    %swap3A_1172 = arith.constant 0 : index
    %swap3A_1173 = arith.constant 3 : index
    %swap3A_1174 = arith.constant 27 : index
    %swap3A_1175 = arith.constant 0 : index
    %swap3A_1176 = arith.constant 0 : index
    %swap3A_1177 = vector.load %arg7[%swap3A_1172, %swap3A_1173, %swap3A_1174, %swap3A_1175, %swap3A_1176] : memref<1x8x32x8x128xf32, #tpu.memory_space<vmem>>, vector<1x1x1x8x128xf32>
    %swap3A_1178 = vector.shape_cast %swap3A_1177 : vector<1x1x1x8x128xf32> to vector<8x128xf32>
    %swap3A_1179 = vector.shape_cast %slice3A_1171 : vector<8x128xf32> to vector<1x1x1x8x128xf32>
    tpu.vector_store %arg7[%swap3A_1172, %swap3A_1173, %swap3A_1174, %swap3A_1175, %swap3A_1176], %swap3A_1179 {strides = array<i32>} : memref<1x8x32x8x128xf32, #tpu.memory_space<vmem>>, vector<1x1x1x8x128xf32>,
    %slice3A_1180 = vector.extract_strided_slice %concatenate3A {offsets = [24, 3584], sizes = [8, 128], strides = [1, 1]} : vector<64x4096xf32> to vector<8x128xf32>
    %swap3A_1181 = arith.constant 0 : index
    %swap3A_1182 = arith.constant 3 : index
    %swap3A_1183 = arith.constant 28 : index
    %swap3A_1184 = arith.constant 0 : index
    %swap3A_1185 = arith.constant 0 : index
    %swap3A_1186 = vector.load %arg7[%swap3A_1181, %swap3A_1182, %swap3A_1183, %swap3A_1184, %swap3A_1185] : memref<1x8x32x8x128xf32, #tpu.memory_space<vmem>>, vector<1x1x1x8x128xf32>
    %swap3A_1187 = vector.shape_cast %swap3A_1186 : vector<1x1x1x8x128xf32> to vector<8x128xf32>
    %swap3A_1188 = vector.shape_cast %slice3A_1180 : vector<8x128xf32> to vector<1x1x1x8x128xf32>
    tpu.vector_store %arg7[%swap3A_1181, %swap3A_1182, %swap3A_1183, %swap3A_1184, %swap3A_1185], %swap3A_1188 {strides = array<i32>} : memref<1x8x32x8x128xf32, #tpu.memory_space<vmem>>, vector<1x1x1x8x128xf32>,
    %slice3A_1189 = vector.extract_strided_slice %concatenate3A {offsets = [24, 3712], sizes = [8, 128], strides = [1, 1]} : vector<64x4096xf32> to vector<8x128xf32>
    %swap3A_1190 = arith.constant 0 : index
    %swap3A_1191 = arith.constant 3 : index
    %swap3A_1192 = arith.constant 29 : index
    %swap3A_1193 = arith.constant 0 : index
    %swap3A_1194 = arith.constant 0 : index
    %swap3A_1195 = vector.load %arg7[%swap3A_1190, %swap3A_1191, %swap3A_1192, %swap3A_1193, %swap3A_1194] : memref<1x8x32x8x128xf32, #tpu.memory_space<vmem>>, vector<1x1x1x8x128xf32>
    %swap3A_1196 = vector.shape_cast %swap3A_1195 : vector<1x1x1x8x128xf32> to vector<8x128xf32>
    %swap3A_1197 = vector.shape_cast %slice3A_1189 : vector<8x128xf32> to vector<1x1x1x8x128xf32>
    tpu.vector_store %arg7[%swap3A_1190, %swap3A_1191, %swap3A_1192, %swap3A_1193, %swap3A_1194], %swap3A_1197 {strides = array<i32>} : memref<1x8x32x8x128xf32, #tpu.memory_space<vmem>>, vector<1x1x1x8x128xf32>,
    %slice3A_1198 = vector.extract_strided_slice %concatenate3A {offsets = [24, 3840], sizes = [8, 128], strides = [1, 1]} : vector<64x4096xf32> to vector<8x128xf32>
    %swap3A_1199 = arith.constant 0 : index
    %swap3A_1200 = arith.constant 3 : index
    %swap3A_1201 = arith.constant 30 : index
    %swap3A_1202 = arith.constant 0 : index
    %swap3A_1203 = arith.constant 0 : index
    %swap3A_1204 = vector.load %arg7[%swap3A_1199, %swap3A_1200, %swap3A_1201, %swap3A_1202, %swap3A_1203] : memref<1x8x32x8x128xf32, #tpu.memory_space<vmem>>, vector<1x1x1x8x128xf32>
    %swap3A_1205 = vector.shape_cast %swap3A_1204 : vector<1x1x1x8x128xf32> to vector<8x128xf32>
    %swap3A_1206 = vector.shape_cast %slice3A_1198 : vector<8x128xf32> to vector<1x1x1x8x128xf32>
    tpu.vector_store %arg7[%swap3A_1199, %swap3A_1200, %swap3A_1201, %swap3A_1202, %swap3A_1203], %swap3A_1206 {strides = array<i32>} : memref<1x8x32x8x128xf32, #tpu.memory_space<vmem>>, vector<1x1x1x8x128xf32>,
    %slice3A_1207 = vector.extract_strided_slice %concatenate3A {offsets = [24, 3968], sizes = [8, 128], strides = [1, 1]} : vector<64x4096xf32> to vector<8x128xf32>
    %swap3A_1208 = arith.constant 0 : index
    %swap3A_1209 = arith.constant 3 : index
    %swap3A_1210 = arith.constant 31 : index
    %swap3A_1211 = arith.constant 0 : index
    %swap3A_1212 = arith.constant 0 : index
    %swap3A_1213 = vector.load %arg7[%swap3A_1208, %swap3A_1209, %swap3A_1210, %swap3A_1211, %swap3A_1212] : memref<1x8x32x8x128xf32, #tpu.memory_space<vmem>>, vector<1x1x1x8x128xf32>
    %swap3A_1214 = vector.shape_cast %swap3A_1213 : vector<1x1x1x8x128xf32> to vector<8x128xf32>
    %swap3A_1215 = vector.shape_cast %slice3A_1207 : vector<8x128xf32> to vector<1x1x1x8x128xf32>
    tpu.vector_store %arg7[%swap3A_1208, %swap3A_1209, %swap3A_1210, %swap3A_1211, %swap3A_1212], %swap3A_1215 {strides = array<i32>} : memref<1x8x32x8x128xf32, #tpu.memory_space<vmem>>, vector<1x1x1x8x128xf32>,
    %slice3A_1216 = vector.extract_strided_slice %concatenate3A {offsets = [32, 0], sizes = [8, 128], strides = [1, 1]} : vector<64x4096xf32> to vector<8x128xf32>
    %swap3A_1217 = arith.constant 0 : index
    %swap3A_1218 = arith.constant 4 : index
    %swap3A_1219 = arith.constant 0 : index
    %swap3A_1220 = arith.constant 0 : index
    %swap3A_1221 = arith.constant 0 : index
    %swap3A_1222 = vector.load %arg7[%swap3A_1217, %swap3A_1218, %swap3A_1219, %swap3A_1220, %swap3A_1221] : memref<1x8x32x8x128xf32, #tpu.memory_space<vmem>>, vector<1x1x1x8x128xf32>
    %swap3A_1223 = vector.shape_cast %swap3A_1222 : vector<1x1x1x8x128xf32> to vector<8x128xf32>
    %swap3A_1224 = vector.shape_cast %slice3A_1216 : vector<8x128xf32> to vector<1x1x1x8x128xf32>
    tpu.vector_store %arg7[%swap3A_1217, %swap3A_1218, %swap3A_1219, %swap3A_1220, %swap3A_1221], %swap3A_1224 {strides = array<i32>} : memref<1x8x32x8x128xf32, #tpu.memory_space<vmem>>, vector<1x1x1x8x128xf32>,
    %slice3A_1225 = vector.extract_strided_slice %concatenate3A {offsets = [32, 128], sizes = [8, 128], strides = [1, 1]} : vector<64x4096xf32> to vector<8x128xf32>
    %swap3A_1226 = arith.constant 0 : index
    %swap3A_1227 = arith.constant 4 : index
    %swap3A_1228 = arith.constant 1 : index
    %swap3A_1229 = arith.constant 0 : index
    %swap3A_1230 = arith.constant 0 : index
    %swap3A_1231 = vector.load %arg7[%swap3A_1226, %swap3A_1227, %swap3A_1228, %swap3A_1229, %swap3A_1230] : memref<1x8x32x8x128xf32, #tpu.memory_space<vmem>>, vector<1x1x1x8x128xf32>
    %swap3A_1232 = vector.shape_cast %swap3A_1231 : vector<1x1x1x8x128xf32> to vector<8x128xf32>
    %swap3A_1233 = vector.shape_cast %slice3A_1225 : vector<8x128xf32> to vector<1x1x1x8x128xf32>
    tpu.vector_store %arg7[%swap3A_1226, %swap3A_1227, %swap3A_1228, %swap3A_1229, %swap3A_1230], %swap3A_1233 {strides = array<i32>} : memref<1x8x32x8x128xf32, #tpu.memory_space<vmem>>, vector<1x1x1x8x128xf32>,
    %slice3A_1234 = vector.extract_strided_slice %concatenate3A {offsets = [32, 256], sizes = [8, 128], strides = [1, 1]} : vector<64x4096xf32> to vector<8x128xf32>
    %swap3A_1235 = arith.constant 0 : index
    %swap3A_1236 = arith.constant 4 : index
    %swap3A_1237 = arith.constant 2 : index
    %swap3A_1238 = arith.constant 0 : index
    %swap3A_1239 = arith.constant 0 : index
    %swap3A_1240 = vector.load %arg7[%swap3A_1235, %swap3A_1236, %swap3A_1237, %swap3A_1238, %swap3A_1239] : memref<1x8x32x8x128xf32, #tpu.memory_space<vmem>>, vector<1x1x1x8x128xf32>
    %swap3A_1241 = vector.shape_cast %swap3A_1240 : vector<1x1x1x8x128xf32> to vector<8x128xf32>
    %swap3A_1242 = vector.shape_cast %slice3A_1234 : vector<8x128xf32> to vector<1x1x1x8x128xf32>
    tpu.vector_store %arg7[%swap3A_1235, %swap3A_1236, %swap3A_1237, %swap3A_1238, %swap3A_1239], %swap3A_1242 {strides = array<i32>} : memref<1x8x32x8x128xf32, #tpu.memory_space<vmem>>, vector<1x1x1x8x128xf32>,
    %slice3A_1243 = vector.extract_strided_slice %concatenate3A {offsets = [32, 384], sizes = [8, 128], strides = [1, 1]} : vector<64x4096xf32> to vector<8x128xf32>
    %swap3A_1244 = arith.constant 0 : index
    %swap3A_1245 = arith.constant 4 : index
    %swap3A_1246 = arith.constant 3 : index
    %swap3A_1247 = arith.constant 0 : index
    %swap3A_1248 = arith.constant 0 : index
    %swap3A_1249 = vector.load %arg7[%swap3A_1244, %swap3A_1245, %swap3A_1246, %swap3A_1247, %swap3A_1248] : memref<1x8x32x8x128xf32, #tpu.memory_space<vmem>>, vector<1x1x1x8x128xf32>
    %swap3A_1250 = vector.shape_cast %swap3A_1249 : vector<1x1x1x8x128xf32> to vector<8x128xf32>
    %swap3A_1251 = vector.shape_cast %slice3A_1243 : vector<8x128xf32> to vector<1x1x1x8x128xf32>
    tpu.vector_store %arg7[%swap3A_1244, %swap3A_1245, %swap3A_1246, %swap3A_1247, %swap3A_1248], %swap3A_1251 {strides = array<i32>} : memref<1x8x32x8x128xf32, #tpu.memory_space<vmem>>, vector<1x1x1x8x128xf32>,
    %slice3A_1252 = vector.extract_strided_slice %concatenate3A {offsets = [32, 512], sizes = [8, 128], strides = [1, 1]} : vector<64x4096xf32> to vector<8x128xf32>
    %swap3A_1253 = arith.constant 0 : index
    %swap3A_1254 = arith.constant 4 : index
    %swap3A_1255 = arith.constant 4 : index
    %swap3A_1256 = arith.constant 0 : index
    %swap3A_1257 = arith.constant 0 : index
    %swap3A_1258 = vector.load %arg7[%swap3A_1253, %swap3A_1254, %swap3A_1255, %swap3A_1256, %swap3A_1257] : memref<1x8x32x8x128xf32, #tpu.memory_space<vmem>>, vector<1x1x1x8x128xf32>
    %swap3A_1259 = vector.shape_cast %swap3A_1258 : vector<1x1x1x8x128xf32> to vector<8x128xf32>
    %swap3A_1260 = vector.shape_cast %slice3A_1252 : vector<8x128xf32> to vector<1x1x1x8x128xf32>
    tpu.vector_store %arg7[%swap3A_1253, %swap3A_1254, %swap3A_1255, %swap3A_1256, %swap3A_1257], %swap3A_1260 {strides = array<i32>} : memref<1x8x32x8x128xf32, #tpu.memory_space<vmem>>, vector<1x1x1x8x128xf32>,
    %slice3A_1261 = vector.extract_strided_slice %concatenate3A {offsets = [32, 640], sizes = [8, 128], strides = [1, 1]} : vector<64x4096xf32> to vector<8x128xf32>
    %swap3A_1262 = arith.constant 0 : index
    %swap3A_1263 = arith.constant 4 : index
    %swap3A_1264 = arith.constant 5 : index
    %swap3A_1265 = arith.constant 0 : index
    %swap3A_1266 = arith.constant 0 : index
    %swap3A_1267 = vector.load %arg7[%swap3A_1262, %swap3A_1263, %swap3A_1264, %swap3A_1265, %swap3A_1266] : memref<1x8x32x8x128xf32, #tpu.memory_space<vmem>>, vector<1x1x1x8x128xf32>
    %swap3A_1268 = vector.shape_cast %swap3A_1267 : vector<1x1x1x8x128xf32> to vector<8x128xf32>
    %swap3A_1269 = vector.shape_cast %slice3A_1261 : vector<8x128xf32> to vector<1x1x1x8x128xf32>
    tpu.vector_store %arg7[%swap3A_1262, %swap3A_1263, %swap3A_1264, %swap3A_1265, %swap3A_1266], %swap3A_1269 {strides = array<i32>} : memref<1x8x32x8x128xf32, #tpu.memory_space<vmem>>, vector<1x1x1x8x128xf32>,
    %slice3A_1270 = vector.extract_strided_slice %concatenate3A {offsets = [32, 768], sizes = [8, 128], strides = [1, 1]} : vector<64x4096xf32> to vector<8x128xf32>
    %swap3A_1271 = arith.constant 0 : index
    %swap3A_1272 = arith.constant 4 : index
    %swap3A_1273 = arith.constant 6 : index
    %swap3A_1274 = arith.constant 0 : index
    %swap3A_1275 = arith.constant 0 : index
    %swap3A_1276 = vector.load %arg7[%swap3A_1271, %swap3A_1272, %swap3A_1273, %swap3A_1274, %swap3A_1275] : memref<1x8x32x8x128xf32, #tpu.memory_space<vmem>>, vector<1x1x1x8x128xf32>
    %swap3A_1277 = vector.shape_cast %swap3A_1276 : vector<1x1x1x8x128xf32> to vector<8x128xf32>
    %swap3A_1278 = vector.shape_cast %slice3A_1270 : vector<8x128xf32> to vector<1x1x1x8x128xf32>
    tpu.vector_store %arg7[%swap3A_1271, %swap3A_1272, %swap3A_1273, %swap3A_1274, %swap3A_1275], %swap3A_1278 {strides = array<i32>} : memref<1x8x32x8x128xf32, #tpu.memory_space<vmem>>, vector<1x1x1x8x128xf32>,
    %slice3A_1279 = vector.extract_strided_slice %concatenate3A {offsets = [32, 896], sizes = [8, 128], strides = [1, 1]} : vector<64x4096xf32> to vector<8x128xf32>
    %swap3A_1280 = arith.constant 0 : index
    %swap3A_1281 = arith.constant 4 : index
    %swap3A_1282 = arith.constant 7 : index
    %swap3A_1283 = arith.constant 0 : index
    %swap3A_1284 = arith.constant 0 : index
    %swap3A_1285 = vector.load %arg7[%swap3A_1280, %swap3A_1281, %swap3A_1282, %swap3A_1283, %swap3A_1284] : memref<1x8x32x8x128xf32, #tpu.memory_space<vmem>>, vector<1x1x1x8x128xf32>
    %swap3A_1286 = vector.shape_cast %swap3A_1285 : vector<1x1x1x8x128xf32> to vector<8x128xf32>
    %swap3A_1287 = vector.shape_cast %slice3A_1279 : vector<8x128xf32> to vector<1x1x1x8x128xf32>
    tpu.vector_store %arg7[%swap3A_1280, %swap3A_1281, %swap3A_1282, %swap3A_1283, %swap3A_1284], %swap3A_1287 {strides = array<i32>} : memref<1x8x32x8x128xf32, #tpu.memory_space<vmem>>, vector<1x1x1x8x128xf32>,
    %slice3A_1288 = vector.extract_strided_slice %concatenate3A {offsets = [32, 1024], sizes = [8, 128], strides = [1, 1]} : vector<64x4096xf32> to vector<8x128xf32>
    %swap3A_1289 = arith.constant 0 : index
    %swap3A_1290 = arith.constant 4 : index
    %swap3A_1291 = arith.constant 8 : index
    %swap3A_1292 = arith.constant 0 : index
    %swap3A_1293 = arith.constant 0 : index
    %swap3A_1294 = vector.load %arg7[%swap3A_1289, %swap3A_1290, %swap3A_1291, %swap3A_1292, %swap3A_1293] : memref<1x8x32x8x128xf32, #tpu.memory_space<vmem>>, vector<1x1x1x8x128xf32>
    %swap3A_1295 = vector.shape_cast %swap3A_1294 : vector<1x1x1x8x128xf32> to vector<8x128xf32>
    %swap3A_1296 = vector.shape_cast %slice3A_1288 : vector<8x128xf32> to vector<1x1x1x8x128xf32>
    tpu.vector_store %arg7[%swap3A_1289, %swap3A_1290, %swap3A_1291, %swap3A_1292, %swap3A_1293], %swap3A_1296 {strides = array<i32>} : memref<1x8x32x8x128xf32, #tpu.memory_space<vmem>>, vector<1x1x1x8x128xf32>,
    %slice3A_1297 = vector.extract_strided_slice %concatenate3A {offsets = [32, 1152], sizes = [8, 128], strides = [1, 1]} : vector<64x4096xf32> to vector<8x128xf32>
    %swap3A_1298 = arith.constant 0 : index
    %swap3A_1299 = arith.constant 4 : index
    %swap3A_1300 = arith.constant 9 : index
    %swap3A_1301 = arith.constant 0 : index
    %swap3A_1302 = arith.constant 0 : index
    %swap3A_1303 = vector.load %arg7[%swap3A_1298, %swap3A_1299, %swap3A_1300, %swap3A_1301, %swap3A_1302] : memref<1x8x32x8x128xf32, #tpu.memory_space<vmem>>, vector<1x1x1x8x128xf32>
    %swap3A_1304 = vector.shape_cast %swap3A_1303 : vector<1x1x1x8x128xf32> to vector<8x128xf32>
    %swap3A_1305 = vector.shape_cast %slice3A_1297 : vector<8x128xf32> to vector<1x1x1x8x128xf32>
    tpu.vector_store %arg7[%swap3A_1298, %swap3A_1299, %swap3A_1300, %swap3A_1301, %swap3A_1302], %swap3A_1305 {strides = array<i32>} : memref<1x8x32x8x128xf32, #tpu.memory_space<vmem>>, vector<1x1x1x8x128xf32>,
    %slice3A_1306 = vector.extract_strided_slice %concatenate3A {offsets = [32, 1280], sizes = [8, 128], strides = [1, 1]} : vector<64x4096xf32> to vector<8x128xf32>
    %swap3A_1307 = arith.constant 0 : index
    %swap3A_1308 = arith.constant 4 : index
    %swap3A_1309 = arith.constant 10 : index
    %swap3A_1310 = arith.constant 0 : index
    %swap3A_1311 = arith.constant 0 : index
    %swap3A_1312 = vector.load %arg7[%swap3A_1307, %swap3A_1308, %swap3A_1309, %swap3A_1310, %swap3A_1311] : memref<1x8x32x8x128xf32, #tpu.memory_space<vmem>>, vector<1x1x1x8x128xf32>
    %swap3A_1313 = vector.shape_cast %swap3A_1312 : vector<1x1x1x8x128xf32> to vector<8x128xf32>
    %swap3A_1314 = vector.shape_cast %slice3A_1306 : vector<8x128xf32> to vector<1x1x1x8x128xf32>
    tpu.vector_store %arg7[%swap3A_1307, %swap3A_1308, %swap3A_1309, %swap3A_1310, %swap3A_1311], %swap3A_1314 {strides = array<i32>} : memref<1x8x32x8x128xf32, #tpu.memory_space<vmem>>, vector<1x1x1x8x128xf32>,
    %slice3A_1315 = vector.extract_strided_slice %concatenate3A {offsets = [32, 1408], sizes = [8, 128], strides = [1, 1]} : vector<64x4096xf32> to vector<8x128xf32>
    %swap3A_1316 = arith.constant 0 : index
    %swap3A_1317 = arith.constant 4 : index
    %swap3A_1318 = arith.constant 11 : index
    %swap3A_1319 = arith.constant 0 : index
    %swap3A_1320 = arith.constant 0 : index
    %swap3A_1321 = vector.load %arg7[%swap3A_1316, %swap3A_1317, %swap3A_1318, %swap3A_1319, %swap3A_1320] : memref<1x8x32x8x128xf32, #tpu.memory_space<vmem>>, vector<1x1x1x8x128xf32>
    %swap3A_1322 = vector.shape_cast %swap3A_1321 : vector<1x1x1x8x128xf32> to vector<8x128xf32>
    %swap3A_1323 = vector.shape_cast %slice3A_1315 : vector<8x128xf32> to vector<1x1x1x8x128xf32>
    tpu.vector_store %arg7[%swap3A_1316, %swap3A_1317, %swap3A_1318, %swap3A_1319, %swap3A_1320], %swap3A_1323 {strides = array<i32>} : memref<1x8x32x8x128xf32, #tpu.memory_space<vmem>>, vector<1x1x1x8x128xf32>,
    %slice3A_1324 = vector.extract_strided_slice %concatenate3A {offsets = [32, 1536], sizes = [8, 128], strides = [1, 1]} : vector<64x4096xf32> to vector<8x128xf32>
    %swap3A_1325 = arith.constant 0 : index
    %swap3A_1326 = arith.constant 4 : index
    %swap3A_1327 = arith.constant 12 : index
    %swap3A_1328 = arith.constant 0 : index
    %swap3A_1329 = arith.constant 0 : index
    %swap3A_1330 = vector.load %arg7[%swap3A_1325, %swap3A_1326, %swap3A_1327, %swap3A_1328, %swap3A_1329] : memref<1x8x32x8x128xf32, #tpu.memory_space<vmem>>, vector<1x1x1x8x128xf32>
    %swap3A_1331 = vector.shape_cast %swap3A_1330 : vector<1x1x1x8x128xf32> to vector<8x128xf32>
    %swap3A_1332 = vector.shape_cast %slice3A_1324 : vector<8x128xf32> to vector<1x1x1x8x128xf32>
    tpu.vector_store %arg7[%swap3A_1325, %swap3A_1326, %swap3A_1327, %swap3A_1328, %swap3A_1329], %swap3A_1332 {strides = array<i32>} : memref<1x8x32x8x128xf32, #tpu.memory_space<vmem>>, vector<1x1x1x8x128xf32>,
    %slice3A_1333 = vector.extract_strided_slice %concatenate3A {offsets = [32, 1664], sizes = [8, 128], strides = [1, 1]} : vector<64x4096xf32> to vector<8x128xf32>
    %swap3A_1334 = arith.constant 0 : index
    %swap3A_1335 = arith.constant 4 : index
    %swap3A_1336 = arith.constant 13 : index
    %swap3A_1337 = arith.constant 0 : index
    %swap3A_1338 = arith.constant 0 : index
    %swap3A_1339 = vector.load %arg7[%swap3A_1334, %swap3A_1335, %swap3A_1336, %swap3A_1337, %swap3A_1338] : memref<1x8x32x8x128xf32, #tpu.memory_space<vmem>>, vector<1x1x1x8x128xf32>
    %swap3A_1340 = vector.shape_cast %swap3A_1339 : vector<1x1x1x8x128xf32> to vector<8x128xf32>
    %swap3A_1341 = vector.shape_cast %slice3A_1333 : vector<8x128xf32> to vector<1x1x1x8x128xf32>
    tpu.vector_store %arg7[%swap3A_1334, %swap3A_1335, %swap3A_1336, %swap3A_1337, %swap3A_1338], %swap3A_1341 {strides = array<i32>} : memref<1x8x32x8x128xf32, #tpu.memory_space<vmem>>, vector<1x1x1x8x128xf32>,
    %slice3A_1342 = vector.extract_strided_slice %concatenate3A {offsets = [32, 1792], sizes = [8, 128], strides = [1, 1]} : vector<64x4096xf32> to vector<8x128xf32>
    %swap3A_1343 = arith.constant 0 : index
    %swap3A_1344 = arith.constant 4 : index
    %swap3A_1345 = arith.constant 14 : index
    %swap3A_1346 = arith.constant 0 : index
    %swap3A_1347 = arith.constant 0 : index
    %swap3A_1348 = vector.load %arg7[%swap3A_1343, %swap3A_1344, %swap3A_1345, %swap3A_1346, %swap3A_1347] : memref<1x8x32x8x128xf32, #tpu.memory_space<vmem>>, vector<1x1x1x8x128xf32>
    %swap3A_1349 = vector.shape_cast %swap3A_1348 : vector<1x1x1x8x128xf32> to vector<8x128xf32>
    %swap3A_1350 = vector.shape_cast %slice3A_1342 : vector<8x128xf32> to vector<1x1x1x8x128xf32>
    tpu.vector_store %arg7[%swap3A_1343, %swap3A_1344, %swap3A_1345, %swap3A_1346, %swap3A_1347], %swap3A_1350 {strides = array<i32>} : memref<1x8x32x8x128xf32, #tpu.memory_space<vmem>>, vector<1x1x1x8x128xf32>,
    %slice3A_1351 = vector.extract_strided_slice %concatenate3A {offsets = [32, 1920], sizes = [8, 128], strides = [1, 1]} : vector<64x4096xf32> to vector<8x128xf32>
    %swap3A_1352 = arith.constant 0 : index
    %swap3A_1353 = arith.constant 4 : index
    %swap3A_1354 = arith.constant 15 : index
    %swap3A_1355 = arith.constant 0 : index
    %swap3A_1356 = arith.constant 0 : index
    %swap3A_1357 = vector.load %arg7[%swap3A_1352, %swap3A_1353, %swap3A_1354, %swap3A_1355, %swap3A_1356] : memref<1x8x32x8x128xf32, #tpu.memory_space<vmem>>, vector<1x1x1x8x128xf32>
    %swap3A_1358 = vector.shape_cast %swap3A_1357 : vector<1x1x1x8x128xf32> to vector<8x128xf32>
    %swap3A_1359 = vector.shape_cast %slice3A_1351 : vector<8x128xf32> to vector<1x1x1x8x128xf32>
    tpu.vector_store %arg7[%swap3A_1352, %swap3A_1353, %swap3A_1354, %swap3A_1355, %swap3A_1356], %swap3A_1359 {strides = array<i32>} : memref<1x8x32x8x128xf32, #tpu.memory_space<vmem>>, vector<1x1x1x8x128xf32>,
    %slice3A_1360 = vector.extract_strided_slice %concatenate3A {offsets = [32, 2048], sizes = [8, 128], strides = [1, 1]} : vector<64x4096xf32> to vector<8x128xf32>
    %swap3A_1361 = arith.constant 0 : index
    %swap3A_1362 = arith.constant 4 : index
    %swap3A_1363 = arith.constant 16 : index
    %swap3A_1364 = arith.constant 0 : index
    %swap3A_1365 = arith.constant 0 : index
    %swap3A_1366 = vector.load %arg7[%swap3A_1361, %swap3A_1362, %swap3A_1363, %swap3A_1364, %swap3A_1365] : memref<1x8x32x8x128xf32, #tpu.memory_space<vmem>>, vector<1x1x1x8x128xf32>
    %swap3A_1367 = vector.shape_cast %swap3A_1366 : vector<1x1x1x8x128xf32> to vector<8x128xf32>
    %swap3A_1368 = vector.shape_cast %slice3A_1360 : vector<8x128xf32> to vector<1x1x1x8x128xf32>
    tpu.vector_store %arg7[%swap3A_1361, %swap3A_1362, %swap3A_1363, %swap3A_1364, %swap3A_1365], %swap3A_1368 {strides = array<i32>} : memref<1x8x32x8x128xf32, #tpu.memory_space<vmem>>, vector<1x1x1x8x128xf32>,
    %slice3A_1369 = vector.extract_strided_slice %concatenate3A {offsets = [32, 2176], sizes = [8, 128], strides = [1, 1]} : vector<64x4096xf32> to vector<8x128xf32>
    %swap3A_1370 = arith.constant 0 : index
    %swap3A_1371 = arith.constant 4 : index
    %swap3A_1372 = arith.constant 17 : index
    %swap3A_1373 = arith.constant 0 : index
    %swap3A_1374 = arith.constant 0 : index
    %swap3A_1375 = vector.load %arg7[%swap3A_1370, %swap3A_1371, %swap3A_1372, %swap3A_1373, %swap3A_1374] : memref<1x8x32x8x128xf32, #tpu.memory_space<vmem>>, vector<1x1x1x8x128xf32>
    %swap3A_1376 = vector.shape_cast %swap3A_1375 : vector<1x1x1x8x128xf32> to vector<8x128xf32>
    %swap3A_1377 = vector.shape_cast %slice3A_1369 : vector<8x128xf32> to vector<1x1x1x8x128xf32>
    tpu.vector_store %arg7[%swap3A_1370, %swap3A_1371, %swap3A_1372, %swap3A_1373, %swap3A_1374], %swap3A_1377 {strides = array<i32>} : memref<1x8x32x8x128xf32, #tpu.memory_space<vmem>>, vector<1x1x1x8x128xf32>,
    %slice3A_1378 = vector.extract_strided_slice %concatenate3A {offsets = [32, 2304], sizes = [8, 128], strides = [1, 1]} : vector<64x4096xf32> to vector<8x128xf32>
    %swap3A_1379 = arith.constant 0 : index
    %swap3A_1380 = arith.constant 4 : index
    %swap3A_1381 = arith.constant 18 : index
    %swap3A_1382 = arith.constant 0 : index
    %swap3A_1383 = arith.constant 0 : index
    %swap3A_1384 = vector.load %arg7[%swap3A_1379, %swap3A_1380, %swap3A_1381, %swap3A_1382, %swap3A_1383] : memref<1x8x32x8x128xf32, #tpu.memory_space<vmem>>, vector<1x1x1x8x128xf32>
    %swap3A_1385 = vector.shape_cast %swap3A_1384 : vector<1x1x1x8x128xf32> to vector<8x128xf32>
    %swap3A_1386 = vector.shape_cast %slice3A_1378 : vector<8x128xf32> to vector<1x1x1x8x128xf32>
    tpu.vector_store %arg7[%swap3A_1379, %swap3A_1380, %swap3A_1381, %swap3A_1382, %swap3A_1383], %swap3A_1386 {strides = array<i32>} : memref<1x8x32x8x128xf32, #tpu.memory_space<vmem>>, vector<1x1x1x8x128xf32>,
    %slice3A_1387 = vector.extract_strided_slice %concatenate3A {offsets = [32, 2432], sizes = [8, 128], strides = [1, 1]} : vector<64x4096xf32> to vector<8x128xf32>
    %swap3A_1388 = arith.constant 0 : index
    %swap3A_1389 = arith.constant 4 : index
    %swap3A_1390 = arith.constant 19 : index
    %swap3A_1391 = arith.constant 0 : index
    %swap3A_1392 = arith.constant 0 : index
    %swap3A_1393 = vector.load %arg7[%swap3A_1388, %swap3A_1389, %swap3A_1390, %swap3A_1391, %swap3A_1392] : memref<1x8x32x8x128xf32, #tpu.memory_space<vmem>>, vector<1x1x1x8x128xf32>
    %swap3A_1394 = vector.shape_cast %swap3A_1393 : vector<1x1x1x8x128xf32> to vector<8x128xf32>
    %swap3A_1395 = vector.shape_cast %slice3A_1387 : vector<8x128xf32> to vector<1x1x1x8x128xf32>
    tpu.vector_store %arg7[%swap3A_1388, %swap3A_1389, %swap3A_1390, %swap3A_1391, %swap3A_1392], %swap3A_1395 {strides = array<i32>} : memref<1x8x32x8x128xf32, #tpu.memory_space<vmem>>, vector<1x1x1x8x128xf32>,
    %slice3A_1396 = vector.extract_strided_slice %concatenate3A {offsets = [32, 2560], sizes = [8, 128], strides = [1, 1]} : vector<64x4096xf32> to vector<8x128xf32>
    %swap3A_1397 = arith.constant 0 : index
    %swap3A_1398 = arith.constant 4 : index
    %swap3A_1399 = arith.constant 20 : index
    %swap3A_1400 = arith.constant 0 : index
    %swap3A_1401 = arith.constant 0 : index
    %swap3A_1402 = vector.load %arg7[%swap3A_1397, %swap3A_1398, %swap3A_1399, %swap3A_1400, %swap3A_1401] : memref<1x8x32x8x128xf32, #tpu.memory_space<vmem>>, vector<1x1x1x8x128xf32>
    %swap3A_1403 = vector.shape_cast %swap3A_1402 : vector<1x1x1x8x128xf32> to vector<8x128xf32>
    %swap3A_1404 = vector.shape_cast %slice3A_1396 : vector<8x128xf32> to vector<1x1x1x8x128xf32>
    tpu.vector_store %arg7[%swap3A_1397, %swap3A_1398, %swap3A_1399, %swap3A_1400, %swap3A_1401], %swap3A_1404 {strides = array<i32>} : memref<1x8x32x8x128xf32, #tpu.memory_space<vmem>>, vector<1x1x1x8x128xf32>,
    %slice3A_1405 = vector.extract_strided_slice %concatenate3A {offsets = [32, 2688], sizes = [8, 128], strides = [1, 1]} : vector<64x4096xf32> to vector<8x128xf32>
    %swap3A_1406 = arith.constant 0 : index
    %swap3A_1407 = arith.constant 4 : index
    %swap3A_1408 = arith.constant 21 : index
    %swap3A_1409 = arith.constant 0 : index
    %swap3A_1410 = arith.constant 0 : index
    %swap3A_1411 = vector.load %arg7[%swap3A_1406, %swap3A_1407, %swap3A_1408, %swap3A_1409, %swap3A_1410] : memref<1x8x32x8x128xf32, #tpu.memory_space<vmem>>, vector<1x1x1x8x128xf32>
    %swap3A_1412 = vector.shape_cast %swap3A_1411 : vector<1x1x1x8x128xf32> to vector<8x128xf32>
    %swap3A_1413 = vector.shape_cast %slice3A_1405 : vector<8x128xf32> to vector<1x1x1x8x128xf32>
    tpu.vector_store %arg7[%swap3A_1406, %swap3A_1407, %swap3A_1408, %swap3A_1409, %swap3A_1410], %swap3A_1413 {strides = array<i32>} : memref<1x8x32x8x128xf32, #tpu.memory_space<vmem>>, vector<1x1x1x8x128xf32>,
    %slice3A_1414 = vector.extract_strided_slice %concatenate3A {offsets = [32, 2816], sizes = [8, 128], strides = [1, 1]} : vector<64x4096xf32> to vector<8x128xf32>
    %swap3A_1415 = arith.constant 0 : index
    %swap3A_1416 = arith.constant 4 : index
    %swap3A_1417 = arith.constant 22 : index
    %swap3A_1418 = arith.constant 0 : index
    %swap3A_1419 = arith.constant 0 : index
    %swap3A_1420 = vector.load %arg7[%swap3A_1415, %swap3A_1416, %swap3A_1417, %swap3A_1418, %swap3A_1419] : memref<1x8x32x8x128xf32, #tpu.memory_space<vmem>>, vector<1x1x1x8x128xf32>
    %swap3A_1421 = vector.shape_cast %swap3A_1420 : vector<1x1x1x8x128xf32> to vector<8x128xf32>
    %swap3A_1422 = vector.shape_cast %slice3A_1414 : vector<8x128xf32> to vector<1x1x1x8x128xf32>
    tpu.vector_store %arg7[%swap3A_1415, %swap3A_1416, %swap3A_1417, %swap3A_1418, %swap3A_1419], %swap3A_1422 {strides = array<i32>} : memref<1x8x32x8x128xf32, #tpu.memory_space<vmem>>, vector<1x1x1x8x128xf32>,
    %slice3A_1423 = vector.extract_strided_slice %concatenate3A {offsets = [32, 2944], sizes = [8, 128], strides = [1, 1]} : vector<64x4096xf32> to vector<8x128xf32>
    %swap3A_1424 = arith.constant 0 : index
    %swap3A_1425 = arith.constant 4 : index
    %swap3A_1426 = arith.constant 23 : index
    %swap3A_1427 = arith.constant 0 : index
    %swap3A_1428 = arith.constant 0 : index
    %swap3A_1429 = vector.load %arg7[%swap3A_1424, %swap3A_1425, %swap3A_1426, %swap3A_1427, %swap3A_1428] : memref<1x8x32x8x128xf32, #tpu.memory_space<vmem>>, vector<1x1x1x8x128xf32>
    %swap3A_1430 = vector.shape_cast %swap3A_1429 : vector<1x1x1x8x128xf32> to vector<8x128xf32>
    %swap3A_1431 = vector.shape_cast %slice3A_1423 : vector<8x128xf32> to vector<1x1x1x8x128xf32>
    tpu.vector_store %arg7[%swap3A_1424, %swap3A_1425, %swap3A_1426, %swap3A_1427, %swap3A_1428], %swap3A_1431 {strides = array<i32>} : memref<1x8x32x8x128xf32, #tpu.memory_space<vmem>>, vector<1x1x1x8x128xf32>,
    %slice3A_1432 = vector.extract_strided_slice %concatenate3A {offsets = [32, 3072], sizes = [8, 128], strides = [1, 1]} : vector<64x4096xf32> to vector<8x128xf32>
    %swap3A_1433 = arith.constant 0 : index
    %swap3A_1434 = arith.constant 4 : index
    %swap3A_1435 = arith.constant 24 : index
    %swap3A_1436 = arith.constant 0 : index
    %swap3A_1437 = arith.constant 0 : index
    %swap3A_1438 = vector.load %arg7[%swap3A_1433, %swap3A_1434, %swap3A_1435, %swap3A_1436, %swap3A_1437] : memref<1x8x32x8x128xf32, #tpu.memory_space<vmem>>, vector<1x1x1x8x128xf32>
    %swap3A_1439 = vector.shape_cast %swap3A_1438 : vector<1x1x1x8x128xf32> to vector<8x128xf32>
    %swap3A_1440 = vector.shape_cast %slice3A_1432 : vector<8x128xf32> to vector<1x1x1x8x128xf32>
    tpu.vector_store %arg7[%swap3A_1433, %swap3A_1434, %swap3A_1435, %swap3A_1436, %swap3A_1437], %swap3A_1440 {strides = array<i32>} : memref<1x8x32x8x128xf32, #tpu.memory_space<vmem>>, vector<1x1x1x8x128xf32>,
    %slice3A_1441 = vector.extract_strided_slice %concatenate3A {offsets = [32, 3200], sizes = [8, 128], strides = [1, 1]} : vector<64x4096xf32> to vector<8x128xf32>
    %swap3A_1442 = arith.constant 0 : index
    %swap3A_1443 = arith.constant 4 : index
    %swap3A_1444 = arith.constant 25 : index
    %swap3A_1445 = arith.constant 0 : index
    %swap3A_1446 = arith.constant 0 : index
    %swap3A_1447 = vector.load %arg7[%swap3A_1442, %swap3A_1443, %swap3A_1444, %swap3A_1445, %swap3A_1446] : memref<1x8x32x8x128xf32, #tpu.memory_space<vmem>>, vector<1x1x1x8x128xf32>
    %swap3A_1448 = vector.shape_cast %swap3A_1447 : vector<1x1x1x8x128xf32> to vector<8x128xf32>
    %swap3A_1449 = vector.shape_cast %slice3A_1441 : vector<8x128xf32> to vector<1x1x1x8x128xf32>
    tpu.vector_store %arg7[%swap3A_1442, %swap3A_1443, %swap3A_1444, %swap3A_1445, %swap3A_1446], %swap3A_1449 {strides = array<i32>} : memref<1x8x32x8x128xf32, #tpu.memory_space<vmem>>, vector<1x1x1x8x128xf32>,
    %slice3A_1450 = vector.extract_strided_slice %concatenate3A {offsets = [32, 3328], sizes = [8, 128], strides = [1, 1]} : vector<64x4096xf32> to vector<8x128xf32>
    %swap3A_1451 = arith.constant 0 : index
    %swap3A_1452 = arith.constant 4 : index
    %swap3A_1453 = arith.constant 26 : index
    %swap3A_1454 = arith.constant 0 : index
    %swap3A_1455 = arith.constant 0 : index
    %swap3A_1456 = vector.load %arg7[%swap3A_1451, %swap3A_1452, %swap3A_1453, %swap3A_1454, %swap3A_1455] : memref<1x8x32x8x128xf32, #tpu.memory_space<vmem>>, vector<1x1x1x8x128xf32>
    %swap3A_1457 = vector.shape_cast %swap3A_1456 : vector<1x1x1x8x128xf32> to vector<8x128xf32>
    %swap3A_1458 = vector.shape_cast %slice3A_1450 : vector<8x128xf32> to vector<1x1x1x8x128xf32>
    tpu.vector_store %arg7[%swap3A_1451, %swap3A_1452, %swap3A_1453, %swap3A_1454, %swap3A_1455], %swap3A_1458 {strides = array<i32>} : memref<1x8x32x8x128xf32, #tpu.memory_space<vmem>>, vector<1x1x1x8x128xf32>,
    %slice3A_1459 = vector.extract_strided_slice %concatenate3A {offsets = [32, 3456], sizes = [8, 128], strides = [1, 1]} : vector<64x4096xf32> to vector<8x128xf32>
    %swap3A_1460 = arith.constant 0 : index
    %swap3A_1461 = arith.constant 4 : index
    %swap3A_1462 = arith.constant 27 : index
    %swap3A_1463 = arith.constant 0 : index
    %swap3A_1464 = arith.constant 0 : index
    %swap3A_1465 = vector.load %arg7[%swap3A_1460, %swap3A_1461, %swap3A_1462, %swap3A_1463, %swap3A_1464] : memref<1x8x32x8x128xf32, #tpu.memory_space<vmem>>, vector<1x1x1x8x128xf32>
    %swap3A_1466 = vector.shape_cast %swap3A_1465 : vector<1x1x1x8x128xf32> to vector<8x128xf32>
    %swap3A_1467 = vector.shape_cast %slice3A_1459 : vector<8x128xf32> to vector<1x1x1x8x128xf32>
    tpu.vector_store %arg7[%swap3A_1460, %swap3A_1461, %swap3A_1462, %swap3A_1463, %swap3A_1464], %swap3A_1467 {strides = array<i32>} : memref<1x8x32x8x128xf32, #tpu.memory_space<vmem>>, vector<1x1x1x8x128xf32>,
    %slice3A_1468 = vector.extract_strided_slice %concatenate3A {offsets = [32, 3584], sizes = [8, 128], strides = [1, 1]} : vector<64x4096xf32> to vector<8x128xf32>
    %swap3A_1469 = arith.constant 0 : index
    %swap3A_1470 = arith.constant 4 : index
    %swap3A_1471 = arith.constant 28 : index
    %swap3A_1472 = arith.constant 0 : index
    %swap3A_1473 = arith.constant 0 : index
    %swap3A_1474 = vector.load %arg7[%swap3A_1469, %swap3A_1470, %swap3A_1471, %swap3A_1472, %swap3A_1473] : memref<1x8x32x8x128xf32, #tpu.memory_space<vmem>>, vector<1x1x1x8x128xf32>
    %swap3A_1475 = vector.shape_cast %swap3A_1474 : vector<1x1x1x8x128xf32> to vector<8x128xf32>
    %swap3A_1476 = vector.shape_cast %slice3A_1468 : vector<8x128xf32> to vector<1x1x1x8x128xf32>
    tpu.vector_store %arg7[%swap3A_1469, %swap3A_1470, %swap3A_1471, %swap3A_1472, %swap3A_1473], %swap3A_1476 {strides = array<i32>} : memref<1x8x32x8x128xf32, #tpu.memory_space<vmem>>, vector<1x1x1x8x128xf32>,
    %slice3A_1477 = vector.extract_strided_slice %concatenate3A {offsets = [32, 3712], sizes = [8, 128], strides = [1, 1]} : vector<64x4096xf32> to vector<8x128xf32>
    %swap3A_1478 = arith.constant 0 : index
    %swap3A_1479 = arith.constant 4 : index
    %swap3A_1480 = arith.constant 29 : index
    %swap3A_1481 = arith.constant 0 : index
    %swap3A_1482 = arith.constant 0 : index
    %swap3A_1483 = vector.load %arg7[%swap3A_1478, %swap3A_1479, %swap3A_1480, %swap3A_1481, %swap3A_1482] : memref<1x8x32x8x128xf32, #tpu.memory_space<vmem>>, vector<1x1x1x8x128xf32>
    %swap3A_1484 = vector.shape_cast %swap3A_1483 : vector<1x1x1x8x128xf32> to vector<8x128xf32>
    %swap3A_1485 = vector.shape_cast %slice3A_1477 : vector<8x128xf32> to vector<1x1x1x8x128xf32>
    tpu.vector_store %arg7[%swap3A_1478, %swap3A_1479, %swap3A_1480, %swap3A_1481, %swap3A_1482], %swap3A_1485 {strides = array<i32>} : memref<1x8x32x8x128xf32, #tpu.memory_space<vmem>>, vector<1x1x1x8x128xf32>,
    %slice3A_1486 = vector.extract_strided_slice %concatenate3A {offsets = [32, 3840], sizes = [8, 128], strides = [1, 1]} : vector<64x4096xf32> to vector<8x128xf32>
    %swap3A_1487 = arith.constant 0 : index
    %swap3A_1488 = arith.constant 4 : index
    %swap3A_1489 = arith.constant 30 : index
    %swap3A_1490 = arith.constant 0 : index
    %swap3A_1491 = arith.constant 0 : index
    %swap3A_1492 = vector.load %arg7[%swap3A_1487, %swap3A_1488, %swap3A_1489, %swap3A_1490, %swap3A_1491] : memref<1x8x32x8x128xf32, #tpu.memory_space<vmem>>, vector<1x1x1x8x128xf32>
    %swap3A_1493 = vector.shape_cast %swap3A_1492 : vector<1x1x1x8x128xf32> to vector<8x128xf32>
    %swap3A_1494 = vector.shape_cast %slice3A_1486 : vector<8x128xf32> to vector<1x1x1x8x128xf32>
    tpu.vector_store %arg7[%swap3A_1487, %swap3A_1488, %swap3A_1489, %swap3A_1490, %swap3A_1491], %swap3A_1494 {strides = array<i32>} : memref<1x8x32x8x128xf32, #tpu.memory_space<vmem>>, vector<1x1x1x8x128xf32>,
    %slice3A_1495 = vector.extract_strided_slice %concatenate3A {offsets = [32, 3968], sizes = [8, 128], strides = [1, 1]} : vector<64x4096xf32> to vector<8x128xf32>
    %swap3A_1496 = arith.constant 0 : index
    %swap3A_1497 = arith.constant 4 : index
    %swap3A_1498 = arith.constant 31 : index
    %swap3A_1499 = arith.constant 0 : index
    %swap3A_1500 = arith.constant 0 : index
    %swap3A_1501 = vector.load %arg7[%swap3A_1496, %swap3A_1497, %swap3A_1498, %swap3A_1499, %swap3A_1500] : memref<1x8x32x8x128xf32, #tpu.memory_space<vmem>>, vector<1x1x1x8x128xf32>
    %swap3A_1502 = vector.shape_cast %swap3A_1501 : vector<1x1x1x8x128xf32> to vector<8x128xf32>
    %swap3A_1503 = vector.shape_cast %slice3A_1495 : vector<8x128xf32> to vector<1x1x1x8x128xf32>
    tpu.vector_store %arg7[%swap3A_1496, %swap3A_1497, %swap3A_1498, %swap3A_1499, %swap3A_1500], %swap3A_1503 {strides = array<i32>} : memref<1x8x32x8x128xf32, #tpu.memory_space<vmem>>, vector<1x1x1x8x128xf32>,
    %slice3A_1504 = vector.extract_strided_slice %concatenate3A {offsets = [40, 0], sizes = [8, 128], strides = [1, 1]} : vector<64x4096xf32> to vector<8x128xf32>
    %swap3A_1505 = arith.constant 0 : index
    %swap3A_1506 = arith.constant 5 : index
    %swap3A_1507 = arith.constant 0 : index
    %swap3A_1508 = arith.constant 0 : index
    %swap3A_1509 = arith.constant 0 : index
    %swap3A_1510 = vector.load %arg7[%swap3A_1505, %swap3A_1506, %swap3A_1507, %swap3A_1508, %swap3A_1509] : memref<1x8x32x8x128xf32, #tpu.memory_space<vmem>>, vector<1x1x1x8x128xf32>
    %swap3A_1511 = vector.shape_cast %swap3A_1510 : vector<1x1x1x8x128xf32> to vector<8x128xf32>
    %swap3A_1512 = vector.shape_cast %slice3A_1504 : vector<8x128xf32> to vector<1x1x1x8x128xf32>
    tpu.vector_store %arg7[%swap3A_1505, %swap3A_1506, %swap3A_1507, %swap3A_1508, %swap3A_1509], %swap3A_1512 {strides = array<i32>} : memref<1x8x32x8x128xf32, #tpu.memory_space<vmem>>, vector<1x1x1x8x128xf32>,
    %slice3A_1513 = vector.extract_strided_slice %concatenate3A {offsets = [40, 128], sizes = [8, 128], strides = [1, 1]} : vector<64x4096xf32> to vector<8x128xf32>
    %swap3A_1514 = arith.constant 0 : index
    %swap3A_1515 = arith.constant 5 : index
    %swap3A_1516 = arith.constant 1 : index
    %swap3A_1517 = arith.constant 0 : index
    %swap3A_1518 = arith.constant 0 : index
    %swap3A_1519 = vector.load %arg7[%swap3A_1514, %swap3A_1515, %swap3A_1516, %swap3A_1517, %swap3A_1518] : memref<1x8x32x8x128xf32, #tpu.memory_space<vmem>>, vector<1x1x1x8x128xf32>
    %swap3A_1520 = vector.shape_cast %swap3A_1519 : vector<1x1x1x8x128xf32> to vector<8x128xf32>
    %swap3A_1521 = vector.shape_cast %slice3A_1513 : vector<8x128xf32> to vector<1x1x1x8x128xf32>
    tpu.vector_store %arg7[%swap3A_1514, %swap3A_1515, %swap3A_1516, %swap3A_1517, %swap3A_1518], %swap3A_1521 {strides = array<i32>} : memref<1x8x32x8x128xf32, #tpu.memory_space<vmem>>, vector<1x1x1x8x128xf32>,
    %slice3A_1522 = vector.extract_strided_slice %concatenate3A {offsets = [40, 256], sizes = [8, 128], strides = [1, 1]} : vector<64x4096xf32> to vector<8x128xf32>
    %swap3A_1523 = arith.constant 0 : index
    %swap3A_1524 = arith.constant 5 : index
    %swap3A_1525 = arith.constant 2 : index
    %swap3A_1526 = arith.constant 0 : index
    %swap3A_1527 = arith.constant 0 : index
    %swap3A_1528 = vector.load %arg7[%swap3A_1523, %swap3A_1524, %swap3A_1525, %swap3A_1526, %swap3A_1527] : memref<1x8x32x8x128xf32, #tpu.memory_space<vmem>>, vector<1x1x1x8x128xf32>
    %swap3A_1529 = vector.shape_cast %swap3A_1528 : vector<1x1x1x8x128xf32> to vector<8x128xf32>
    %swap3A_1530 = vector.shape_cast %slice3A_1522 : vector<8x128xf32> to vector<1x1x1x8x128xf32>
    tpu.vector_store %arg7[%swap3A_1523, %swap3A_1524, %swap3A_1525, %swap3A_1526, %swap3A_1527], %swap3A_1530 {strides = array<i32>} : memref<1x8x32x8x128xf32, #tpu.memory_space<vmem>>, vector<1x1x1x8x128xf32>,
    %slice3A_1531 = vector.extract_strided_slice %concatenate3A {offsets = [40, 384], sizes = [8, 128], strides = [1, 1]} : vector<64x4096xf32> to vector<8x128xf32>
    %swap3A_1532 = arith.constant 0 : index
    %swap3A_1533 = arith.constant 5 : index
    %swap3A_1534 = arith.constant 3 : index
    %swap3A_1535 = arith.constant 0 : index
    %swap3A_1536 = arith.constant 0 : index
    %swap3A_1537 = vector.load %arg7[%swap3A_1532, %swap3A_1533, %swap3A_1534, %swap3A_1535, %swap3A_1536] : memref<1x8x32x8x128xf32, #tpu.memory_space<vmem>>, vector<1x1x1x8x128xf32>
    %swap3A_1538 = vector.shape_cast %swap3A_1537 : vector<1x1x1x8x128xf32> to vector<8x128xf32>
    %swap3A_1539 = vector.shape_cast %slice3A_1531 : vector<8x128xf32> to vector<1x1x1x8x128xf32>
    tpu.vector_store %arg7[%swap3A_1532, %swap3A_1533, %swap3A_1534, %swap3A_1535, %swap3A_1536], %swap3A_1539 {strides = array<i32>} : memref<1x8x32x8x128xf32, #tpu.memory_space<vmem>>, vector<1x1x1x8x128xf32>,
    %slice3A_1540 = vector.extract_strided_slice %concatenate3A {offsets = [40, 512], sizes = [8, 128], strides = [1, 1]} : vector<64x4096xf32> to vector<8x128xf32>
    %swap3A_1541 = arith.constant 0 : index
    %swap3A_1542 = arith.constant 5 : index
    %swap3A_1543 = arith.constant 4 : index
    %swap3A_1544 = arith.constant 0 : index
    %swap3A_1545 = arith.constant 0 : index
    %swap3A_1546 = vector.load %arg7[%swap3A_1541, %swap3A_1542, %swap3A_1543, %swap3A_1544, %swap3A_1545] : memref<1x8x32x8x128xf32, #tpu.memory_space<vmem>>, vector<1x1x1x8x128xf32>
    %swap3A_1547 = vector.shape_cast %swap3A_1546 : vector<1x1x1x8x128xf32> to vector<8x128xf32>
    %swap3A_1548 = vector.shape_cast %slice3A_1540 : vector<8x128xf32> to vector<1x1x1x8x128xf32>
    tpu.vector_store %arg7[%swap3A_1541, %swap3A_1542, %swap3A_1543, %swap3A_1544, %swap3A_1545], %swap3A_1548 {strides = array<i32>} : memref<1x8x32x8x128xf32, #tpu.memory_space<vmem>>, vector<1x1x1x8x128xf32>,
    %slice3A_1549 = vector.extract_strided_slice %concatenate3A {offsets = [40, 640], sizes = [8, 128], strides = [1, 1]} : vector<64x4096xf32> to vector<8x128xf32>
    %swap3A_1550 = arith.constant 0 : index
    %swap3A_1551 = arith.constant 5 : index
    %swap3A_1552 = arith.constant 5 : index
    %swap3A_1553 = arith.constant 0 : index
    %swap3A_1554 = arith.constant 0 : index
    %swap3A_1555 = vector.load %arg7[%swap3A_1550, %swap3A_1551, %swap3A_1552, %swap3A_1553, %swap3A_1554] : memref<1x8x32x8x128xf32, #tpu.memory_space<vmem>>, vector<1x1x1x8x128xf32>
    %swap3A_1556 = vector.shape_cast %swap3A_1555 : vector<1x1x1x8x128xf32> to vector<8x128xf32>
    %swap3A_1557 = vector.shape_cast %slice3A_1549 : vector<8x128xf32> to vector<1x1x1x8x128xf32>
    tpu.vector_store %arg7[%swap3A_1550, %swap3A_1551, %swap3A_1552, %swap3A_1553, %swap3A_1554], %swap3A_1557 {strides = array<i32>} : memref<1x8x32x8x128xf32, #tpu.memory_space<vmem>>, vector<1x1x1x8x128xf32>,
    %slice3A_1558 = vector.extract_strided_slice %concatenate3A {offsets = [40, 768], sizes = [8, 128], strides = [1, 1]} : vector<64x4096xf32> to vector<8x128xf32>
    %swap3A_1559 = arith.constant 0 : index
    %swap3A_1560 = arith.constant 5 : index
    %swap3A_1561 = arith.constant 6 : index
    %swap3A_1562 = arith.constant 0 : index
    %swap3A_1563 = arith.constant 0 : index
    %swap3A_1564 = vector.load %arg7[%swap3A_1559, %swap3A_1560, %swap3A_1561, %swap3A_1562, %swap3A_1563] : memref<1x8x32x8x128xf32, #tpu.memory_space<vmem>>, vector<1x1x1x8x128xf32>
    %swap3A_1565 = vector.shape_cast %swap3A_1564 : vector<1x1x1x8x128xf32> to vector<8x128xf32>
    %swap3A_1566 = vector.shape_cast %slice3A_1558 : vector<8x128xf32> to vector<1x1x1x8x128xf32>
    tpu.vector_store %arg7[%swap3A_1559, %swap3A_1560, %swap3A_1561, %swap3A_1562, %swap3A_1563], %swap3A_1566 {strides = array<i32>} : memref<1x8x32x8x128xf32, #tpu.memory_space<vmem>>, vector<1x1x1x8x128xf32>,
    %slice3A_1567 = vector.extract_strided_slice %concatenate3A {offsets = [40, 896], sizes = [8, 128], strides = [1, 1]} : vector<64x4096xf32> to vector<8x128xf32>
    %swap3A_1568 = arith.constant 0 : index
    %swap3A_1569 = arith.constant 5 : index
    %swap3A_1570 = arith.constant 7 : index
    %swap3A_1571 = arith.constant 0 : index
    %swap3A_1572 = arith.constant 0 : index
    %swap3A_1573 = vector.load %arg7[%swap3A_1568, %swap3A_1569, %swap3A_1570, %swap3A_1571, %swap3A_1572] : memref<1x8x32x8x128xf32, #tpu.memory_space<vmem>>, vector<1x1x1x8x128xf32>
    %swap3A_1574 = vector.shape_cast %swap3A_1573 : vector<1x1x1x8x128xf32> to vector<8x128xf32>
    %swap3A_1575 = vector.shape_cast %slice3A_1567 : vector<8x128xf32> to vector<1x1x1x8x128xf32>
    tpu.vector_store %arg7[%swap3A_1568, %swap3A_1569, %swap3A_1570, %swap3A_1571, %swap3A_1572], %swap3A_1575 {strides = array<i32>} : memref<1x8x32x8x128xf32, #tpu.memory_space<vmem>>, vector<1x1x1x8x128xf32>,
    %slice3A_1576 = vector.extract_strided_slice %concatenate3A {offsets = [40, 1024], sizes = [8, 128], strides = [1, 1]} : vector<64x4096xf32> to vector<8x128xf32>
    %swap3A_1577 = arith.constant 0 : index
    %swap3A_1578 = arith.constant 5 : index
    %swap3A_1579 = arith.constant 8 : index
    %swap3A_1580 = arith.constant 0 : index
    %swap3A_1581 = arith.constant 0 : index
    %swap3A_1582 = vector.load %arg7[%swap3A_1577, %swap3A_1578, %swap3A_1579, %swap3A_1580, %swap3A_1581] : memref<1x8x32x8x128xf32, #tpu.memory_space<vmem>>, vector<1x1x1x8x128xf32>
    %swap3A_1583 = vector.shape_cast %swap3A_1582 : vector<1x1x1x8x128xf32> to vector<8x128xf32>
    %swap3A_1584 = vector.shape_cast %slice3A_1576 : vector<8x128xf32> to vector<1x1x1x8x128xf32>
    tpu.vector_store %arg7[%swap3A_1577, %swap3A_1578, %swap3A_1579, %swap3A_1580, %swap3A_1581], %swap3A_1584 {strides = array<i32>} : memref<1x8x32x8x128xf32, #tpu.memory_space<vmem>>, vector<1x1x1x8x128xf32>,
    %slice3A_1585 = vector.extract_strided_slice %concatenate3A {offsets = [40, 1152], sizes = [8, 128], strides = [1, 1]} : vector<64x4096xf32> to vector<8x128xf32>
    %swap3A_1586 = arith.constant 0 : index
    %swap3A_1587 = arith.constant 5 : index
    %swap3A_1588 = arith.constant 9 : index
    %swap3A_1589 = arith.constant 0 : index
    %swap3A_1590 = arith.constant 0 : index
    %swap3A_1591 = vector.load %arg7[%swap3A_1586, %swap3A_1587, %swap3A_1588, %swap3A_1589, %swap3A_1590] : memref<1x8x32x8x128xf32, #tpu.memory_space<vmem>>, vector<1x1x1x8x128xf32>
    %swap3A_1592 = vector.shape_cast %swap3A_1591 : vector<1x1x1x8x128xf32> to vector<8x128xf32>
    %swap3A_1593 = vector.shape_cast %slice3A_1585 : vector<8x128xf32> to vector<1x1x1x8x128xf32>
    tpu.vector_store %arg7[%swap3A_1586, %swap3A_1587, %swap3A_1588, %swap3A_1589, %swap3A_1590], %swap3A_1593 {strides = array<i32>} : memref<1x8x32x8x128xf32, #tpu.memory_space<vmem>>, vector<1x1x1x8x128xf32>,
    %slice3A_1594 = vector.extract_strided_slice %concatenate3A {offsets = [40, 1280], sizes = [8, 128], strides = [1, 1]} : vector<64x4096xf32> to vector<8x128xf32>
    %swap3A_1595 = arith.constant 0 : index
    %swap3A_1596 = arith.constant 5 : index
    %swap3A_1597 = arith.constant 10 : index
    %swap3A_1598 = arith.constant 0 : index
    %swap3A_1599 = arith.constant 0 : index
    %swap3A_1600 = vector.load %arg7[%swap3A_1595, %swap3A_1596, %swap3A_1597, %swap3A_1598, %swap3A_1599] : memref<1x8x32x8x128xf32, #tpu.memory_space<vmem>>, vector<1x1x1x8x128xf32>
    %swap3A_1601 = vector.shape_cast %swap3A_1600 : vector<1x1x1x8x128xf32> to vector<8x128xf32>
    %swap3A_1602 = vector.shape_cast %slice3A_1594 : vector<8x128xf32> to vector<1x1x1x8x128xf32>
    tpu.vector_store %arg7[%swap3A_1595, %swap3A_1596, %swap3A_1597, %swap3A_1598, %swap3A_1599], %swap3A_1602 {strides = array<i32>} : memref<1x8x32x8x128xf32, #tpu.memory_space<vmem>>, vector<1x1x1x8x128xf32>,
    %slice3A_1603 = vector.extract_strided_slice %concatenate3A {offsets = [40, 1408], sizes = [8, 128], strides = [1, 1]} : vector<64x4096xf32> to vector<8x128xf32>
    %swap3A_1604 = arith.constant 0 : index
    %swap3A_1605 = arith.constant 5 : index
    %swap3A_1606 = arith.constant 11 : index
    %swap3A_1607 = arith.constant 0 : index
    %swap3A_1608 = arith.constant 0 : index
    %swap3A_1609 = vector.load %arg7[%swap3A_1604, %swap3A_1605, %swap3A_1606, %swap3A_1607, %swap3A_1608] : memref<1x8x32x8x128xf32, #tpu.memory_space<vmem>>, vector<1x1x1x8x128xf32>
    %swap3A_1610 = vector.shape_cast %swap3A_1609 : vector<1x1x1x8x128xf32> to vector<8x128xf32>
    %swap3A_1611 = vector.shape_cast %slice3A_1603 : vector<8x128xf32> to vector<1x1x1x8x128xf32>
    tpu.vector_store %arg7[%swap3A_1604, %swap3A_1605, %swap3A_1606, %swap3A_1607, %swap3A_1608], %swap3A_1611 {strides = array<i32>} : memref<1x8x32x8x128xf32, #tpu.memory_space<vmem>>, vector<1x1x1x8x128xf32>,
    %slice3A_1612 = vector.extract_strided_slice %concatenate3A {offsets = [40, 1536], sizes = [8, 128], strides = [1, 1]} : vector<64x4096xf32> to vector<8x128xf32>
    %swap3A_1613 = arith.constant 0 : index
    %swap3A_1614 = arith.constant 5 : index
    %swap3A_1615 = arith.constant 12 : index
    %swap3A_1616 = arith.constant 0 : index
    %swap3A_1617 = arith.constant 0 : index
    %swap3A_1618 = vector.load %arg7[%swap3A_1613, %swap3A_1614, %swap3A_1615, %swap3A_1616, %swap3A_1617] : memref<1x8x32x8x128xf32, #tpu.memory_space<vmem>>, vector<1x1x1x8x128xf32>
    %swap3A_1619 = vector.shape_cast %swap3A_1618 : vector<1x1x1x8x128xf32> to vector<8x128xf32>
    %swap3A_1620 = vector.shape_cast %slice3A_1612 : vector<8x128xf32> to vector<1x1x1x8x128xf32>
    tpu.vector_store %arg7[%swap3A_1613, %swap3A_1614, %swap3A_1615, %swap3A_1616, %swap3A_1617], %swap3A_1620 {strides = array<i32>} : memref<1x8x32x8x128xf32, #tpu.memory_space<vmem>>, vector<1x1x1x8x128xf32>,
    %slice3A_1621 = vector.extract_strided_slice %concatenate3A {offsets = [40, 1664], sizes = [8, 128], strides = [1, 1]} : vector<64x4096xf32> to vector<8x128xf32>
    %swap3A_1622 = arith.constant 0 : index
    %swap3A_1623 = arith.constant 5 : index
    %swap3A_1624 = arith.constant 13 : index
    %swap3A_1625 = arith.constant 0 : index
    %swap3A_1626 = arith.constant 0 : index
    %swap3A_1627 = vector.load %arg7[%swap3A_1622, %swap3A_1623, %swap3A_1624, %swap3A_1625, %swap3A_1626] : memref<1x8x32x8x128xf32, #tpu.memory_space<vmem>>, vector<1x1x1x8x128xf32>
    %swap3A_1628 = vector.shape_cast %swap3A_1627 : vector<1x1x1x8x128xf32> to vector<8x128xf32>
    %swap3A_1629 = vector.shape_cast %slice3A_1621 : vector<8x128xf32> to vector<1x1x1x8x128xf32>
    tpu.vector_store %arg7[%swap3A_1622, %swap3A_1623, %swap3A_1624, %swap3A_1625, %swap3A_1626], %swap3A_1629 {strides = array<i32>} : memref<1x8x32x8x128xf32, #tpu.memory_space<vmem>>, vector<1x1x1x8x128xf32>,
    %slice3A_1630 = vector.extract_strided_slice %concatenate3A {offsets = [40, 1792], sizes = [8, 128], strides = [1, 1]} : vector<64x4096xf32> to vector<8x128xf32>
    %swap3A_1631 = arith.constant 0 : index
    %swap3A_1632 = arith.constant 5 : index
    %swap3A_1633 = arith.constant 14 : index
    %swap3A_1634 = arith.constant 0 : index
    %swap3A_1635 = arith.constant 0 : index
    %swap3A_1636 = vector.load %arg7[%swap3A_1631, %swap3A_1632, %swap3A_1633, %swap3A_1634, %swap3A_1635] : memref<1x8x32x8x128xf32, #tpu.memory_space<vmem>>, vector<1x1x1x8x128xf32>
    %swap3A_1637 = vector.shape_cast %swap3A_1636 : vector<1x1x1x8x128xf32> to vector<8x128xf32>
    %swap3A_1638 = vector.shape_cast %slice3A_1630 : vector<8x128xf32> to vector<1x1x1x8x128xf32>
    tpu.vector_store %arg7[%swap3A_1631, %swap3A_1632, %swap3A_1633, %swap3A_1634, %swap3A_1635], %swap3A_1638 {strides = array<i32>} : memref<1x8x32x8x128xf32, #tpu.memory_space<vmem>>, vector<1x1x1x8x128xf32>,
    %slice3A_1639 = vector.extract_strided_slice %concatenate3A {offsets = [40, 1920], sizes = [8, 128], strides = [1, 1]} : vector<64x4096xf32> to vector<8x128xf32>
    %swap3A_1640 = arith.constant 0 : index
    %swap3A_1641 = arith.constant 5 : index
    %swap3A_1642 = arith.constant 15 : index
    %swap3A_1643 = arith.constant 0 : index
    %swap3A_1644 = arith.constant 0 : index
    %swap3A_1645 = vector.load %arg7[%swap3A_1640, %swap3A_1641, %swap3A_1642, %swap3A_1643, %swap3A_1644] : memref<1x8x32x8x128xf32, #tpu.memory_space<vmem>>, vector<1x1x1x8x128xf32>
    %swap3A_1646 = vector.shape_cast %swap3A_1645 : vector<1x1x1x8x128xf32> to vector<8x128xf32>
    %swap3A_1647 = vector.shape_cast %slice3A_1639 : vector<8x128xf32> to vector<1x1x1x8x128xf32>
    tpu.vector_store %arg7[%swap3A_1640, %swap3A_1641, %swap3A_1642, %swap3A_1643, %swap3A_1644], %swap3A_1647 {strides = array<i32>} : memref<1x8x32x8x128xf32, #tpu.memory_space<vmem>>, vector<1x1x1x8x128xf32>,
    %slice3A_1648 = vector.extract_strided_slice %concatenate3A {offsets = [40, 2048], sizes = [8, 128], strides = [1, 1]} : vector<64x4096xf32> to vector<8x128xf32>
    %swap3A_1649 = arith.constant 0 : index
    %swap3A_1650 = arith.constant 5 : index
    %swap3A_1651 = arith.constant 16 : index
    %swap3A_1652 = arith.constant 0 : index
    %swap3A_1653 = arith.constant 0 : index
    %swap3A_1654 = vector.load %arg7[%swap3A_1649, %swap3A_1650, %swap3A_1651, %swap3A_1652, %swap3A_1653] : memref<1x8x32x8x128xf32, #tpu.memory_space<vmem>>, vector<1x1x1x8x128xf32>
    %swap3A_1655 = vector.shape_cast %swap3A_1654 : vector<1x1x1x8x128xf32> to vector<8x128xf32>
    %swap3A_1656 = vector.shape_cast %slice3A_1648 : vector<8x128xf32> to vector<1x1x1x8x128xf32>
    tpu.vector_store %arg7[%swap3A_1649, %swap3A_1650, %swap3A_1651, %swap3A_1652, %swap3A_1653], %swap3A_1656 {strides = array<i32>} : memref<1x8x32x8x128xf32, #tpu.memory_space<vmem>>, vector<1x1x1x8x128xf32>,
    %slice3A_1657 = vector.extract_strided_slice %concatenate3A {offsets = [40, 2176], sizes = [8, 128], strides = [1, 1]} : vector<64x4096xf32> to vector<8x128xf32>
    %swap3A_1658 = arith.constant 0 : index
    %swap3A_1659 = arith.constant 5 : index
    %swap3A_1660 = arith.constant 17 : index
    %swap3A_1661 = arith.constant 0 : index
    %swap3A_1662 = arith.constant 0 : index
    %swap3A_1663 = vector.load %arg7[%swap3A_1658, %swap3A_1659, %swap3A_1660, %swap3A_1661, %swap3A_1662] : memref<1x8x32x8x128xf32, #tpu.memory_space<vmem>>, vector<1x1x1x8x128xf32>
    %swap3A_1664 = vector.shape_cast %swap3A_1663 : vector<1x1x1x8x128xf32> to vector<8x128xf32>
    %swap3A_1665 = vector.shape_cast %slice3A_1657 : vector<8x128xf32> to vector<1x1x1x8x128xf32>
    tpu.vector_store %arg7[%swap3A_1658, %swap3A_1659, %swap3A_1660, %swap3A_1661, %swap3A_1662], %swap3A_1665 {strides = array<i32>} : memref<1x8x32x8x128xf32, #tpu.memory_space<vmem>>, vector<1x1x1x8x128xf32>,
    %slice3A_1666 = vector.extract_strided_slice %concatenate3A {offsets = [40, 2304], sizes = [8, 128], strides = [1, 1]} : vector<64x4096xf32> to vector<8x128xf32>
    %swap3A_1667 = arith.constant 0 : index
    %swap3A_1668 = arith.constant 5 : index
    %swap3A_1669 = arith.constant 18 : index
    %swap3A_1670 = arith.constant 0 : index
    %swap3A_1671 = arith.constant 0 : index
    %swap3A_1672 = vector.load %arg7[%swap3A_1667, %swap3A_1668, %swap3A_1669, %swap3A_1670, %swap3A_1671] : memref<1x8x32x8x128xf32, #tpu.memory_space<vmem>>, vector<1x1x1x8x128xf32>
    %swap3A_1673 = vector.shape_cast %swap3A_1672 : vector<1x1x1x8x128xf32> to vector<8x128xf32>
    %swap3A_1674 = vector.shape_cast %slice3A_1666 : vector<8x128xf32> to vector<1x1x1x8x128xf32>
    tpu.vector_store %arg7[%swap3A_1667, %swap3A_1668, %swap3A_1669, %swap3A_1670, %swap3A_1671], %swap3A_1674 {strides = array<i32>} : memref<1x8x32x8x128xf32, #tpu.memory_space<vmem>>, vector<1x1x1x8x128xf32>,
    %slice3A_1675 = vector.extract_strided_slice %concatenate3A {offsets = [40, 2432], sizes = [8, 128], strides = [1, 1]} : vector<64x4096xf32> to vector<8x128xf32>
    %swap3A_1676 = arith.constant 0 : index
    %swap3A_1677 = arith.constant 5 : index
    %swap3A_1678 = arith.constant 19 : index
    %swap3A_1679 = arith.constant 0 : index
    %swap3A_1680 = arith.constant 0 : index
    %swap3A_1681 = vector.load %arg7[%swap3A_1676, %swap3A_1677, %swap3A_1678, %swap3A_1679, %swap3A_1680] : memref<1x8x32x8x128xf32, #tpu.memory_space<vmem>>, vector<1x1x1x8x128xf32>
    %swap3A_1682 = vector.shape_cast %swap3A_1681 : vector<1x1x1x8x128xf32> to vector<8x128xf32>
    %swap3A_1683 = vector.shape_cast %slice3A_1675 : vector<8x128xf32> to vector<1x1x1x8x128xf32>
    tpu.vector_store %arg7[%swap3A_1676, %swap3A_1677, %swap3A_1678, %swap3A_1679, %swap3A_1680], %swap3A_1683 {strides = array<i32>} : memref<1x8x32x8x128xf32, #tpu.memory_space<vmem>>, vector<1x1x1x8x128xf32>,
    %slice3A_1684 = vector.extract_strided_slice %concatenate3A {offsets = [40, 2560], sizes = [8, 128], strides = [1, 1]} : vector<64x4096xf32> to vector<8x128xf32>
    %swap3A_1685 = arith.constant 0 : index
    %swap3A_1686 = arith.constant 5 : index
    %swap3A_1687 = arith.constant 20 : index
    %swap3A_1688 = arith.constant 0 : index
    %swap3A_1689 = arith.constant 0 : index
    %swap3A_1690 = vector.load %arg7[%swap3A_1685, %swap3A_1686, %swap3A_1687, %swap3A_1688, %swap3A_1689] : memref<1x8x32x8x128xf32, #tpu.memory_space<vmem>>, vector<1x1x1x8x128xf32>
    %swap3A_1691 = vector.shape_cast %swap3A_1690 : vector<1x1x1x8x128xf32> to vector<8x128xf32>
    %swap3A_1692 = vector.shape_cast %slice3A_1684 : vector<8x128xf32> to vector<1x1x1x8x128xf32>
    tpu.vector_store %arg7[%swap3A_1685, %swap3A_1686, %swap3A_1687, %swap3A_1688, %swap3A_1689], %swap3A_1692 {strides = array<i32>} : memref<1x8x32x8x128xf32, #tpu.memory_space<vmem>>, vector<1x1x1x8x128xf32>,
    %slice3A_1693 = vector.extract_strided_slice %concatenate3A {offsets = [40, 2688], sizes = [8, 128], strides = [1, 1]} : vector<64x4096xf32> to vector<8x128xf32>
    %swap3A_1694 = arith.constant 0 : index
    %swap3A_1695 = arith.constant 5 : index
    %swap3A_1696 = arith.constant 21 : index
    %swap3A_1697 = arith.constant 0 : index
    %swap3A_1698 = arith.constant 0 : index
    %swap3A_1699 = vector.load %arg7[%swap3A_1694, %swap3A_1695, %swap3A_1696, %swap3A_1697, %swap3A_1698] : memref<1x8x32x8x128xf32, #tpu.memory_space<vmem>>, vector<1x1x1x8x128xf32>
    %swap3A_1700 = vector.shape_cast %swap3A_1699 : vector<1x1x1x8x128xf32> to vector<8x128xf32>
    %swap3A_1701 = vector.shape_cast %slice3A_1693 : vector<8x128xf32> to vector<1x1x1x8x128xf32>
    tpu.vector_store %arg7[%swap3A_1694, %swap3A_1695, %swap3A_1696, %swap3A_1697, %swap3A_1698], %swap3A_1701 {strides = array<i32>} : memref<1x8x32x8x128xf32, #tpu.memory_space<vmem>>, vector<1x1x1x8x128xf32>,
    %slice3A_1702 = vector.extract_strided_slice %concatenate3A {offsets = [40, 2816], sizes = [8, 128], strides = [1, 1]} : vector<64x4096xf32> to vector<8x128xf32>
    %swap3A_1703 = arith.constant 0 : index
    %swap3A_1704 = arith.constant 5 : index
    %swap3A_1705 = arith.constant 22 : index
    %swap3A_1706 = arith.constant 0 : index
    %swap3A_1707 = arith.constant 0 : index
    %swap3A_1708 = vector.load %arg7[%swap3A_1703, %swap3A_1704, %swap3A_1705, %swap3A_1706, %swap3A_1707] : memref<1x8x32x8x128xf32, #tpu.memory_space<vmem>>, vector<1x1x1x8x128xf32>
    %swap3A_1709 = vector.shape_cast %swap3A_1708 : vector<1x1x1x8x128xf32> to vector<8x128xf32>
    %swap3A_1710 = vector.shape_cast %slice3A_1702 : vector<8x128xf32> to vector<1x1x1x8x128xf32>
    tpu.vector_store %arg7[%swap3A_1703, %swap3A_1704, %swap3A_1705, %swap3A_1706, %swap3A_1707], %swap3A_1710 {strides = array<i32>} : memref<1x8x32x8x128xf32, #tpu.memory_space<vmem>>, vector<1x1x1x8x128xf32>,
    %slice3A_1711 = vector.extract_strided_slice %concatenate3A {offsets = [40, 2944], sizes = [8, 128], strides = [1, 1]} : vector<64x4096xf32> to vector<8x128xf32>
    %swap3A_1712 = arith.constant 0 : index
    %swap3A_1713 = arith.constant 5 : index
    %swap3A_1714 = arith.constant 23 : index
    %swap3A_1715 = arith.constant 0 : index
    %swap3A_1716 = arith.constant 0 : index
    %swap3A_1717 = vector.load %arg7[%swap3A_1712, %swap3A_1713, %swap3A_1714, %swap3A_1715, %swap3A_1716] : memref<1x8x32x8x128xf32, #tpu.memory_space<vmem>>, vector<1x1x1x8x128xf32>
    %swap3A_1718 = vector.shape_cast %swap3A_1717 : vector<1x1x1x8x128xf32> to vector<8x128xf32>
    %swap3A_1719 = vector.shape_cast %slice3A_1711 : vector<8x128xf32> to vector<1x1x1x8x128xf32>
    tpu.vector_store %arg7[%swap3A_1712, %swap3A_1713, %swap3A_1714, %swap3A_1715, %swap3A_1716], %swap3A_1719 {strides = array<i32>} : memref<1x8x32x8x128xf32, #tpu.memory_space<vmem>>, vector<1x1x1x8x128xf32>,
    %slice3A_1720 = vector.extract_strided_slice %concatenate3A {offsets = [40, 3072], sizes = [8, 128], strides = [1, 1]} : vector<64x4096xf32> to vector<8x128xf32>
    %swap3A_1721 = arith.constant 0 : index
    %swap3A_1722 = arith.constant 5 : index
    %swap3A_1723 = arith.constant 24 : index
    %swap3A_1724 = arith.constant 0 : index
    %swap3A_1725 = arith.constant 0 : index
    %swap3A_1726 = vector.load %arg7[%swap3A_1721, %swap3A_1722, %swap3A_1723, %swap3A_1724, %swap3A_1725] : memref<1x8x32x8x128xf32, #tpu.memory_space<vmem>>, vector<1x1x1x8x128xf32>
    %swap3A_1727 = vector.shape_cast %swap3A_1726 : vector<1x1x1x8x128xf32> to vector<8x128xf32>
    %swap3A_1728 = vector.shape_cast %slice3A_1720 : vector<8x128xf32> to vector<1x1x1x8x128xf32>
    tpu.vector_store %arg7[%swap3A_1721, %swap3A_1722, %swap3A_1723, %swap3A_1724, %swap3A_1725], %swap3A_1728 {strides = array<i32>} : memref<1x8x32x8x128xf32, #tpu.memory_space<vmem>>, vector<1x1x1x8x128xf32>,
    %slice3A_1729 = vector.extract_strided_slice %concatenate3A {offsets = [40, 3200], sizes = [8, 128], strides = [1, 1]} : vector<64x4096xf32> to vector<8x128xf32>
    %swap3A_1730 = arith.constant 0 : index
    %swap3A_1731 = arith.constant 5 : index
    %swap3A_1732 = arith.constant 25 : index
    %swap3A_1733 = arith.constant 0 : index
    %swap3A_1734 = arith.constant 0 : index
    %swap3A_1735 = vector.load %arg7[%swap3A_1730, %swap3A_1731, %swap3A_1732, %swap3A_1733, %swap3A_1734] : memref<1x8x32x8x128xf32, #tpu.memory_space<vmem>>, vector<1x1x1x8x128xf32>
    %swap3A_1736 = vector.shape_cast %swap3A_1735 : vector<1x1x1x8x128xf32> to vector<8x128xf32>
    %swap3A_1737 = vector.shape_cast %slice3A_1729 : vector<8x128xf32> to vector<1x1x1x8x128xf32>
    tpu.vector_store %arg7[%swap3A_1730, %swap3A_1731, %swap3A_1732, %swap3A_1733, %swap3A_1734], %swap3A_1737 {strides = array<i32>} : memref<1x8x32x8x128xf32, #tpu.memory_space<vmem>>, vector<1x1x1x8x128xf32>,
    %slice3A_1738 = vector.extract_strided_slice %concatenate3A {offsets = [40, 3328], sizes = [8, 128], strides = [1, 1]} : vector<64x4096xf32> to vector<8x128xf32>
    %swap3A_1739 = arith.constant 0 : index
    %swap3A_1740 = arith.constant 5 : index
    %swap3A_1741 = arith.constant 26 : index
    %swap3A_1742 = arith.constant 0 : index
    %swap3A_1743 = arith.constant 0 : index
    %swap3A_1744 = vector.load %arg7[%swap3A_1739, %swap3A_1740, %swap3A_1741, %swap3A_1742, %swap3A_1743] : memref<1x8x32x8x128xf32, #tpu.memory_space<vmem>>, vector<1x1x1x8x128xf32>
    %swap3A_1745 = vector.shape_cast %swap3A_1744 : vector<1x1x1x8x128xf32> to vector<8x128xf32>
    %swap3A_1746 = vector.shape_cast %slice3A_1738 : vector<8x128xf32> to vector<1x1x1x8x128xf32>
    tpu.vector_store %arg7[%swap3A_1739, %swap3A_1740, %swap3A_1741, %swap3A_1742, %swap3A_1743], %swap3A_1746 {strides = array<i32>} : memref<1x8x32x8x128xf32, #tpu.memory_space<vmem>>, vector<1x1x1x8x128xf32>,
    %slice3A_1747 = vector.extract_strided_slice %concatenate3A {offsets = [40, 3456], sizes = [8, 128], strides = [1, 1]} : vector<64x4096xf32> to vector<8x128xf32>
    %swap3A_1748 = arith.constant 0 : index
    %swap3A_1749 = arith.constant 5 : index
    %swap3A_1750 = arith.constant 27 : index
    %swap3A_1751 = arith.constant 0 : index
    %swap3A_1752 = arith.constant 0 : index
    %swap3A_1753 = vector.load %arg7[%swap3A_1748, %swap3A_1749, %swap3A_1750, %swap3A_1751, %swap3A_1752] : memref<1x8x32x8x128xf32, #tpu.memory_space<vmem>>, vector<1x1x1x8x128xf32>
    %swap3A_1754 = vector.shape_cast %swap3A_1753 : vector<1x1x1x8x128xf32> to vector<8x128xf32>
    %swap3A_1755 = vector.shape_cast %slice3A_1747 : vector<8x128xf32> to vector<1x1x1x8x128xf32>
    tpu.vector_store %arg7[%swap3A_1748, %swap3A_1749, %swap3A_1750, %swap3A_1751, %swap3A_1752], %swap3A_1755 {strides = array<i32>} : memref<1x8x32x8x128xf32, #tpu.memory_space<vmem>>, vector<1x1x1x8x128xf32>,
    %slice3A_1756 = vector.extract_strided_slice %concatenate3A {offsets = [40, 3584], sizes = [8, 128], strides = [1, 1]} : vector<64x4096xf32> to vector<8x128xf32>
    %swap3A_1757 = arith.constant 0 : index
    %swap3A_1758 = arith.constant 5 : index
    %swap3A_1759 = arith.constant 28 : index
    %swap3A_1760 = arith.constant 0 : index
    %swap3A_1761 = arith.constant 0 : index
    %swap3A_1762 = vector.load %arg7[%swap3A_1757, %swap3A_1758, %swap3A_1759, %swap3A_1760, %swap3A_1761] : memref<1x8x32x8x128xf32, #tpu.memory_space<vmem>>, vector<1x1x1x8x128xf32>
    %swap3A_1763 = vector.shape_cast %swap3A_1762 : vector<1x1x1x8x128xf32> to vector<8x128xf32>
    %swap3A_1764 = vector.shape_cast %slice3A_1756 : vector<8x128xf32> to vector<1x1x1x8x128xf32>
    tpu.vector_store %arg7[%swap3A_1757, %swap3A_1758, %swap3A_1759, %swap3A_1760, %swap3A_1761], %swap3A_1764 {strides = array<i32>} : memref<1x8x32x8x128xf32, #tpu.memory_space<vmem>>, vector<1x1x1x8x128xf32>,
    %slice3A_1765 = vector.extract_strided_slice %concatenate3A {offsets = [40, 3712], sizes = [8, 128], strides = [1, 1]} : vector<64x4096xf32> to vector<8x128xf32>
    %swap3A_1766 = arith.constant 0 : index
    %swap3A_1767 = arith.constant 5 : index
    %swap3A_1768 = arith.constant 29 : index
    %swap3A_1769 = arith.constant 0 : index
    %swap3A_1770 = arith.constant 0 : index
    %swap3A_1771 = vector.load %arg7[%swap3A_1766, %swap3A_1767, %swap3A_1768, %swap3A_1769, %swap3A_1770] : memref<1x8x32x8x128xf32, #tpu.memory_space<vmem>>, vector<1x1x1x8x128xf32>
    %swap3A_1772 = vector.shape_cast %swap3A_1771 : vector<1x1x1x8x128xf32> to vector<8x128xf32>
    %swap3A_1773 = vector.shape_cast %slice3A_1765 : vector<8x128xf32> to vector<1x1x1x8x128xf32>
    tpu.vector_store %arg7[%swap3A_1766, %swap3A_1767, %swap3A_1768, %swap3A_1769, %swap3A_1770], %swap3A_1773 {strides = array<i32>} : memref<1x8x32x8x128xf32, #tpu.memory_space<vmem>>, vector<1x1x1x8x128xf32>,
    %slice3A_1774 = vector.extract_strided_slice %concatenate3A {offsets = [40, 3840], sizes = [8, 128], strides = [1, 1]} : vector<64x4096xf32> to vector<8x128xf32>
    %swap3A_1775 = arith.constant 0 : index
    %swap3A_1776 = arith.constant 5 : index
    %swap3A_1777 = arith.constant 30 : index
    %swap3A_1778 = arith.constant 0 : index
    %swap3A_1779 = arith.constant 0 : index
    %swap3A_1780 = vector.load %arg7[%swap3A_1775, %swap3A_1776, %swap3A_1777, %swap3A_1778, %swap3A_1779] : memref<1x8x32x8x128xf32, #tpu.memory_space<vmem>>, vector<1x1x1x8x128xf32>
    %swap3A_1781 = vector.shape_cast %swap3A_1780 : vector<1x1x1x8x128xf32> to vector<8x128xf32>
    %swap3A_1782 = vector.shape_cast %slice3A_1774 : vector<8x128xf32> to vector<1x1x1x8x128xf32>
    tpu.vector_store %arg7[%swap3A_1775, %swap3A_1776, %swap3A_1777, %swap3A_1778, %swap3A_1779], %swap3A_1782 {strides = array<i32>} : memref<1x8x32x8x128xf32, #tpu.memory_space<vmem>>, vector<1x1x1x8x128xf32>,
    %slice3A_1783 = vector.extract_strided_slice %concatenate3A {offsets = [40, 3968], sizes = [8, 128], strides = [1, 1]} : vector<64x4096xf32> to vector<8x128xf32>
    %swap3A_1784 = arith.constant 0 : index
    %swap3A_1785 = arith.constant 5 : index
    %swap3A_1786 = arith.constant 31 : index
    %swap3A_1787 = arith.constant 0 : index
    %swap3A_1788 = arith.constant 0 : index
    %swap3A_1789 = vector.load %arg7[%swap3A_1784, %swap3A_1785, %swap3A_1786, %swap3A_1787, %swap3A_1788] : memref<1x8x32x8x128xf32, #tpu.memory_space<vmem>>, vector<1x1x1x8x128xf32>
    %swap3A_1790 = vector.shape_cast %swap3A_1789 : vector<1x1x1x8x128xf32> to vector<8x128xf32>
    %swap3A_1791 = vector.shape_cast %slice3A_1783 : vector<8x128xf32> to vector<1x1x1x8x128xf32>
    tpu.vector_store %arg7[%swap3A_1784, %swap3A_1785, %swap3A_1786, %swap3A_1787, %swap3A_1788], %swap3A_1791 {strides = array<i32>} : memref<1x8x32x8x128xf32, #tpu.memory_space<vmem>>, vector<1x1x1x8x128xf32>,
    %slice3A_1792 = vector.extract_strided_slice %concatenate3A {offsets = [48, 0], sizes = [8, 128], strides = [1, 1]} : vector<64x4096xf32> to vector<8x128xf32>
    %swap3A_1793 = arith.constant 0 : index
    %swap3A_1794 = arith.constant 6 : index
    %swap3A_1795 = arith.constant 0 : index
    %swap3A_1796 = arith.constant 0 : index
    %swap3A_1797 = arith.constant 0 : index
    %swap3A_1798 = vector.load %arg7[%swap3A_1793, %swap3A_1794, %swap3A_1795, %swap3A_1796, %swap3A_1797] : memref<1x8x32x8x128xf32, #tpu.memory_space<vmem>>, vector<1x1x1x8x128xf32>
    %swap3A_1799 = vector.shape_cast %swap3A_1798 : vector<1x1x1x8x128xf32> to vector<8x128xf32>
    %swap3A_1800 = vector.shape_cast %slice3A_1792 : vector<8x128xf32> to vector<1x1x1x8x128xf32>
    tpu.vector_store %arg7[%swap3A_1793, %swap3A_1794, %swap3A_1795, %swap3A_1796, %swap3A_1797], %swap3A_1800 {strides = array<i32>} : memref<1x8x32x8x128xf32, #tpu.memory_space<vmem>>, vector<1x1x1x8x128xf32>,
    %slice3A_1801 = vector.extract_strided_slice %concatenate3A {offsets = [48, 128], sizes = [8, 128], strides = [1, 1]} : vector<64x4096xf32> to vector<8x128xf32>
    %swap3A_1802 = arith.constant 0 : index
    %swap3A_1803 = arith.constant 6 : index
    %swap3A_1804 = arith.constant 1 : index
    %swap3A_1805 = arith.constant 0 : index
    %swap3A_1806 = arith.constant 0 : index
    %swap3A_1807 = vector.load %arg7[%swap3A_1802, %swap3A_1803, %swap3A_1804, %swap3A_1805, %swap3A_1806] : memref<1x8x32x8x128xf32, #tpu.memory_space<vmem>>, vector<1x1x1x8x128xf32>
    %swap3A_1808 = vector.shape_cast %swap3A_1807 : vector<1x1x1x8x128xf32> to vector<8x128xf32>
    %swap3A_1809 = vector.shape_cast %slice3A_1801 : vector<8x128xf32> to vector<1x1x1x8x128xf32>
    tpu.vector_store %arg7[%swap3A_1802, %swap3A_1803, %swap3A_1804, %swap3A_1805, %swap3A_1806], %swap3A_1809 {strides = array<i32>} : memref<1x8x32x8x128xf32, #tpu.memory_space<vmem>>, vector<1x1x1x8x128xf32>,
    %slice3A_1810 = vector.extract_strided_slice %concatenate3A {offsets = [48, 256], sizes = [8, 128], strides = [1, 1]} : vector<64x4096xf32> to vector<8x128xf32>
    %swap3A_1811 = arith.constant 0 : index
    %swap3A_1812 = arith.constant 6 : index
    %swap3A_1813 = arith.constant 2 : index
    %swap3A_1814 = arith.constant 0 : index
    %swap3A_1815 = arith.constant 0 : index
    %swap3A_1816 = vector.load %arg7[%swap3A_1811, %swap3A_1812, %swap3A_1813, %swap3A_1814, %swap3A_1815] : memref<1x8x32x8x128xf32, #tpu.memory_space<vmem>>, vector<1x1x1x8x128xf32>
    %swap3A_1817 = vector.shape_cast %swap3A_1816 : vector<1x1x1x8x128xf32> to vector<8x128xf32>
    %swap3A_1818 = vector.shape_cast %slice3A_1810 : vector<8x128xf32> to vector<1x1x1x8x128xf32>
    tpu.vector_store %arg7[%swap3A_1811, %swap3A_1812, %swap3A_1813, %swap3A_1814, %swap3A_1815], %swap3A_1818 {strides = array<i32>} : memref<1x8x32x8x128xf32, #tpu.memory_space<vmem>>, vector<1x1x1x8x128xf32>,
    %slice3A_1819 = vector.extract_strided_slice %concatenate3A {offsets = [48, 384], sizes = [8, 128], strides = [1, 1]} : vector<64x4096xf32> to vector<8x128xf32>
    %swap3A_1820 = arith.constant 0 : index
    %swap3A_1821 = arith.constant 6 : index
    %swap3A_1822 = arith.constant 3 : index
    %swap3A_1823 = arith.constant 0 : index
    %swap3A_1824 = arith.constant 0 : index
    %swap3A_1825 = vector.load %arg7[%swap3A_1820, %swap3A_1821, %swap3A_1822, %swap3A_1823, %swap3A_1824] : memref<1x8x32x8x128xf32, #tpu.memory_space<vmem>>, vector<1x1x1x8x128xf32>
    %swap3A_1826 = vector.shape_cast %swap3A_1825 : vector<1x1x1x8x128xf32> to vector<8x128xf32>
    %swap3A_1827 = vector.shape_cast %slice3A_1819 : vector<8x128xf32> to vector<1x1x1x8x128xf32>
    tpu.vector_store %arg7[%swap3A_1820, %swap3A_1821, %swap3A_1822, %swap3A_1823, %swap3A_1824], %swap3A_1827 {strides = array<i32>} : memref<1x8x32x8x128xf32, #tpu.memory_space<vmem>>, vector<1x1x1x8x128xf32>,
    %slice3A_1828 = vector.extract_strided_slice %concatenate3A {offsets = [48, 512], sizes = [8, 128], strides = [1, 1]} : vector<64x4096xf32> to vector<8x128xf32>
    %swap3A_1829 = arith.constant 0 : index
    %swap3A_1830 = arith.constant 6 : index
    %swap3A_1831 = arith.constant 4 : index
    %swap3A_1832 = arith.constant 0 : index
    %swap3A_1833 = arith.constant 0 : index
    %swap3A_1834 = vector.load %arg7[%swap3A_1829, %swap3A_1830, %swap3A_1831, %swap3A_1832, %swap3A_1833] : memref<1x8x32x8x128xf32, #tpu.memory_space<vmem>>, vector<1x1x1x8x128xf32>
    %swap3A_1835 = vector.shape_cast %swap3A_1834 : vector<1x1x1x8x128xf32> to vector<8x128xf32>
    %swap3A_1836 = vector.shape_cast %slice3A_1828 : vector<8x128xf32> to vector<1x1x1x8x128xf32>
    tpu.vector_store %arg7[%swap3A_1829, %swap3A_1830, %swap3A_1831, %swap3A_1832, %swap3A_1833], %swap3A_1836 {strides = array<i32>} : memref<1x8x32x8x128xf32, #tpu.memory_space<vmem>>, vector<1x1x1x8x128xf32>,
    %slice3A_1837 = vector.extract_strided_slice %concatenate3A {offsets = [48, 640], sizes = [8, 128], strides = [1, 1]} : vector<64x4096xf32> to vector<8x128xf32>
    %swap3A_1838 = arith.constant 0 : index
    %swap3A_1839 = arith.constant 6 : index
    %swap3A_1840 = arith.constant 5 : index
    %swap3A_1841 = arith.constant 0 : index
    %swap3A_1842 = arith.constant 0 : index
    %swap3A_1843 = vector.load %arg7[%swap3A_1838, %swap3A_1839, %swap3A_1840, %swap3A_1841, %swap3A_1842] : memref<1x8x32x8x128xf32, #tpu.memory_space<vmem>>, vector<1x1x1x8x128xf32>
    %swap3A_1844 = vector.shape_cast %swap3A_1843 : vector<1x1x1x8x128xf32> to vector<8x128xf32>
    %swap3A_1845 = vector.shape_cast %slice3A_1837 : vector<8x128xf32> to vector<1x1x1x8x128xf32>
    tpu.vector_store %arg7[%swap3A_1838, %swap3A_1839, %swap3A_1840, %swap3A_1841, %swap3A_1842], %swap3A_1845 {strides = array<i32>} : memref<1x8x32x8x128xf32, #tpu.memory_space<vmem>>, vector<1x1x1x8x128xf32>,
    %slice3A_1846 = vector.extract_strided_slice %concatenate3A {offsets = [48, 768], sizes = [8, 128], strides = [1, 1]} : vector<64x4096xf32> to vector<8x128xf32>
    %swap3A_1847 = arith.constant 0 : index
    %swap3A_1848 = arith.constant 6 : index
    %swap3A_1849 = arith.constant 6 : index
    %swap3A_1850 = arith.constant 0 : index
    %swap3A_1851 = arith.constant 0 : index
    %swap3A_1852 = vector.load %arg7[%swap3A_1847, %swap3A_1848, %swap3A_1849, %swap3A_1850, %swap3A_1851] : memref<1x8x32x8x128xf32, #tpu.memory_space<vmem>>, vector<1x1x1x8x128xf32>
    %swap3A_1853 = vector.shape_cast %swap3A_1852 : vector<1x1x1x8x128xf32> to vector<8x128xf32>
    %swap3A_1854 = vector.shape_cast %slice3A_1846 : vector<8x128xf32> to vector<1x1x1x8x128xf32>
    tpu.vector_store %arg7[%swap3A_1847, %swap3A_1848, %swap3A_1849, %swap3A_1850, %swap3A_1851], %swap3A_1854 {strides = array<i32>} : memref<1x8x32x8x128xf32, #tpu.memory_space<vmem>>, vector<1x1x1x8x128xf32>,
    %slice3A_1855 = vector.extract_strided_slice %concatenate3A {offsets = [48, 896], sizes = [8, 128], strides = [1, 1]} : vector<64x4096xf32> to vector<8x128xf32>
    %swap3A_1856 = arith.constant 0 : index
    %swap3A_1857 = arith.constant 6 : index
    %swap3A_1858 = arith.constant 7 : index
    %swap3A_1859 = arith.constant 0 : index
    %swap3A_1860 = arith.constant 0 : index
    %swap3A_1861 = vector.load %arg7[%swap3A_1856, %swap3A_1857, %swap3A_1858, %swap3A_1859, %swap3A_1860] : memref<1x8x32x8x128xf32, #tpu.memory_space<vmem>>, vector<1x1x1x8x128xf32>
    %swap3A_1862 = vector.shape_cast %swap3A_1861 : vector<1x1x1x8x128xf32> to vector<8x128xf32>
    %swap3A_1863 = vector.shape_cast %slice3A_1855 : vector<8x128xf32> to vector<1x1x1x8x128xf32>
    tpu.vector_store %arg7[%swap3A_1856, %swap3A_1857, %swap3A_1858, %swap3A_1859, %swap3A_1860], %swap3A_1863 {strides = array<i32>} : memref<1x8x32x8x128xf32, #tpu.memory_space<vmem>>, vector<1x1x1x8x128xf32>,
    %slice3A_1864 = vector.extract_strided_slice %concatenate3A {offsets = [48, 1024], sizes = [8, 128], strides = [1, 1]} : vector<64x4096xf32> to vector<8x128xf32>
    %swap3A_1865 = arith.constant 0 : index
    %swap3A_1866 = arith.constant 6 : index
    %swap3A_1867 = arith.constant 8 : index
    %swap3A_1868 = arith.constant 0 : index
    %swap3A_1869 = arith.constant 0 : index
    %swap3A_1870 = vector.load %arg7[%swap3A_1865, %swap3A_1866, %swap3A_1867, %swap3A_1868, %swap3A_1869] : memref<1x8x32x8x128xf32, #tpu.memory_space<vmem>>, vector<1x1x1x8x128xf32>
    %swap3A_1871 = vector.shape_cast %swap3A_1870 : vector<1x1x1x8x128xf32> to vector<8x128xf32>
    %swap3A_1872 = vector.shape_cast %slice3A_1864 : vector<8x128xf32> to vector<1x1x1x8x128xf32>
    tpu.vector_store %arg7[%swap3A_1865, %swap3A_1866, %swap3A_1867, %swap3A_1868, %swap3A_1869], %swap3A_1872 {strides = array<i32>} : memref<1x8x32x8x128xf32, #tpu.memory_space<vmem>>, vector<1x1x1x8x128xf32>,
    %slice3A_1873 = vector.extract_strided_slice %concatenate3A {offsets = [48, 1152], sizes = [8, 128], strides = [1, 1]} : vector<64x4096xf32> to vector<8x128xf32>
    %swap3A_1874 = arith.constant 0 : index
    %swap3A_1875 = arith.constant 6 : index
    %swap3A_1876 = arith.constant 9 : index
    %swap3A_1877 = arith.constant 0 : index
    %swap3A_1878 = arith.constant 0 : index
    %swap3A_1879 = vector.load %arg7[%swap3A_1874, %swap3A_1875, %swap3A_1876, %swap3A_1877, %swap3A_1878] : memref<1x8x32x8x128xf32, #tpu.memory_space<vmem>>, vector<1x1x1x8x128xf32>
    %swap3A_1880 = vector.shape_cast %swap3A_1879 : vector<1x1x1x8x128xf32> to vector<8x128xf32>
    %swap3A_1881 = vector.shape_cast %slice3A_1873 : vector<8x128xf32> to vector<1x1x1x8x128xf32>
    tpu.vector_store %arg7[%swap3A_1874, %swap3A_1875, %swap3A_1876, %swap3A_1877, %swap3A_1878], %swap3A_1881 {strides = array<i32>} : memref<1x8x32x8x128xf32, #tpu.memory_space<vmem>>, vector<1x1x1x8x128xf32>,
    %slice3A_1882 = vector.extract_strided_slice %concatenate3A {offsets = [48, 1280], sizes = [8, 128], strides = [1, 1]} : vector<64x4096xf32> to vector<8x128xf32>
    %swap3A_1883 = arith.constant 0 : index
    %swap3A_1884 = arith.constant 6 : index
    %swap3A_1885 = arith.constant 10 : index
    %swap3A_1886 = arith.constant 0 : index
    %swap3A_1887 = arith.constant 0 : index
    %swap3A_1888 = vector.load %arg7[%swap3A_1883, %swap3A_1884, %swap3A_1885, %swap3A_1886, %swap3A_1887] : memref<1x8x32x8x128xf32, #tpu.memory_space<vmem>>, vector<1x1x1x8x128xf32>
    %swap3A_1889 = vector.shape_cast %swap3A_1888 : vector<1x1x1x8x128xf32> to vector<8x128xf32>
    %swap3A_1890 = vector.shape_cast %slice3A_1882 : vector<8x128xf32> to vector<1x1x1x8x128xf32>
    tpu.vector_store %arg7[%swap3A_1883, %swap3A_1884, %swap3A_1885, %swap3A_1886, %swap3A_1887], %swap3A_1890 {strides = array<i32>} : memref<1x8x32x8x128xf32, #tpu.memory_space<vmem>>, vector<1x1x1x8x128xf32>,
    %slice3A_1891 = vector.extract_strided_slice %concatenate3A {offsets = [48, 1408], sizes = [8, 128], strides = [1, 1]} : vector<64x4096xf32> to vector<8x128xf32>
    %swap3A_1892 = arith.constant 0 : index
    %swap3A_1893 = arith.constant 6 : index
    %swap3A_1894 = arith.constant 11 : index
    %swap3A_1895 = arith.constant 0 : index
    %swap3A_1896 = arith.constant 0 : index
    %swap3A_1897 = vector.load %arg7[%swap3A_1892, %swap3A_1893, %swap3A_1894, %swap3A_1895, %swap3A_1896] : memref<1x8x32x8x128xf32, #tpu.memory_space<vmem>>, vector<1x1x1x8x128xf32>
    %swap3A_1898 = vector.shape_cast %swap3A_1897 : vector<1x1x1x8x128xf32> to vector<8x128xf32>
    %swap3A_1899 = vector.shape_cast %slice3A_1891 : vector<8x128xf32> to vector<1x1x1x8x128xf32>
    tpu.vector_store %arg7[%swap3A_1892, %swap3A_1893, %swap3A_1894, %swap3A_1895, %swap3A_1896], %swap3A_1899 {strides = array<i32>} : memref<1x8x32x8x128xf32, #tpu.memory_space<vmem>>, vector<1x1x1x8x128xf32>,
    %slice3A_1900 = vector.extract_strided_slice %concatenate3A {offsets = [48, 1536], sizes = [8, 128], strides = [1, 1]} : vector<64x4096xf32> to vector<8x128xf32>
    %swap3A_1901 = arith.constant 0 : index
    %swap3A_1902 = arith.constant 6 : index
    %swap3A_1903 = arith.constant 12 : index
    %swap3A_1904 = arith.constant 0 : index
    %swap3A_1905 = arith.constant 0 : index
    %swap3A_1906 = vector.load %arg7[%swap3A_1901, %swap3A_1902, %swap3A_1903, %swap3A_1904, %swap3A_1905] : memref<1x8x32x8x128xf32, #tpu.memory_space<vmem>>, vector<1x1x1x8x128xf32>
    %swap3A_1907 = vector.shape_cast %swap3A_1906 : vector<1x1x1x8x128xf32> to vector<8x128xf32>
    %swap3A_1908 = vector.shape_cast %slice3A_1900 : vector<8x128xf32> to vector<1x1x1x8x128xf32>
    tpu.vector_store %arg7[%swap3A_1901, %swap3A_1902, %swap3A_1903, %swap3A_1904, %swap3A_1905], %swap3A_1908 {strides = array<i32>} : memref<1x8x32x8x128xf32, #tpu.memory_space<vmem>>, vector<1x1x1x8x128xf32>,
    %slice3A_1909 = vector.extract_strided_slice %concatenate3A {offsets = [48, 1664], sizes = [8, 128], strides = [1, 1]} : vector<64x4096xf32> to vector<8x128xf32>
    %swap3A_1910 = arith.constant 0 : index
    %swap3A_1911 = arith.constant 6 : index
    %swap3A_1912 = arith.constant 13 : index
    %swap3A_1913 = arith.constant 0 : index
    %swap3A_1914 = arith.constant 0 : index
    %swap3A_1915 = vector.load %arg7[%swap3A_1910, %swap3A_1911, %swap3A_1912, %swap3A_1913, %swap3A_1914] : memref<1x8x32x8x128xf32, #tpu.memory_space<vmem>>, vector<1x1x1x8x128xf32>
    %swap3A_1916 = vector.shape_cast %swap3A_1915 : vector<1x1x1x8x128xf32> to vector<8x128xf32>
    %swap3A_1917 = vector.shape_cast %slice3A_1909 : vector<8x128xf32> to vector<1x1x1x8x128xf32>
    tpu.vector_store %arg7[%swap3A_1910, %swap3A_1911, %swap3A_1912, %swap3A_1913, %swap3A_1914], %swap3A_1917 {strides = array<i32>} : memref<1x8x32x8x128xf32, #tpu.memory_space<vmem>>, vector<1x1x1x8x128xf32>,
    %slice3A_1918 = vector.extract_strided_slice %concatenate3A {offsets = [48, 1792], sizes = [8, 128], strides = [1, 1]} : vector<64x4096xf32> to vector<8x128xf32>
    %swap3A_1919 = arith.constant 0 : index
    %swap3A_1920 = arith.constant 6 : index
    %swap3A_1921 = arith.constant 14 : index
    %swap3A_1922 = arith.constant 0 : index
    %swap3A_1923 = arith.constant 0 : index
    %swap3A_1924 = vector.load %arg7[%swap3A_1919, %swap3A_1920, %swap3A_1921, %swap3A_1922, %swap3A_1923] : memref<1x8x32x8x128xf32, #tpu.memory_space<vmem>>, vector<1x1x1x8x128xf32>
    %swap3A_1925 = vector.shape_cast %swap3A_1924 : vector<1x1x1x8x128xf32> to vector<8x128xf32>
    %swap3A_1926 = vector.shape_cast %slice3A_1918 : vector<8x128xf32> to vector<1x1x1x8x128xf32>
    tpu.vector_store %arg7[%swap3A_1919, %swap3A_1920, %swap3A_1921, %swap3A_1922, %swap3A_1923], %swap3A_1926 {strides = array<i32>} : memref<1x8x32x8x128xf32, #tpu.memory_space<vmem>>, vector<1x1x1x8x128xf32>,
    %slice3A_1927 = vector.extract_strided_slice %concatenate3A {offsets = [48, 1920], sizes = [8, 128], strides = [1, 1]} : vector<64x4096xf32> to vector<8x128xf32>
    %swap3A_1928 = arith.constant 0 : index
    %swap3A_1929 = arith.constant 6 : index
    %swap3A_1930 = arith.constant 15 : index
    %swap3A_1931 = arith.constant 0 : index
    %swap3A_1932 = arith.constant 0 : index
    %swap3A_1933 = vector.load %arg7[%swap3A_1928, %swap3A_1929, %swap3A_1930, %swap3A_1931, %swap3A_1932] : memref<1x8x32x8x128xf32, #tpu.memory_space<vmem>>, vector<1x1x1x8x128xf32>
    %swap3A_1934 = vector.shape_cast %swap3A_1933 : vector<1x1x1x8x128xf32> to vector<8x128xf32>
    %swap3A_1935 = vector.shape_cast %slice3A_1927 : vector<8x128xf32> to vector<1x1x1x8x128xf32>
    tpu.vector_store %arg7[%swap3A_1928, %swap3A_1929, %swap3A_1930, %swap3A_1931, %swap3A_1932], %swap3A_1935 {strides = array<i32>} : memref<1x8x32x8x128xf32, #tpu.memory_space<vmem>>, vector<1x1x1x8x128xf32>,
    %slice3A_1936 = vector.extract_strided_slice %concatenate3A {offsets = [48, 2048], sizes = [8, 128], strides = [1, 1]} : vector<64x4096xf32> to vector<8x128xf32>
    %swap3A_1937 = arith.constant 0 : index
    %swap3A_1938 = arith.constant 6 : index
    %swap3A_1939 = arith.constant 16 : index
    %swap3A_1940 = arith.constant 0 : index
    %swap3A_1941 = arith.constant 0 : index
    %swap3A_1942 = vector.load %arg7[%swap3A_1937, %swap3A_1938, %swap3A_1939, %swap3A_1940, %swap3A_1941] : memref<1x8x32x8x128xf32, #tpu.memory_space<vmem>>, vector<1x1x1x8x128xf32>
    %swap3A_1943 = vector.shape_cast %swap3A_1942 : vector<1x1x1x8x128xf32> to vector<8x128xf32>
    %swap3A_1944 = vector.shape_cast %slice3A_1936 : vector<8x128xf32> to vector<1x1x1x8x128xf32>
    tpu.vector_store %arg7[%swap3A_1937, %swap3A_1938, %swap3A_1939, %swap3A_1940, %swap3A_1941], %swap3A_1944 {strides = array<i32>} : memref<1x8x32x8x128xf32, #tpu.memory_space<vmem>>, vector<1x1x1x8x128xf32>,
    %slice3A_1945 = vector.extract_strided_slice %concatenate3A {offsets = [48, 2176], sizes = [8, 128], strides = [1, 1]} : vector<64x4096xf32> to vector<8x128xf32>
    %swap3A_1946 = arith.constant 0 : index
    %swap3A_1947 = arith.constant 6 : index
    %swap3A_1948 = arith.constant 17 : index
    %swap3A_1949 = arith.constant 0 : index
    %swap3A_1950 = arith.constant 0 : index
    %swap3A_1951 = vector.load %arg7[%swap3A_1946, %swap3A_1947, %swap3A_1948, %swap3A_1949, %swap3A_1950] : memref<1x8x32x8x128xf32, #tpu.memory_space<vmem>>, vector<1x1x1x8x128xf32>
    %swap3A_1952 = vector.shape_cast %swap3A_1951 : vector<1x1x1x8x128xf32> to vector<8x128xf32>
    %swap3A_1953 = vector.shape_cast %slice3A_1945 : vector<8x128xf32> to vector<1x1x1x8x128xf32>
    tpu.vector_store %arg7[%swap3A_1946, %swap3A_1947, %swap3A_1948, %swap3A_1949, %swap3A_1950], %swap3A_1953 {strides = array<i32>} : memref<1x8x32x8x128xf32, #tpu.memory_space<vmem>>, vector<1x1x1x8x128xf32>,
    %slice3A_1954 = vector.extract_strided_slice %concatenate3A {offsets = [48, 2304], sizes = [8, 128], strides = [1, 1]} : vector<64x4096xf32> to vector<8x128xf32>
    %swap3A_1955 = arith.constant 0 : index
    %swap3A_1956 = arith.constant 6 : index
    %swap3A_1957 = arith.constant 18 : index
    %swap3A_1958 = arith.constant 0 : index
    %swap3A_1959 = arith.constant 0 : index
    %swap3A_1960 = vector.load %arg7[%swap3A_1955, %swap3A_1956, %swap3A_1957, %swap3A_1958, %swap3A_1959] : memref<1x8x32x8x128xf32, #tpu.memory_space<vmem>>, vector<1x1x1x8x128xf32>
    %swap3A_1961 = vector.shape_cast %swap3A_1960 : vector<1x1x1x8x128xf32> to vector<8x128xf32>
    %swap3A_1962 = vector.shape_cast %slice3A_1954 : vector<8x128xf32> to vector<1x1x1x8x128xf32>
    tpu.vector_store %arg7[%swap3A_1955, %swap3A_1956, %swap3A_1957, %swap3A_1958, %swap3A_1959], %swap3A_1962 {strides = array<i32>} : memref<1x8x32x8x128xf32, #tpu.memory_space<vmem>>, vector<1x1x1x8x128xf32>,
    %slice3A_1963 = vector.extract_strided_slice %concatenate3A {offsets = [48, 2432], sizes = [8, 128], strides = [1, 1]} : vector<64x4096xf32> to vector<8x128xf32>
    %swap3A_1964 = arith.constant 0 : index
    %swap3A_1965 = arith.constant 6 : index
    %swap3A_1966 = arith.constant 19 : index
    %swap3A_1967 = arith.constant 0 : index
    %swap3A_1968 = arith.constant 0 : index
    %swap3A_1969 = vector.load %arg7[%swap3A_1964, %swap3A_1965, %swap3A_1966, %swap3A_1967, %swap3A_1968] : memref<1x8x32x8x128xf32, #tpu.memory_space<vmem>>, vector<1x1x1x8x128xf32>
    %swap3A_1970 = vector.shape_cast %swap3A_1969 : vector<1x1x1x8x128xf32> to vector<8x128xf32>
    %swap3A_1971 = vector.shape_cast %slice3A_1963 : vector<8x128xf32> to vector<1x1x1x8x128xf32>
    tpu.vector_store %arg7[%swap3A_1964, %swap3A_1965, %swap3A_1966, %swap3A_1967, %swap3A_1968], %swap3A_1971 {strides = array<i32>} : memref<1x8x32x8x128xf32, #tpu.memory_space<vmem>>, vector<1x1x1x8x128xf32>,
    %slice3A_1972 = vector.extract_strided_slice %concatenate3A {offsets = [48, 2560], sizes = [8, 128], strides = [1, 1]} : vector<64x4096xf32> to vector<8x128xf32>
    %swap3A_1973 = arith.constant 0 : index
    %swap3A_1974 = arith.constant 6 : index
    %swap3A_1975 = arith.constant 20 : index
    %swap3A_1976 = arith.constant 0 : index
    %swap3A_1977 = arith.constant 0 : index
    %swap3A_1978 = vector.load %arg7[%swap3A_1973, %swap3A_1974, %swap3A_1975, %swap3A_1976, %swap3A_1977] : memref<1x8x32x8x128xf32, #tpu.memory_space<vmem>>, vector<1x1x1x8x128xf32>
    %swap3A_1979 = vector.shape_cast %swap3A_1978 : vector<1x1x1x8x128xf32> to vector<8x128xf32>
    %swap3A_1980 = vector.shape_cast %slice3A_1972 : vector<8x128xf32> to vector<1x1x1x8x128xf32>
    tpu.vector_store %arg7[%swap3A_1973, %swap3A_1974, %swap3A_1975, %swap3A_1976, %swap3A_1977], %swap3A_1980 {strides = array<i32>} : memref<1x8x32x8x128xf32, #tpu.memory_space<vmem>>, vector<1x1x1x8x128xf32>,
    %slice3A_1981 = vector.extract_strided_slice %concatenate3A {offsets = [48, 2688], sizes = [8, 128], strides = [1, 1]} : vector<64x4096xf32> to vector<8x128xf32>
    %swap3A_1982 = arith.constant 0 : index
    %swap3A_1983 = arith.constant 6 : index
    %swap3A_1984 = arith.constant 21 : index
    %swap3A_1985 = arith.constant 0 : index
    %swap3A_1986 = arith.constant 0 : index
    %swap3A_1987 = vector.load %arg7[%swap3A_1982, %swap3A_1983, %swap3A_1984, %swap3A_1985, %swap3A_1986] : memref<1x8x32x8x128xf32, #tpu.memory_space<vmem>>, vector<1x1x1x8x128xf32>
    %swap3A_1988 = vector.shape_cast %swap3A_1987 : vector<1x1x1x8x128xf32> to vector<8x128xf32>
    %swap3A_1989 = vector.shape_cast %slice3A_1981 : vector<8x128xf32> to vector<1x1x1x8x128xf32>
    tpu.vector_store %arg7[%swap3A_1982, %swap3A_1983, %swap3A_1984, %swap3A_1985, %swap3A_1986], %swap3A_1989 {strides = array<i32>} : memref<1x8x32x8x128xf32, #tpu.memory_space<vmem>>, vector<1x1x1x8x128xf32>,
    %slice3A_1990 = vector.extract_strided_slice %concatenate3A {offsets = [48, 2816], sizes = [8, 128], strides = [1, 1]} : vector<64x4096xf32> to vector<8x128xf32>
    %swap3A_1991 = arith.constant 0 : index
    %swap3A_1992 = arith.constant 6 : index
    %swap3A_1993 = arith.constant 22 : index
    %swap3A_1994 = arith.constant 0 : index
    %swap3A_1995 = arith.constant 0 : index
    %swap3A_1996 = vector.load %arg7[%swap3A_1991, %swap3A_1992, %swap3A_1993, %swap3A_1994, %swap3A_1995] : memref<1x8x32x8x128xf32, #tpu.memory_space<vmem>>, vector<1x1x1x8x128xf32>
    %swap3A_1997 = vector.shape_cast %swap3A_1996 : vector<1x1x1x8x128xf32> to vector<8x128xf32>
    %swap3A_1998 = vector.shape_cast %slice3A_1990 : vector<8x128xf32> to vector<1x1x1x8x128xf32>
    tpu.vector_store %arg7[%swap3A_1991, %swap3A_1992, %swap3A_1993, %swap3A_1994, %swap3A_1995], %swap3A_1998 {strides = array<i32>} : memref<1x8x32x8x128xf32, #tpu.memory_space<vmem>>, vector<1x1x1x8x128xf32>,
    %slice3A_1999 = vector.extract_strided_slice %concatenate3A {offsets = [48, 2944], sizes = [8, 128], strides = [1, 1]} : vector<64x4096xf32> to vector<8x128xf32>
    %swap3A_2000 = arith.constant 0 : index
    %swap3A_2001 = arith.constant 6 : index
    %swap3A_2002 = arith.constant 23 : index
    %swap3A_2003 = arith.constant 0 : index
    %swap3A_2004 = arith.constant 0 : index
    %swap3A_2005 = vector.load %arg7[%swap3A_2000, %swap3A_2001, %swap3A_2002, %swap3A_2003, %swap3A_2004] : memref<1x8x32x8x128xf32, #tpu.memory_space<vmem>>, vector<1x1x1x8x128xf32>
    %swap3A_2006 = vector.shape_cast %swap3A_2005 : vector<1x1x1x8x128xf32> to vector<8x128xf32>
    %swap3A_2007 = vector.shape_cast %slice3A_1999 : vector<8x128xf32> to vector<1x1x1x8x128xf32>
    tpu.vector_store %arg7[%swap3A_2000, %swap3A_2001, %swap3A_2002, %swap3A_2003, %swap3A_2004], %swap3A_2007 {strides = array<i32>} : memref<1x8x32x8x128xf32, #tpu.memory_space<vmem>>, vector<1x1x1x8x128xf32>,
    %slice3A_2008 = vector.extract_strided_slice %concatenate3A {offsets = [48, 3072], sizes = [8, 128], strides = [1, 1]} : vector<64x4096xf32> to vector<8x128xf32>
    %swap3A_2009 = arith.constant 0 : index
    %swap3A_2010 = arith.constant 6 : index
    %swap3A_2011 = arith.constant 24 : index
    %swap3A_2012 = arith.constant 0 : index
    %swap3A_2013 = arith.constant 0 : index
    %swap3A_2014 = vector.load %arg7[%swap3A_2009, %swap3A_2010, %swap3A_2011, %swap3A_2012, %swap3A_2013] : memref<1x8x32x8x128xf32, #tpu.memory_space<vmem>>, vector<1x1x1x8x128xf32>
    %swap3A_2015 = vector.shape_cast %swap3A_2014 : vector<1x1x1x8x128xf32> to vector<8x128xf32>
    %swap3A_2016 = vector.shape_cast %slice3A_2008 : vector<8x128xf32> to vector<1x1x1x8x128xf32>
    tpu.vector_store %arg7[%swap3A_2009, %swap3A_2010, %swap3A_2011, %swap3A_2012, %swap3A_2013], %swap3A_2016 {strides = array<i32>} : memref<1x8x32x8x128xf32, #tpu.memory_space<vmem>>, vector<1x1x1x8x128xf32>,
    %slice3A_2017 = vector.extract_strided_slice %concatenate3A {offsets = [48, 3200], sizes = [8, 128], strides = [1, 1]} : vector<64x4096xf32> to vector<8x128xf32>
    %swap3A_2018 = arith.constant 0 : index
    %swap3A_2019 = arith.constant 6 : index
    %swap3A_2020 = arith.constant 25 : index
    %swap3A_2021 = arith.constant 0 : index
    %swap3A_2022 = arith.constant 0 : index
    %swap3A_2023 = vector.load %arg7[%swap3A_2018, %swap3A_2019, %swap3A_2020, %swap3A_2021, %swap3A_2022] : memref<1x8x32x8x128xf32, #tpu.memory_space<vmem>>, vector<1x1x1x8x128xf32>
    %swap3A_2024 = vector.shape_cast %swap3A_2023 : vector<1x1x1x8x128xf32> to vector<8x128xf32>
    %swap3A_2025 = vector.shape_cast %slice3A_2017 : vector<8x128xf32> to vector<1x1x1x8x128xf32>
    tpu.vector_store %arg7[%swap3A_2018, %swap3A_2019, %swap3A_2020, %swap3A_2021, %swap3A_2022], %swap3A_2025 {strides = array<i32>} : memref<1x8x32x8x128xf32, #tpu.memory_space<vmem>>, vector<1x1x1x8x128xf32>,
    %slice3A_2026 = vector.extract_strided_slice %concatenate3A {offsets = [48, 3328], sizes = [8, 128], strides = [1, 1]} : vector<64x4096xf32> to vector<8x128xf32>
    %swap3A_2027 = arith.constant 0 : index
    %swap3A_2028 = arith.constant 6 : index
    %swap3A_2029 = arith.constant 26 : index
    %swap3A_2030 = arith.constant 0 : index
    %swap3A_2031 = arith.constant 0 : index
    %swap3A_2032 = vector.load %arg7[%swap3A_2027, %swap3A_2028, %swap3A_2029, %swap3A_2030, %swap3A_2031] : memref<1x8x32x8x128xf32, #tpu.memory_space<vmem>>, vector<1x1x1x8x128xf32>
    %swap3A_2033 = vector.shape_cast %swap3A_2032 : vector<1x1x1x8x128xf32> to vector<8x128xf32>
    %swap3A_2034 = vector.shape_cast %slice3A_2026 : vector<8x128xf32> to vector<1x1x1x8x128xf32>
    tpu.vector_store %arg7[%swap3A_2027, %swap3A_2028, %swap3A_2029, %swap3A_2030, %swap3A_2031], %swap3A_2034 {strides = array<i32>} : memref<1x8x32x8x128xf32, #tpu.memory_space<vmem>>, vector<1x1x1x8x128xf32>,
    %slice3A_2035 = vector.extract_strided_slice %concatenate3A {offsets = [48, 3456], sizes = [8, 128], strides = [1, 1]} : vector<64x4096xf32> to vector<8x128xf32>
    %swap3A_2036 = arith.constant 0 : index
    %swap3A_2037 = arith.constant 6 : index
    %swap3A_2038 = arith.constant 27 : index
    %swap3A_2039 = arith.constant 0 : index
    %swap3A_2040 = arith.constant 0 : index
    %swap3A_2041 = vector.load %arg7[%swap3A_2036, %swap3A_2037, %swap3A_2038, %swap3A_2039, %swap3A_2040] : memref<1x8x32x8x128xf32, #tpu.memory_space<vmem>>, vector<1x1x1x8x128xf32>
    %swap3A_2042 = vector.shape_cast %swap3A_2041 : vector<1x1x1x8x128xf32> to vector<8x128xf32>
    %swap3A_2043 = vector.shape_cast %slice3A_2035 : vector<8x128xf32> to vector<1x1x1x8x128xf32>
    tpu.vector_store %arg7[%swap3A_2036, %swap3A_2037, %swap3A_2038, %swap3A_2039, %swap3A_2040], %swap3A_2043 {strides = array<i32>} : memref<1x8x32x8x128xf32, #tpu.memory_space<vmem>>, vector<1x1x1x8x128xf32>,
    %slice3A_2044 = vector.extract_strided_slice %concatenate3A {offsets = [48, 3584], sizes = [8, 128], strides = [1, 1]} : vector<64x4096xf32> to vector<8x128xf32>
    %swap3A_2045 = arith.constant 0 : index
    %swap3A_2046 = arith.constant 6 : index
    %swap3A_2047 = arith.constant 28 : index
    %swap3A_2048 = arith.constant 0 : index
    %swap3A_2049 = arith.constant 0 : index
    %swap3A_2050 = vector.load %arg7[%swap3A_2045, %swap3A_2046, %swap3A_2047, %swap3A_2048, %swap3A_2049] : memref<1x8x32x8x128xf32, #tpu.memory_space<vmem>>, vector<1x1x1x8x128xf32>
    %swap3A_2051 = vector.shape_cast %swap3A_2050 : vector<1x1x1x8x128xf32> to vector<8x128xf32>
    %swap3A_2052 = vector.shape_cast %slice3A_2044 : vector<8x128xf32> to vector<1x1x1x8x128xf32>
    tpu.vector_store %arg7[%swap3A_2045, %swap3A_2046, %swap3A_2047, %swap3A_2048, %swap3A_2049], %swap3A_2052 {strides = array<i32>} : memref<1x8x32x8x128xf32, #tpu.memory_space<vmem>>, vector<1x1x1x8x128xf32>,
    %slice3A_2053 = vector.extract_strided_slice %concatenate3A {offsets = [48, 3712], sizes = [8, 128], strides = [1, 1]} : vector<64x4096xf32> to vector<8x128xf32>
    %swap3A_2054 = arith.constant 0 : index
    %swap3A_2055 = arith.constant 6 : index
    %swap3A_2056 = arith.constant 29 : index
    %swap3A_2057 = arith.constant 0 : index
    %swap3A_2058 = arith.constant 0 : index
    %swap3A_2059 = vector.load %arg7[%swap3A_2054, %swap3A_2055, %swap3A_2056, %swap3A_2057, %swap3A_2058] : memref<1x8x32x8x128xf32, #tpu.memory_space<vmem>>, vector<1x1x1x8x128xf32>
    %swap3A_2060 = vector.shape_cast %swap3A_2059 : vector<1x1x1x8x128xf32> to vector<8x128xf32>
    %swap3A_2061 = vector.shape_cast %slice3A_2053 : vector<8x128xf32> to vector<1x1x1x8x128xf32>
    tpu.vector_store %arg7[%swap3A_2054, %swap3A_2055, %swap3A_2056, %swap3A_2057, %swap3A_2058], %swap3A_2061 {strides = array<i32>} : memref<1x8x32x8x128xf32, #tpu.memory_space<vmem>>, vector<1x1x1x8x128xf32>,
    %slice3A_2062 = vector.extract_strided_slice %concatenate3A {offsets = [48, 3840], sizes = [8, 128], strides = [1, 1]} : vector<64x4096xf32> to vector<8x128xf32>
    %swap3A_2063 = arith.constant 0 : index
    %swap3A_2064 = arith.constant 6 : index
    %swap3A_2065 = arith.constant 30 : index
    %swap3A_2066 = arith.constant 0 : index
    %swap3A_2067 = arith.constant 0 : index
    %swap3A_2068 = vector.load %arg7[%swap3A_2063, %swap3A_2064, %swap3A_2065, %swap3A_2066, %swap3A_2067] : memref<1x8x32x8x128xf32, #tpu.memory_space<vmem>>, vector<1x1x1x8x128xf32>
    %swap3A_2069 = vector.shape_cast %swap3A_2068 : vector<1x1x1x8x128xf32> to vector<8x128xf32>
    %swap3A_2070 = vector.shape_cast %slice3A_2062 : vector<8x128xf32> to vector<1x1x1x8x128xf32>
    tpu.vector_store %arg7[%swap3A_2063, %swap3A_2064, %swap3A_2065, %swap3A_2066, %swap3A_2067], %swap3A_2070 {strides = array<i32>} : memref<1x8x32x8x128xf32, #tpu.memory_space<vmem>>, vector<1x1x1x8x128xf32>,
    %slice3A_2071 = vector.extract_strided_slice %concatenate3A {offsets = [48, 3968], sizes = [8, 128], strides = [1, 1]} : vector<64x4096xf32> to vector<8x128xf32>
    %swap3A_2072 = arith.constant 0 : index
    %swap3A_2073 = arith.constant 6 : index
    %swap3A_2074 = arith.constant 31 : index
    %swap3A_2075 = arith.constant 0 : index
    %swap3A_2076 = arith.constant 0 : index
    %swap3A_2077 = vector.load %arg7[%swap3A_2072, %swap3A_2073, %swap3A_2074, %swap3A_2075, %swap3A_2076] : memref<1x8x32x8x128xf32, #tpu.memory_space<vmem>>, vector<1x1x1x8x128xf32>
    %swap3A_2078 = vector.shape_cast %swap3A_2077 : vector<1x1x1x8x128xf32> to vector<8x128xf32>
    %swap3A_2079 = vector.shape_cast %slice3A_2071 : vector<8x128xf32> to vector<1x1x1x8x128xf32>
    tpu.vector_store %arg7[%swap3A_2072, %swap3A_2073, %swap3A_2074, %swap3A_2075, %swap3A_2076], %swap3A_2079 {strides = array<i32>} : memref<1x8x32x8x128xf32, #tpu.memory_space<vmem>>, vector<1x1x1x8x128xf32>,
    %slice3A_2080 = vector.extract_strided_slice %concatenate3A {offsets = [56, 0], sizes = [8, 128], strides = [1, 1]} : vector<64x4096xf32> to vector<8x128xf32>
    %swap3A_2081 = arith.constant 0 : index
    %swap3A_2082 = arith.constant 7 : index
    %swap3A_2083 = arith.constant 0 : index
    %swap3A_2084 = arith.constant 0 : index
    %swap3A_2085 = arith.constant 0 : index
    %swap3A_2086 = vector.load %arg7[%swap3A_2081, %swap3A_2082, %swap3A_2083, %swap3A_2084, %swap3A_2085] : memref<1x8x32x8x128xf32, #tpu.memory_space<vmem>>, vector<1x1x1x8x128xf32>
    %swap3A_2087 = vector.shape_cast %swap3A_2086 : vector<1x1x1x8x128xf32> to vector<8x128xf32>
    %swap3A_2088 = vector.shape_cast %slice3A_2080 : vector<8x128xf32> to vector<1x1x1x8x128xf32>
    tpu.vector_store %arg7[%swap3A_2081, %swap3A_2082, %swap3A_2083, %swap3A_2084, %swap3A_2085], %swap3A_2088 {strides = array<i32>} : memref<1x8x32x8x128xf32, #tpu.memory_space<vmem>>, vector<1x1x1x8x128xf32>,
    %slice3A_2089 = vector.extract_strided_slice %concatenate3A {offsets = [56, 128], sizes = [8, 128], strides = [1, 1]} : vector<64x4096xf32> to vector<8x128xf32>
    %swap3A_2090 = arith.constant 0 : index
    %swap3A_2091 = arith.constant 7 : index
    %swap3A_2092 = arith.constant 1 : index
    %swap3A_2093 = arith.constant 0 : index
    %swap3A_2094 = arith.constant 0 : index
    %swap3A_2095 = vector.load %arg7[%swap3A_2090, %swap3A_2091, %swap3A_2092, %swap3A_2093, %swap3A_2094] : memref<1x8x32x8x128xf32, #tpu.memory_space<vmem>>, vector<1x1x1x8x128xf32>
    %swap3A_2096 = vector.shape_cast %swap3A_2095 : vector<1x1x1x8x128xf32> to vector<8x128xf32>
    %swap3A_2097 = vector.shape_cast %slice3A_2089 : vector<8x128xf32> to vector<1x1x1x8x128xf32>
    tpu.vector_store %arg7[%swap3A_2090, %swap3A_2091, %swap3A_2092, %swap3A_2093, %swap3A_2094], %swap3A_2097 {strides = array<i32>} : memref<1x8x32x8x128xf32, #tpu.memory_space<vmem>>, vector<1x1x1x8x128xf32>,
    %slice3A_2098 = vector.extract_strided_slice %concatenate3A {offsets = [56, 256], sizes = [8, 128], strides = [1, 1]} : vector<64x4096xf32> to vector<8x128xf32>
    %swap3A_2099 = arith.constant 0 : index
    %swap3A_2100 = arith.constant 7 : index
    %swap3A_2101 = arith.constant 2 : index
    %swap3A_2102 = arith.constant 0 : index
    %swap3A_2103 = arith.constant 0 : index
    %swap3A_2104 = vector.load %arg7[%swap3A_2099, %swap3A_2100, %swap3A_2101, %swap3A_2102, %swap3A_2103] : memref<1x8x32x8x128xf32, #tpu.memory_space<vmem>>, vector<1x1x1x8x128xf32>
    %swap3A_2105 = vector.shape_cast %swap3A_2104 : vector<1x1x1x8x128xf32> to vector<8x128xf32>
    %swap3A_2106 = vector.shape_cast %slice3A_2098 : vector<8x128xf32> to vector<1x1x1x8x128xf32>
    tpu.vector_store %arg7[%swap3A_2099, %swap3A_2100, %swap3A_2101, %swap3A_2102, %swap3A_2103], %swap3A_2106 {strides = array<i32>} : memref<1x8x32x8x128xf32, #tpu.memory_space<vmem>>, vector<1x1x1x8x128xf32>,
    %slice3A_2107 = vector.extract_strided_slice %concatenate3A {offsets = [56, 384], sizes = [8, 128], strides = [1, 1]} : vector<64x4096xf32> to vector<8x128xf32>
    %swap3A_2108 = arith.constant 0 : index
    %swap3A_2109 = arith.constant 7 : index
    %swap3A_2110 = arith.constant 3 : index
    %swap3A_2111 = arith.constant 0 : index
    %swap3A_2112 = arith.constant 0 : index
    %swap3A_2113 = vector.load %arg7[%swap3A_2108, %swap3A_2109, %swap3A_2110, %swap3A_2111, %swap3A_2112] : memref<1x8x32x8x128xf32, #tpu.memory_space<vmem>>, vector<1x1x1x8x128xf32>
    %swap3A_2114 = vector.shape_cast %swap3A_2113 : vector<1x1x1x8x128xf32> to vector<8x128xf32>
    %swap3A_2115 = vector.shape_cast %slice3A_2107 : vector<8x128xf32> to vector<1x1x1x8x128xf32>
    tpu.vector_store %arg7[%swap3A_2108, %swap3A_2109, %swap3A_2110, %swap3A_2111, %swap3A_2112], %swap3A_2115 {strides = array<i32>} : memref<1x8x32x8x128xf32, #tpu.memory_space<vmem>>, vector<1x1x1x8x128xf32>,
    %slice3A_2116 = vector.extract_strided_slice %concatenate3A {offsets = [56, 512], sizes = [8, 128], strides = [1, 1]} : vector<64x4096xf32> to vector<8x128xf32>
    %swap3A_2117 = arith.constant 0 : index
    %swap3A_2118 = arith.constant 7 : index
    %swap3A_2119 = arith.constant 4 : index
    %swap3A_2120 = arith.constant 0 : index
    %swap3A_2121 = arith.constant 0 : index
    %swap3A_2122 = vector.load %arg7[%swap3A_2117, %swap3A_2118, %swap3A_2119, %swap3A_2120, %swap3A_2121] : memref<1x8x32x8x128xf32, #tpu.memory_space<vmem>>, vector<1x1x1x8x128xf32>
    %swap3A_2123 = vector.shape_cast %swap3A_2122 : vector<1x1x1x8x128xf32> to vector<8x128xf32>
    %swap3A_2124 = vector.shape_cast %slice3A_2116 : vector<8x128xf32> to vector<1x1x1x8x128xf32>
    tpu.vector_store %arg7[%swap3A_2117, %swap3A_2118, %swap3A_2119, %swap3A_2120, %swap3A_2121], %swap3A_2124 {strides = array<i32>} : memref<1x8x32x8x128xf32, #tpu.memory_space<vmem>>, vector<1x1x1x8x128xf32>,
    %slice3A_2125 = vector.extract_strided_slice %concatenate3A {offsets = [56, 640], sizes = [8, 128], strides = [1, 1]} : vector<64x4096xf32> to vector<8x128xf32>
    %swap3A_2126 = arith.constant 0 : index
    %swap3A_2127 = arith.constant 7 : index
    %swap3A_2128 = arith.constant 5 : index
    %swap3A_2129 = arith.constant 0 : index
    %swap3A_2130 = arith.constant 0 : index
    %swap3A_2131 = vector.load %arg7[%swap3A_2126, %swap3A_2127, %swap3A_2128, %swap3A_2129, %swap3A_2130] : memref<1x8x32x8x128xf32, #tpu.memory_space<vmem>>, vector<1x1x1x8x128xf32>
    %swap3A_2132 = vector.shape_cast %swap3A_2131 : vector<1x1x1x8x128xf32> to vector<8x128xf32>
    %swap3A_2133 = vector.shape_cast %slice3A_2125 : vector<8x128xf32> to vector<1x1x1x8x128xf32>
    tpu.vector_store %arg7[%swap3A_2126, %swap3A_2127, %swap3A_2128, %swap3A_2129, %swap3A_2130], %swap3A_2133 {strides = array<i32>} : memref<1x8x32x8x128xf32, #tpu.memory_space<vmem>>, vector<1x1x1x8x128xf32>,
    %slice3A_2134 = vector.extract_strided_slice %concatenate3A {offsets = [56, 768], sizes = [8, 128], strides = [1, 1]} : vector<64x4096xf32> to vector<8x128xf32>
    %swap3A_2135 = arith.constant 0 : index
    %swap3A_2136 = arith.constant 7 : index
    %swap3A_2137 = arith.constant 6 : index
    %swap3A_2138 = arith.constant 0 : index
    %swap3A_2139 = arith.constant 0 : index
    %swap3A_2140 = vector.load %arg7[%swap3A_2135, %swap3A_2136, %swap3A_2137, %swap3A_2138, %swap3A_2139] : memref<1x8x32x8x128xf32, #tpu.memory_space<vmem>>, vector<1x1x1x8x128xf32>
    %swap3A_2141 = vector.shape_cast %swap3A_2140 : vector<1x1x1x8x128xf32> to vector<8x128xf32>
    %swap3A_2142 = vector.shape_cast %slice3A_2134 : vector<8x128xf32> to vector<1x1x1x8x128xf32>
    tpu.vector_store %arg7[%swap3A_2135, %swap3A_2136, %swap3A_2137, %swap3A_2138, %swap3A_2139], %swap3A_2142 {strides = array<i32>} : memref<1x8x32x8x128xf32, #tpu.memory_space<vmem>>, vector<1x1x1x8x128xf32>,
    %slice3A_2143 = vector.extract_strided_slice %concatenate3A {offsets = [56, 896], sizes = [8, 128], strides = [1, 1]} : vector<64x4096xf32> to vector<8x128xf32>
    %swap3A_2144 = arith.constant 0 : index
    %swap3A_2145 = arith.constant 7 : index
    %swap3A_2146 = arith.constant 7 : index
    %swap3A_2147 = arith.constant 0 : index
    %swap3A_2148 = arith.constant 0 : index
    %swap3A_2149 = vector.load %arg7[%swap3A_2144, %swap3A_2145, %swap3A_2146, %swap3A_2147, %swap3A_2148] : memref<1x8x32x8x128xf32, #tpu.memory_space<vmem>>, vector<1x1x1x8x128xf32>
    %swap3A_2150 = vector.shape_cast %swap3A_2149 : vector<1x1x1x8x128xf32> to vector<8x128xf32>
    %swap3A_2151 = vector.shape_cast %slice3A_2143 : vector<8x128xf32> to vector<1x1x1x8x128xf32>
    tpu.vector_store %arg7[%swap3A_2144, %swap3A_2145, %swap3A_2146, %swap3A_2147, %swap3A_2148], %swap3A_2151 {strides = array<i32>} : memref<1x8x32x8x128xf32, #tpu.memory_space<vmem>>, vector<1x1x1x8x128xf32>,
    %slice3A_2152 = vector.extract_strided_slice %concatenate3A {offsets = [56, 1024], sizes = [8, 128], strides = [1, 1]} : vector<64x4096xf32> to vector<8x128xf32>
    %swap3A_2153 = arith.constant 0 : index
    %swap3A_2154 = arith.constant 7 : index
    %swap3A_2155 = arith.constant 8 : index
    %swap3A_2156 = arith.constant 0 : index
    %swap3A_2157 = arith.constant 0 : index
    %swap3A_2158 = vector.load %arg7[%swap3A_2153, %swap3A_2154, %swap3A_2155, %swap3A_2156, %swap3A_2157] : memref<1x8x32x8x128xf32, #tpu.memory_space<vmem>>, vector<1x1x1x8x128xf32>
    %swap3A_2159 = vector.shape_cast %swap3A_2158 : vector<1x1x1x8x128xf32> to vector<8x128xf32>
    %swap3A_2160 = vector.shape_cast %slice3A_2152 : vector<8x128xf32> to vector<1x1x1x8x128xf32>
    tpu.vector_store %arg7[%swap3A_2153, %swap3A_2154, %swap3A_2155, %swap3A_2156, %swap3A_2157], %swap3A_2160 {strides = array<i32>} : memref<1x8x32x8x128xf32, #tpu.memory_space<vmem>>, vector<1x1x1x8x128xf32>,
    %slice3A_2161 = vector.extract_strided_slice %concatenate3A {offsets = [56, 1152], sizes = [8, 128], strides = [1, 1]} : vector<64x4096xf32> to vector<8x128xf32>
    %swap3A_2162 = arith.constant 0 : index
    %swap3A_2163 = arith.constant 7 : index
    %swap3A_2164 = arith.constant 9 : index
    %swap3A_2165 = arith.constant 0 : index
    %swap3A_2166 = arith.constant 0 : index
    %swap3A_2167 = vector.load %arg7[%swap3A_2162, %swap3A_2163, %swap3A_2164, %swap3A_2165, %swap3A_2166] : memref<1x8x32x8x128xf32, #tpu.memory_space<vmem>>, vector<1x1x1x8x128xf32>
    %swap3A_2168 = vector.shape_cast %swap3A_2167 : vector<1x1x1x8x128xf32> to vector<8x128xf32>
    %swap3A_2169 = vector.shape_cast %slice3A_2161 : vector<8x128xf32> to vector<1x1x1x8x128xf32>
    tpu.vector_store %arg7[%swap3A_2162, %swap3A_2163, %swap3A_2164, %swap3A_2165, %swap3A_2166], %swap3A_2169 {strides = array<i32>} : memref<1x8x32x8x128xf32, #tpu.memory_space<vmem>>, vector<1x1x1x8x128xf32>,
    %slice3A_2170 = vector.extract_strided_slice %concatenate3A {offsets = [56, 1280], sizes = [8, 128], strides = [1, 1]} : vector<64x4096xf32> to vector<8x128xf32>
    %swap3A_2171 = arith.constant 0 : index
    %swap3A_2172 = arith.constant 7 : index
    %swap3A_2173 = arith.constant 10 : index
    %swap3A_2174 = arith.constant 0 : index
    %swap3A_2175 = arith.constant 0 : index
    %swap3A_2176 = vector.load %arg7[%swap3A_2171, %swap3A_2172, %swap3A_2173, %swap3A_2174, %swap3A_2175] : memref<1x8x32x8x128xf32, #tpu.memory_space<vmem>>, vector<1x1x1x8x128xf32>
    %swap3A_2177 = vector.shape_cast %swap3A_2176 : vector<1x1x1x8x128xf32> to vector<8x128xf32>
    %swap3A_2178 = vector.shape_cast %slice3A_2170 : vector<8x128xf32> to vector<1x1x1x8x128xf32>
    tpu.vector_store %arg7[%swap3A_2171, %swap3A_2172, %swap3A_2173, %swap3A_2174, %swap3A_2175], %swap3A_2178 {strides = array<i32>} : memref<1x8x32x8x128xf32, #tpu.memory_space<vmem>>, vector<1x1x1x8x128xf32>,
    %slice3A_2179 = vector.extract_strided_slice %concatenate3A {offsets = [56, 1408], sizes = [8, 128], strides = [1, 1]} : vector<64x4096xf32> to vector<8x128xf32>
    %swap3A_2180 = arith.constant 0 : index
    %swap3A_2181 = arith.constant 7 : index
    %swap3A_2182 = arith.constant 11 : index
    %swap3A_2183 = arith.constant 0 : index
    %swap3A_2184 = arith.constant 0 : index
    %swap3A_2185 = vector.load %arg7[%swap3A_2180, %swap3A_2181, %swap3A_2182, %swap3A_2183, %swap3A_2184] : memref<1x8x32x8x128xf32, #tpu.memory_space<vmem>>, vector<1x1x1x8x128xf32>
    %swap3A_2186 = vector.shape_cast %swap3A_2185 : vector<1x1x1x8x128xf32> to vector<8x128xf32>
    %swap3A_2187 = vector.shape_cast %slice3A_2179 : vector<8x128xf32> to vector<1x1x1x8x128xf32>
    tpu.vector_store %arg7[%swap3A_2180, %swap3A_2181, %swap3A_2182, %swap3A_2183, %swap3A_2184], %swap3A_2187 {strides = array<i32>} : memref<1x8x32x8x128xf32, #tpu.memory_space<vmem>>, vector<1x1x1x8x128xf32>,
    %slice3A_2188 = vector.extract_strided_slice %concatenate3A {offsets = [56, 1536], sizes = [8, 128], strides = [1, 1]} : vector<64x4096xf32> to vector<8x128xf32>
    %swap3A_2189 = arith.constant 0 : index
    %swap3A_2190 = arith.constant 7 : index
    %swap3A_2191 = arith.constant 12 : index
    %swap3A_2192 = arith.constant 0 : index
    %swap3A_2193 = arith.constant 0 : index
    %swap3A_2194 = vector.load %arg7[%swap3A_2189, %swap3A_2190, %swap3A_2191, %swap3A_2192, %swap3A_2193] : memref<1x8x32x8x128xf32, #tpu.memory_space<vmem>>, vector<1x1x1x8x128xf32>
    %swap3A_2195 = vector.shape_cast %swap3A_2194 : vector<1x1x1x8x128xf32> to vector<8x128xf32>
    %swap3A_2196 = vector.shape_cast %slice3A_2188 : vector<8x128xf32> to vector<1x1x1x8x128xf32>
    tpu.vector_store %arg7[%swap3A_2189, %swap3A_2190, %swap3A_2191, %swap3A_2192, %swap3A_2193], %swap3A_2196 {strides = array<i32>} : memref<1x8x32x8x128xf32, #tpu.memory_space<vmem>>, vector<1x1x1x8x128xf32>,
    %slice3A_2197 = vector.extract_strided_slice %concatenate3A {offsets = [56, 1664], sizes = [8, 128], strides = [1, 1]} : vector<64x4096xf32> to vector<8x128xf32>
    %swap3A_2198 = arith.constant 0 : index
    %swap3A_2199 = arith.constant 7 : index
    %swap3A_2200 = arith.constant 13 : index
    %swap3A_2201 = arith.constant 0 : index
    %swap3A_2202 = arith.constant 0 : index
    %swap3A_2203 = vector.load %arg7[%swap3A_2198, %swap3A_2199, %swap3A_2200, %swap3A_2201, %swap3A_2202] : memref<1x8x32x8x128xf32, #tpu.memory_space<vmem>>, vector<1x1x1x8x128xf32>
    %swap3A_2204 = vector.shape_cast %swap3A_2203 : vector<1x1x1x8x128xf32> to vector<8x128xf32>
    %swap3A_2205 = vector.shape_cast %slice3A_2197 : vector<8x128xf32> to vector<1x1x1x8x128xf32>
    tpu.vector_store %arg7[%swap3A_2198, %swap3A_2199, %swap3A_2200, %swap3A_2201, %swap3A_2202], %swap3A_2205 {strides = array<i32>} : memref<1x8x32x8x128xf32, #tpu.memory_space<vmem>>, vector<1x1x1x8x128xf32>,
    %slice3A_2206 = vector.extract_strided_slice %concatenate3A {offsets = [56, 1792], sizes = [8, 128], strides = [1, 1]} : vector<64x4096xf32> to vector<8x128xf32>
    %swap3A_2207 = arith.constant 0 : index
    %swap3A_2208 = arith.constant 7 : index
    %swap3A_2209 = arith.constant 14 : index
    %swap3A_2210 = arith.constant 0 : index
    %swap3A_2211 = arith.constant 0 : index
    %swap3A_2212 = vector.load %arg7[%swap3A_2207, %swap3A_2208, %swap3A_2209, %swap3A_2210, %swap3A_2211] : memref<1x8x32x8x128xf32, #tpu.memory_space<vmem>>, vector<1x1x1x8x128xf32>
    %swap3A_2213 = vector.shape_cast %swap3A_2212 : vector<1x1x1x8x128xf32> to vector<8x128xf32>
    %swap3A_2214 = vector.shape_cast %slice3A_2206 : vector<8x128xf32> to vector<1x1x1x8x128xf32>
    tpu.vector_store %arg7[%swap3A_2207, %swap3A_2208, %swap3A_2209, %swap3A_2210, %swap3A_2211], %swap3A_2214 {strides = array<i32>} : memref<1x8x32x8x128xf32, #tpu.memory_space<vmem>>, vector<1x1x1x8x128xf32>,
    %slice3A_2215 = vector.extract_strided_slice %concatenate3A {offsets = [56, 1920], sizes = [8, 128], strides = [1, 1]} : vector<64x4096xf32> to vector<8x128xf32>
    %swap3A_2216 = arith.constant 0 : index
    %swap3A_2217 = arith.constant 7 : index
    %swap3A_2218 = arith.constant 15 : index
    %swap3A_2219 = arith.constant 0 : index
    %swap3A_2220 = arith.constant 0 : index
    %swap3A_2221 = vector.load %arg7[%swap3A_2216, %swap3A_2217, %swap3A_2218, %swap3A_2219, %swap3A_2220] : memref<1x8x32x8x128xf32, #tpu.memory_space<vmem>>, vector<1x1x1x8x128xf32>
    %swap3A_2222 = vector.shape_cast %swap3A_2221 : vector<1x1x1x8x128xf32> to vector<8x128xf32>
    %swap3A_2223 = vector.shape_cast %slice3A_2215 : vector<8x128xf32> to vector<1x1x1x8x128xf32>
    tpu.vector_store %arg7[%swap3A_2216, %swap3A_2217, %swap3A_2218, %swap3A_2219, %swap3A_2220], %swap3A_2223 {strides = array<i32>} : memref<1x8x32x8x128xf32, #tpu.memory_space<vmem>>, vector<1x1x1x8x128xf32>,
    %slice3A_2224 = vector.extract_strided_slice %concatenate3A {offsets = [56, 2048], sizes = [8, 128], strides = [1, 1]} : vector<64x4096xf32> to vector<8x128xf32>
    %swap3A_2225 = arith.constant 0 : index
    %swap3A_2226 = arith.constant 7 : index
    %swap3A_2227 = arith.constant 16 : index
    %swap3A_2228 = arith.constant 0 : index
    %swap3A_2229 = arith.constant 0 : index
    %swap3A_2230 = vector.load %arg7[%swap3A_2225, %swap3A_2226, %swap3A_2227, %swap3A_2228, %swap3A_2229] : memref<1x8x32x8x128xf32, #tpu.memory_space<vmem>>, vector<1x1x1x8x128xf32>
    %swap3A_2231 = vector.shape_cast %swap3A_2230 : vector<1x1x1x8x128xf32> to vector<8x128xf32>
    %swap3A_2232 = vector.shape_cast %slice3A_2224 : vector<8x128xf32> to vector<1x1x1x8x128xf32>
    tpu.vector_store %arg7[%swap3A_2225, %swap3A_2226, %swap3A_2227, %swap3A_2228, %swap3A_2229], %swap3A_2232 {strides = array<i32>} : memref<1x8x32x8x128xf32, #tpu.memory_space<vmem>>, vector<1x1x1x8x128xf32>,
    %slice3A_2233 = vector.extract_strided_slice %concatenate3A {offsets = [56, 2176], sizes = [8, 128], strides = [1, 1]} : vector<64x4096xf32> to vector<8x128xf32>
    %swap3A_2234 = arith.constant 0 : index
    %swap3A_2235 = arith.constant 7 : index
    %swap3A_2236 = arith.constant 17 : index
    %swap3A_2237 = arith.constant 0 : index
    %swap3A_2238 = arith.constant 0 : index
    %swap3A_2239 = vector.load %arg7[%swap3A_2234, %swap3A_2235, %swap3A_2236, %swap3A_2237, %swap3A_2238] : memref<1x8x32x8x128xf32, #tpu.memory_space<vmem>>, vector<1x1x1x8x128xf32>
    %swap3A_2240 = vector.shape_cast %swap3A_2239 : vector<1x1x1x8x128xf32> to vector<8x128xf32>
    %swap3A_2241 = vector.shape_cast %slice3A_2233 : vector<8x128xf32> to vector<1x1x1x8x128xf32>
    tpu.vector_store %arg7[%swap3A_2234, %swap3A_2235, %swap3A_2236, %swap3A_2237, %swap3A_2238], %swap3A_2241 {strides = array<i32>} : memref<1x8x32x8x128xf32, #tpu.memory_space<vmem>>, vector<1x1x1x8x128xf32>,
    %slice3A_2242 = vector.extract_strided_slice %concatenate3A {offsets = [56, 2304], sizes = [8, 128], strides = [1, 1]} : vector<64x4096xf32> to vector<8x128xf32>
    %swap3A_2243 = arith.constant 0 : index
    %swap3A_2244 = arith.constant 7 : index
    %swap3A_2245 = arith.constant 18 : index
    %swap3A_2246 = arith.constant 0 : index
    %swap3A_2247 = arith.constant 0 : index
    %swap3A_2248 = vector.load %arg7[%swap3A_2243, %swap3A_2244, %swap3A_2245, %swap3A_2246, %swap3A_2247] : memref<1x8x32x8x128xf32, #tpu.memory_space<vmem>>, vector<1x1x1x8x128xf32>
    %swap3A_2249 = vector.shape_cast %swap3A_2248 : vector<1x1x1x8x128xf32> to vector<8x128xf32>
    %swap3A_2250 = vector.shape_cast %slice3A_2242 : vector<8x128xf32> to vector<1x1x1x8x128xf32>
    tpu.vector_store %arg7[%swap3A_2243, %swap3A_2244, %swap3A_2245, %swap3A_2246, %swap3A_2247], %swap3A_2250 {strides = array<i32>} : memref<1x8x32x8x128xf32, #tpu.memory_space<vmem>>, vector<1x1x1x8x128xf32>,
    %slice3A_2251 = vector.extract_strided_slice %concatenate3A {offsets = [56, 2432], sizes = [8, 128], strides = [1, 1]} : vector<64x4096xf32> to vector<8x128xf32>
    %swap3A_2252 = arith.constant 0 : index
    %swap3A_2253 = arith.constant 7 : index
    %swap3A_2254 = arith.constant 19 : index
    %swap3A_2255 = arith.constant 0 : index
    %swap3A_2256 = arith.constant 0 : index
    %swap3A_2257 = vector.load %arg7[%swap3A_2252, %swap3A_2253, %swap3A_2254, %swap3A_2255, %swap3A_2256] : memref<1x8x32x8x128xf32, #tpu.memory_space<vmem>>, vector<1x1x1x8x128xf32>
    %swap3A_2258 = vector.shape_cast %swap3A_2257 : vector<1x1x1x8x128xf32> to vector<8x128xf32>
    %swap3A_2259 = vector.shape_cast %slice3A_2251 : vector<8x128xf32> to vector<1x1x1x8x128xf32>
    tpu.vector_store %arg7[%swap3A_2252, %swap3A_2253, %swap3A_2254, %swap3A_2255, %swap3A_2256], %swap3A_2259 {strides = array<i32>} : memref<1x8x32x8x128xf32, #tpu.memory_space<vmem>>, vector<1x1x1x8x128xf32>,
    %slice3A_2260 = vector.extract_strided_slice %concatenate3A {offsets = [56, 2560], sizes = [8, 128], strides = [1, 1]} : vector<64x4096xf32> to vector<8x128xf32>
    %swap3A_2261 = arith.constant 0 : index
    %swap3A_2262 = arith.constant 7 : index
    %swap3A_2263 = arith.constant 20 : index
    %swap3A_2264 = arith.constant 0 : index
    %swap3A_2265 = arith.constant 0 : index
    %swap3A_2266 = vector.load %arg7[%swap3A_2261, %swap3A_2262, %swap3A_2263, %swap3A_2264, %swap3A_2265] : memref<1x8x32x8x128xf32, #tpu.memory_space<vmem>>, vector<1x1x1x8x128xf32>
    %swap3A_2267 = vector.shape_cast %swap3A_2266 : vector<1x1x1x8x128xf32> to vector<8x128xf32>
    %swap3A_2268 = vector.shape_cast %slice3A_2260 : vector<8x128xf32> to vector<1x1x1x8x128xf32>
    tpu.vector_store %arg7[%swap3A_2261, %swap3A_2262, %swap3A_2263, %swap3A_2264, %swap3A_2265], %swap3A_2268 {strides = array<i32>} : memref<1x8x32x8x128xf32, #tpu.memory_space<vmem>>, vector<1x1x1x8x128xf32>,
    %slice3A_2269 = vector.extract_strided_slice %concatenate3A {offsets = [56, 2688], sizes = [8, 128], strides = [1, 1]} : vector<64x4096xf32> to vector<8x128xf32>
    %swap3A_2270 = arith.constant 0 : index
    %swap3A_2271 = arith.constant 7 : index
    %swap3A_2272 = arith.constant 21 : index
    %swap3A_2273 = arith.constant 0 : index
    %swap3A_2274 = arith.constant 0 : index
    %swap3A_2275 = vector.load %arg7[%swap3A_2270, %swap3A_2271, %swap3A_2272, %swap3A_2273, %swap3A_2274] : memref<1x8x32x8x128xf32, #tpu.memory_space<vmem>>, vector<1x1x1x8x128xf32>
    %swap3A_2276 = vector.shape_cast %swap3A_2275 : vector<1x1x1x8x128xf32> to vector<8x128xf32>
    %swap3A_2277 = vector.shape_cast %slice3A_2269 : vector<8x128xf32> to vector<1x1x1x8x128xf32>
    tpu.vector_store %arg7[%swap3A_2270, %swap3A_2271, %swap3A_2272, %swap3A_2273, %swap3A_2274], %swap3A_2277 {strides = array<i32>} : memref<1x8x32x8x128xf32, #tpu.memory_space<vmem>>, vector<1x1x1x8x128xf32>,
    %slice3A_2278 = vector.extract_strided_slice %concatenate3A {offsets = [56, 2816], sizes = [8, 128], strides = [1, 1]} : vector<64x4096xf32> to vector<8x128xf32>
    %swap3A_2279 = arith.constant 0 : index
    %swap3A_2280 = arith.constant 7 : index
    %swap3A_2281 = arith.constant 22 : index
    %swap3A_2282 = arith.constant 0 : index
    %swap3A_2283 = arith.constant 0 : index
    %swap3A_2284 = vector.load %arg7[%swap3A_2279, %swap3A_2280, %swap3A_2281, %swap3A_2282, %swap3A_2283] : memref<1x8x32x8x128xf32, #tpu.memory_space<vmem>>, vector<1x1x1x8x128xf32>
    %swap3A_2285 = vector.shape_cast %swap3A_2284 : vector<1x1x1x8x128xf32> to vector<8x128xf32>
    %swap3A_2286 = vector.shape_cast %slice3A_2278 : vector<8x128xf32> to vector<1x1x1x8x128xf32>
    tpu.vector_store %arg7[%swap3A_2279, %swap3A_2280, %swap3A_2281, %swap3A_2282, %swap3A_2283], %swap3A_2286 {strides = array<i32>} : memref<1x8x32x8x128xf32, #tpu.memory_space<vmem>>, vector<1x1x1x8x128xf32>,
    %slice3A_2287 = vector.extract_strided_slice %concatenate3A {offsets = [56, 2944], sizes = [8, 128], strides = [1, 1]} : vector<64x4096xf32> to vector<8x128xf32>
    %swap3A_2288 = arith.constant 0 : index
    %swap3A_2289 = arith.constant 7 : index
    %swap3A_2290 = arith.constant 23 : index
    %swap3A_2291 = arith.constant 0 : index
    %swap3A_2292 = arith.constant 0 : index
    %swap3A_2293 = vector.load %arg7[%swap3A_2288, %swap3A_2289, %swap3A_2290, %swap3A_2291, %swap3A_2292] : memref<1x8x32x8x128xf32, #tpu.memory_space<vmem>>, vector<1x1x1x8x128xf32>
    %swap3A_2294 = vector.shape_cast %swap3A_2293 : vector<1x1x1x8x128xf32> to vector<8x128xf32>
    %swap3A_2295 = vector.shape_cast %slice3A_2287 : vector<8x128xf32> to vector<1x1x1x8x128xf32>
    tpu.vector_store %arg7[%swap3A_2288, %swap3A_2289, %swap3A_2290, %swap3A_2291, %swap3A_2292], %swap3A_2295 {strides = array<i32>} : memref<1x8x32x8x128xf32, #tpu.memory_space<vmem>>, vector<1x1x1x8x128xf32>,
    %slice3A_2296 = vector.extract_strided_slice %concatenate3A {offsets = [56, 3072], sizes = [8, 128], strides = [1, 1]} : vector<64x4096xf32> to vector<8x128xf32>
    %swap3A_2297 = arith.constant 0 : index
    %swap3A_2298 = arith.constant 7 : index
    %swap3A_2299 = arith.constant 24 : index
    %swap3A_2300 = arith.constant 0 : index
    %swap3A_2301 = arith.constant 0 : index
    %swap3A_2302 = vector.load %arg7[%swap3A_2297, %swap3A_2298, %swap3A_2299, %swap3A_2300, %swap3A_2301] : memref<1x8x32x8x128xf32, #tpu.memory_space<vmem>>, vector<1x1x1x8x128xf32>
    %swap3A_2303 = vector.shape_cast %swap3A_2302 : vector<1x1x1x8x128xf32> to vector<8x128xf32>
    %swap3A_2304 = vector.shape_cast %slice3A_2296 : vector<8x128xf32> to vector<1x1x1x8x128xf32>
    tpu.vector_store %arg7[%swap3A_2297, %swap3A_2298, %swap3A_2299, %swap3A_2300, %swap3A_2301], %swap3A_2304 {strides = array<i32>} : memref<1x8x32x8x128xf32, #tpu.memory_space<vmem>>, vector<1x1x1x8x128xf32>,
    %slice3A_2305 = vector.extract_strided_slice %concatenate3A {offsets = [56, 3200], sizes = [8, 128], strides = [1, 1]} : vector<64x4096xf32> to vector<8x128xf32>
    %swap3A_2306 = arith.constant 0 : index
    %swap3A_2307 = arith.constant 7 : index
    %swap3A_2308 = arith.constant 25 : index
    %swap3A_2309 = arith.constant 0 : index
    %swap3A_2310 = arith.constant 0 : index
    %swap3A_2311 = vector.load %arg7[%swap3A_2306, %swap3A_2307, %swap3A_2308, %swap3A_2309, %swap3A_2310] : memref<1x8x32x8x128xf32, #tpu.memory_space<vmem>>, vector<1x1x1x8x128xf32>
    %swap3A_2312 = vector.shape_cast %swap3A_2311 : vector<1x1x1x8x128xf32> to vector<8x128xf32>
    %swap3A_2313 = vector.shape_cast %slice3A_2305 : vector<8x128xf32> to vector<1x1x1x8x128xf32>
    tpu.vector_store %arg7[%swap3A_2306, %swap3A_2307, %swap3A_2308, %swap3A_2309, %swap3A_2310], %swap3A_2313 {strides = array<i32>} : memref<1x8x32x8x128xf32, #tpu.memory_space<vmem>>, vector<1x1x1x8x128xf32>,
    %slice3A_2314 = vector.extract_strided_slice %concatenate3A {offsets = [56, 3328], sizes = [8, 128], strides = [1, 1]} : vector<64x4096xf32> to vector<8x128xf32>
    %swap3A_2315 = arith.constant 0 : index
    %swap3A_2316 = arith.constant 7 : index
    %swap3A_2317 = arith.constant 26 : index
    %swap3A_2318 = arith.constant 0 : index
    %swap3A_2319 = arith.constant 0 : index
    %swap3A_2320 = vector.load %arg7[%swap3A_2315, %swap3A_2316, %swap3A_2317, %swap3A_2318, %swap3A_2319] : memref<1x8x32x8x128xf32, #tpu.memory_space<vmem>>, vector<1x1x1x8x128xf32>
    %swap3A_2321 = vector.shape_cast %swap3A_2320 : vector<1x1x1x8x128xf32> to vector<8x128xf32>
    %swap3A_2322 = vector.shape_cast %slice3A_2314 : vector<8x128xf32> to vector<1x1x1x8x128xf32>
    tpu.vector_store %arg7[%swap3A_2315, %swap3A_2316, %swap3A_2317, %swap3A_2318, %swap3A_2319], %swap3A_2322 {strides = array<i32>} : memref<1x8x32x8x128xf32, #tpu.memory_space<vmem>>, vector<1x1x1x8x128xf32>,
    %slice3A_2323 = vector.extract_strided_slice %concatenate3A {offsets = [56, 3456], sizes = [8, 128], strides = [1, 1]} : vector<64x4096xf32> to vector<8x128xf32>
    %swap3A_2324 = arith.constant 0 : index
    %swap3A_2325 = arith.constant 7 : index
    %swap3A_2326 = arith.constant 27 : index
    %swap3A_2327 = arith.constant 0 : index
    %swap3A_2328 = arith.constant 0 : index
    %swap3A_2329 = vector.load %arg7[%swap3A_2324, %swap3A_2325, %swap3A_2326, %swap3A_2327, %swap3A_2328] : memref<1x8x32x8x128xf32, #tpu.memory_space<vmem>>, vector<1x1x1x8x128xf32>
    %swap3A_2330 = vector.shape_cast %swap3A_2329 : vector<1x1x1x8x128xf32> to vector<8x128xf32>
    %swap3A_2331 = vector.shape_cast %slice3A_2323 : vector<8x128xf32> to vector<1x1x1x8x128xf32>
    tpu.vector_store %arg7[%swap3A_2324, %swap3A_2325, %swap3A_2326, %swap3A_2327, %swap3A_2328], %swap3A_2331 {strides = array<i32>} : memref<1x8x32x8x128xf32, #tpu.memory_space<vmem>>, vector<1x1x1x8x128xf32>,
    %slice3A_2332 = vector.extract_strided_slice %concatenate3A {offsets = [56, 3584], sizes = [8, 128], strides = [1, 1]} : vector<64x4096xf32> to vector<8x128xf32>
    %swap3A_2333 = arith.constant 0 : index
    %swap3A_2334 = arith.constant 7 : index
    %swap3A_2335 = arith.constant 28 : index
    %swap3A_2336 = arith.constant 0 : index
    %swap3A_2337 = arith.constant 0 : index
    %swap3A_2338 = vector.load %arg7[%swap3A_2333, %swap3A_2334, %swap3A_2335, %swap3A_2336, %swap3A_2337] : memref<1x8x32x8x128xf32, #tpu.memory_space<vmem>>, vector<1x1x1x8x128xf32>
    %swap3A_2339 = vector.shape_cast %swap3A_2338 : vector<1x1x1x8x128xf32> to vector<8x128xf32>
    %swap3A_2340 = vector.shape_cast %slice3A_2332 : vector<8x128xf32> to vector<1x1x1x8x128xf32>
    tpu.vector_store %arg7[%swap3A_2333, %swap3A_2334, %swap3A_2335, %swap3A_2336, %swap3A_2337], %swap3A_2340 {strides = array<i32>} : memref<1x8x32x8x128xf32, #tpu.memory_space<vmem>>, vector<1x1x1x8x128xf32>,
    %slice3A_2341 = vector.extract_strided_slice %concatenate3A {offsets = [56, 3712], sizes = [8, 128], strides = [1, 1]} : vector<64x4096xf32> to vector<8x128xf32>
    %swap3A_2342 = arith.constant 0 : index
    %swap3A_2343 = arith.constant 7 : index
    %swap3A_2344 = arith.constant 29 : index
    %swap3A_2345 = arith.constant 0 : index
    %swap3A_2346 = arith.constant 0 : index
    %swap3A_2347 = vector.load %arg7[%swap3A_2342, %swap3A_2343, %swap3A_2344, %swap3A_2345, %swap3A_2346] : memref<1x8x32x8x128xf32, #tpu.memory_space<vmem>>, vector<1x1x1x8x128xf32>
    %swap3A_2348 = vector.shape_cast %swap3A_2347 : vector<1x1x1x8x128xf32> to vector<8x128xf32>
    %swap3A_2349 = vector.shape_cast %slice3A_2341 : vector<8x128xf32> to vector<1x1x1x8x128xf32>
    tpu.vector_store %arg7[%swap3A_2342, %swap3A_2343, %swap3A_2344, %swap3A_2345, %swap3A_2346], %swap3A_2349 {strides = array<i32>} : memref<1x8x32x8x128xf32, #tpu.memory_space<vmem>>, vector<1x1x1x8x128xf32>,
    %slice3A_2350 = vector.extract_strided_slice %concatenate3A {offsets = [56, 3840], sizes = [8, 128], strides = [1, 1]} : vector<64x4096xf32> to vector<8x128xf32>
    %swap3A_2351 = arith.constant 0 : index
    %swap3A_2352 = arith.constant 7 : index
    %swap3A_2353 = arith.constant 30 : index
    %swap3A_2354 = arith.constant 0 : index
    %swap3A_2355 = arith.constant 0 : index
    %swap3A_2356 = vector.load %arg7[%swap3A_2351, %swap3A_2352, %swap3A_2353, %swap3A_2354, %swap3A_2355] : memref<1x8x32x8x128xf32, #tpu.memory_space<vmem>>, vector<1x1x1x8x128xf32>
    %swap3A_2357 = vector.shape_cast %swap3A_2356 : vector<1x1x1x8x128xf32> to vector<8x128xf32>
    %swap3A_2358 = vector.shape_cast %slice3A_2350 : vector<8x128xf32> to vector<1x1x1x8x128xf32>
    tpu.vector_store %arg7[%swap3A_2351, %swap3A_2352, %swap3A_2353, %swap3A_2354, %swap3A_2355], %swap3A_2358 {strides = array<i32>} : memref<1x8x32x8x128xf32, #tpu.memory_space<vmem>>, vector<1x1x1x8x128xf32>,
    %slice3A_2359 = vector.extract_strided_slice %concatenate3A {offsets = [56, 3968], sizes = [8, 128], strides = [1, 1]} : vector<64x4096xf32> to vector<8x128xf32>
    %swap3A_2360 = arith.constant 0 : index
    %swap3A_2361 = arith.constant 7 : index
    %swap3A_2362 = arith.constant 31 : index
    %swap3A_2363 = arith.constant 0 : index
    %swap3A_2364 = arith.constant 0 : index
    %swap3A_2365 = vector.load %arg7[%swap3A_2360, %swap3A_2361, %swap3A_2362, %swap3A_2363, %swap3A_2364] : memref<1x8x32x8x128xf32, #tpu.memory_space<vmem>>, vector<1x1x1x8x128xf32>
    %swap3A_2366 = vector.shape_cast %swap3A_2365 : vector<1x1x1x8x128xf32> to vector<8x128xf32>
    %swap3A_2367 = vector.shape_cast %slice3A_2359 : vector<8x128xf32> to vector<1x1x1x8x128xf32>
    tpu.vector_store %arg7[%swap3A_2360, %swap3A_2361, %swap3A_2362, %swap3A_2363, %swap3A_2364], %swap3A_2367 {strides = array<i32>} : memref<1x8x32x8x128xf32, #tpu.memory_space<vmem>>, vector<1x1x1x8x128xf32>,
    return
  }
  func.func @transform_0(%arg0: i32, %arg1: i32) -> (i32, i32) {
    %mul3A = arith.constant 4 : i32
    %mul3A_0 = arith.muli %arg0, %mul3A : i32
    %add3A = arith.addi %mul3A_0, %arg1 : i32
    %c0_i32 = arith.constant 0 : i32
    %c0_i32_1 = arith.constant 0 : i32
    return %add3A, %c0_i32 : i32, i32
  }
  func.func @transform_1(%arg0: i32, %arg1: i32) -> (i32, i32) {
    %c0_i32 = arith.constant 0 : i32
    %c0_i32_0 = arith.constant 0 : i32
    %c0_i32_1 = arith.constant 0 : i32
    return %c0_i32, %c0_i32_0 : i32, i32
  }
  func.func @transform_2(%arg0: i32, %arg1: i32) -> (i32, i32) {
    %c0_i32 = arith.constant 0 : i32
    %c0_i32_0 = arith.constant 0 : i32
    %c0_i32_1 = arith.constant 0 : i32
    return %c0_i32, %c0_i32_0 : i32, i32
  }
  func.func @transform_3(%arg0: i32, %arg1: i32) -> (i32, i32) {
    %c0_i32 = arith.constant 0 : i32
    %c0_i32_0 = arith.constant 0 : i32
    %c0_i32_1 = arith.constant 0 : i32
    return %c0_i32, %c0_i32_0 : i32, i32
  }
  func.func @transform_4(%arg0: i32, %arg1: i32) -> (i32, i32) {
    %c0_i32 = arith.constant 0 : i32
    %c0_i32_0 = arith.constant 0 : i32
    %c0_i32_1 = arith.constant 0 : i32
    return %c0_i32, %c0_i32_0 : i32, i32
  }
  func.func @transform_5(%arg0: i32, %arg1: i32) -> (i32, i32, i32, i32, i32) {
    %c0_i32 = arith.constant 0 : i32
    %c0_i32_0 = arith.constant 0 : i32
    %c0_i32_1 = arith.constant 0 : i32
    %c0_i32_2 = arith.constant 0 : i32
    return %arg0, %c0_i32, %arg1, %c0_i32_0, %c0_i32_1 : i32, i32, i32, i32, i32
  }
}

</mosaic_0001>

<sc_bundles>
// kernel: kernel.4.cloned.1.call-start
scs
__scs_entry_jumppad:
0x0: {  	(pc) =	sbr.rel $0x88, $3  }
0x1: {  	(tag) =	ssettag $0x0;
	lr =	simm.s32 $0x1  }
0x2: {  	[smem:$0x3F99] =	sst lr;
	_ =	strace $0xD0000000  }
0x3: {  	_ = 	snop  }
0x4: {  	_ = 	snop  }
0x5: {  	_ = 	snop  }
0x6: {  	_ = 	snop  }
0x7: {  	_ = 	snop  }
__scs_overlays_trampoline_lowered:
0x8: {  	[smem:$0x3FA8] =	sst s0  }
0x9: {  	[smem:$0x3FA9] =	sst s1  }
0xa: {  	[smem:$0x3FAA] =	sst s2  }
0xb: {  	[smem:$0x3FAB] =	sst s3  }
0xc: {  	[smem:$0x3FAC] =	sst s4  }
0xd: {  	[smem:$0x3FAD] =	sst s5  }
0xe: {  	[smem:$0x3FAE] =	sst s6  }
0xf: {  	[smem:$0x3FAF] =	sst s7  }
0x10: {  	[smem:$0x3FB0] =	sst s8  }
0x11: {  	[smem:$0x3FB1] =	sst s9;
	s0 =	simm.s32 @!p0 $0x0  }
0x12: {  	s1 =	sld [smem:$0x3F97];
	s0 =	simm.s32 @p0 $0x1  }
0x13: {  	[smem:$0x3FB2] =	sst s0;
	s0 =	simm.s32 @!p1 $0x0  }
0x14: {  	s2 =	sld [smem:$0x3F96];
	s0 =	simm.s32 @p1 $0x1  }
0x15: {  	[smem:$0x3FB3] =	sst s0;
	s0 =	simm.s32 @!p2 $0x0  }
0x16: {  	s3 =	sld [smem:$0x3FDB];
	s0 =	simm.s32 @p2 $0x1  }
0x17: {  	s4 =	simm.s32 $0x1BF5;
	[smem:$0x3FB5] =	sst s0  }
0x18: {  	s0 =	sld [smem:$0x3F98];
	_ =	swait.ge [sflag:s4], $0x0  }
0x19: {  	s7 =	sld [smem:$0x3F99]  }
0x1a: {  	s8 =	sadd.s32 $0xFFFFE003, lr  }
0x1b: {  	s9 =	sadd.s32 $0xFFFFFEF7, lr;
	s5 =	simm.s32 $0xFFFFFFFF;
	p2 =	slt.u32 s8, $0xFFFFF086  }
0x1c: {  	p1 =	slt.u32 s9, $0xF7A;
	s5 =	simm.s32 @!p2 $0x0  }
0x1d: {  	s5 =	simm.s32 @p1 $0x1;
	p0 =	seq.s32 s7, s2  }
0x1e: {  	s7 =	smul.u32 @!p0 $0xF7A, s2;
	p2 =	seq.s32 @!p0 s5, $0x0  }
0x1f: {  	s9 =	smul.u32 $0xF7A, s1;
	s8 =	simm.s32 @!p0 $0x1BF5;
	p2 =	por !p2, p0  }
0x20: {  	[sflag:s8] =	ssyncset.s32 @!p0 $0xFFFFF086;
	s6 =	sadd.s32 @!p0 s3, s7;
	s7 =	simm.s32 @!p0 $0x108  }
0x21: {  	s3 =	sadd.s32 s3, s9;
	s6 =	sadd.s32 @!p0 $0x88, s6;
	s7 =	simm.s32 @p2 $0x1082  }
0x22: {  	[simem:s7], [sflag:s8] =	dma.local @!p0 [hbm:s6], $0xF7A  }
0x23: {  	s9 =	sor.u32 $0xD0000000, s2;
	s6 =	simm.s32 $0x108;
	_ =	swait.ge @!p0 [sflag:s8], $0x0  }
0x24: {  	s3 =	sadd.s32 $0x88, s3;
	s6 =	simm.s32 @!p1 $0x1082;
	[sflag:s4] =	ssyncset.s32 $0xFFFFF086  }
0x25: {  	[simem:s6], [sflag:s4] =	dma.local [hbm:s3], $0xF7A  }
0x26: {  	[smem:$0x3F99] =	sst s1;
	(tag) =	ssettag s2;
	_ =	strace s9  }
0x27: {  	s1 =	sld [smem:$0x3FA9]  }
0x28: {  	s2 =	sld [smem:$0x3FAA]  }
0x29: {  	s4 =	sld [smem:$0x3FAC]  }
0x2a: {  	p0 =	seq.s32 s5, $0x0;
	s5 =	sld [smem:$0x3FAD]  }
0x2b: {  	s6 =	sld [smem:$0x3FAE]  }
0x2c: {  	s7 =	sld [smem:$0x3FAF]  }
0x2d: {  	s3 =	simm.s32 $0x108;
	s8 =	sld [smem:$0x3FB0]  }
0x2e: {  	s3 =	simm.s32 @!p0 $0x1082;
	s9 =	sld [smem:$0x3FB1]  }
0x2f: {  	lr =	sadd.s32 s0, s3;
	s0 =	sld [smem:$0x3FA8]  }
0x30: {  	s3 =	sld [smem:$0x3FAB]  }
0x31: {  	[smem:$0x3FB4] =	sst s10  }
0x32: {  	s10 =	sld [smem:$0x3FB2];
	_ =	sdelay $0x3  }
0x33: {  	p0 =	seq.s32 s10, $0x1;
	s10 =	sld [smem:$0x3FB4];
	_ =	sdelay $0x3  }
0x34: {  	[smem:$0x3FB4] =	sst s10  }
0x35: {  	s10 =	sld [smem:$0x3FB3];
	_ =	sdelay $0x3  }
0x36: {  	p1 =	seq.s32 s10, $0x1;
	s10 =	sld [smem:$0x3FB4];
	_ =	sdelay $0x3  }
0x37: {  	[smem:$0x3FB4] =	sst s10  }
0x38: {  	s10 =	sld [smem:$0x3FB5]  }
0x39: {  	_ = 	snop;
	(pc) =	sbr.ind lr, $3  }
0x3a: {  	_ = 	snop  }
0x3b: {  	_ = 	snop  }
0x3c: {  	p2 =	seq.s32 s10, $0x1;
	s10 =	sld [smem:$0x3FB4]  }
0x3d: {  	_ =	shalt  }
0x3e: {  	_ =	shalt  }
0x3f: {  	_ =	shalt  }
0x40: {  	_ =	shalt  }
0x41: {  	_ =	shalt  }
0x42: {  	_ =	shalt  }
0x43: {  	_ =	shalt  }
0x44: {  	_ =	shalt  }
0x45: {  	_ =	shalt  }
0x46: {  	_ =	shalt  }
0x47: {  	_ =	shalt  }
0x48: {  	_ =	shalt  }
0x49: {  	_ =	shalt  }
0x4a: {  	_ =	shalt  }
0x4b: {  	_ =	shalt  }
0x4c: {  	_ =	shalt  }
0x4d: {  	_ =	shalt  }
0x4e: {  	_ =	shalt  }
0x4f: {  	_ =	shalt  }
0x50: {  	_ =	shalt  }
0x51: {  	_ =	shalt  }
0x52: {  	_ =	shalt  }
0x53: {  	_ =	shalt  }
0x54: {  	_ =	shalt  }
0x55: {  	_ =	shalt  }
0x56: {  	_ =	shalt  }
0x57: {  	_ =	shalt  }
0x58: {  	_ =	shalt  }
0x59: {  	_ =	shalt  }
0x5a: {  	_ =	shalt  }
0x5b: {  	_ =	shalt  }
0x5c: {  	_ =	shalt  }
0x5d: {  	_ =	shalt  }
0x5e: {  	_ =	shalt  }
0x5f: {  	_ =	shalt  }
0x60: {  	_ =	shalt  }
0x61: {  	_ =	shalt  }
0x62: {  	_ =	shalt  }
0x63: {  	_ =	shalt  }
0x64: {  	_ =	shalt  }
0x65: {  	_ =	shalt  }
0x66: {  	_ =	shalt  }
0x67: {  	_ =	shalt  }
0x68: {  	_ =	shalt  }
0x69: {  	_ =	shalt  }
0x6a: {  	_ =	shalt  }
0x6b: {  	_ =	shalt  }
0x6c: {  	_ =	shalt  }
0x6d: {  	_ =	shalt  }
0x6e: {  	_ =	shalt  }
0x6f: {  	_ =	shalt  }
0x70: {  	_ =	shalt  }
0x71: {  	_ =	shalt  }
0x72: {  	_ =	shalt  }
0x73: {  	_ =	shalt  }
0x74: {  	_ =	shalt  }
0x75: {  	_ =	shalt  }
0x76: {  	_ =	shalt  }
0x77: {  	_ =	shalt  }
0x78: {  	_ =	shalt  }
0x79: {  	_ =	shalt  }
0x7a: {  	_ =	shalt  }
0x7b: {  	_ =	shalt  }
0x7c: {  	_ =	shalt  }
0x7d: {  	_ =	shalt  }
0x7e: {  	_ =	shalt  }
0x7f: {  	_ =	shalt  }
0x80: {  	_ =	shalt  }
0x81: {  	_ =	shalt  }
0x82: {  	_ =	shalt  }
0x83: {  	_ =	shalt  }
0x84: {  	_ =	shalt  }
0x85: {  	_ =	shalt  }
0x86: {  	_ =	shalt  }
0x87: {  	_ =	shalt  }
.Lfunc_end0:
.L_simem_size_0:
called_computation_lowered:
.L_overlay_start_0:
0x88: {  	s2 =	sld [smem:$0x3FD9]  }
0x89: {  	s3 =	sld [smem:$0x3FFE];
	_ =	sdelay $0x1  }
0x8a: {  	s1 =	srdreg.scid  }
0x8b: {  	s0 =	sand.u32 $0x1, s1  }
0x8c: {  	s17 =	sshll.u32 s0, $0xA;
	s2 =	sadd.s32 s3, s2  }
0x8d: {  	s2 =	sadd.s32 s2, s17  }
0x8e: {  	[smem:$0x3FC0] =	sst s2  }
0x8f: {  	_ = 	snop  }
0x90: {  	s2 =	sld [smem:$0x3FD0];
	(tm) =	ssettm $0x1  }
0x91: {  	s18 =	sld [smem:$0x3FFB];
	_ =	sdelay $0x3  }
0x92: {  	_ =	strace s18  }
0x93: {  	s3 =	sld [smem:$0x3FFC];
	_ =	sdelay $0x3  }
0x94: {  	_ =	strace s3  }
0x95: {  	s3 =	sld [smem:$0x3FFD];
	_ =	sdelay $0x3  }
0x96: {  	_ =	strace s3  }
0x97: {  	_ =	strace $0x8FFFFFFF  }
0x98: {  	s19 =	sld [smem:$0x3FDB];
	_ =	sdelay $0x1  }
0x99: {  	s4 =	simm.s32 $_scs_section_size  }
0x9a: {  	s5 =	simm.s32 $_size__tile_overlayer_lowered;
	s6 =	simm.s32 $_tile_overlayer_lowered  }
0x9b: {  	s22 =	simm.s32 $0x1BFF;
	s21 =	sshll.u32 s6, $0x1;
	s3 =	sadd.s32 s4, s19  }
0x9c: {  	s7 =	simm.s32 $0x0;
	s20 =	sshll.u32 s5, $0x1;
	s5 =	sadd.s32 s21, s3  }
0x9d: {  	[timem:s7], [sflag:s22] =	dma.local [hbm:s5], s20  }
0x9e: {  	_ =	swait.ge [sflag:s22], s20  }
0x9f: {  	s4 =	ssub.s32 $0x0, s20;
	[sflag:s22] =	ssyncset.done $0x0  }
0xa0: {  	[sflag:s22] =	ssyncadd.s32 s4;
	_ =	sdelay $0x1  }
0xa1: {  	s23 =	simm.s32 $0x1B8B  }
0xa2: {  	_ =	swait.ge [sflag:s23], $0x1  }
0xa3: {  	[sflag:s23] =	ssyncset.done $0x0  }
0xa4: {  	s25 =	simm.s32 $0x1B8E;
	s24 =	sld [smem:$0x3FFE];
	[sflag:s23] =	ssyncadd.s32 $0xFFFFFFFF  }
0xa5: {  	s26 =	simm.s32 $execute0_lowered;
	[smem:$0x3FD2] =	sst s25  }
0xa6: {  	s5 =	sshll.u32 s26, $0x1;
	_ =	strace $0x80000046;
	[dreg:$0x1] =	wrdreg $0xFFFFFFFF  }
0xa7: {  	s28 =	simm.s32 $_size_execute0_lowered;
	s3 =	sadd.s32 s3, s5;
	[dreg:$0x0] =	wrdreg $0x0  }
0xa8: {  	s5 =	sshll.u32 s28, $0x1;
	[dreg:$0x2] =	wrdreg s3  }
0xa9: {  	[dreg:$0x3] =	wrdreg s5  }
0xaa: {  	[dreg:$0x4] =	wrdreg $0xC0  }
0xab: {  	_ =	task [dreg:s7], $0x5FFFF  }
0xac: {  	[dreg:$0x1] =	wrdreg $0xFFFFFFFF  }
0xad: {  	[dreg:$0x0] =	wrdreg $0x60  }
0xae: {  	[dreg:$0x2] =	wrdreg s2  }
0xaf: {  	[dreg:$0x3] =	wrdreg s24  }
0xb0: {  	[dreg:$0x4] =	wrdreg $0x9  }
0xb1: {  	_ =	task.clear_ibuf [dreg:s7], $0x5FFFF;
	_ =	strace $0x90000046  }
0xb2: {  	s29 =	simm.s32 $0x9;
	_ =	strace $0x80000048  }
0xb3: {  	_ =	swait.ge [sflag:s29], $0x1  }
0xb4: {  	[sflag:s29] =	ssyncadd.s32 $0xFFFFFFFF  }
0xb5: {  	_ =	strace $0x90000048  }
0xb6: {  	_ =	sfence  }
0xb7: {  	s30 =	sld [smem:$0x0];
	_ =	sdelay $0x2  }
0xb8: {  	s31 =	sshll.u32 s1, $0xD;
	s1 =	sshrl.u32 s1, $0x2  }
0xb9: {  	s3 =	sand.u32 $0x4000, s31;
	s1 =	sadd.s32 s1, s30  }
0xba: {  	s0 =	sor.u32 s3, s0;
	s1 =	sshll.u32 s1, $0x11  }
0xbb: {  	s0 =	sor.u32 s1, s0  }
0xbc: {  	s0 =	sadd.s32 $0x8F2B, s0  }
0xbd: {  	[sflag:s0] =	ssyncadd.remote.s32 $0x1  }
0xbe: {  	_ =	sfence.sel $0xFFFF  }
0xbf: {  	[dreg:$0x0] =	wrdreg $0xFFFFFFFF;
	(pc) =	sbr.abs _section_cstart, $3  }
0xc0: {  	[dreg:$0x1] =	wrdreg $0xFFFFFFFF  }
0xc1: {  	_ =	task.clear_ibuf [dreg:s7], $0x2FFFF;
	_ =	strace $0x9FFFFFFF  }
0xc2: {  	(tm) =	ssettm $0x7FFFFFFF  }
0xc3: {  	_ =	shalt  }
tec
execute0_lowered:
.L_overlay_start_1:
0x0: {  	(tag) =	ssettag $0x1  }
0x1: {  	s1 =	rddreg [dreg:$0x0]  }
0x2: {  	s0 =	rddreg [dreg:$0x1];
	s3 =	simm.s32 $0x0  }
0x3: {  	s2 =	srdreg.scid;
	s10 =	stileid.u32;
	s17 =	simm.s32 $0x7  }
0x4: {  	s19 =	simm.s32 $0x80;
	s28 =	simm.s32 $0x200;
	s29 =	simm.s32 $0x8300  }
0x5: {  	s30 =	simm.s32 $0x4;
	s31 =	simm.s32 $0x5;
	[smem:$0x7FF] =	sst s3  }
0x6: {  	s2 =	sand.u32 $0x1, s2;
	s5 =	sshll.u32 s10, $0x1;
	s4 =	sadd.s32 $0x1200, s0  }
0x7: {  	s7 =	sadd.s32 $0x1C200, s0;
	s10 =	smul.u32 $0xC800, s10;
	_ =	strace $0x80000047  }
0x8: {  	s6 =	sor.u32 s2, s5;
	s8 =	ssub.s32 $0x2, s2;
	s2 =	smul.u32 $0x6400, s2  }
0x9: {  	s5 =	sadd.s32 $0xF43800, s0;
	s9 =	smul.u32 $0x6400, s6;
	s21 =	sshrl.u32 s8, $0x1  }
0xa: {  	s6 =	sadd.s32 $0x1A200, s0;
	s0 =	ssub.s32 s8, s21;
	s2 =	sadd.s32 s2, s10  }
0xb: {  	s21 =	simm.s32 $0x6;
	s22 =	sshrl.u32 s9, $0x3;
	s12 =	sor.u32 $0x100, s9  }
0xc: {  	s13 =	sor.u32 $0x180, s9;
	s0 =	smax.u32 s0, $0x1;
	[dreg:$0x7] =	wrdreg s2  }
0xd: {  	s26 =	sor.u32 $0x80, s2;
	s2 =	simm.s32 $0xA300;
	s11 =	sadd.s32 s1, s22  }
0xe: {  	s23 =	sor.u32 $0x10, s22;
	s8 =	sadd.s32 s4, s22;
	[dreg:$0x8] =	wrdreg s0  }
.Ltmp0:
0xf: {  	[dreg:$0x9] =	wrdreg s26;
	s22 =	simm.s32 $0x180;
	(pc) =	sbr.rel .LBB2_1-.Ltmp0, $4  }
0x10: {  	s26 =	simm.s32 $0x2;
	s0 =	simm.s32 $0x280;
	[dreg:$0x3] =	wrdreg s11  }
0x11: {  	[dreg:$0x4] =	wrdreg s8;
	s24 =	sadd.s32 s1, s23;
	s25 =	sadd.s32 s4, s23  }
0x12: {  	v0 =	vlaneseq.u32;
	s23 =	simm.s32 $0x2300;
	s8 =	simm.s32 $0x0;
	[dreg:$0x5] =	wrdreg s24  }
0x13: {  	v0 =	vmul.u32 $0x2, v0;
	[dreg:$0x6] =	wrdreg s25;
	s24 =	simm.s32 $0x6300;
	s25 =	simm.s32 $0x1  }
.LBB2_12:
0x14: {  	s9 =	simm.s32 $0x3  }
0x15: {  	_ =	swait.ge [sflag:s9], $0x2000  }
0x16: {  	[sflag:s9] =	ssyncset.done $0x0  }
0x17: {  	[sflag:s9] =	ssyncadd.s32 $0xFFFFE000  }
0x18: {  	_ =	swait.ge [sflag:s21], $0x2000  }
0x19: {  	s8 =	sadd.s32 $0x1, s8;
	s20 =	rddreg [dreg:$0x8]  }
0x1a: {  	p0 =	sne.s32 s8, s20  }
.Ltmp1:
0x1b: {  	_ = 	snop;
	(pc) =	sbr.rel @!p0 .LBB2_13-.Ltmp1, $3  }
0x1c: {  	_ =	sdelay $0x1  }
0x1d: {  	[sflag:s21] =	ssyncset.done $0x0  }
0x1e: {  	[sflag:s21] =	ssyncadd.s32 $0xFFFFE000  }
.LBB2_1:
0x1f: {  	s9 =	rddreg [dreg:$0x3]  }
0x20: {  	[tilespmem:s3], [sflag:$0x7] =	stream.linear.gather [hbm4b:s9+s3], $0x80, $0x38;
	[tilespmem:$0xC300] =	vst v63  }
0x21: {  	_ =	swait.ge [sflag:s17], $0x80  }
0x22: {  	[sflag:s17] =	ssyncset.done $0x0  }
0x23: {  	s10 =	simm.s32 $0x100;
	s14 =	rddreg [dreg:$0x4];
	[sflag:s17] =	ssyncadd.s32 $0xFFFFFF80  }
0x24: {  	[tilespmem:s10], [sflag:$0x7] =	stream.linear.gather [hbm4b:s14+s3], $0x80, $0x38;
	[tilespmem:$0xC300] =	vst v63  }
0x25: {  	_ =	swait.ge [sflag:s17], $0x80  }
0x26: {  	[sflag:s17] =	ssyncset.done $0x0  }
0x27: {  	s15 =	simm.s32 $0x300;
	[sflag:s17] =	ssyncadd.s32 $0xFFFFFF80  }
0x28: {  	[tilespmem:s15], [sflag:$0x1] =	stream.indirect.gather [hbm4b:s5+s19], $0x40, s3, s19, $0xb8;
	[tilespmem:$0xC300] =	vst v63  }
0x29: {  	s16 =	simm.s32 $0x4300  }
0x2a: {  	[tilespmem:s16], [sflag:$0x2] =	stream.indirect.gather [hbm4b:s6+s19], $0x40, s10, s19, $0xb8;
	[tilespmem:$0xC300] =	vst v63  }
0x2b: {  	s18 =	rddreg [dreg:$0x5]  }
0x2c: {  	[tilespmem:s19], [sflag:$0x7] =	stream.linear.gather [hbm4b:s18+s3], $0x80, $0x38;
	[tilespmem:$0xC300] =	vst v63  }
0x2d: {  	_ =	swait.ge [sflag:s17], $0x80  }
0x2e: {  	[sflag:s17] =	ssyncset.done $0x0  }
0x2f: {  	s20 =	rddreg [dreg:$0x6];
	[sflag:s17] =	ssyncadd.s32 $0xFFFFFF80  }
0x30: {  	[tilespmem:s22], [sflag:$0x7] =	stream.linear.gather [hbm4b:s20+s3], $0x80, $0x38;
	[tilespmem:$0xC300] =	vst v63  }
0x31: {  	_ =	swait.ge [sflag:s17], $0x80  }
0x32: {  	[sflag:s17] =	ssyncset.done $0x0  }
0x33: {  	s16 =	rddreg [dreg:$0x9];
	[sflag:s17] =	ssyncadd.s32 $0xFFFFFF80  }
0x34: {  	[tilespmem:s23], [sflag:$0x4] =	stream.indirect.gather [hbm4b:s5+s19], $0x40, s19, s19, $0xb8;
	[tilespmem:$0xC300] =	vst v63  }
0x35: {  	s11 =	simm.s32 $0x0;
	s14 =	rddreg [dreg:$0x7]  }
0x36: {  	[tilespmem:s24], [sflag:$0x5] =	stream.indirect.gather [hbm4b:s6+s19], $0x40, s22, s19, $0xb8;
	[tilespmem:$0xC300] =	vst v63  }
.LBB2_2:
0x37: {  	_ =	swait.ge [sflag:s25], $0x2000  }
0x38: {  	[sflag:s25] =	ssyncset.done $0x0  }
0x39: {  	[sflag:s25] =	ssyncadd.s32 $0xFFFFE000  }
0x3a: {  	_ =	swait.ge [sflag:s26], $0x2000  }
0x3b: {  	p0 =	seq.s32 s11, $0x0;
	v1 =	vmov s14;
	[sflag:s26] =	ssyncset.done $0x0  }
0x3c: {  	s9 =	simm.s32 @!p0 $0x3;
	v2 =	vshll.u32 v1, $0x1;
	v3 =	vshrl.u32 v1, $0x8;
	[sflag:s26] =	ssyncadd.s32 $0xFFFFE000  }
0x3d: {  	v1 =	vand.u32 $0x7FFFFE00, v1;
	v2 =	vor.u32 v0, v2;
	v3 =	vand.u32 $0x1, v3;
	_ =	swait.ge @!p0 [sflag:s9], $0x2000  }
0x3e: {  	s18 =	sshll.u32 s11, $0x8;
	s15 =	simm.s32 $0x0;
	v2 =	vand.u32 $0x1FE, v2;
	v1 =	vor.u32 v1, v3;
	[sflag:s9] =	ssyncset.done @!p0 $0x0  }
0x3f: {  	s10 =	smov.u32 s14;
	v1 =	vor.u32 v2, v1;
	[sflag:s9] =	ssyncadd.s32 @!p0 $0xFFFFE000;
	s9 =	simm.s32 $0x40  }
.LBB2_3:
0x40: {  	p1 =	sne.s32 s9, $0x1C0  }
0x41: {  	[tilespmem:s15+$0x200] =	vst v1;
	s10 =	sadd.s32 $0x10, s10;
	s15 =	smov.u32 s9;
	s9 =	sadd.s32 $0x40, s9  }
.Ltmp2:
0x42: {  	v1 =	vmov s10;
	(pc) =	sbr.rel @p1 .LBB2_3-.Ltmp2, $4  }
0x43: {  	v2 =	vshll.u32 v1, $0x1;
	v3 =	vshrl.u32 v1, $0x8  }
0x44: {  	v1 =	vand.u32 $0x7FFFFE00, v1;
	v2 =	vor.u32 v0, v2;
	v3 =	vand.u32 $0x1, v3  }
0x45: {  	v2 =	vand.u32 $0x1FE, v2;
	v1 =	vor.u32 v1, v3  }
0x46: {  	s15 =	sshra.s32 s15, $0x2;
	v1 =	vor.u32 v2, v1  }
0x47: {  	[tilespmem:s15+$0x200] =	vst v1;
	s15 =	simm.s32 $0x0  }
0x48: {  	v3 =	vld [tilespmem:s15+$0x330]  }
0x49: {  	v5 =	vld [tilespmem:s15+$0x4330]  }
0x4a: {  	v6 =	vld [tilespmem:s15+$0x300]  }
0x4b: {  	v7 =	vld [tilespmem:s15+$0x4300]  }
0x4c: {  	v2 =	vld [tilespmem:s15+$0x310]  }
0x4d: {  	v4 =	vld [tilespmem:s15+$0x4310]  }
0x4e: {  	v1 =	vld [tilespmem:s15+$0x320];
	v8 =	vadd.f32 v5, v3  }
0x4f: {  	s9 =	simm.s32 $0x40;
	v5 =	vld [tilespmem:s15+$0x4320]  }
0x50: {  	s10 =	simm.s32 $0x200;
	v3 =	vld [tilespmem:s9+$0x330];
	v6 =	vadd.f32 v7, v6;
	[tilespmem:s15+$0x8330] =	vst v8  }
.LBB2_5:
0x51: {  	p1 =	sne.s32 s10, $0x7F00;
	v7 =	vld [tilespmem:s9+$0x4330]  }
0x52: {  	v8 =	vld [tilespmem:s9+$0x300];
	[tilespmem:s15+$0x8300] =	vst v6;
	v4 =	vadd.f32 v4, v2  }
0x53: {  	v6 =	vld [tilespmem:s9+$0x4300]  }
.Ltmp3:
0x54: {  	v2 =	vld [tilespmem:s9+$0x310];
	[tilespmem:s15+$0x8310] =	vst v4;
	v5 =	vadd.f32 v5, v1;
	(pc) =	sbr.rel @p1 .LBB2_5-.Ltmp3, $4  }
0x55: {  	v4 =	vld [tilespmem:s9+$0x4310]  }
0x56: {  	v1 =	vld [tilespmem:s9+$0x320];
	v7 =	vadd.f32 v7, v3;
	[tilespmem:s15+$0x8320] =	vst v5;
	s15 =	smov.u32 s9  }
0x57: {  	s9 =	sshra.s32 s10, $0x2;
	v5 =	vld [tilespmem:s15+$0x4320]  }
0x58: {  	s10 =	sadd.s32 $0x100, s10;
	v3 =	vld [tilespmem:s9+$0x330];
	v6 =	vadd.f32 v6, v8;
	[tilespmem:s15+$0x8330] =	vst v7  }
0x59: {  	v7 =	vld [tilespmem:s9+$0x4330]  }
0x5a: {  	v8 =	vld [tilespmem:s9+$0x300];
	[tilespmem:s15+$0x8300] =	vst v6;
	v2 =	vadd.f32 v4, v2  }
0x5b: {  	v62 =	vld [tilespmem:s9+$0x4300]  }
0x5c: {  	v6 =	vld [tilespmem:s9+$0x310];
	[tilespmem:s15+$0x8310] =	vst v2;
	v1 =	vadd.f32 v5, v1  }
0x5d: {  	v2 =	vld [tilespmem:s9+$0x4310]  }
0x5e: {  	v63 =	vld [tilespmem:s9+$0x320];
	[tilespmem:s15+$0x8320] =	vst v1  }
0x5f: {  	v1 =	vld [tilespmem:s9+$0x4320];
	_ =	sdelay $0x1  }
0x60: {  	v3 =	vadd.f32 v7, v3  }
0x61: {  	v4 =	vadd.f32 v62, v8  }
0x62: {  	[tilespmem:s9+$0x8330] =	vst v3;
	v2 =	vadd.f32 v2, v6  }
0x63: {  	[tilespmem:s9+$0x8300] =	vst v4;
	v1 =	vadd.f32 v1, v63  }
0x64: {  	p1 =	seq.s32 s11, $0x63;
	[tilespmem:s9+$0x8310] =	vst v2  }
0x65: {  	[tilespmem:s9+$0x8320] =	vst v1;
	s9 =	sadd.s32 @!p1 s18, s12  }
0x66: {  	[hbm4b:s7+s19] =	stream.indirect.scatter [tilespmem:s29], [sflag:$0x3], $0x40, s28, s19, $0xb8;
	[tilespmem:$0xC300] =	vst v63  }
0x67: {  	s9 =	sshrl.u32 @!p1 s9, $0x3  }
0x68: {  	s15 =	simm.s32 @!p1 $0x0;
	s10 =	sadd.s32 @!p1 s1, s9  }
0x69: {  	[tilespmem:s15], [sflag:$0x7] =	stream.linear.gather @!p1 [hbm4b:s10+s15], $0x80, $0x38;
	[tilespmem:$0xC300] =	vst v63  }
0x6a: {  	s10 =	simm.s32 @!p1 $0x7  }
0x6b: {  	_ =	swait.ge @!p1 [sflag:s10], $0x80  }
0x6c: {  	[sflag:s10] =	ssyncset.done @!p1 $0x0  }
0x6d: {  	s20 =	simm.s32 @!p1 $0x100;
	s9 =	sadd.s32 @!p1 s4, s9;
	[sflag:s10] =	ssyncadd.s32 @!p1 $0xFFFFFF80  }
0x6e: {  	[tilespmem:s20], [sflag:$0x7] =	stream.linear.gather @!p1 [hbm4b:s9+s15], $0x80, $0x38;
	[tilespmem:$0xC300] =	vst v63  }
0x6f: {  	_ =	swait.ge @!p1 [sflag:s10], $0x80  }
0x70: {  	[sflag:s10] =	ssyncset.done @!p1 $0x0  }
0x71: {  	s9 =	simm.s32 @!p1 $0x80;
	[sflag:s10] =	ssyncadd.s32 @!p1 $0xFFFFFF80;
	s10 =	simm.s32 @!p1 $0x300  }
0x72: {  	[tilespmem:s10], [sflag:$0x1] =	stream.indirect.gather @!p1 [hbm4b:s5+s9], $0x40, s15, s9, $0xb8;
	[tilespmem:$0xC300] =	vst v63  }
0x73: {  	s10 =	simm.s32 @!p1 $0x4300  }
0x74: {  	[tilespmem:s10], [sflag:$0x2] =	stream.indirect.gather @!p1 [hbm4b:s6+s9], $0x40, s20, s9, $0xb8;
	[tilespmem:$0xC300] =	vst v63  }
0x75: {  	_ =	swait.ge [sflag:s30], $0x2000  }
0x76: {  	[sflag:s30] =	ssyncset.done $0x0  }
0x77: {  	[sflag:s30] =	ssyncadd.s32 $0xFFFFE000  }
0x78: {  	_ =	swait.ge [sflag:s31], $0x2000  }
0x79: {  	v1 =	vmov s16;
	[sflag:s31] =	ssyncset.done $0x0  }
0x7a: {  	v2 =	vshll.u32 v1, $0x1;
	v3 =	vshrl.u32 v1, $0x8;
	s9 =	simm.s32 @!p0 $0x6;
	[sflag:s31] =	ssyncadd.s32 $0xFFFFE000  }
0x7b: {  	v1 =	vand.u32 $0x7FFFFE00, v1;
	v2 =	vor.u32 v0, v2;
	v3 =	vand.u32 $0x1, v3;
	_ =	swait.ge @!p0 [sflag:s9], $0x2000  }
0x7c: {  	v2 =	vand.u32 $0x1FE, v2;
	v1 =	vor.u32 v1, v3;
	s15 =	simm.s32 $0x0;
	[sflag:s9] =	ssyncset.done @!p0 $0x0  }
0x7d: {  	v1 =	vor.u32 v2, v1;
	s10 =	smov.u32 s16;
	[sflag:s9] =	ssyncadd.s32 @!p0 $0xFFFFE000;
	s9 =	simm.s32 $0x40  }
.LBB2_7:
0x7e: {  	p0 =	sne.s32 s9, $0x1C0  }
0x7f: {  	[tilespmem:s15+$0x280] =	vst v1;
	s10 =	sadd.s32 $0x10, s10;
	s15 =	smov.u32 s9;
	s9 =	sadd.s32 $0x40, s9  }
.Ltmp4:
0x80: {  	v1 =	vmov s10;
	(pc) =	sbr.rel @p0 .LBB2_7-.Ltmp4, $4  }
0x81: {  	v2 =	vshll.u32 v1, $0x1;
	v3 =	vshrl.u32 v1, $0x8  }
0x82: {  	v1 =	vand.u32 $0x7FFFFE00, v1;
	v2 =	vor.u32 v0, v2;
	v3 =	vand.u32 $0x1, v3  }
0x83: {  	v2 =	vand.u32 $0x1FE, v2;
	v1 =	vor.u32 v1, v3  }
0x84: {  	s15 =	sshra.s32 s15, $0x2;
	v1 =	vor.u32 v2, v1  }
0x85: {  	[tilespmem:s15+$0x280] =	vst v1;
	s15 =	simm.s32 $0x0  }
0x86: {  	v3 =	vld [tilespmem:s15+$0x2330]  }
0x87: {  	v5 =	vld [tilespmem:s15+$0x6330]  }
0x88: {  	v6 =	vld [tilespmem:s15+$0x2300]  }
0x89: {  	v7 =	vld [tilespmem:s15+$0x6300]  }
0x8a: {  	v2 =	vld [tilespmem:s15+$0x2310]  }
0x8b: {  	v4 =	vld [tilespmem:s15+$0x6310]  }
0x8c: {  	v1 =	vld [tilespmem:s15+$0x2320];
	v8 =	vadd.f32 v5, v3  }
0x8d: {  	s9 =	simm.s32 $0x40;
	v5 =	vld [tilespmem:s15+$0x6320]  }
0x8e: {  	s10 =	simm.s32 $0x200;
	v3 =	vld [tilespmem:s9+$0x2330];
	v6 =	vadd.f32 v7, v6;
	[tilespmem:s15+$0xA330] =	vst v8  }
.LBB2_9:
0x8f: {  	p0 =	sne.s32 s10, $0x7F00;
	v7 =	vld [tilespmem:s9+$0x6330]  }
0x90: {  	v8 =	vld [tilespmem:s9+$0x2300];
	[tilespmem:s15+$0xA300] =	vst v6;
	v4 =	vadd.f32 v4, v2  }
0x91: {  	v6 =	vld [tilespmem:s9+$0x6300]  }
.Ltmp5:
0x92: {  	v2 =	vld [tilespmem:s9+$0x2310];
	[tilespmem:s15+$0xA310] =	vst v4;
	v5 =	vadd.f32 v5, v1;
	(pc) =	sbr.rel @p0 .LBB2_9-.Ltmp5, $4  }
0x93: {  	v4 =	vld [tilespmem:s9+$0x6310]  }
0x94: {  	v1 =	vld [tilespmem:s9+$0x2320];
	v7 =	vadd.f32 v7, v3;
	[tilespmem:s15+$0xA320] =	vst v5;
	s15 =	smov.u32 s9  }
0x95: {  	s9 =	sshra.s32 s10, $0x2;
	v5 =	vld [tilespmem:s15+$0x6320]  }
0x96: {  	s10 =	sadd.s32 $0x100, s10;
	v3 =	vld [tilespmem:s9+$0x2330];
	v6 =	vadd.f32 v6, v8;
	[tilespmem:s15+$0xA330] =	vst v7  }
0x97: {  	v7 =	vld [tilespmem:s9+$0x6330]  }
0x98: {  	v8 =	vld [tilespmem:s9+$0x2300];
	[tilespmem:s15+$0xA300] =	vst v6;
	v2 =	vadd.f32 v4, v2  }
0x99: {  	v62 =	vld [tilespmem:s9+$0x6300]  }
0x9a: {  	v6 =	vld [tilespmem:s9+$0x2310];
	[tilespmem:s15+$0xA310] =	vst v2;
	v1 =	vadd.f32 v5, v1  }
0x9b: {  	v2 =	vld [tilespmem:s9+$0x6310]  }
0x9c: {  	v63 =	vld [tilespmem:s9+$0x2320];
	[tilespmem:s15+$0xA320] =	vst v1  }
0x9d: {  	v1 =	vld [tilespmem:s9+$0x6320];
	_ =	sdelay $0x1  }
0x9e: {  	v3 =	vadd.f32 v7, v3  }
0x9f: {  	v4 =	vadd.f32 v62, v8  }
.Ltmp6:
0xa0: {  	[tilespmem:s9+$0xA330] =	vst v3;
	v2 =	vadd.f32 v2, v6;
	(pc) =	sbr.rel @p1 .LBB2_12-.Ltmp6, $4  }
0xa1: {  	[tilespmem:s9+$0xA300] =	vst v4;
	v1 =	vadd.f32 v1, v63  }
0xa2: {  	[tilespmem:s9+$0xA310] =	vst v2  }
0xa3: {  	[tilespmem:s9+$0xA320] =	vst v1  }
0xa4: {  	[hbm4b:s7+s19] =	stream.indirect.scatter [tilespmem:s2], [sflag:$0x6], $0x40, s0, s19, $0xb8;
	[tilespmem:$0xC300] =	vst v63  }
0xa5: {  	s9 =	sadd.s32 s18, s13  }
0xa6: {  	s9 =	sshrl.u32 s9, $0x3  }
0xa7: {  	s10 =	sadd.s32 s1, s9  }
0xa8: {  	[tilespmem:s19], [sflag:$0x7] =	stream.linear.gather [hbm4b:s10+s3], $0x80, $0x38;
	[tilespmem:$0xC300] =	vst v63  }
0xa9: {  	_ =	swait.ge [sflag:s17], $0x80  }
0xaa: {  	[sflag:s17] =	ssyncset.done $0x0  }
0xab: {  	s9 =	sadd.s32 s4, s9;
	[sflag:s17] =	ssyncadd.s32 $0xFFFFFF80  }
0xac: {  	[tilespmem:s22], [sflag:$0x7] =	stream.linear.gather [hbm4b:s9+s3], $0x80, $0x38;
	[tilespmem:$0xC300] =	vst v63  }
0xad: {  	_ =	swait.ge [sflag:s17], $0x80  }
.Ltmp7:
0xae: {  	[sflag:s17] =	ssyncset.done $0x0;
	(pc) =	sbr.rel .LBB2_2-.Ltmp7, $4  }
0xaf: {  	[sflag:s17] =	ssyncadd.s32 $0xFFFFFF80  }
0xb0: {  	[tilespmem:s23], [sflag:$0x4] =	stream.indirect.gather [hbm4b:s5+s19], $0x40, s19, s19, $0xb8;
	[tilespmem:$0xC300] =	vst v63  }
0xb1: {  	s11 =	sadd.s32 $0x1, s11;
	s14 =	sadd.s32 $0x100, s14;
	s16 =	sadd.s32 $0x100, s16  }
0xb2: {  	[tilespmem:s24], [sflag:$0x5] =	stream.indirect.gather [hbm4b:s6+s19], $0x40, s22, s19, $0xb8;
	[tilespmem:$0xC300] =	vst v63  }
.LBB2_13:
0xb3: {  	_ =	sfence.sel $0x180000  }
0xb4: {  	[bflag:$0x0] =	sbarrier.arrive $0xFFFF  }
0xb5: {  	_ =	strace $0x90000047  }
0xb6: {  	s0 =	stileid.u32;
	[bflag:$0x2] =	sbarrier.arrive $0xFFFF  }
0xb7: {  	p0 =	sne.s32 s0, $0x0;
	s0 =	rddreg [dreg:$0x2]  }
0xb8: {  	s0 =	sadd.s32 @!p0 $0x100000, s0  }
0xb9: {  	[sflag:s0] =	ssyncadd.tile.s32 @!p0 $0x1;
	_ =	shalt  }
.Lfunc_end2:
_tile_overlayer_lowered:
.L_overlay_start_2:
0xba: {  	(tag) =	ssettag $0x2  }
0xbb: {  	s0 =	rddreg [dreg:$0x0];
	s2 =	stileid.u32  }
0xbc: {  	s1 =	rddreg [dreg:$0x1];
	p0 =	sne.s32 s2, $0x0  }
0xbd: {  	s3 =	rddreg [dreg:$0x2];
	[bflag:$0x3] =	sbarrier.arrive $0xFFFF;
	s2 =	simm.s32 @!p0 $0x1C07  }
0xbe: {  	[timem:s3], [sflag:s2] =	dma.local @!p0 [hbm:s0], s1  }
0xbf: {  	s0 =	simm.s32 @!p0 $0x7  }
0xc0: {  	_ =	swait.ge @!p0 [sflag:s0], s1  }
0xc1: {  	s1 =	ssub.s32 @!p0 $0x0, s1;
	[sflag:s0] =	ssyncset.done @!p0 $0x0  }
0xc2: {  	[sflag:s0] =	ssyncadd.s32 @!p0 s1  }
0xc3: {  	[bflag:$0x3] =	sbarrier.arrive $0xFFFF  }
0xc4: {  	_ =	shalt  }

</sc_bundles>
